<compile_context>
chip_gen: v7x
topology: tpu7x:2x2x1
jax: 0.10.2.dev20260603
libtpu: 0.0.44.dev20260713+nightly
codegen_flags: <defaults>
</compile_context>

<pallas_src>
import functools

import numpy as np

import jax
import jax.numpy as jnp
from jax import lax
from jax.experimental import pallas as pl
from jax.experimental.pallas import tpu as pltpu
from jax.experimental.pallas import tpu_sc as plsc

N = 10000
E = 320000
D_IN = 128
D_H = 128
D_OUT = 64
D_EDGE_ = 16

NC = 2
NS = 16
LANES = 16

B = 128
NCHUNK = 80
NE_TILE = B * NCHUNK
NW = NC * NS
E_PAD = NE_TILE * NW
N_PAD = 10240
ROWS_TILE = N_PAD // NS


def _bf16_col_order(D):
    perm = np.empty((D,), np.int64)
    for g in range(D // 32):
        for k in range(16):
            perm[32 * g + k] = 32 * g + 2 * k
            perm[32 * g + 16 + k] = 32 * g + 2 * k + 1
    return np.argsort(perm)


_Q128 = _bf16_col_order(D_H)
_Q64 = _bf16_col_order(D_OUT)

_MESH = plsc.VectorSubcoreMesh(
    core_axis_name="c", subcore_axis_name="s", num_cores=NC, num_subcores=NS)
_SC_PARAMS = pltpu.CompilerParams(needs_layout_passes=False,
                                  use_tc_tiling_on_sc=False)



def _tc1_body(ef_ref, ew_ref):
    ew_ref[...] = jnp.mean(ef_ref[...], axis=1, keepdims=True)


_EW_GRID = 40
_EW_BLK = E // _EW_GRID


def _tc1_call(edge_feature):
    return pl.pallas_call(
        _tc1_body,
        grid=(_EW_GRID,),
        in_specs=[pl.BlockSpec((_EW_BLK, D_EDGE_), lambda i: (i, 0))],
        out_specs=pl.BlockSpec((_EW_BLK, 1), lambda i: (i, 0)),
        out_shape=jax.ShapeDtypeStruct((E, 1), jnp.float32),
    )(edge_feature)


def _tc2_body(degp_ref, x_ref, w1_ref, dinv_ref, y_ref):
    d = degp_ref[...]
    deg = d[0, :N] + d[1, :N] + 1.0
    dinv = jnp.where(deg > 0, lax.rsqrt(deg), 0.0)[:, None]
    dinv_ref[...] = dinv
    y_ref[...] = dinv * jnp.dot(x_ref[...], w1_ref[...],
                                preferred_element_type=jnp.float32)


def _tc3_body(p0_ref, p1_ref, y1_ref, dinv_ref, b1_ref, w2_ref, y2_ref):
    dinv = dinv_ref[...]
    h = jnp.maximum(dinv * (p0_ref[...] + p1_ref[...] + y1_ref[...])
                    + b1_ref[...], 0.0)
    y2_ref[...] = dinv * jnp.dot(h, w2_ref[...],
                                 preferred_element_type=jnp.float32)


def _tc4_body(q0_ref, q1_ref, y2_ref, dinv_ref, b2_ref, out_ref):
    out_ref[...] = (dinv_ref[...] * (q0_ref[...] + q1_ref[...] + y2_ref[...])
                    + b2_ref[...])


def _tc_call(body, out_shapes, *args):
    return pl.pallas_call(
        body,
        out_shape=[jax.ShapeDtypeStruct(s, jnp.float32) for s in out_shapes],
    )(*args)



_DEG_WAVE = 16


def _deg_body(col3_hbm, ew3_hbm, zero_hbm, out_hbm, idx_all, val_all, acc, sem):
    cid = lax.axis_index("c")
    sid = lax.axis_index("s")
    w = cid * NS + sid
    r0 = sid * ROWS_TILE
    pltpu.sync_copy(zero_hbm.at[pl.ds(r0, ROWS_TILE)],
                    acc.at[pl.ds(r0, ROWS_TILE)])
    pltpu.sync_copy(col3_hbm.at[w], idx_all)
    pltpu.sync_copy(ew3_hbm.at[w], val_all)
    plsc.subcore_barrier()

    def wave(t, carry):
        for k in range(_DEG_WAVE):
            j = t * _DEG_WAVE + k
            pltpu.async_copy(val_all.at[j], acc.at[idx_all.at[j]], sem,
                             add=True)
        for k in range(_DEG_WAVE):
            pltpu.make_async_copy(val_all.at[0], acc.at[idx_all.at[0]],
                                  sem).wait()
        return carry

    lax.fori_loop(0, NCHUNK // _DEG_WAVE, wave, 0)
    plsc.subcore_barrier()
    pltpu.sync_copy(acc.at[pl.ds(r0, ROWS_TILE)],
                    out_hbm.at[pl.ds(cid * N_PAD + r0, ROWS_TILE)])


_deg_kernel = functools.partial(
    pl.kernel,
    out_type=jax.ShapeDtypeStruct((NC * N_PAD,), jnp.float32),
    mesh=_MESH,
    scratch_types=[
        pltpu.VMEM((NCHUNK, B), jnp.int32),
        pltpu.VMEM((NCHUNK, B), jnp.float32),
        pltpu.VMEM_SHARED((N_PAD,), jnp.float32),
        pltpu.SemaphoreType.DMA,
    ],
    compiler_params=_SC_PARAMS,
)(_deg_body)


def _make_edge_pass(D):
    NPHASE = 4 if D == D_H else 1
    CHUNK_P = NCHUNK // NPHASE

    def body(y_hbm, row3_hbm, col3_hbm, ew3_hbm, out_hbm,
             row_all, col_all, ew_all, bf0, bf1, sbuf, acc, g0, g1, s0):
        cid = lax.axis_index("c")
        sid = lax.axis_index("s")
        w = cid * NS + sid
        r0 = sid * ROWS_TILE

        def zero_sbuf(e, carry):
            for g in range(D // LANES):
                sbuf[e, pl.ds(g * LANES, LANES)] = jnp.zeros((LANES,),
                                                             jnp.float32)
            return carry

        lax.fori_loop(0, B, zero_sbuf, 0)
        for t in range(ROWS_TILE // B):
            pltpu.sync_copy(sbuf, acc.at[pl.ds(r0 + t * B, B)])
        plsc.subcore_barrier()

        def start_gather(j, buf, sem):
            pltpu.async_copy(y_hbm.at[row_all.at[j]], buf, sem)

        def wait_gather(buf, sem):
            pltpu.make_async_copy(y_hbm.at[row_all.at[0]], buf, sem).wait()

        def start_scat(j):
            pltpu.async_copy(sbuf, acc.at[col_all.at[j]], s0, add=True)

        def wait_scat():
            pltpu.make_async_copy(sbuf, acc.at[col_all.at[0]], s0).wait()

        UNROLL = 8
        MASK = jnp.int32(-65536)

        def scale(bf, j):
            jvec = jnp.full((LANES,), j, jnp.int32)

            def one(i, evec):
                e0 = i * UNROLL
                svs = [plsc.load_gather(ew_all, [jvec, evec + u])
                       for u in range(UNROLL)]
                for u in range(UNROLL):
                    e = e0 + u
                    for g in range(D // 32):
                        v = bf[e, pl.ds(32 * g, 32)]
                        wi = plsc.bitcast(v, jnp.int32)
                        ev = plsc.bitcast(wi << 16, jnp.float32)
                        od = plsc.bitcast(wi & MASK, jnp.float32)
                        sbuf[e, pl.ds(32 * g, LANES)] = ev * svs[u]
                        sbuf[e, pl.ds(32 * g + LANES, LANES)] = od * svs[u]
                return evec + UNROLL

            lax.fori_loop(0, B // UNROLL, one,
                          jnp.zeros((LANES,), jnp.int32))

        nloop = CHUNK_P // 2

        def phase(p, carry):
            base = p * CHUNK_P
            d1 = pltpu.async_copy(row3_hbm.at[w, pl.ds(base, CHUNK_P)],
                                  row_all, g0)
            d2 = pltpu.async_copy(col3_hbm.at[w, pl.ds(base, CHUNK_P)],
                                  col_all, g0)
            d3 = pltpu.async_copy(ew3_hbm.at[w, pl.ds(base, CHUNK_P)],
                                  ew_all, g0)
            d1.wait()
            d2.wait()
            d3.wait()

            start_gather(0, bf0, g0)

            def body2(jj, carry2):
                j0 = jj * 2
                j1 = j0 + 1
                wait_gather(bf0, g0)

                @pl.when(jj > 0)
                def _():
                    wait_scat()

                start_gather(j1, bf1, g1)
                scale(bf0, j0)
                start_scat(j0)

                wait_gather(bf1, g1)
                wait_scat()

                @pl.when(jj < nloop - 1)
                def _():
                    start_gather(j0 + 2, bf0, g0)

                scale(bf1, j1)
                start_scat(j1)
                return carry2

            lax.fori_loop(0, nloop, body2, 0)
            wait_scat()
            return carry

        lax.fori_loop(0, NPHASE, phase, 0)
        plsc.subcore_barrier()
        pltpu.sync_copy(acc.at[pl.ds(r0, ROWS_TILE)],
                        out_hbm.at[pl.ds(cid * N_PAD + r0, ROWS_TILE)])

    return pl.kernel(
        body,
        out_type=jax.ShapeDtypeStruct((NC * N_PAD, D), jnp.float32),
        mesh=_MESH,
        scratch_types=[
            pltpu.VMEM((CHUNK_P, B), jnp.int32),
            pltpu.VMEM((CHUNK_P, B), jnp.int32),
            pltpu.VMEM((CHUNK_P, B), jnp.float32),
            pltpu.VMEM((B, D), jnp.bfloat16),
            pltpu.VMEM((B, D), jnp.bfloat16),
            pltpu.VMEM((B, D), jnp.float32),
            pltpu.VMEM_SHARED((N_PAD, D), jnp.float32),
            pltpu.SemaphoreType.DMA,
            pltpu.SemaphoreType.DMA,
            pltpu.SemaphoreType.DMA,
        ],
        compiler_params=_SC_PARAMS,
    )


_edge_pass_128 = _make_edge_pass(D_H)
_edge_pass_64 = _make_edge_pass(D_OUT)



def kernel(x, edge_index, edge_feature, W1, b1, W2, b2):
    row = edge_index[0].astype(jnp.int32)
    col = edge_index[1].astype(jnp.int32)
    pad = E_PAD - E
    row_p = jnp.concatenate([row, jnp.zeros((pad,), jnp.int32)]
                            ).reshape(NW, NCHUNK, B)
    col_p = jnp.concatenate([col, jnp.zeros((pad,), jnp.int32)]
                            ).reshape(NW, NCHUNK, B)

    ew2d = _tc1_call(edge_feature)
    ew_p = jnp.concatenate([ew2d[:, 0], jnp.zeros((pad,), jnp.float32)]
                           ).reshape(NW, NCHUNK, B)

    zeros1 = jnp.zeros((N_PAD,), jnp.float32)
    degp = _deg_kernel(col_p, ew_p, zeros1).reshape(NC, N_PAD)

    dinv, y1 = _tc_call(_tc2_body, [(N, 1), (N, D_H)], degp, x, W1)

    y1bf = y1.astype(jnp.bfloat16)[:, _Q128]
    p = _edge_pass_128(y1bf, row_p, col_p, ew_p).reshape(NC, N_PAD, D_H)

    y2, = _tc_call(_tc3_body, [(N, D_OUT)],
                   p[0, :N], p[1, :N], y1, dinv, b1.reshape(1, D_H), W2)

    y2bf = y2.astype(jnp.bfloat16)[:, _Q64]
    q = _edge_pass_64(y2bf, row_p, col_p, ew_p).reshape(NC, N_PAD, D_OUT)

    out, = _tc_call(_tc4_body, [(N, D_OUT)],
                    q[0, :N], q[1, :N], y2, dinv, b2.reshape(1, D_OUT))
    return (out, out)

# --- scband reference (transcript-rebuilt; emitter-appended) ---
"""Pipeline reference for scband-node-classifier-38096359916185 (READ-ONLY COPY).

The authoritative reference and input builder live on the scoring server;
editing this copy changes nothing except your own understanding.
"""

import jax, jax.numpy as jnp
import numpy as np

N = 10000
E = 320000
D_IN = 128
D_H = 128
D_OUT = 64
D_EDGE = 16


def gcn_conv(x, row, col, ew, W, b, n):
    # PyG GCNConv: add self-loops (weight 1), symmetric normalization, then
    # x @ W, gather at src (row), scatter-add at dst (col), add bias.
    loop = jnp.arange(n, dtype=row.dtype)
    row2 = jnp.concatenate([row, loop])
    col2 = jnp.concatenate([col, loop])
    ew2 = jnp.concatenate([ew, jnp.ones((n,), x.dtype)])
    deg = jnp.zeros((n,), x.dtype).at[col2].add(ew2)
    dinv = jnp.where(deg > 0, deg ** -0.5, 0.0)
    norm = dinv[row2] * ew2 * dinv[col2]
    xw = x @ W
    msg = norm[:, None] * xw[row2]
    out = jnp.zeros((n, W.shape[1]), x.dtype).at[col2].add(msg)
    return out + b


def setup_inputs(seed: int = 0) -> dict:
    key = jax.random.key(seed)
    ks = jax.random.split(key, 6)
    x = jax.random.normal(ks[0], (N, D_IN), dtype=jnp.float32)
    edge_index = jax.random.randint(ks[1], (2, E), 0, N)
    edge_feature = jax.random.uniform(ks[2], (E, D_EDGE), dtype=jnp.float32)
    W1 = jax.random.normal(ks[3], (D_IN, D_H), dtype=jnp.float32) * (1.0 / np.sqrt(D_IN))
    b1 = jnp.zeros((D_H,), jnp.float32)
    W2 = jax.random.normal(ks[4], (D_H, D_OUT), dtype=jnp.float32) * (1.0 / np.sqrt(D_H))
    b2 = jnp.zeros((D_OUT,), jnp.float32)
    return {"x": x, "edge_index": edge_index, "edge_feature": edge_feature,
            "W1": W1, "b1": b1, "W2": W2, "b2": b2}


def reference(x, edge_index, edge_feature, W1, b1, W2, b2):
    # edge_feature_dim = 16 != 1 -> edge_weight = edge_feature.mean(dim=1)
    ew = edge_feature.mean(axis=1)
    row, col = edge_index[0], edge_index[1]
    h = gcn_conv(x, row, col, ew, W1, b1, N)
    h = jax.nn.relu(h)
    # dropout_rate = 0.0 -> identity
    out = gcn_conv(h, row, col, ew, W2, b2, N)
    last_layer_output = out  # clone of final layer output
    return (out, last_layer_output)

if __name__ == "__main__":
    import jax
    _d = setup_inputs()
    print(jax.jit(kernel)(*tuple(_d.values())))

</pallas_src>

<mosaic_0001>
#map = affine_map<(d0, d1) -> (0, 0)>
#map1 = affine_map<(d0, d1) -> (0, 0, 0)>
module attributes {stable_mosaic.version = 14 : i64} {
  func.func @body(%arg0: i32, %arg1: i32, %arg2: memref<10000x128xbf16, #tpu.memory_space<hbm>>, %arg3: memref<32x80x128xi32, #tpu.memory_space<hbm>>, %arg4: memref<32x80x128xi32, #tpu.memory_space<hbm>>, %arg5: memref<32x80x128xf32, #tpu.memory_space<hbm>>, %arg6: memref<20480x128xf32, #tpu.memory_space<hbm>>, %arg7: memref<20x128xi32, #tpu.memory_space<vmem>>, %arg8: memref<20x128xi32, #tpu.memory_space<vmem>>, %arg9: memref<20x128xf32, #tpu.memory_space<vmem>>, %arg10: memref<128x128xbf16, #tpu.memory_space<vmem>>, %arg11: memref<128x128xbf16, #tpu.memory_space<vmem>>, %arg12: memref<128x128xf32, #tpu.memory_space<vmem>>, %arg13: memref<10240x128xf32, #tpu.memory_space<vmem_shared>>, %arg14: memref<!tpu.dma_semaphore, #tpu.memory_space<semaphore_mem>>, %arg15: memref<!tpu.dma_semaphore, #tpu.memory_space<semaphore_mem>>, %arg16: memref<!tpu.dma_semaphore, #tpu.memory_space<semaphore_mem>>) attributes {dimension_semantics = [#tpu.dimension_semantics<core_parallel>, #tpu.dimension_semantics<subcore_parallel>], iteration_bounds = array<i64: 2, 16>, scalar_prefetch = 0 : i64, scratch_operands = 10 : i64, tpu.core_type = #tpu.core_type<sc_vector_subcore>, window_params = [{transform_indices = #map}, {transform_indices = #map1}, {transform_indices = #map1}, {transform_indices = #map1}, {transform_indices = #map}]} {
    %mul3A = arith.constant 16 : i32
    %mul3A_0 = arith.muli %arg0, %mul3A : i32
    %add3A = arith.addi %mul3A_0, %arg1 : i32
    %mul3A_1 = arith.constant 640 : i32
    %mul3A_2 = arith.muli %arg1, %mul3A_1 : i32
    %scan3A = arith.constant 0 : i32
    %scan3A_3 = arith.constant 0 : i32
    %scan3A_4 = arith.constant 128 : i32
    %scan3A_5 = arith.addi %scan3A_3, %scan3A_4 : i32
    %scan3A_6 = arith.constant 1 : i32
    scf.for %scan3A_29 = %scan3A_3 to %scan3A_5 step %scan3A_6  : i32 {
      %broadcast_in_dim3A = arith.constant 0.000000e+00 : f32
      %broadcast_in_dim3A_30 = vector.broadcast %broadcast_in_dim3A : f32 to vector<16xf32>
      %swap3A = arith.index_cast %scan3A_29 : i32 to index
      %swap3A_31 = arith.constant 0 : index
      %swap3A_32 = tpu.vector_load %arg12[%swap3A, %swap3A_31] {strides = array<i32>} : memref<128x128xf32, #tpu.memory_space<vmem>>, vector<16xf32>,
      tpu.vector_store %arg12[%swap3A, %swap3A_31], %broadcast_in_dim3A_30 {strides = array<i32>} : memref<128x128xf32, #tpu.memory_space<vmem>>, vector<16xf32>,
      %broadcast_in_dim3A_33 = arith.constant 0.000000e+00 : f32
      %broadcast_in_dim3A_34 = vector.broadcast %broadcast_in_dim3A_33 : f32 to vector<16xf32>
      %swap3A_35 = arith.index_cast %scan3A_29 : i32 to index
      %swap3A_36 = arith.constant 16 : index
      %swap3A_37 = tpu.vector_load %arg12[%swap3A_35, %swap3A_36] {strides = array<i32>} : memref<128x128xf32, #tpu.memory_space<vmem>>, vector<16xf32>,
      tpu.vector_store %arg12[%swap3A_35, %swap3A_36], %broadcast_in_dim3A_34 {strides = array<i32>} : memref<128x128xf32, #tpu.memory_space<vmem>>, vector<16xf32>,
      %broadcast_in_dim3A_38 = arith.constant 0.000000e+00 : f32
      %broadcast_in_dim3A_39 = vector.broadcast %broadcast_in_dim3A_38 : f32 to vector<16xf32>
      %swap3A_40 = arith.index_cast %scan3A_29 : i32 to index
      %swap3A_41 = arith.constant 32 : index
      %swap3A_42 = tpu.vector_load %arg12[%swap3A_40, %swap3A_41] {strides = array<i32>} : memref<128x128xf32, #tpu.memory_space<vmem>>, vector<16xf32>,
      tpu.vector_store %arg12[%swap3A_40, %swap3A_41], %broadcast_in_dim3A_39 {strides = array<i32>} : memref<128x128xf32, #tpu.memory_space<vmem>>, vector<16xf32>,
      %broadcast_in_dim3A_43 = arith.constant 0.000000e+00 : f32
      %broadcast_in_dim3A_44 = vector.broadcast %broadcast_in_dim3A_43 : f32 to vector<16xf32>
      %swap3A_45 = arith.index_cast %scan3A_29 : i32 to index
      %swap3A_46 = arith.constant 48 : index
      %swap3A_47 = tpu.vector_load %arg12[%swap3A_45, %swap3A_46] {strides = array<i32>} : memref<128x128xf32, #tpu.memory_space<vmem>>, vector<16xf32>,
      tpu.vector_store %arg12[%swap3A_45, %swap3A_46], %broadcast_in_dim3A_44 {strides = array<i32>} : memref<128x128xf32, #tpu.memory_space<vmem>>, vector<16xf32>,
      %broadcast_in_dim3A_48 = arith.constant 0.000000e+00 : f32
      %broadcast_in_dim3A_49 = vector.broadcast %broadcast_in_dim3A_48 : f32 to vector<16xf32>
      %swap3A_50 = arith.index_cast %scan3A_29 : i32 to index
      %swap3A_51 = arith.constant 64 : index
      %swap3A_52 = tpu.vector_load %arg12[%swap3A_50, %swap3A_51] {strides = array<i32>} : memref<128x128xf32, #tpu.memory_space<vmem>>, vector<16xf32>,
      tpu.vector_store %arg12[%swap3A_50, %swap3A_51], %broadcast_in_dim3A_49 {strides = array<i32>} : memref<128x128xf32, #tpu.memory_space<vmem>>, vector<16xf32>,
      %broadcast_in_dim3A_53 = arith.constant 0.000000e+00 : f32
      %broadcast_in_dim3A_54 = vector.broadcast %broadcast_in_dim3A_53 : f32 to vector<16xf32>
      %swap3A_55 = arith.index_cast %scan3A_29 : i32 to index
      %swap3A_56 = arith.constant 80 : index
      %swap3A_57 = tpu.vector_load %arg12[%swap3A_55, %swap3A_56] {strides = array<i32>} : memref<128x128xf32, #tpu.memory_space<vmem>>, vector<16xf32>,
      tpu.vector_store %arg12[%swap3A_55, %swap3A_56], %broadcast_in_dim3A_54 {strides = array<i32>} : memref<128x128xf32, #tpu.memory_space<vmem>>, vector<16xf32>,
      %broadcast_in_dim3A_58 = arith.constant 0.000000e+00 : f32
      %broadcast_in_dim3A_59 = vector.broadcast %broadcast_in_dim3A_58 : f32 to vector<16xf32>
      %swap3A_60 = arith.index_cast %scan3A_29 : i32 to index
      %swap3A_61 = arith.constant 96 : index
      %swap3A_62 = tpu.vector_load %arg12[%swap3A_60, %swap3A_61] {strides = array<i32>} : memref<128x128xf32, #tpu.memory_space<vmem>>, vector<16xf32>,
      tpu.vector_store %arg12[%swap3A_60, %swap3A_61], %broadcast_in_dim3A_59 {strides = array<i32>} : memref<128x128xf32, #tpu.memory_space<vmem>>, vector<16xf32>,
      %broadcast_in_dim3A_63 = arith.constant 0.000000e+00 : f32
      %broadcast_in_dim3A_64 = vector.broadcast %broadcast_in_dim3A_63 : f32 to vector<16xf32>
      %swap3A_65 = arith.index_cast %scan3A_29 : i32 to index
      %swap3A_66 = arith.constant 112 : index
      %swap3A_67 = tpu.vector_load %arg12[%swap3A_65, %swap3A_66] {strides = array<i32>} : memref<128x128xf32, #tpu.memory_space<vmem>>, vector<16xf32>,
      tpu.vector_store %arg12[%swap3A_65, %swap3A_66], %broadcast_in_dim3A_64 {strides = array<i32>} : memref<128x128xf32, #tpu.memory_space<vmem>>, vector<16xf32>,
    }
    %scan3A_7 = arith.constant 128 : i32
    %add3A_8 = arith.constant 0 : i32
    %add3A_9 = arith.addi %mul3A_2, %add3A_8 : i32
    "tpu.region"() ({
      %run_scoped3A = tpu.sem_alloc : memref<!tpu.dma_semaphore, #tpu.memory_space<semaphore_mem>>
      %dma_start3A = arith.constant 0 : i32
      %dma_start3A_29 = tpu.memref_slice %arg13[%add3A_9, %dma_start3A] : memref<10240x128xf32, #tpu.memory_space<vmem_shared>> -> memref<128x128xf32, #tpu.memory_space<vmem_shared>>
      %dma_start3A_30 = arith.constant 0 : i32
      %dma_start3A_31 = tpu.memref_slice %arg13[%add3A_9, %dma_start3A_30] : memref<10240x128xf32, #tpu.memory_space<vmem_shared>> -> memref<128x128xf32, #tpu.memory_space<vmem_shared>>
      tpu.enqueue_dma source(%arg12 : memref<128x128xf32, #tpu.memory_space<vmem>>) target(%dma_start3A_31 : memref<128x128xf32, #tpu.memory_space<vmem_shared>>) target_semaphore(%run_scoped3A : memref<!tpu.dma_semaphore, #tpu.memory_space<semaphore_mem>>)
      %dma_wait3A = arith.constant 0 : i32
      %dma_wait3A_32 = tpu.memref_slice %arg13[%add3A_9, %dma_wait3A] : memref<10240x128xf32, #tpu.memory_space<vmem_shared>> -> memref<128x128xf32, #tpu.memory_space<vmem_shared>>
      %dma_wait3A_33 = arith.constant 0 : i32
      %dma_wait3A_34 = tpu.memref_slice %arg13[%add3A_9, %dma_wait3A_33] : memref<10240x128xf32, #tpu.memory_space<vmem_shared>> -> memref<128x128xf32, #tpu.memory_space<vmem_shared>>
      tpu.wait_dma2 semaphore(%run_scoped3A : memref<!tpu.dma_semaphore, #tpu.memory_space<semaphore_mem>>) src(%arg12 : memref<128x128xf32, #tpu.memory_space<vmem>>) dst(%dma_wait3A_34 : memref<128x128xf32, #tpu.memory_space<vmem_shared>>)
      tpu.yield
    }) : () -> ()
    %add3A_10 = arith.constant 128 : i32
    %add3A_11 = arith.addi %mul3A_2, %add3A_10 : i32
    "tpu.region"() ({
      %run_scoped3A = tpu.sem_alloc : memref<!tpu.dma_semaphore, #tpu.memory_space<semaphore_mem>>
      %dma_start3A = arith.constant 0 : i32
      %dma_start3A_29 = tpu.memref_slice %arg13[%add3A_11, %dma_start3A] : memref<10240x128xf32, #tpu.memory_space<vmem_shared>> -> memref<128x128xf32, #tpu.memory_space<vmem_shared>>
      %dma_start3A_30 = arith.constant 0 : i32
      %dma_start3A_31 = tpu.memref_slice %arg13[%add3A_11, %dma_start3A_30] : memref<10240x128xf32, #tpu.memory_space<vmem_shared>> -> memref<128x128xf32, #tpu.memory_space<vmem_shared>>
      tpu.enqueue_dma source(%arg12 : memref<128x128xf32, #tpu.memory_space<vmem>>) target(%dma_start3A_31 : memref<128x128xf32, #tpu.memory_space<vmem_shared>>) target_semaphore(%run_scoped3A : memref<!tpu.dma_semaphore, #tpu.memory_space<semaphore_mem>>)
      %dma_wait3A = arith.constant 0 : i32
      %dma_wait3A_32 = tpu.memref_slice %arg13[%add3A_11, %dma_wait3A] : memref<10240x128xf32, #tpu.memory_space<vmem_shared>> -> memref<128x128xf32, #tpu.memory_space<vmem_shared>>
      %dma_wait3A_33 = arith.constant 0 : i32
      %dma_wait3A_34 = tpu.memref_slice %arg13[%add3A_11, %dma_wait3A_33] : memref<10240x128xf32, #tpu.memory_space<vmem_shared>> -> memref<128x128xf32, #tpu.memory_space<vmem_shared>>
      tpu.wait_dma2 semaphore(%run_scoped3A : memref<!tpu.dma_semaphore, #tpu.memory_space<semaphore_mem>>) src(%arg12 : memref<128x128xf32, #tpu.memory_space<vmem>>) dst(%dma_wait3A_34 : memref<128x128xf32, #tpu.memory_space<vmem_shared>>)
      tpu.yield
    }) : () -> ()
    %add3A_12 = arith.constant 256 : i32
    %add3A_13 = arith.addi %mul3A_2, %add3A_12 : i32
    "tpu.region"() ({
      %run_scoped3A = tpu.sem_alloc : memref<!tpu.dma_semaphore, #tpu.memory_space<semaphore_mem>>
      %dma_start3A = arith.constant 0 : i32
      %dma_start3A_29 = tpu.memref_slice %arg13[%add3A_13, %dma_start3A] : memref<10240x128xf32, #tpu.memory_space<vmem_shared>> -> memref<128x128xf32, #tpu.memory_space<vmem_shared>>
      %dma_start3A_30 = arith.constant 0 : i32
      %dma_start3A_31 = tpu.memref_slice %arg13[%add3A_13, %dma_start3A_30] : memref<10240x128xf32, #tpu.memory_space<vmem_shared>> -> memref<128x128xf32, #tpu.memory_space<vmem_shared>>
      tpu.enqueue_dma source(%arg12 : memref<128x128xf32, #tpu.memory_space<vmem>>) target(%dma_start3A_31 : memref<128x128xf32, #tpu.memory_space<vmem_shared>>) target_semaphore(%run_scoped3A : memref<!tpu.dma_semaphore, #tpu.memory_space<semaphore_mem>>)
      %dma_wait3A = arith.constant 0 : i32
      %dma_wait3A_32 = tpu.memref_slice %arg13[%add3A_13, %dma_wait3A] : memref<10240x128xf32, #tpu.memory_space<vmem_shared>> -> memref<128x128xf32, #tpu.memory_space<vmem_shared>>
      %dma_wait3A_33 = arith.constant 0 : i32
      %dma_wait3A_34 = tpu.memref_slice %arg13[%add3A_13, %dma_wait3A_33] : memref<10240x128xf32, #tpu.memory_space<vmem_shared>> -> memref<128x128xf32, #tpu.memory_space<vmem_shared>>
      tpu.wait_dma2 semaphore(%run_scoped3A : memref<!tpu.dma_semaphore, #tpu.memory_space<semaphore_mem>>) src(%arg12 : memref<128x128xf32, #tpu.memory_space<vmem>>) dst(%dma_wait3A_34 : memref<128x128xf32, #tpu.memory_space<vmem_shared>>)
      tpu.yield
    }) : () -> ()
    %add3A_14 = arith.constant 384 : i32
    %add3A_15 = arith.addi %mul3A_2, %add3A_14 : i32
    "tpu.region"() ({
      %run_scoped3A = tpu.sem_alloc : memref<!tpu.dma_semaphore, #tpu.memory_space<semaphore_mem>>
      %dma_start3A = arith.constant 0 : i32
      %dma_start3A_29 = tpu.memref_slice %arg13[%add3A_15, %dma_start3A] : memref<10240x128xf32, #tpu.memory_space<vmem_shared>> -> memref<128x128xf32, #tpu.memory_space<vmem_shared>>
      %dma_start3A_30 = arith.constant 0 : i32
      %dma_start3A_31 = tpu.memref_slice %arg13[%add3A_15, %dma_start3A_30] : memref<10240x128xf32, #tpu.memory_space<vmem_shared>> -> memref<128x128xf32, #tpu.memory_space<vmem_shared>>
      tpu.enqueue_dma source(%arg12 : memref<128x128xf32, #tpu.memory_space<vmem>>) target(%dma_start3A_31 : memref<128x128xf32, #tpu.memory_space<vmem_shared>>) target_semaphore(%run_scoped3A : memref<!tpu.dma_semaphore, #tpu.memory_space<semaphore_mem>>)
      %dma_wait3A = arith.constant 0 : i32
      %dma_wait3A_32 = tpu.memref_slice %arg13[%add3A_15, %dma_wait3A] : memref<10240x128xf32, #tpu.memory_space<vmem_shared>> -> memref<128x128xf32, #tpu.memory_space<vmem_shared>>
      %dma_wait3A_33 = arith.constant 0 : i32
      %dma_wait3A_34 = tpu.memref_slice %arg13[%add3A_15, %dma_wait3A_33] : memref<10240x128xf32, #tpu.memory_space<vmem_shared>> -> memref<128x128xf32, #tpu.memory_space<vmem_shared>>
      tpu.wait_dma2 semaphore(%run_scoped3A : memref<!tpu.dma_semaphore, #tpu.memory_space<semaphore_mem>>) src(%arg12 : memref<128x128xf32, #tpu.memory_space<vmem>>) dst(%dma_wait3A_34 : memref<128x128xf32, #tpu.memory_space<vmem_shared>>)
      tpu.yield
    }) : () -> ()
    %add3A_16 = arith.constant 512 : i32
    %add3A_17 = arith.addi %mul3A_2, %add3A_16 : i32
    "tpu.region"() ({
      %run_scoped3A = tpu.sem_alloc : memref<!tpu.dma_semaphore, #tpu.memory_space<semaphore_mem>>
      %dma_start3A = arith.constant 0 : i32
      %dma_start3A_29 = tpu.memref_slice %arg13[%add3A_17, %dma_start3A] : memref<10240x128xf32, #tpu.memory_space<vmem_shared>> -> memref<128x128xf32, #tpu.memory_space<vmem_shared>>
      %dma_start3A_30 = arith.constant 0 : i32
      %dma_start3A_31 = tpu.memref_slice %arg13[%add3A_17, %dma_start3A_30] : memref<10240x128xf32, #tpu.memory_space<vmem_shared>> -> memref<128x128xf32, #tpu.memory_space<vmem_shared>>
      tpu.enqueue_dma source(%arg12 : memref<128x128xf32, #tpu.memory_space<vmem>>) target(%dma_start3A_31 : memref<128x128xf32, #tpu.memory_space<vmem_shared>>) target_semaphore(%run_scoped3A : memref<!tpu.dma_semaphore, #tpu.memory_space<semaphore_mem>>)
      %dma_wait3A = arith.constant 0 : i32
      %dma_wait3A_32 = tpu.memref_slice %arg13[%add3A_17, %dma_wait3A] : memref<10240x128xf32, #tpu.memory_space<vmem_shared>> -> memref<128x128xf32, #tpu.memory_space<vmem_shared>>
      %dma_wait3A_33 = arith.constant 0 : i32
      %dma_wait3A_34 = tpu.memref_slice %arg13[%add3A_17, %dma_wait3A_33] : memref<10240x128xf32, #tpu.memory_space<vmem_shared>> -> memref<128x128xf32, #tpu.memory_space<vmem_shared>>
      tpu.wait_dma2 semaphore(%run_scoped3A : memref<!tpu.dma_semaphore, #tpu.memory_space<semaphore_mem>>) src(%arg12 : memref<128x128xf32, #tpu.memory_space<vmem>>) dst(%dma_wait3A_34 : memref<128x128xf32, #tpu.memory_space<vmem_shared>>)
      tpu.yield
    }) : () -> ()
    %barrier3A = arith.constant 0 : index
    tpu.barrier barrier_id(%barrier3A)
    %scan3A_18 = arith.constant 0 : i32
    %scan3A_19 = arith.constant -65536 : i32
    %scan3A_20 = arith.constant 0 : i32
    %scan3A_21 = arith.constant 4 : i32
    %scan3A_22 = arith.addi %scan3A_20, %scan3A_21 : i32
    %scan3A_23 = arith.constant 1 : i32
    scf.for %scan3A_29 = %scan3A_20 to %scan3A_22 step %scan3A_23  : i32 {
      %mul3A_30 = arith.constant 20 : i32
      %mul3A_31 = arith.muli %scan3A_29, %mul3A_30 : i32
      %dma_start3A = arith.constant 0 : i32
      %dma_start3A_32 = tpu.memref_slice %arg3[%add3A, %mul3A_31, %dma_start3A] : memref<32x80x128xi32, #tpu.memory_space<hbm>> -> memref<1x20x128xi32, #tpu.memory_space<hbm>>
      %dma_start3A_33 = tpu.memref_squeeze %dma_start3A_32 : memref<1x20x128xi32, #tpu.memory_space<hbm>> -> memref<20x128xi32, #tpu.memory_space<hbm>>
      %dma_start3A_34 = arith.constant 0 : i32
      %dma_start3A_35 = tpu.memref_slice %arg3[%add3A, %mul3A_31, %dma_start3A_34] : memref<32x80x128xi32, #tpu.memory_space<hbm>> -> memref<1x20x128xi32, #tpu.memory_space<hbm>>
      %dma_start3A_36 = tpu.memref_squeeze %dma_start3A_35 : memref<1x20x128xi32, #tpu.memory_space<hbm>> -> memref<20x128xi32, #tpu.memory_space<hbm>>
      tpu.enqueue_dma source(%dma_start3A_36 : memref<20x128xi32, #tpu.memory_space<hbm>>) target(%arg7 : memref<20x128xi32, #tpu.memory_space<vmem>>) target_semaphore(%arg14 : memref<!tpu.dma_semaphore, #tpu.memory_space<semaphore_mem>>)
      %dma_start3A_37 = arith.constant 0 : i32
      %dma_start3A_38 = tpu.memref_slice %arg4[%add3A, %mul3A_31, %dma_start3A_37] : memref<32x80x128xi32, #tpu.memory_space<hbm>> -> memref<1x20x128xi32, #tpu.memory_space<hbm>>
      %dma_start3A_39 = tpu.memref_squeeze %dma_start3A_38 : memref<1x20x128xi32, #tpu.memory_space<hbm>> -> memref<20x128xi32, #tpu.memory_space<hbm>>
      %dma_start3A_40 = arith.constant 0 : i32
      %dma_start3A_41 = tpu.memref_slice %arg4[%add3A, %mul3A_31, %dma_start3A_40] : memref<32x80x128xi32, #tpu.memory_space<hbm>> -> memref<1x20x128xi32, #tpu.memory_space<hbm>>
      %dma_start3A_42 = tpu.memref_squeeze %dma_start3A_41 : memref<1x20x128xi32, #tpu.memory_space<hbm>> -> memref<20x128xi32, #tpu.memory_space<hbm>>
      tpu.enqueue_dma source(%dma_start3A_42 : memref<20x128xi32, #tpu.memory_space<hbm>>) target(%arg8 : memref<20x128xi32, #tpu.memory_space<vmem>>) target_semaphore(%arg14 : memref<!tpu.dma_semaphore, #tpu.memory_space<semaphore_mem>>)
      %dma_start3A_43 = arith.constant 0 : i32
      %dma_start3A_44 = tpu.memref_slice %arg5[%add3A, %mul3A_31, %dma_start3A_43] : memref<32x80x128xf32, #tpu.memory_space<hbm>> -> memref<1x20x128xf32, #tpu.memory_space<hbm>>
      %dma_start3A_45 = tpu.memref_squeeze %dma_start3A_44 : memref<1x20x128xf32, #tpu.memory_space<hbm>> -> memref<20x128xf32, #tpu.memory_space<hbm>>
      %dma_start3A_46 = arith.constant 0 : i32
      %dma_start3A_47 = tpu.memref_slice %arg5[%add3A, %mul3A_31, %dma_start3A_46] : memref<32x80x128xf32, #tpu.memory_space<hbm>> -> memref<1x20x128xf32, #tpu.memory_space<hbm>>
      %dma_start3A_48 = tpu.memref_squeeze %dma_start3A_47 : memref<1x20x128xf32, #tpu.memory_space<hbm>> -> memref<20x128xf32, #tpu.memory_space<hbm>>
      tpu.enqueue_dma source(%dma_start3A_48 : memref<20x128xf32, #tpu.memory_space<hbm>>) target(%arg9 : memref<20x128xf32, #tpu.memory_space<vmem>>) target_semaphore(%arg14 : memref<!tpu.dma_semaphore, #tpu.memory_space<semaphore_mem>>)
      %dma_wait3A = arith.constant 0 : i32
      %dma_wait3A_49 = tpu.memref_slice %arg3[%add3A, %mul3A_31, %dma_wait3A] : memref<32x80x128xi32, #tpu.memory_space<hbm>> -> memref<1x20x128xi32, #tpu.memory_space<hbm>>
      %dma_wait3A_50 = tpu.memref_squeeze %dma_wait3A_49 : memref<1x20x128xi32, #tpu.memory_space<hbm>> -> memref<20x128xi32, #tpu.memory_space<hbm>>
      %dma_wait3A_51 = arith.constant 0 : i32
      %dma_wait3A_52 = tpu.memref_slice %arg3[%add3A, %mul3A_31, %dma_wait3A_51] : memref<32x80x128xi32, #tpu.memory_space<hbm>> -> memref<1x20x128xi32, #tpu.memory_space<hbm>>
      %dma_wait3A_53 = tpu.memref_squeeze %dma_wait3A_52 : memref<1x20x128xi32, #tpu.memory_space<hbm>> -> memref<20x128xi32, #tpu.memory_space<hbm>>
      tpu.wait_dma2 semaphore(%arg14 : memref<!tpu.dma_semaphore, #tpu.memory_space<semaphore_mem>>) src(%dma_wait3A_53 : memref<20x128xi32, #tpu.memory_space<hbm>>) dst(%arg7 : memref<20x128xi32, #tpu.memory_space<vmem>>)
      %dma_wait3A_54 = arith.constant 0 : i32
      %dma_wait3A_55 = tpu.memref_slice %arg4[%add3A, %mul3A_31, %dma_wait3A_54] : memref<32x80x128xi32, #tpu.memory_space<hbm>> -> memref<1x20x128xi32, #tpu.memory_space<hbm>>
      %dma_wait3A_56 = tpu.memref_squeeze %dma_wait3A_55 : memref<1x20x128xi32, #tpu.memory_space<hbm>> -> memref<20x128xi32, #tpu.memory_space<hbm>>
      %dma_wait3A_57 = arith.constant 0 : i32
      %dma_wait3A_58 = tpu.memref_slice %arg4[%add3A, %mul3A_31, %dma_wait3A_57] : memref<32x80x128xi32, #tpu.memory_space<hbm>> -> memref<1x20x128xi32, #tpu.memory_space<hbm>>
      %dma_wait3A_59 = tpu.memref_squeeze %dma_wait3A_58 : memref<1x20x128xi32, #tpu.memory_space<hbm>> -> memref<20x128xi32, #tpu.memory_space<hbm>>
      tpu.wait_dma2 semaphore(%arg14 : memref<!tpu.dma_semaphore, #tpu.memory_space<semaphore_mem>>) src(%dma_wait3A_59 : memref<20x128xi32, #tpu.memory_space<hbm>>) dst(%arg8 : memref<20x128xi32, #tpu.memory_space<vmem>>)
      %dma_wait3A_60 = arith.constant 0 : i32
      %dma_wait3A_61 = tpu.memref_slice %arg5[%add3A, %mul3A_31, %dma_wait3A_60] : memref<32x80x128xf32, #tpu.memory_space<hbm>> -> memref<1x20x128xf32, #tpu.memory_space<hbm>>
      %dma_wait3A_62 = tpu.memref_squeeze %dma_wait3A_61 : memref<1x20x128xf32, #tpu.memory_space<hbm>> -> memref<20x128xf32, #tpu.memory_space<hbm>>
      %dma_wait3A_63 = arith.constant 0 : i32
      %dma_wait3A_64 = tpu.memref_slice %arg5[%add3A, %mul3A_31, %dma_wait3A_63] : memref<32x80x128xf32, #tpu.memory_space<hbm>> -> memref<1x20x128xf32, #tpu.memory_space<hbm>>
      %dma_wait3A_65 = tpu.memref_squeeze %dma_wait3A_64 : memref<1x20x128xf32, #tpu.memory_space<hbm>> -> memref<20x128xf32, #tpu.memory_space<hbm>>
      tpu.wait_dma2 semaphore(%arg14 : memref<!tpu.dma_semaphore, #tpu.memory_space<semaphore_mem>>) src(%dma_wait3A_65 : memref<20x128xf32, #tpu.memory_space<hbm>>) dst(%arg9 : memref<20x128xf32, #tpu.memory_space<vmem>>)
      %dma_start3A_66 = arith.constant 0 : i32
      %dma_start3A_67 = arith.constant 0 : i32
      %dma_start3A_68 = tpu.memref_slice %arg7[%dma_start3A_66, %dma_start3A_67] : memref<20x128xi32, #tpu.memory_space<vmem>> -> memref<1x128xi32, #tpu.memory_space<vmem>>
      %dma_start3A_69 = tpu.memref_squeeze %dma_start3A_68 : memref<1x128xi32, #tpu.memory_space<vmem>> -> memref<128xi32, #tpu.memory_space<vmem>>
      %dma_start3A_70 = arith.constant 0 : i32
      %dma_start3A_71 = arith.constant 0 : i32
      %dma_start3A_72 = tpu.memref_slice %arg2[%dma_start3A_70, %dma_start3A_71] : memref<10000x128xbf16, #tpu.memory_space<hbm>> -> memref<10000x128xbf16, #tpu.memory_space<hbm>>
      tpu.enqueue_indirect_dma source(%dma_start3A_72 : memref<10000x128xbf16, #tpu.memory_space<hbm>>) target(%arg10 : memref<128x128xbf16, #tpu.memory_space<vmem>>) offsets(%dma_start3A_69 : memref<128xi32, #tpu.memory_space<vmem>>) semaphore(%arg14 : memref<!tpu.dma_semaphore, #tpu.memory_space<semaphore_mem>>)
      %scan3A_73 = arith.constant 0 : i32
      %scan3A_74 = arith.constant 0 : i32
      %scan3A_75 = arith.constant 10 : i32
      %scan3A_76 = arith.addi %scan3A_74, %scan3A_75 : i32
      %scan3A_77 = arith.constant 1 : i32
      scf.for %scan3A_86 = %scan3A_74 to %scan3A_76 step %scan3A_77  : i32 {
        %mul3A_87 = arith.constant 2 : i32
        %mul3A_88 = arith.muli %scan3A_86, %mul3A_87 : i32
        %add3A_89 = arith.constant 1 : i32
        %add3A_90 = arith.addi %mul3A_88, %add3A_89 : i32
        %dma_wait3A_91 = arith.constant 0 : i32
        %dma_wait3A_92 = arith.constant 0 : i32
        %dma_wait3A_93 = tpu.memref_slice %arg7[%dma_wait3A_91, %dma_wait3A_92] : memref<20x128xi32, #tpu.memory_space<vmem>> -> memref<1x128xi32, #tpu.memory_space<vmem>>
        %dma_wait3A_94 = tpu.memref_squeeze %dma_wait3A_93 : memref<1x128xi32, #tpu.memory_space<vmem>> -> memref<128xi32, #tpu.memory_space<vmem>>
        %dma_wait3A_95 = arith.constant 0 : i32
        %dma_wait3A_96 = arith.constant 0 : i32
        %dma_wait3A_97 = tpu.memref_slice %arg2[%dma_wait3A_95, %dma_wait3A_96] : memref<10000x128xbf16, #tpu.memory_space<hbm>> -> memref<10000x128xbf16, #tpu.memory_space<hbm>>
        tpu.wait_indirect_dma semaphore(%arg14 : memref<!tpu.dma_semaphore, #tpu.memory_space<semaphore_mem>>) src(%dma_wait3A_97 : memref<10000x128xbf16, #tpu.memory_space<hbm>>) dst(%arg10 : memref<128x128xbf16, #tpu.memory_space<vmem>>)
        %gt3A = arith.constant 0 : i32
        %gt3A_98 = arith.cmpi sgt, %scan3A_86, %gt3A : i32
        %convert_element_type3A = arith.extui %gt3A_98 : i1 to i32
        %cond3A = arith.constant 0 : i32
        %cond3A_99 = arith.cmpi ne, %convert_element_type3A, %cond3A : i32
        scf.if %cond3A_99 {
          %dma_wait3A_153 = arith.constant 0 : i32
          %dma_wait3A_154 = arith.constant 0 : i32
          %dma_wait3A_155 = tpu.memref_slice %arg8[%dma_wait3A_153, %dma_wait3A_154] : memref<20x128xi32, #tpu.memory_space<vmem>> -> memref<1x128xi32, #tpu.memory_space<vmem>>
          %dma_wait3A_156 = tpu.memref_squeeze %dma_wait3A_155 : memref<1x128xi32, #tpu.memory_space<vmem>> -> memref<128xi32, #tpu.memory_space<vmem>>
          %dma_wait3A_157 = arith.constant 0 : i32
          %dma_wait3A_158 = arith.constant 0 : i32
          %dma_wait3A_159 = tpu.memref_slice %arg13[%dma_wait3A_157, %dma_wait3A_158] : memref<10240x128xf32, #tpu.memory_space<vmem_shared>> -> memref<10240x128xf32, #tpu.memory_space<vmem_shared>>
          tpu.wait_indirect_dma semaphore(%arg16 : memref<!tpu.dma_semaphore, #tpu.memory_space<semaphore_mem>>) src(%arg12 : memref<128x128xf32, #tpu.memory_space<vmem>>) dst(%dma_wait3A_159 : memref<10240x128xf32, #tpu.memory_space<vmem_shared>>)
        } else {
        }
        %dma_start3A_100 = arith.constant 0 : i32
        %dma_start3A_101 = tpu.memref_slice %arg7[%add3A_90, %dma_start3A_100] : memref<20x128xi32, #tpu.memory_space<vmem>> -> memref<1x128xi32, #tpu.memory_space<vmem>>
        %dma_start3A_102 = tpu.memref_squeeze %dma_start3A_101 : memref<1x128xi32, #tpu.memory_space<vmem>> -> memref<128xi32, #tpu.memory_space<vmem>>
        %dma_start3A_103 = arith.constant 0 : i32
        %dma_start3A_104 = arith.constant 0 : i32
        %dma_start3A_105 = tpu.memref_slice %arg2[%dma_start3A_103, %dma_start3A_104] : memref<10000x128xbf16, #tpu.memory_space<hbm>> -> memref<10000x128xbf16, #tpu.memory_space<hbm>>
        tpu.enqueue_indirect_dma source(%dma_start3A_105 : memref<10000x128xbf16, #tpu.memory_space<hbm>>) target(%arg11 : memref<128x128xbf16, #tpu.memory_space<vmem>>) offsets(%dma_start3A_102 : memref<128xi32, #tpu.memory_space<vmem>>) semaphore(%arg15 : memref<!tpu.dma_semaphore, #tpu.memory_space<semaphore_mem>>)
        %broadcast_in_dim3A = vector.broadcast %mul3A_88 : i32 to vector<16xi32>
        %broadcast_in_dim3A_106 = arith.constant 0 : i32
        %broadcast_in_dim3A_107 = vector.broadcast %broadcast_in_dim3A_106 : i32 to vector<16xi32>
        %scan3A_108 = arith.constant 0 : i32
        %scan3A_109 = arith.constant 16 : i32
        %scan3A_110 = arith.addi %scan3A_108, %scan3A_109 : i32
        %scan3A_111 = arith.constant 1 : i32
        %scan3A_112 = scf.for %scan3A_153 = %scan3A_108 to %scan3A_110 step %scan3A_111 iter_args(%scan3A_154 = %broadcast_in_dim3A_107) -> (vector<16xi32>)  : i32 {
          %mul3A_155 = arith.constant 8 : i32
          %mul3A_156 = arith.muli %scan3A_153, %mul3A_155 : i32
          %add3A_157 = arith.constant 0 : i32
          %add3A_158 = vector.broadcast %add3A_157 : i32 to vector<16xi32>
          %add3A_159 = arith.addi %scan3A_154, %add3A_158 : vector<16xi32>
          %gather3A = tpu.vector_load_idx %arg9[%broadcast_in_dim3A, %add3A_159] : memref<20x128xf32, #tpu.memory_space<vmem>>[vector<16xi32>, vector<16xi32>], vector<16xf32>,
          %add3A_160 = arith.constant 1 : i32
          %add3A_161 = vector.broadcast %add3A_160 : i32 to vector<16xi32>
          %add3A_162 = arith.addi %scan3A_154, %add3A_161 : vector<16xi32>
          %gather3A_163 = tpu.vector_load_idx %arg9[%broadcast_in_dim3A, %add3A_162] : memref<20x128xf32, #tpu.memory_space<vmem>>[vector<16xi32>, vector<16xi32>], vector<16xf32>,
          %add3A_164 = arith.constant 2 : i32
          %add3A_165 = vector.broadcast %add3A_164 : i32 to vector<16xi32>
          %add3A_166 = arith.addi %scan3A_154, %add3A_165 : vector<16xi32>
          %gather3A_167 = tpu.vector_load_idx %arg9[%broadcast_in_dim3A, %add3A_166] : memref<20x128xf32, #tpu.memory_space<vmem>>[vector<16xi32>, vector<16xi32>], vector<16xf32>,
          %add3A_168 = arith.constant 3 : i32
          %add3A_169 = vector.broadcast %add3A_168 : i32 to vector<16xi32>
          %add3A_170 = arith.addi %scan3A_154, %add3A_169 : vector<16xi32>
          %gather3A_171 = tpu.vector_load_idx %arg9[%broadcast_in_dim3A, %add3A_170] : memref<20x128xf32, #tpu.memory_space<vmem>>[vector<16xi32>, vector<16xi32>], vector<16xf32>,
          %add3A_172 = arith.constant 4 : i32
          %add3A_173 = vector.broadcast %add3A_172 : i32 to vector<16xi32>
          %add3A_174 = arith.addi %scan3A_154, %add3A_173 : vector<16xi32>
          %gather3A_175 = tpu.vector_load_idx %arg9[%broadcast_in_dim3A, %add3A_174] : memref<20x128xf32, #tpu.memory_space<vmem>>[vector<16xi32>, vector<16xi32>], vector<16xf32>,
          %add3A_176 = arith.constant 5 : i32
          %add3A_177 = vector.broadcast %add3A_176 : i32 to vector<16xi32>
          %add3A_178 = arith.addi %scan3A_154, %add3A_177 : vector<16xi32>
          %gather3A_179 = tpu.vector_load_idx %arg9[%broadcast_in_dim3A, %add3A_178] : memref<20x128xf32, #tpu.memory_space<vmem>>[vector<16xi32>, vector<16xi32>], vector<16xf32>,
          %add3A_180 = arith.constant 6 : i32
          %add3A_181 = vector.broadcast %add3A_180 : i32 to vector<16xi32>
          %add3A_182 = arith.addi %scan3A_154, %add3A_181 : vector<16xi32>
          %gather3A_183 = tpu.vector_load_idx %arg9[%broadcast_in_dim3A, %add3A_182] : memref<20x128xf32, #tpu.memory_space<vmem>>[vector<16xi32>, vector<16xi32>], vector<16xf32>,
          %add3A_184 = arith.constant 7 : i32
          %add3A_185 = vector.broadcast %add3A_184 : i32 to vector<16xi32>
          %add3A_186 = arith.addi %scan3A_154, %add3A_185 : vector<16xi32>
          %gather3A_187 = tpu.vector_load_idx %arg9[%broadcast_in_dim3A, %add3A_186] : memref<20x128xf32, #tpu.memory_space<vmem>>[vector<16xi32>, vector<16xi32>], vector<16xf32>,
          %add3A_188 = arith.constant 0 : i32
          %add3A_189 = arith.addi %mul3A_156, %add3A_188 : i32
          %get3A = arith.index_cast %add3A_189 : i32 to index
          %get3A_190 = arith.constant 0 : index
          %get3A_191 = tpu.vector_load %arg10[%get3A, %get3A_190] {strides = array<i32>} : memref<128x128xbf16, #tpu.memory_space<vmem>>, vector<32xbf16>,
          %bitcast3A = vector.bitcast %get3A_191 : vector<32xbf16> to vector<16xi32>
          %shift_left3A = arith.constant 16 : i32
          %shift_left3A_192 = vector.broadcast %shift_left3A : i32 to vector<16xi32>
          %shift_left3A_193 = arith.shli %bitcast3A, %shift_left3A_192 : vector<16xi32>
          %bitcast3A_194 = vector.bitcast %shift_left3A_193 : vector<16xi32> to vector<16xf32>
          %and3A = vector.broadcast %scan3A_19 : i32 to vector<16xi32>
          %and3A_195 = arith.andi %bitcast3A, %and3A : vector<16xi32>
          %bitcast3A_196 = vector.bitcast %and3A_195 : vector<16xi32> to vector<16xf32>
          %mul3A_197 = arith.mulf %bitcast3A_194, %gather3A : vector<16xf32>
          %swap3A = arith.index_cast %add3A_189 : i32 to index
          %swap3A_198 = arith.constant 0 : index
          %swap3A_199 = tpu.vector_load %arg12[%swap3A, %swap3A_198] {strides = array<i32>} : memref<128x128xf32, #tpu.memory_space<vmem>>, vector<16xf32>,
          tpu.vector_store %arg12[%swap3A, %swap3A_198], %mul3A_197 {strides = array<i32>} : memref<128x128xf32, #tpu.memory_space<vmem>>, vector<16xf32>,
          %mul3A_200 = arith.mulf %bitcast3A_196, %gather3A : vector<16xf32>
          %swap3A_201 = arith.index_cast %add3A_189 : i32 to index
          %swap3A_202 = arith.constant 16 : index
          %swap3A_203 = tpu.vector_load %arg12[%swap3A_201, %swap3A_202] {strides = array<i32>} : memref<128x128xf32, #tpu.memory_space<vmem>>, vector<16xf32>,
          tpu.vector_store %arg12[%swap3A_201, %swap3A_202], %mul3A_200 {strides = array<i32>} : memref<128x128xf32, #tpu.memory_space<vmem>>, vector<16xf32>,
          %get3A_204 = arith.index_cast %add3A_189 : i32 to index
          %get3A_205 = arith.constant 32 : index
          %get3A_206 = tpu.vector_load %arg10[%get3A_204, %get3A_205] {strides = array<i32>} : memref<128x128xbf16, #tpu.memory_space<vmem>>, vector<32xbf16>,
          %bitcast3A_207 = vector.bitcast %get3A_206 : vector<32xbf16> to vector<16xi32>
          %shift_left3A_208 = arith.constant 16 : i32
          %shift_left3A_209 = vector.broadcast %shift_left3A_208 : i32 to vector<16xi32>
          %shift_left3A_210 = arith.shli %bitcast3A_207, %shift_left3A_209 : vector<16xi32>
          %bitcast3A_211 = vector.bitcast %shift_left3A_210 : vector<16xi32> to vector<16xf32>
          %and3A_212 = vector.broadcast %scan3A_19 : i32 to vector<16xi32>
          %and3A_213 = arith.andi %bitcast3A_207, %and3A_212 : vector<16xi32>
          %bitcast3A_214 = vector.bitcast %and3A_213 : vector<16xi32> to vector<16xf32>
          %mul3A_215 = arith.mulf %bitcast3A_211, %gather3A : vector<16xf32>
          %swap3A_216 = arith.index_cast %add3A_189 : i32 to index
          %swap3A_217 = arith.constant 32 : index
          %swap3A_218 = tpu.vector_load %arg12[%swap3A_216, %swap3A_217] {strides = array<i32>} : memref<128x128xf32, #tpu.memory_space<vmem>>, vector<16xf32>,
          tpu.vector_store %arg12[%swap3A_216, %swap3A_217], %mul3A_215 {strides = array<i32>} : memref<128x128xf32, #tpu.memory_space<vmem>>, vector<16xf32>,
          %mul3A_219 = arith.mulf %bitcast3A_214, %gather3A : vector<16xf32>
          %swap3A_220 = arith.index_cast %add3A_189 : i32 to index
          %swap3A_221 = arith.constant 48 : index
          %swap3A_222 = tpu.vector_load %arg12[%swap3A_220, %swap3A_221] {strides = array<i32>} : memref<128x128xf32, #tpu.memory_space<vmem>>, vector<16xf32>,
          tpu.vector_store %arg12[%swap3A_220, %swap3A_221], %mul3A_219 {strides = array<i32>} : memref<128x128xf32, #tpu.memory_space<vmem>>, vector<16xf32>,
          %get3A_223 = arith.index_cast %add3A_189 : i32 to index
          %get3A_224 = arith.constant 64 : index
          %get3A_225 = tpu.vector_load %arg10[%get3A_223, %get3A_224] {strides = array<i32>} : memref<128x128xbf16, #tpu.memory_space<vmem>>, vector<32xbf16>,
          %bitcast3A_226 = vector.bitcast %get3A_225 : vector<32xbf16> to vector<16xi32>
          %shift_left3A_227 = arith.constant 16 : i32
          %shift_left3A_228 = vector.broadcast %shift_left3A_227 : i32 to vector<16xi32>
          %shift_left3A_229 = arith.shli %bitcast3A_226, %shift_left3A_228 : vector<16xi32>
          %bitcast3A_230 = vector.bitcast %shift_left3A_229 : vector<16xi32> to vector<16xf32>
          %and3A_231 = vector.broadcast %scan3A_19 : i32 to vector<16xi32>
          %and3A_232 = arith.andi %bitcast3A_226, %and3A_231 : vector<16xi32>
          %bitcast3A_233 = vector.bitcast %and3A_232 : vector<16xi32> to vector<16xf32>
          %mul3A_234 = arith.mulf %bitcast3A_230, %gather3A : vector<16xf32>
          %swap3A_235 = arith.index_cast %add3A_189 : i32 to index
          %swap3A_236 = arith.constant 64 : index
          %swap3A_237 = tpu.vector_load %arg12[%swap3A_235, %swap3A_236] {strides = array<i32>} : memref<128x128xf32, #tpu.memory_space<vmem>>, vector<16xf32>,
          tpu.vector_store %arg12[%swap3A_235, %swap3A_236], %mul3A_234 {strides = array<i32>} : memref<128x128xf32, #tpu.memory_space<vmem>>, vector<16xf32>,
          %mul3A_238 = arith.mulf %bitcast3A_233, %gather3A : vector<16xf32>
          %swap3A_239 = arith.index_cast %add3A_189 : i32 to index
          %swap3A_240 = arith.constant 80 : index
          %swap3A_241 = tpu.vector_load %arg12[%swap3A_239, %swap3A_240] {strides = array<i32>} : memref<128x128xf32, #tpu.memory_space<vmem>>, vector<16xf32>,
          tpu.vector_store %arg12[%swap3A_239, %swap3A_240], %mul3A_238 {strides = array<i32>} : memref<128x128xf32, #tpu.memory_space<vmem>>, vector<16xf32>,
          %get3A_242 = arith.index_cast %add3A_189 : i32 to index
          %get3A_243 = arith.constant 96 : index
          %get3A_244 = tpu.vector_load %arg10[%get3A_242, %get3A_243] {strides = array<i32>} : memref<128x128xbf16, #tpu.memory_space<vmem>>, vector<32xbf16>,
          %bitcast3A_245 = vector.bitcast %get3A_244 : vector<32xbf16> to vector<16xi32>
          %shift_left3A_246 = arith.constant 16 : i32
          %shift_left3A_247 = vector.broadcast %shift_left3A_246 : i32 to vector<16xi32>
          %shift_left3A_248 = arith.shli %bitcast3A_245, %shift_left3A_247 : vector<16xi32>
          %bitcast3A_249 = vector.bitcast %shift_left3A_248 : vector<16xi32> to vector<16xf32>
          %and3A_250 = vector.broadcast %scan3A_19 : i32 to vector<16xi32>
          %and3A_251 = arith.andi %bitcast3A_245, %and3A_250 : vector<16xi32>
          %bitcast3A_252 = vector.bitcast %and3A_251 : vector<16xi32> to vector<16xf32>
          %mul3A_253 = arith.mulf %bitcast3A_249, %gather3A : vector<16xf32>
          %swap3A_254 = arith.index_cast %add3A_189 : i32 to index
          %swap3A_255 = arith.constant 96 : index
          %swap3A_256 = tpu.vector_load %arg12[%swap3A_254, %swap3A_255] {strides = array<i32>} : memref<128x128xf32, #tpu.memory_space<vmem>>, vector<16xf32>,
          tpu.vector_store %arg12[%swap3A_254, %swap3A_255], %mul3A_253 {strides = array<i32>} : memref<128x128xf32, #tpu.memory_space<vmem>>, vector<16xf32>,
          %mul3A_257 = arith.mulf %bitcast3A_252, %gather3A : vector<16xf32>
          %swap3A_258 = arith.index_cast %add3A_189 : i32 to index
          %swap3A_259 = arith.constant 112 : index
          %swap3A_260 = tpu.vector_load %arg12[%swap3A_258, %swap3A_259] {strides = array<i32>} : memref<128x128xf32, #tpu.memory_space<vmem>>, vector<16xf32>,
          tpu.vector_store %arg12[%swap3A_258, %swap3A_259], %mul3A_257 {strides = array<i32>} : memref<128x128xf32, #tpu.memory_space<vmem>>, vector<16xf32>,
          %add3A_261 = arith.constant 1 : i32
          %add3A_262 = arith.addi %mul3A_156, %add3A_261 : i32
          %get3A_263 = arith.index_cast %add3A_262 : i32 to index
          %get3A_264 = arith.constant 0 : index
          %get3A_265 = tpu.vector_load %arg10[%get3A_263, %get3A_264] {strides = array<i32>} : memref<128x128xbf16, #tpu.memory_space<vmem>>, vector<32xbf16>,
          %bitcast3A_266 = vector.bitcast %get3A_265 : vector<32xbf16> to vector<16xi32>
          %shift_left3A_267 = arith.constant 16 : i32
          %shift_left3A_268 = vector.broadcast %shift_left3A_267 : i32 to vector<16xi32>
          %shift_left3A_269 = arith.shli %bitcast3A_266, %shift_left3A_268 : vector<16xi32>
          %bitcast3A_270 = vector.bitcast %shift_left3A_269 : vector<16xi32> to vector<16xf32>
          %and3A_271 = vector.broadcast %scan3A_19 : i32 to vector<16xi32>
          %and3A_272 = arith.andi %bitcast3A_266, %and3A_271 : vector<16xi32>
          %bitcast3A_273 = vector.bitcast %and3A_272 : vector<16xi32> to vector<16xf32>
          %mul3A_274 = arith.mulf %bitcast3A_270, %gather3A_163 : vector<16xf32>
          %swap3A_275 = arith.index_cast %add3A_262 : i32 to index
          %swap3A_276 = arith.constant 0 : index
          %swap3A_277 = tpu.vector_load %arg12[%swap3A_275, %swap3A_276] {strides = array<i32>} : memref<128x128xf32, #tpu.memory_space<vmem>>, vector<16xf32>,
          tpu.vector_store %arg12[%swap3A_275, %swap3A_276], %mul3A_274 {strides = array<i32>} : memref<128x128xf32, #tpu.memory_space<vmem>>, vector<16xf32>,
          %mul3A_278 = arith.mulf %bitcast3A_273, %gather3A_163 : vector<16xf32>
          %swap3A_279 = arith.index_cast %add3A_262 : i32 to index
          %swap3A_280 = arith.constant 16 : index
          %swap3A_281 = tpu.vector_load %arg12[%swap3A_279, %swap3A_280] {strides = array<i32>} : memref<128x128xf32, #tpu.memory_space<vmem>>, vector<16xf32>,
          tpu.vector_store %arg12[%swap3A_279, %swap3A_280], %mul3A_278 {strides = array<i32>} : memref<128x128xf32, #tpu.memory_space<vmem>>, vector<16xf32>,
          %get3A_282 = arith.index_cast %add3A_262 : i32 to index
          %get3A_283 = arith.constant 32 : index
          %get3A_284 = tpu.vector_load %arg10[%get3A_282, %get3A_283] {strides = array<i32>} : memref<128x128xbf16, #tpu.memory_space<vmem>>, vector<32xbf16>,
          %bitcast3A_285 = vector.bitcast %get3A_284 : vector<32xbf16> to vector<16xi32>
          %shift_left3A_286 = arith.constant 16 : i32
          %shift_left3A_287 = vector.broadcast %shift_left3A_286 : i32 to vector<16xi32>
          %shift_left3A_288 = arith.shli %bitcast3A_285, %shift_left3A_287 : vector<16xi32>
          %bitcast3A_289 = vector.bitcast %shift_left3A_288 : vector<16xi32> to vector<16xf32>
          %and3A_290 = vector.broadcast %scan3A_19 : i32 to vector<16xi32>
          %and3A_291 = arith.andi %bitcast3A_285, %and3A_290 : vector<16xi32>
          %bitcast3A_292 = vector.bitcast %and3A_291 : vector<16xi32> to vector<16xf32>
          %mul3A_293 = arith.mulf %bitcast3A_289, %gather3A_163 : vector<16xf32>
          %swap3A_294 = arith.index_cast %add3A_262 : i32 to index
          %swap3A_295 = arith.constant 32 : index
          %swap3A_296 = tpu.vector_load %arg12[%swap3A_294, %swap3A_295] {strides = array<i32>} : memref<128x128xf32, #tpu.memory_space<vmem>>, vector<16xf32>,
          tpu.vector_store %arg12[%swap3A_294, %swap3A_295], %mul3A_293 {strides = array<i32>} : memref<128x128xf32, #tpu.memory_space<vmem>>, vector<16xf32>,
          %mul3A_297 = arith.mulf %bitcast3A_292, %gather3A_163 : vector<16xf32>
          %swap3A_298 = arith.index_cast %add3A_262 : i32 to index
          %swap3A_299 = arith.constant 48 : index
          %swap3A_300 = tpu.vector_load %arg12[%swap3A_298, %swap3A_299] {strides = array<i32>} : memref<128x128xf32, #tpu.memory_space<vmem>>, vector<16xf32>,
          tpu.vector_store %arg12[%swap3A_298, %swap3A_299], %mul3A_297 {strides = array<i32>} : memref<128x128xf32, #tpu.memory_space<vmem>>, vector<16xf32>,
          %get3A_301 = arith.index_cast %add3A_262 : i32 to index
          %get3A_302 = arith.constant 64 : index
          %get3A_303 = tpu.vector_load %arg10[%get3A_301, %get3A_302] {strides = array<i32>} : memref<128x128xbf16, #tpu.memory_space<vmem>>, vector<32xbf16>,
          %bitcast3A_304 = vector.bitcast %get3A_303 : vector<32xbf16> to vector<16xi32>
          %shift_left3A_305 = arith.constant 16 : i32
          %shift_left3A_306 = vector.broadcast %shift_left3A_305 : i32 to vector<16xi32>
          %shift_left3A_307 = arith.shli %bitcast3A_304, %shift_left3A_306 : vector<16xi32>
          %bitcast3A_308 = vector.bitcast %shift_left3A_307 : vector<16xi32> to vector<16xf32>
          %and3A_309 = vector.broadcast %scan3A_19 : i32 to vector<16xi32>
          %and3A_310 = arith.andi %bitcast3A_304, %and3A_309 : vector<16xi32>
          %bitcast3A_311 = vector.bitcast %and3A_310 : vector<16xi32> to vector<16xf32>
          %mul3A_312 = arith.mulf %bitcast3A_308, %gather3A_163 : vector<16xf32>
          %swap3A_313 = arith.index_cast %add3A_262 : i32 to index
          %swap3A_314 = arith.constant 64 : index
          %swap3A_315 = tpu.vector_load %arg12[%swap3A_313, %swap3A_314] {strides = array<i32>} : memref<128x128xf32, #tpu.memory_space<vmem>>, vector<16xf32>,
          tpu.vector_store %arg12[%swap3A_313, %swap3A_314], %mul3A_312 {strides = array<i32>} : memref<128x128xf32, #tpu.memory_space<vmem>>, vector<16xf32>,
          %mul3A_316 = arith.mulf %bitcast3A_311, %gather3A_163 : vector<16xf32>
          %swap3A_317 = arith.index_cast %add3A_262 : i32 to index
          %swap3A_318 = arith.constant 80 : index
          %swap3A_319 = tpu.vector_load %arg12[%swap3A_317, %swap3A_318] {strides = array<i32>} : memref<128x128xf32, #tpu.memory_space<vmem>>, vector<16xf32>,
          tpu.vector_store %arg12[%swap3A_317, %swap3A_318], %mul3A_316 {strides = array<i32>} : memref<128x128xf32, #tpu.memory_space<vmem>>, vector<16xf32>,
          %get3A_320 = arith.index_cast %add3A_262 : i32 to index
          %get3A_321 = arith.constant 96 : index
          %get3A_322 = tpu.vector_load %arg10[%get3A_320, %get3A_321] {strides = array<i32>} : memref<128x128xbf16, #tpu.memory_space<vmem>>, vector<32xbf16>,
          %bitcast3A_323 = vector.bitcast %get3A_322 : vector<32xbf16> to vector<16xi32>
          %shift_left3A_324 = arith.constant 16 : i32
          %shift_left3A_325 = vector.broadcast %shift_left3A_324 : i32 to vector<16xi32>
          %shift_left3A_326 = arith.shli %bitcast3A_323, %shift_left3A_325 : vector<16xi32>
          %bitcast3A_327 = vector.bitcast %shift_left3A_326 : vector<16xi32> to vector<16xf32>
          %and3A_328 = vector.broadcast %scan3A_19 : i32 to vector<16xi32>
          %and3A_329 = arith.andi %bitcast3A_323, %and3A_328 : vector<16xi32>
          %bitcast3A_330 = vector.bitcast %and3A_329 : vector<16xi32> to vector<16xf32>
          %mul3A_331 = arith.mulf %bitcast3A_327, %gather3A_163 : vector<16xf32>
          %swap3A_332 = arith.index_cast %add3A_262 : i32 to index
          %swap3A_333 = arith.constant 96 : index
          %swap3A_334 = tpu.vector_load %arg12[%swap3A_332, %swap3A_333] {strides = array<i32>} : memref<128x128xf32, #tpu.memory_space<vmem>>, vector<16xf32>,
          tpu.vector_store %arg12[%swap3A_332, %swap3A_333], %mul3A_331 {strides = array<i32>} : memref<128x128xf32, #tpu.memory_space<vmem>>, vector<16xf32>,
          %mul3A_335 = arith.mulf %bitcast3A_330, %gather3A_163 : vector<16xf32>
          %swap3A_336 = arith.index_cast %add3A_262 : i32 to index
          %swap3A_337 = arith.constant 112 : index
          %swap3A_338 = tpu.vector_load %arg12[%swap3A_336, %swap3A_337] {strides = array<i32>} : memref<128x128xf32, #tpu.memory_space<vmem>>, vector<16xf32>,
          tpu.vector_store %arg12[%swap3A_336, %swap3A_337], %mul3A_335 {strides = array<i32>} : memref<128x128xf32, #tpu.memory_space<vmem>>, vector<16xf32>,
          %add3A_339 = arith.constant 2 : i32
          %add3A_340 = arith.addi %mul3A_156, %add3A_339 : i32
          %get3A_341 = arith.index_cast %add3A_340 : i32 to index
          %get3A_342 = arith.constant 0 : index
          %get3A_343 = tpu.vector_load %arg10[%get3A_341, %get3A_342] {strides = array<i32>} : memref<128x128xbf16, #tpu.memory_space<vmem>>, vector<32xbf16>,
          %bitcast3A_344 = vector.bitcast %get3A_343 : vector<32xbf16> to vector<16xi32>
          %shift_left3A_345 = arith.constant 16 : i32
          %shift_left3A_346 = vector.broadcast %shift_left3A_345 : i32 to vector<16xi32>
          %shift_left3A_347 = arith.shli %bitcast3A_344, %shift_left3A_346 : vector<16xi32>
          %bitcast3A_348 = vector.bitcast %shift_left3A_347 : vector<16xi32> to vector<16xf32>
          %and3A_349 = vector.broadcast %scan3A_19 : i32 to vector<16xi32>
          %and3A_350 = arith.andi %bitcast3A_344, %and3A_349 : vector<16xi32>
          %bitcast3A_351 = vector.bitcast %and3A_350 : vector<16xi32> to vector<16xf32>
          %mul3A_352 = arith.mulf %bitcast3A_348, %gather3A_167 : vector<16xf32>
          %swap3A_353 = arith.index_cast %add3A_340 : i32 to index
          %swap3A_354 = arith.constant 0 : index
          %swap3A_355 = tpu.vector_load %arg12[%swap3A_353, %swap3A_354] {strides = array<i32>} : memref<128x128xf32, #tpu.memory_space<vmem>>, vector<16xf32>,
          tpu.vector_store %arg12[%swap3A_353, %swap3A_354], %mul3A_352 {strides = array<i32>} : memref<128x128xf32, #tpu.memory_space<vmem>>, vector<16xf32>,
          %mul3A_356 = arith.mulf %bitcast3A_351, %gather3A_167 : vector<16xf32>
          %swap3A_357 = arith.index_cast %add3A_340 : i32 to index
          %swap3A_358 = arith.constant 16 : index
          %swap3A_359 = tpu.vector_load %arg12[%swap3A_357, %swap3A_358] {strides = array<i32>} : memref<128x128xf32, #tpu.memory_space<vmem>>, vector<16xf32>,
          tpu.vector_store %arg12[%swap3A_357, %swap3A_358], %mul3A_356 {strides = array<i32>} : memref<128x128xf32, #tpu.memory_space<vmem>>, vector<16xf32>,
          %get3A_360 = arith.index_cast %add3A_340 : i32 to index
          %get3A_361 = arith.constant 32 : index
          %get3A_362 = tpu.vector_load %arg10[%get3A_360, %get3A_361] {strides = array<i32>} : memref<128x128xbf16, #tpu.memory_space<vmem>>, vector<32xbf16>,
          %bitcast3A_363 = vector.bitcast %get3A_362 : vector<32xbf16> to vector<16xi32>
          %shift_left3A_364 = arith.constant 16 : i32
          %shift_left3A_365 = vector.broadcast %shift_left3A_364 : i32 to vector<16xi32>
          %shift_left3A_366 = arith.shli %bitcast3A_363, %shift_left3A_365 : vector<16xi32>
          %bitcast3A_367 = vector.bitcast %shift_left3A_366 : vector<16xi32> to vector<16xf32>
          %and3A_368 = vector.broadcast %scan3A_19 : i32 to vector<16xi32>
          %and3A_369 = arith.andi %bitcast3A_363, %and3A_368 : vector<16xi32>
          %bitcast3A_370 = vector.bitcast %and3A_369 : vector<16xi32> to vector<16xf32>
          %mul3A_371 = arith.mulf %bitcast3A_367, %gather3A_167 : vector<16xf32>
          %swap3A_372 = arith.index_cast %add3A_340 : i32 to index
          %swap3A_373 = arith.constant 32 : index
          %swap3A_374 = tpu.vector_load %arg12[%swap3A_372, %swap3A_373] {strides = array<i32>} : memref<128x128xf32, #tpu.memory_space<vmem>>, vector<16xf32>,
          tpu.vector_store %arg12[%swap3A_372, %swap3A_373], %mul3A_371 {strides = array<i32>} : memref<128x128xf32, #tpu.memory_space<vmem>>, vector<16xf32>,
          %mul3A_375 = arith.mulf %bitcast3A_370, %gather3A_167 : vector<16xf32>
          %swap3A_376 = arith.index_cast %add3A_340 : i32 to index
          %swap3A_377 = arith.constant 48 : index
          %swap3A_378 = tpu.vector_load %arg12[%swap3A_376, %swap3A_377] {strides = array<i32>} : memref<128x128xf32, #tpu.memory_space<vmem>>, vector<16xf32>,
          tpu.vector_store %arg12[%swap3A_376, %swap3A_377], %mul3A_375 {strides = array<i32>} : memref<128x128xf32, #tpu.memory_space<vmem>>, vector<16xf32>,
          %get3A_379 = arith.index_cast %add3A_340 : i32 to index
          %get3A_380 = arith.constant 64 : index
          %get3A_381 = tpu.vector_load %arg10[%get3A_379, %get3A_380] {strides = array<i32>} : memref<128x128xbf16, #tpu.memory_space<vmem>>, vector<32xbf16>,
          %bitcast3A_382 = vector.bitcast %get3A_381 : vector<32xbf16> to vector<16xi32>
          %shift_left3A_383 = arith.constant 16 : i32
          %shift_left3A_384 = vector.broadcast %shift_left3A_383 : i32 to vector<16xi32>
          %shift_left3A_385 = arith.shli %bitcast3A_382, %shift_left3A_384 : vector<16xi32>
          %bitcast3A_386 = vector.bitcast %shift_left3A_385 : vector<16xi32> to vector<16xf32>
          %and3A_387 = vector.broadcast %scan3A_19 : i32 to vector<16xi32>
          %and3A_388 = arith.andi %bitcast3A_382, %and3A_387 : vector<16xi32>
          %bitcast3A_389 = vector.bitcast %and3A_388 : vector<16xi32> to vector<16xf32>
          %mul3A_390 = arith.mulf %bitcast3A_386, %gather3A_167 : vector<16xf32>
          %swap3A_391 = arith.index_cast %add3A_340 : i32 to index
          %swap3A_392 = arith.constant 64 : index
          %swap3A_393 = tpu.vector_load %arg12[%swap3A_391, %swap3A_392] {strides = array<i32>} : memref<128x128xf32, #tpu.memory_space<vmem>>, vector<16xf32>,
          tpu.vector_store %arg12[%swap3A_391, %swap3A_392], %mul3A_390 {strides = array<i32>} : memref<128x128xf32, #tpu.memory_space<vmem>>, vector<16xf32>,
          %mul3A_394 = arith.mulf %bitcast3A_389, %gather3A_167 : vector<16xf32>
          %swap3A_395 = arith.index_cast %add3A_340 : i32 to index
          %swap3A_396 = arith.constant 80 : index
          %swap3A_397 = tpu.vector_load %arg12[%swap3A_395, %swap3A_396] {strides = array<i32>} : memref<128x128xf32, #tpu.memory_space<vmem>>, vector<16xf32>,
          tpu.vector_store %arg12[%swap3A_395, %swap3A_396], %mul3A_394 {strides = array<i32>} : memref<128x128xf32, #tpu.memory_space<vmem>>, vector<16xf32>,
          %get3A_398 = arith.index_cast %add3A_340 : i32 to index
          %get3A_399 = arith.constant 96 : index
          %get3A_400 = tpu.vector_load %arg10[%get3A_398, %get3A_399] {strides = array<i32>} : memref<128x128xbf16, #tpu.memory_space<vmem>>, vector<32xbf16>,
          %bitcast3A_401 = vector.bitcast %get3A_400 : vector<32xbf16> to vector<16xi32>
          %shift_left3A_402 = arith.constant 16 : i32
          %shift_left3A_403 = vector.broadcast %shift_left3A_402 : i32 to vector<16xi32>
          %shift_left3A_404 = arith.shli %bitcast3A_401, %shift_left3A_403 : vector<16xi32>
          %bitcast3A_405 = vector.bitcast %shift_left3A_404 : vector<16xi32> to vector<16xf32>
          %and3A_406 = vector.broadcast %scan3A_19 : i32 to vector<16xi32>
          %and3A_407 = arith.andi %bitcast3A_401, %and3A_406 : vector<16xi32>
          %bitcast3A_408 = vector.bitcast %and3A_407 : vector<16xi32> to vector<16xf32>
          %mul3A_409 = arith.mulf %bitcast3A_405, %gather3A_167 : vector<16xf32>
          %swap3A_410 = arith.index_cast %add3A_340 : i32 to index
          %swap3A_411 = arith.constant 96 : index
          %swap3A_412 = tpu.vector_load %arg12[%swap3A_410, %swap3A_411] {strides = array<i32>} : memref<128x128xf32, #tpu.memory_space<vmem>>, vector<16xf32>,
          tpu.vector_store %arg12[%swap3A_410, %swap3A_411], %mul3A_409 {strides = array<i32>} : memref<128x128xf32, #tpu.memory_space<vmem>>, vector<16xf32>,
          %mul3A_413 = arith.mulf %bitcast3A_408, %gather3A_167 : vector<16xf32>
          %swap3A_414 = arith.index_cast %add3A_340 : i32 to index
          %swap3A_415 = arith.constant 112 : index
          %swap3A_416 = tpu.vector_load %arg12[%swap3A_414, %swap3A_415] {strides = array<i32>} : memref<128x128xf32, #tpu.memory_space<vmem>>, vector<16xf32>,
          tpu.vector_store %arg12[%swap3A_414, %swap3A_415], %mul3A_413 {strides = array<i32>} : memref<128x128xf32, #tpu.memory_space<vmem>>, vector<16xf32>,
          %add3A_417 = arith.constant 3 : i32
          %add3A_418 = arith.addi %mul3A_156, %add3A_417 : i32
          %get3A_419 = arith.index_cast %add3A_418 : i32 to index
          %get3A_420 = arith.constant 0 : index
          %get3A_421 = tpu.vector_load %arg10[%get3A_419, %get3A_420] {strides = array<i32>} : memref<128x128xbf16, #tpu.memory_space<vmem>>, vector<32xbf16>,
          %bitcast3A_422 = vector.bitcast %get3A_421 : vector<32xbf16> to vector<16xi32>
          %shift_left3A_423 = arith.constant 16 : i32
          %shift_left3A_424 = vector.broadcast %shift_left3A_423 : i32 to vector<16xi32>
          %shift_left3A_425 = arith.shli %bitcast3A_422, %shift_left3A_424 : vector<16xi32>
          %bitcast3A_426 = vector.bitcast %shift_left3A_425 : vector<16xi32> to vector<16xf32>
          %and3A_427 = vector.broadcast %scan3A_19 : i32 to vector<16xi32>
          %and3A_428 = arith.andi %bitcast3A_422, %and3A_427 : vector<16xi32>
          %bitcast3A_429 = vector.bitcast %and3A_428 : vector<16xi32> to vector<16xf32>
          %mul3A_430 = arith.mulf %bitcast3A_426, %gather3A_171 : vector<16xf32>
          %swap3A_431 = arith.index_cast %add3A_418 : i32 to index
          %swap3A_432 = arith.constant 0 : index
          %swap3A_433 = tpu.vector_load %arg12[%swap3A_431, %swap3A_432] {strides = array<i32>} : memref<128x128xf32, #tpu.memory_space<vmem>>, vector<16xf32>,
          tpu.vector_store %arg12[%swap3A_431, %swap3A_432], %mul3A_430 {strides = array<i32>} : memref<128x128xf32, #tpu.memory_space<vmem>>, vector<16xf32>,
          %mul3A_434 = arith.mulf %bitcast3A_429, %gather3A_171 : vector<16xf32>
          %swap3A_435 = arith.index_cast %add3A_418 : i32 to index
          %swap3A_436 = arith.constant 16 : index
          %swap3A_437 = tpu.vector_load %arg12[%swap3A_435, %swap3A_436] {strides = array<i32>} : memref<128x128xf32, #tpu.memory_space<vmem>>, vector<16xf32>,
          tpu.vector_store %arg12[%swap3A_435, %swap3A_436], %mul3A_434 {strides = array<i32>} : memref<128x128xf32, #tpu.memory_space<vmem>>, vector<16xf32>,
          %get3A_438 = arith.index_cast %add3A_418 : i32 to index
          %get3A_439 = arith.constant 32 : index
          %get3A_440 = tpu.vector_load %arg10[%get3A_438, %get3A_439] {strides = array<i32>} : memref<128x128xbf16, #tpu.memory_space<vmem>>, vector<32xbf16>,
          %bitcast3A_441 = vector.bitcast %get3A_440 : vector<32xbf16> to vector<16xi32>
          %shift_left3A_442 = arith.constant 16 : i32
          %shift_left3A_443 = vector.broadcast %shift_left3A_442 : i32 to vector<16xi32>
          %shift_left3A_444 = arith.shli %bitcast3A_441, %shift_left3A_443 : vector<16xi32>
          %bitcast3A_445 = vector.bitcast %shift_left3A_444 : vector<16xi32> to vector<16xf32>
          %and3A_446 = vector.broadcast %scan3A_19 : i32 to vector<16xi32>
          %and3A_447 = arith.andi %bitcast3A_441, %and3A_446 : vector<16xi32>
          %bitcast3A_448 = vector.bitcast %and3A_447 : vector<16xi32> to vector<16xf32>
          %mul3A_449 = arith.mulf %bitcast3A_445, %gather3A_171 : vector<16xf32>
          %swap3A_450 = arith.index_cast %add3A_418 : i32 to index
          %swap3A_451 = arith.constant 32 : index
          %swap3A_452 = tpu.vector_load %arg12[%swap3A_450, %swap3A_451] {strides = array<i32>} : memref<128x128xf32, #tpu.memory_space<vmem>>, vector<16xf32>,
          tpu.vector_store %arg12[%swap3A_450, %swap3A_451], %mul3A_449 {strides = array<i32>} : memref<128x128xf32, #tpu.memory_space<vmem>>, vector<16xf32>,
          %mul3A_453 = arith.mulf %bitcast3A_448, %gather3A_171 : vector<16xf32>
          %swap3A_454 = arith.index_cast %add3A_418 : i32 to index
          %swap3A_455 = arith.constant 48 : index
          %swap3A_456 = tpu.vector_load %arg12[%swap3A_454, %swap3A_455] {strides = array<i32>} : memref<128x128xf32, #tpu.memory_space<vmem>>, vector<16xf32>,
          tpu.vector_store %arg12[%swap3A_454, %swap3A_455], %mul3A_453 {strides = array<i32>} : memref<128x128xf32, #tpu.memory_space<vmem>>, vector<16xf32>,
          %get3A_457 = arith.index_cast %add3A_418 : i32 to index
          %get3A_458 = arith.constant 64 : index
          %get3A_459 = tpu.vector_load %arg10[%get3A_457, %get3A_458] {strides = array<i32>} : memref<128x128xbf16, #tpu.memory_space<vmem>>, vector<32xbf16>,
          %bitcast3A_460 = vector.bitcast %get3A_459 : vector<32xbf16> to vector<16xi32>
          %shift_left3A_461 = arith.constant 16 : i32
          %shift_left3A_462 = vector.broadcast %shift_left3A_461 : i32 to vector<16xi32>
          %shift_left3A_463 = arith.shli %bitcast3A_460, %shift_left3A_462 : vector<16xi32>
          %bitcast3A_464 = vector.bitcast %shift_left3A_463 : vector<16xi32> to vector<16xf32>
          %and3A_465 = vector.broadcast %scan3A_19 : i32 to vector<16xi32>
          %and3A_466 = arith.andi %bitcast3A_460, %and3A_465 : vector<16xi32>
          %bitcast3A_467 = vector.bitcast %and3A_466 : vector<16xi32> to vector<16xf32>
          %mul3A_468 = arith.mulf %bitcast3A_464, %gather3A_171 : vector<16xf32>
          %swap3A_469 = arith.index_cast %add3A_418 : i32 to index
          %swap3A_470 = arith.constant 64 : index
          %swap3A_471 = tpu.vector_load %arg12[%swap3A_469, %swap3A_470] {strides = array<i32>} : memref<128x128xf32, #tpu.memory_space<vmem>>, vector<16xf32>,
          tpu.vector_store %arg12[%swap3A_469, %swap3A_470], %mul3A_468 {strides = array<i32>} : memref<128x128xf32, #tpu.memory_space<vmem>>, vector<16xf32>,
          %mul3A_472 = arith.mulf %bitcast3A_467, %gather3A_171 : vector<16xf32>
          %swap3A_473 = arith.index_cast %add3A_418 : i32 to index
          %swap3A_474 = arith.constant 80 : index
          %swap3A_475 = tpu.vector_load %arg12[%swap3A_473, %swap3A_474] {strides = array<i32>} : memref<128x128xf32, #tpu.memory_space<vmem>>, vector<16xf32>,
          tpu.vector_store %arg12[%swap3A_473, %swap3A_474], %mul3A_472 {strides = array<i32>} : memref<128x128xf32, #tpu.memory_space<vmem>>, vector<16xf32>,
          %get3A_476 = arith.index_cast %add3A_418 : i32 to index
          %get3A_477 = arith.constant 96 : index
          %get3A_478 = tpu.vector_load %arg10[%get3A_476, %get3A_477] {strides = array<i32>} : memref<128x128xbf16, #tpu.memory_space<vmem>>, vector<32xbf16>,
          %bitcast3A_479 = vector.bitcast %get3A_478 : vector<32xbf16> to vector<16xi32>
          %shift_left3A_480 = arith.constant 16 : i32
          %shift_left3A_481 = vector.broadcast %shift_left3A_480 : i32 to vector<16xi32>
          %shift_left3A_482 = arith.shli %bitcast3A_479, %shift_left3A_481 : vector<16xi32>
          %bitcast3A_483 = vector.bitcast %shift_left3A_482 : vector<16xi32> to vector<16xf32>
          %and3A_484 = vector.broadcast %scan3A_19 : i32 to vector<16xi32>
          %and3A_485 = arith.andi %bitcast3A_479, %and3A_484 : vector<16xi32>
          %bitcast3A_486 = vector.bitcast %and3A_485 : vector<16xi32> to vector<16xf32>
          %mul3A_487 = arith.mulf %bitcast3A_483, %gather3A_171 : vector<16xf32>
          %swap3A_488 = arith.index_cast %add3A_418 : i32 to index
          %swap3A_489 = arith.constant 96 : index
          %swap3A_490 = tpu.vector_load %arg12[%swap3A_488, %swap3A_489] {strides = array<i32>} : memref<128x128xf32, #tpu.memory_space<vmem>>, vector<16xf32>,
          tpu.vector_store %arg12[%swap3A_488, %swap3A_489], %mul3A_487 {strides = array<i32>} : memref<128x128xf32, #tpu.memory_space<vmem>>, vector<16xf32>,
          %mul3A_491 = arith.mulf %bitcast3A_486, %gather3A_171 : vector<16xf32>
          %swap3A_492 = arith.index_cast %add3A_418 : i32 to index
          %swap3A_493 = arith.constant 112 : index
          %swap3A_494 = tpu.vector_load %arg12[%swap3A_492, %swap3A_493] {strides = array<i32>} : memref<128x128xf32, #tpu.memory_space<vmem>>, vector<16xf32>,
          tpu.vector_store %arg12[%swap3A_492, %swap3A_493], %mul3A_491 {strides = array<i32>} : memref<128x128xf32, #tpu.memory_space<vmem>>, vector<16xf32>,
          %add3A_495 = arith.constant 4 : i32
          %add3A_496 = arith.addi %mul3A_156, %add3A_495 : i32
          %get3A_497 = arith.index_cast %add3A_496 : i32 to index
          %get3A_498 = arith.constant 0 : index
          %get3A_499 = tpu.vector_load %arg10[%get3A_497, %get3A_498] {strides = array<i32>} : memref<128x128xbf16, #tpu.memory_space<vmem>>, vector<32xbf16>,
          %bitcast3A_500 = vector.bitcast %get3A_499 : vector<32xbf16> to vector<16xi32>
          %shift_left3A_501 = arith.constant 16 : i32
          %shift_left3A_502 = vector.broadcast %shift_left3A_501 : i32 to vector<16xi32>
          %shift_left3A_503 = arith.shli %bitcast3A_500, %shift_left3A_502 : vector<16xi32>
          %bitcast3A_504 = vector.bitcast %shift_left3A_503 : vector<16xi32> to vector<16xf32>
          %and3A_505 = vector.broadcast %scan3A_19 : i32 to vector<16xi32>
          %and3A_506 = arith.andi %bitcast3A_500, %and3A_505 : vector<16xi32>
          %bitcast3A_507 = vector.bitcast %and3A_506 : vector<16xi32> to vector<16xf32>
          %mul3A_508 = arith.mulf %bitcast3A_504, %gather3A_175 : vector<16xf32>
          %swap3A_509 = arith.index_cast %add3A_496 : i32 to index
          %swap3A_510 = arith.constant 0 : index
          %swap3A_511 = tpu.vector_load %arg12[%swap3A_509, %swap3A_510] {strides = array<i32>} : memref<128x128xf32, #tpu.memory_space<vmem>>, vector<16xf32>,
          tpu.vector_store %arg12[%swap3A_509, %swap3A_510], %mul3A_508 {strides = array<i32>} : memref<128x128xf32, #tpu.memory_space<vmem>>, vector<16xf32>,
          %mul3A_512 = arith.mulf %bitcast3A_507, %gather3A_175 : vector<16xf32>
          %swap3A_513 = arith.index_cast %add3A_496 : i32 to index
          %swap3A_514 = arith.constant 16 : index
          %swap3A_515 = tpu.vector_load %arg12[%swap3A_513, %swap3A_514] {strides = array<i32>} : memref<128x128xf32, #tpu.memory_space<vmem>>, vector<16xf32>,
          tpu.vector_store %arg12[%swap3A_513, %swap3A_514], %mul3A_512 {strides = array<i32>} : memref<128x128xf32, #tpu.memory_space<vmem>>, vector<16xf32>,
          %get3A_516 = arith.index_cast %add3A_496 : i32 to index
          %get3A_517 = arith.constant 32 : index
          %get3A_518 = tpu.vector_load %arg10[%get3A_516, %get3A_517] {strides = array<i32>} : memref<128x128xbf16, #tpu.memory_space<vmem>>, vector<32xbf16>,
          %bitcast3A_519 = vector.bitcast %get3A_518 : vector<32xbf16> to vector<16xi32>
          %shift_left3A_520 = arith.constant 16 : i32
          %shift_left3A_521 = vector.broadcast %shift_left3A_520 : i32 to vector<16xi32>
          %shift_left3A_522 = arith.shli %bitcast3A_519, %shift_left3A_521 : vector<16xi32>
          %bitcast3A_523 = vector.bitcast %shift_left3A_522 : vector<16xi32> to vector<16xf32>
          %and3A_524 = vector.broadcast %scan3A_19 : i32 to vector<16xi32>
          %and3A_525 = arith.andi %bitcast3A_519, %and3A_524 : vector<16xi32>
          %bitcast3A_526 = vector.bitcast %and3A_525 : vector<16xi32> to vector<16xf32>
          %mul3A_527 = arith.mulf %bitcast3A_523, %gather3A_175 : vector<16xf32>
          %swap3A_528 = arith.index_cast %add3A_496 : i32 to index
          %swap3A_529 = arith.constant 32 : index
          %swap3A_530 = tpu.vector_load %arg12[%swap3A_528, %swap3A_529] {strides = array<i32>} : memref<128x128xf32, #tpu.memory_space<vmem>>, vector<16xf32>,
          tpu.vector_store %arg12[%swap3A_528, %swap3A_529], %mul3A_527 {strides = array<i32>} : memref<128x128xf32, #tpu.memory_space<vmem>>, vector<16xf32>,
          %mul3A_531 = arith.mulf %bitcast3A_526, %gather3A_175 : vector<16xf32>
          %swap3A_532 = arith.index_cast %add3A_496 : i32 to index
          %swap3A_533 = arith.constant 48 : index
          %swap3A_534 = tpu.vector_load %arg12[%swap3A_532, %swap3A_533] {strides = array<i32>} : memref<128x128xf32, #tpu.memory_space<vmem>>, vector<16xf32>,
          tpu.vector_store %arg12[%swap3A_532, %swap3A_533], %mul3A_531 {strides = array<i32>} : memref<128x128xf32, #tpu.memory_space<vmem>>, vector<16xf32>,
          %get3A_535 = arith.index_cast %add3A_496 : i32 to index
          %get3A_536 = arith.constant 64 : index
          %get3A_537 = tpu.vector_load %arg10[%get3A_535, %get3A_536] {strides = array<i32>} : memref<128x128xbf16, #tpu.memory_space<vmem>>, vector<32xbf16>,
          %bitcast3A_538 = vector.bitcast %get3A_537 : vector<32xbf16> to vector<16xi32>
          %shift_left3A_539 = arith.constant 16 : i32
          %shift_left3A_540 = vector.broadcast %shift_left3A_539 : i32 to vector<16xi32>
          %shift_left3A_541 = arith.shli %bitcast3A_538, %shift_left3A_540 : vector<16xi32>
          %bitcast3A_542 = vector.bitcast %shift_left3A_541 : vector<16xi32> to vector<16xf32>
          %and3A_543 = vector.broadcast %scan3A_19 : i32 to vector<16xi32>
          %and3A_544 = arith.andi %bitcast3A_538, %and3A_543 : vector<16xi32>
          %bitcast3A_545 = vector.bitcast %and3A_544 : vector<16xi32> to vector<16xf32>
          %mul3A_546 = arith.mulf %bitcast3A_542, %gather3A_175 : vector<16xf32>
          %swap3A_547 = arith.index_cast %add3A_496 : i32 to index
          %swap3A_548 = arith.constant 64 : index
          %swap3A_549 = tpu.vector_load %arg12[%swap3A_547, %swap3A_548] {strides = array<i32>} : memref<128x128xf32, #tpu.memory_space<vmem>>, vector<16xf32>,
          tpu.vector_store %arg12[%swap3A_547, %swap3A_548], %mul3A_546 {strides = array<i32>} : memref<128x128xf32, #tpu.memory_space<vmem>>, vector<16xf32>,
          %mul3A_550 = arith.mulf %bitcast3A_545, %gather3A_175 : vector<16xf32>
          %swap3A_551 = arith.index_cast %add3A_496 : i32 to index
          %swap3A_552 = arith.constant 80 : index
          %swap3A_553 = tpu.vector_load %arg12[%swap3A_551, %swap3A_552] {strides = array<i32>} : memref<128x128xf32, #tpu.memory_space<vmem>>, vector<16xf32>,
          tpu.vector_store %arg12[%swap3A_551, %swap3A_552], %mul3A_550 {strides = array<i32>} : memref<128x128xf32, #tpu.memory_space<vmem>>, vector<16xf32>,
          %get3A_554 = arith.index_cast %add3A_496 : i32 to index
          %get3A_555 = arith.constant 96 : index
          %get3A_556 = tpu.vector_load %arg10[%get3A_554, %get3A_555] {strides = array<i32>} : memref<128x128xbf16, #tpu.memory_space<vmem>>, vector<32xbf16>,
          %bitcast3A_557 = vector.bitcast %get3A_556 : vector<32xbf16> to vector<16xi32>
          %shift_left3A_558 = arith.constant 16 : i32
          %shift_left3A_559 = vector.broadcast %shift_left3A_558 : i32 to vector<16xi32>
          %shift_left3A_560 = arith.shli %bitcast3A_557, %shift_left3A_559 : vector<16xi32>
          %bitcast3A_561 = vector.bitcast %shift_left3A_560 : vector<16xi32> to vector<16xf32>
          %and3A_562 = vector.broadcast %scan3A_19 : i32 to vector<16xi32>
          %and3A_563 = arith.andi %bitcast3A_557, %and3A_562 : vector<16xi32>
          %bitcast3A_564 = vector.bitcast %and3A_563 : vector<16xi32> to vector<16xf32>
          %mul3A_565 = arith.mulf %bitcast3A_561, %gather3A_175 : vector<16xf32>
          %swap3A_566 = arith.index_cast %add3A_496 : i32 to index
          %swap3A_567 = arith.constant 96 : index
          %swap3A_568 = tpu.vector_load %arg12[%swap3A_566, %swap3A_567] {strides = array<i32>} : memref<128x128xf32, #tpu.memory_space<vmem>>, vector<16xf32>,
          tpu.vector_store %arg12[%swap3A_566, %swap3A_567], %mul3A_565 {strides = array<i32>} : memref<128x128xf32, #tpu.memory_space<vmem>>, vector<16xf32>,
          %mul3A_569 = arith.mulf %bitcast3A_564, %gather3A_175 : vector<16xf32>
          %swap3A_570 = arith.index_cast %add3A_496 : i32 to index
          %swap3A_571 = arith.constant 112 : index
          %swap3A_572 = tpu.vector_load %arg12[%swap3A_570, %swap3A_571] {strides = array<i32>} : memref<128x128xf32, #tpu.memory_space<vmem>>, vector<16xf32>,
          tpu.vector_store %arg12[%swap3A_570, %swap3A_571], %mul3A_569 {strides = array<i32>} : memref<128x128xf32, #tpu.memory_space<vmem>>, vector<16xf32>,
          %add3A_573 = arith.constant 5 : i32
          %add3A_574 = arith.addi %mul3A_156, %add3A_573 : i32
          %get3A_575 = arith.index_cast %add3A_574 : i32 to index
          %get3A_576 = arith.constant 0 : index
          %get3A_577 = tpu.vector_load %arg10[%get3A_575, %get3A_576] {strides = array<i32>} : memref<128x128xbf16, #tpu.memory_space<vmem>>, vector<32xbf16>,
          %bitcast3A_578 = vector.bitcast %get3A_577 : vector<32xbf16> to vector<16xi32>
          %shift_left3A_579 = arith.constant 16 : i32
          %shift_left3A_580 = vector.broadcast %shift_left3A_579 : i32 to vector<16xi32>
          %shift_left3A_581 = arith.shli %bitcast3A_578, %shift_left3A_580 : vector<16xi32>
          %bitcast3A_582 = vector.bitcast %shift_left3A_581 : vector<16xi32> to vector<16xf32>
          %and3A_583 = vector.broadcast %scan3A_19 : i32 to vector<16xi32>
          %and3A_584 = arith.andi %bitcast3A_578, %and3A_583 : vector<16xi32>
          %bitcast3A_585 = vector.bitcast %and3A_584 : vector<16xi32> to vector<16xf32>
          %mul3A_586 = arith.mulf %bitcast3A_582, %gather3A_179 : vector<16xf32>
          %swap3A_587 = arith.index_cast %add3A_574 : i32 to index
          %swap3A_588 = arith.constant 0 : index
          %swap3A_589 = tpu.vector_load %arg12[%swap3A_587, %swap3A_588] {strides = array<i32>} : memref<128x128xf32, #tpu.memory_space<vmem>>, vector<16xf32>,
          tpu.vector_store %arg12[%swap3A_587, %swap3A_588], %mul3A_586 {strides = array<i32>} : memref<128x128xf32, #tpu.memory_space<vmem>>, vector<16xf32>,
          %mul3A_590 = arith.mulf %bitcast3A_585, %gather3A_179 : vector<16xf32>
          %swap3A_591 = arith.index_cast %add3A_574 : i32 to index
          %swap3A_592 = arith.constant 16 : index
          %swap3A_593 = tpu.vector_load %arg12[%swap3A_591, %swap3A_592] {strides = array<i32>} : memref<128x128xf32, #tpu.memory_space<vmem>>, vector<16xf32>,
          tpu.vector_store %arg12[%swap3A_591, %swap3A_592], %mul3A_590 {strides = array<i32>} : memref<128x128xf32, #tpu.memory_space<vmem>>, vector<16xf32>,
          %get3A_594 = arith.index_cast %add3A_574 : i32 to index
          %get3A_595 = arith.constant 32 : index
          %get3A_596 = tpu.vector_load %arg10[%get3A_594, %get3A_595] {strides = array<i32>} : memref<128x128xbf16, #tpu.memory_space<vmem>>, vector<32xbf16>,
          %bitcast3A_597 = vector.bitcast %get3A_596 : vector<32xbf16> to vector<16xi32>
          %shift_left3A_598 = arith.constant 16 : i32
          %shift_left3A_599 = vector.broadcast %shift_left3A_598 : i32 to vector<16xi32>
          %shift_left3A_600 = arith.shli %bitcast3A_597, %shift_left3A_599 : vector<16xi32>
          %bitcast3A_601 = vector.bitcast %shift_left3A_600 : vector<16xi32> to vector<16xf32>
          %and3A_602 = vector.broadcast %scan3A_19 : i32 to vector<16xi32>
          %and3A_603 = arith.andi %bitcast3A_597, %and3A_602 : vector<16xi32>
          %bitcast3A_604 = vector.bitcast %and3A_603 : vector<16xi32> to vector<16xf32>
          %mul3A_605 = arith.mulf %bitcast3A_601, %gather3A_179 : vector<16xf32>
          %swap3A_606 = arith.index_cast %add3A_574 : i32 to index
          %swap3A_607 = arith.constant 32 : index
          %swap3A_608 = tpu.vector_load %arg12[%swap3A_606, %swap3A_607] {strides = array<i32>} : memref<128x128xf32, #tpu.memory_space<vmem>>, vector<16xf32>,
          tpu.vector_store %arg12[%swap3A_606, %swap3A_607], %mul3A_605 {strides = array<i32>} : memref<128x128xf32, #tpu.memory_space<vmem>>, vector<16xf32>,
          %mul3A_609 = arith.mulf %bitcast3A_604, %gather3A_179 : vector<16xf32>
          %swap3A_610 = arith.index_cast %add3A_574 : i32 to index
          %swap3A_611 = arith.constant 48 : index
          %swap3A_612 = tpu.vector_load %arg12[%swap3A_610, %swap3A_611] {strides = array<i32>} : memref<128x128xf32, #tpu.memory_space<vmem>>, vector<16xf32>,
          tpu.vector_store %arg12[%swap3A_610, %swap3A_611], %mul3A_609 {strides = array<i32>} : memref<128x128xf32, #tpu.memory_space<vmem>>, vector<16xf32>,
          %get3A_613 = arith.index_cast %add3A_574 : i32 to index
          %get3A_614 = arith.constant 64 : index
          %get3A_615 = tpu.vector_load %arg10[%get3A_613, %get3A_614] {strides = array<i32>} : memref<128x128xbf16, #tpu.memory_space<vmem>>, vector<32xbf16>,
          %bitcast3A_616 = vector.bitcast %get3A_615 : vector<32xbf16> to vector<16xi32>
          %shift_left3A_617 = arith.constant 16 : i32
          %shift_left3A_618 = vector.broadcast %shift_left3A_617 : i32 to vector<16xi32>
          %shift_left3A_619 = arith.shli %bitcast3A_616, %shift_left3A_618 : vector<16xi32>
          %bitcast3A_620 = vector.bitcast %shift_left3A_619 : vector<16xi32> to vector<16xf32>
          %and3A_621 = vector.broadcast %scan3A_19 : i32 to vector<16xi32>
          %and3A_622 = arith.andi %bitcast3A_616, %and3A_621 : vector<16xi32>
          %bitcast3A_623 = vector.bitcast %and3A_622 : vector<16xi32> to vector<16xf32>
          %mul3A_624 = arith.mulf %bitcast3A_620, %gather3A_179 : vector<16xf32>
          %swap3A_625 = arith.index_cast %add3A_574 : i32 to index
          %swap3A_626 = arith.constant 64 : index
          %swap3A_627 = tpu.vector_load %arg12[%swap3A_625, %swap3A_626] {strides = array<i32>} : memref<128x128xf32, #tpu.memory_space<vmem>>, vector<16xf32>,
          tpu.vector_store %arg12[%swap3A_625, %swap3A_626], %mul3A_624 {strides = array<i32>} : memref<128x128xf32, #tpu.memory_space<vmem>>, vector<16xf32>,
          %mul3A_628 = arith.mulf %bitcast3A_623, %gather3A_179 : vector<16xf32>
          %swap3A_629 = arith.index_cast %add3A_574 : i32 to index
          %swap3A_630 = arith.constant 80 : index
          %swap3A_631 = tpu.vector_load %arg12[%swap3A_629, %swap3A_630] {strides = array<i32>} : memref<128x128xf32, #tpu.memory_space<vmem>>, vector<16xf32>,
          tpu.vector_store %arg12[%swap3A_629, %swap3A_630], %mul3A_628 {strides = array<i32>} : memref<128x128xf32, #tpu.memory_space<vmem>>, vector<16xf32>,
          %get3A_632 = arith.index_cast %add3A_574 : i32 to index
          %get3A_633 = arith.constant 96 : index
          %get3A_634 = tpu.vector_load %arg10[%get3A_632, %get3A_633] {strides = array<i32>} : memref<128x128xbf16, #tpu.memory_space<vmem>>, vector<32xbf16>,
          %bitcast3A_635 = vector.bitcast %get3A_634 : vector<32xbf16> to vector<16xi32>
          %shift_left3A_636 = arith.constant 16 : i32
          %shift_left3A_637 = vector.broadcast %shift_left3A_636 : i32 to vector<16xi32>
          %shift_left3A_638 = arith.shli %bitcast3A_635, %shift_left3A_637 : vector<16xi32>
          %bitcast3A_639 = vector.bitcast %shift_left3A_638 : vector<16xi32> to vector<16xf32>
          %and3A_640 = vector.broadcast %scan3A_19 : i32 to vector<16xi32>
          %and3A_641 = arith.andi %bitcast3A_635, %and3A_640 : vector<16xi32>
          %bitcast3A_642 = vector.bitcast %and3A_641 : vector<16xi32> to vector<16xf32>
          %mul3A_643 = arith.mulf %bitcast3A_639, %gather3A_179 : vector<16xf32>
          %swap3A_644 = arith.index_cast %add3A_574 : i32 to index
          %swap3A_645 = arith.constant 96 : index
          %swap3A_646 = tpu.vector_load %arg12[%swap3A_644, %swap3A_645] {strides = array<i32>} : memref<128x128xf32, #tpu.memory_space<vmem>>, vector<16xf32>,
          tpu.vector_store %arg12[%swap3A_644, %swap3A_645], %mul3A_643 {strides = array<i32>} : memref<128x128xf32, #tpu.memory_space<vmem>>, vector<16xf32>,
          %mul3A_647 = arith.mulf %bitcast3A_642, %gather3A_179 : vector<16xf32>
          %swap3A_648 = arith.index_cast %add3A_574 : i32 to index
          %swap3A_649 = arith.constant 112 : index
          %swap3A_650 = tpu.vector_load %arg12[%swap3A_648, %swap3A_649] {strides = array<i32>} : memref<128x128xf32, #tpu.memory_space<vmem>>, vector<16xf32>,
          tpu.vector_store %arg12[%swap3A_648, %swap3A_649], %mul3A_647 {strides = array<i32>} : memref<128x128xf32, #tpu.memory_space<vmem>>, vector<16xf32>,
          %add3A_651 = arith.constant 6 : i32
          %add3A_652 = arith.addi %mul3A_156, %add3A_651 : i32
          %get3A_653 = arith.index_cast %add3A_652 : i32 to index
          %get3A_654 = arith.constant 0 : index
          %get3A_655 = tpu.vector_load %arg10[%get3A_653, %get3A_654] {strides = array<i32>} : memref<128x128xbf16, #tpu.memory_space<vmem>>, vector<32xbf16>,
          %bitcast3A_656 = vector.bitcast %get3A_655 : vector<32xbf16> to vector<16xi32>
          %shift_left3A_657 = arith.constant 16 : i32
          %shift_left3A_658 = vector.broadcast %shift_left3A_657 : i32 to vector<16xi32>
          %shift_left3A_659 = arith.shli %bitcast3A_656, %shift_left3A_658 : vector<16xi32>
          %bitcast3A_660 = vector.bitcast %shift_left3A_659 : vector<16xi32> to vector<16xf32>
          %and3A_661 = vector.broadcast %scan3A_19 : i32 to vector<16xi32>
          %and3A_662 = arith.andi %bitcast3A_656, %and3A_661 : vector<16xi32>
          %bitcast3A_663 = vector.bitcast %and3A_662 : vector<16xi32> to vector<16xf32>
          %mul3A_664 = arith.mulf %bitcast3A_660, %gather3A_183 : vector<16xf32>
          %swap3A_665 = arith.index_cast %add3A_652 : i32 to index
          %swap3A_666 = arith.constant 0 : index
          %swap3A_667 = tpu.vector_load %arg12[%swap3A_665, %swap3A_666] {strides = array<i32>} : memref<128x128xf32, #tpu.memory_space<vmem>>, vector<16xf32>,
          tpu.vector_store %arg12[%swap3A_665, %swap3A_666], %mul3A_664 {strides = array<i32>} : memref<128x128xf32, #tpu.memory_space<vmem>>, vector<16xf32>,
          %mul3A_668 = arith.mulf %bitcast3A_663, %gather3A_183 : vector<16xf32>
          %swap3A_669 = arith.index_cast %add3A_652 : i32 to index
          %swap3A_670 = arith.constant 16 : index
          %swap3A_671 = tpu.vector_load %arg12[%swap3A_669, %swap3A_670] {strides = array<i32>} : memref<128x128xf32, #tpu.memory_space<vmem>>, vector<16xf32>,
          tpu.vector_store %arg12[%swap3A_669, %swap3A_670], %mul3A_668 {strides = array<i32>} : memref<128x128xf32, #tpu.memory_space<vmem>>, vector<16xf32>,
          %get3A_672 = arith.index_cast %add3A_652 : i32 to index
          %get3A_673 = arith.constant 32 : index
          %get3A_674 = tpu.vector_load %arg10[%get3A_672, %get3A_673] {strides = array<i32>} : memref<128x128xbf16, #tpu.memory_space<vmem>>, vector<32xbf16>,
          %bitcast3A_675 = vector.bitcast %get3A_674 : vector<32xbf16> to vector<16xi32>
          %shift_left3A_676 = arith.constant 16 : i32
          %shift_left3A_677 = vector.broadcast %shift_left3A_676 : i32 to vector<16xi32>
          %shift_left3A_678 = arith.shli %bitcast3A_675, %shift_left3A_677 : vector<16xi32>
          %bitcast3A_679 = vector.bitcast %shift_left3A_678 : vector<16xi32> to vector<16xf32>
          %and3A_680 = vector.broadcast %scan3A_19 : i32 to vector<16xi32>
          %and3A_681 = arith.andi %bitcast3A_675, %and3A_680 : vector<16xi32>
          %bitcast3A_682 = vector.bitcast %and3A_681 : vector<16xi32> to vector<16xf32>
          %mul3A_683 = arith.mulf %bitcast3A_679, %gather3A_183 : vector<16xf32>
          %swap3A_684 = arith.index_cast %add3A_652 : i32 to index
          %swap3A_685 = arith.constant 32 : index
          %swap3A_686 = tpu.vector_load %arg12[%swap3A_684, %swap3A_685] {strides = array<i32>} : memref<128x128xf32, #tpu.memory_space<vmem>>, vector<16xf32>,
          tpu.vector_store %arg12[%swap3A_684, %swap3A_685], %mul3A_683 {strides = array<i32>} : memref<128x128xf32, #tpu.memory_space<vmem>>, vector<16xf32>,
          %mul3A_687 = arith.mulf %bitcast3A_682, %gather3A_183 : vector<16xf32>
          %swap3A_688 = arith.index_cast %add3A_652 : i32 to index
          %swap3A_689 = arith.constant 48 : index
          %swap3A_690 = tpu.vector_load %arg12[%swap3A_688, %swap3A_689] {strides = array<i32>} : memref<128x128xf32, #tpu.memory_space<vmem>>, vector<16xf32>,
          tpu.vector_store %arg12[%swap3A_688, %swap3A_689], %mul3A_687 {strides = array<i32>} : memref<128x128xf32, #tpu.memory_space<vmem>>, vector<16xf32>,
          %get3A_691 = arith.index_cast %add3A_652 : i32 to index
          %get3A_692 = arith.constant 64 : index
          %get3A_693 = tpu.vector_load %arg10[%get3A_691, %get3A_692] {strides = array<i32>} : memref<128x128xbf16, #tpu.memory_space<vmem>>, vector<32xbf16>,
          %bitcast3A_694 = vector.bitcast %get3A_693 : vector<32xbf16> to vector<16xi32>
          %shift_left3A_695 = arith.constant 16 : i32
          %shift_left3A_696 = vector.broadcast %shift_left3A_695 : i32 to vector<16xi32>
          %shift_left3A_697 = arith.shli %bitcast3A_694, %shift_left3A_696 : vector<16xi32>
          %bitcast3A_698 = vector.bitcast %shift_left3A_697 : vector<16xi32> to vector<16xf32>
          %and3A_699 = vector.broadcast %scan3A_19 : i32 to vector<16xi32>
          %and3A_700 = arith.andi %bitcast3A_694, %and3A_699 : vector<16xi32>
          %bitcast3A_701 = vector.bitcast %and3A_700 : vector<16xi32> to vector<16xf32>
          %mul3A_702 = arith.mulf %bitcast3A_698, %gather3A_183 : vector<16xf32>
          %swap3A_703 = arith.index_cast %add3A_652 : i32 to index
          %swap3A_704 = arith.constant 64 : index
          %swap3A_705 = tpu.vector_load %arg12[%swap3A_703, %swap3A_704] {strides = array<i32>} : memref<128x128xf32, #tpu.memory_space<vmem>>, vector<16xf32>,
          tpu.vector_store %arg12[%swap3A_703, %swap3A_704], %mul3A_702 {strides = array<i32>} : memref<128x128xf32, #tpu.memory_space<vmem>>, vector<16xf32>,
          %mul3A_706 = arith.mulf %bitcast3A_701, %gather3A_183 : vector<16xf32>
          %swap3A_707 = arith.index_cast %add3A_652 : i32 to index
          %swap3A_708 = arith.constant 80 : index
          %swap3A_709 = tpu.vector_load %arg12[%swap3A_707, %swap3A_708] {strides = array<i32>} : memref<128x128xf32, #tpu.memory_space<vmem>>, vector<16xf32>,
          tpu.vector_store %arg12[%swap3A_707, %swap3A_708], %mul3A_706 {strides = array<i32>} : memref<128x128xf32, #tpu.memory_space<vmem>>, vector<16xf32>,
          %get3A_710 = arith.index_cast %add3A_652 : i32 to index
          %get3A_711 = arith.constant 96 : index
          %get3A_712 = tpu.vector_load %arg10[%get3A_710, %get3A_711] {strides = array<i32>} : memref<128x128xbf16, #tpu.memory_space<vmem>>, vector<32xbf16>,
          %bitcast3A_713 = vector.bitcast %get3A_712 : vector<32xbf16> to vector<16xi32>
          %shift_left3A_714 = arith.constant 16 : i32
          %shift_left3A_715 = vector.broadcast %shift_left3A_714 : i32 to vector<16xi32>
          %shift_left3A_716 = arith.shli %bitcast3A_713, %shift_left3A_715 : vector<16xi32>
          %bitcast3A_717 = vector.bitcast %shift_left3A_716 : vector<16xi32> to vector<16xf32>
          %and3A_718 = vector.broadcast %scan3A_19 : i32 to vector<16xi32>
          %and3A_719 = arith.andi %bitcast3A_713, %and3A_718 : vector<16xi32>
          %bitcast3A_720 = vector.bitcast %and3A_719 : vector<16xi32> to vector<16xf32>
          %mul3A_721 = arith.mulf %bitcast3A_717, %gather3A_183 : vector<16xf32>
          %swap3A_722 = arith.index_cast %add3A_652 : i32 to index
          %swap3A_723 = arith.constant 96 : index
          %swap3A_724 = tpu.vector_load %arg12[%swap3A_722, %swap3A_723] {strides = array<i32>} : memref<128x128xf32, #tpu.memory_space<vmem>>, vector<16xf32>,
          tpu.vector_store %arg12[%swap3A_722, %swap3A_723], %mul3A_721 {strides = array<i32>} : memref<128x128xf32, #tpu.memory_space<vmem>>, vector<16xf32>,
          %mul3A_725 = arith.mulf %bitcast3A_720, %gather3A_183 : vector<16xf32>
          %swap3A_726 = arith.index_cast %add3A_652 : i32 to index
          %swap3A_727 = arith.constant 112 : index
          %swap3A_728 = tpu.vector_load %arg12[%swap3A_726, %swap3A_727] {strides = array<i32>} : memref<128x128xf32, #tpu.memory_space<vmem>>, vector<16xf32>,
          tpu.vector_store %arg12[%swap3A_726, %swap3A_727], %mul3A_725 {strides = array<i32>} : memref<128x128xf32, #tpu.memory_space<vmem>>, vector<16xf32>,
          %add3A_729 = arith.constant 7 : i32
          %add3A_730 = arith.addi %mul3A_156, %add3A_729 : i32
          %get3A_731 = arith.index_cast %add3A_730 : i32 to index
          %get3A_732 = arith.constant 0 : index
          %get3A_733 = tpu.vector_load %arg10[%get3A_731, %get3A_732] {strides = array<i32>} : memref<128x128xbf16, #tpu.memory_space<vmem>>, vector<32xbf16>,
          %bitcast3A_734 = vector.bitcast %get3A_733 : vector<32xbf16> to vector<16xi32>
          %shift_left3A_735 = arith.constant 16 : i32
          %shift_left3A_736 = vector.broadcast %shift_left3A_735 : i32 to vector<16xi32>
          %shift_left3A_737 = arith.shli %bitcast3A_734, %shift_left3A_736 : vector<16xi32>
          %bitcast3A_738 = vector.bitcast %shift_left3A_737 : vector<16xi32> to vector<16xf32>
          %and3A_739 = vector.broadcast %scan3A_19 : i32 to vector<16xi32>
          %and3A_740 = arith.andi %bitcast3A_734, %and3A_739 : vector<16xi32>
          %bitcast3A_741 = vector.bitcast %and3A_740 : vector<16xi32> to vector<16xf32>
          %mul3A_742 = arith.mulf %bitcast3A_738, %gather3A_187 : vector<16xf32>
          %swap3A_743 = arith.index_cast %add3A_730 : i32 to index
          %swap3A_744 = arith.constant 0 : index
          %swap3A_745 = tpu.vector_load %arg12[%swap3A_743, %swap3A_744] {strides = array<i32>} : memref<128x128xf32, #tpu.memory_space<vmem>>, vector<16xf32>,
          tpu.vector_store %arg12[%swap3A_743, %swap3A_744], %mul3A_742 {strides = array<i32>} : memref<128x128xf32, #tpu.memory_space<vmem>>, vector<16xf32>,
          %mul3A_746 = arith.mulf %bitcast3A_741, %gather3A_187 : vector<16xf32>
          %swap3A_747 = arith.index_cast %add3A_730 : i32 to index
          %swap3A_748 = arith.constant 16 : index
          %swap3A_749 = tpu.vector_load %arg12[%swap3A_747, %swap3A_748] {strides = array<i32>} : memref<128x128xf32, #tpu.memory_space<vmem>>, vector<16xf32>,
          tpu.vector_store %arg12[%swap3A_747, %swap3A_748], %mul3A_746 {strides = array<i32>} : memref<128x128xf32, #tpu.memory_space<vmem>>, vector<16xf32>,
          %get3A_750 = arith.index_cast %add3A_730 : i32 to index
          %get3A_751 = arith.constant 32 : index
          %get3A_752 = tpu.vector_load %arg10[%get3A_750, %get3A_751] {strides = array<i32>} : memref<128x128xbf16, #tpu.memory_space<vmem>>, vector<32xbf16>,
          %bitcast3A_753 = vector.bitcast %get3A_752 : vector<32xbf16> to vector<16xi32>
          %shift_left3A_754 = arith.constant 16 : i32
          %shift_left3A_755 = vector.broadcast %shift_left3A_754 : i32 to vector<16xi32>
          %shift_left3A_756 = arith.shli %bitcast3A_753, %shift_left3A_755 : vector<16xi32>
          %bitcast3A_757 = vector.bitcast %shift_left3A_756 : vector<16xi32> to vector<16xf32>
          %and3A_758 = vector.broadcast %scan3A_19 : i32 to vector<16xi32>
          %and3A_759 = arith.andi %bitcast3A_753, %and3A_758 : vector<16xi32>
          %bitcast3A_760 = vector.bitcast %and3A_759 : vector<16xi32> to vector<16xf32>
          %mul3A_761 = arith.mulf %bitcast3A_757, %gather3A_187 : vector<16xf32>
          %swap3A_762 = arith.index_cast %add3A_730 : i32 to index
          %swap3A_763 = arith.constant 32 : index
          %swap3A_764 = tpu.vector_load %arg12[%swap3A_762, %swap3A_763] {strides = array<i32>} : memref<128x128xf32, #tpu.memory_space<vmem>>, vector<16xf32>,
          tpu.vector_store %arg12[%swap3A_762, %swap3A_763], %mul3A_761 {strides = array<i32>} : memref<128x128xf32, #tpu.memory_space<vmem>>, vector<16xf32>,
          %mul3A_765 = arith.mulf %bitcast3A_760, %gather3A_187 : vector<16xf32>
          %swap3A_766 = arith.index_cast %add3A_730 : i32 to index
          %swap3A_767 = arith.constant 48 : index
          %swap3A_768 = tpu.vector_load %arg12[%swap3A_766, %swap3A_767] {strides = array<i32>} : memref<128x128xf32, #tpu.memory_space<vmem>>, vector<16xf32>,
          tpu.vector_store %arg12[%swap3A_766, %swap3A_767], %mul3A_765 {strides = array<i32>} : memref<128x128xf32, #tpu.memory_space<vmem>>, vector<16xf32>,
          %get3A_769 = arith.index_cast %add3A_730 : i32 to index
          %get3A_770 = arith.constant 64 : index
          %get3A_771 = tpu.vector_load %arg10[%get3A_769, %get3A_770] {strides = array<i32>} : memref<128x128xbf16, #tpu.memory_space<vmem>>, vector<32xbf16>,
          %bitcast3A_772 = vector.bitcast %get3A_771 : vector<32xbf16> to vector<16xi32>
          %shift_left3A_773 = arith.constant 16 : i32
          %shift_left3A_774 = vector.broadcast %shift_left3A_773 : i32 to vector<16xi32>
          %shift_left3A_775 = arith.shli %bitcast3A_772, %shift_left3A_774 : vector<16xi32>
          %bitcast3A_776 = vector.bitcast %shift_left3A_775 : vector<16xi32> to vector<16xf32>
          %and3A_777 = vector.broadcast %scan3A_19 : i32 to vector<16xi32>
          %and3A_778 = arith.andi %bitcast3A_772, %and3A_777 : vector<16xi32>
          %bitcast3A_779 = vector.bitcast %and3A_778 : vector<16xi32> to vector<16xf32>
          %mul3A_780 = arith.mulf %bitcast3A_776, %gather3A_187 : vector<16xf32>
          %swap3A_781 = arith.index_cast %add3A_730 : i32 to index
          %swap3A_782 = arith.constant 64 : index
          %swap3A_783 = tpu.vector_load %arg12[%swap3A_781, %swap3A_782] {strides = array<i32>} : memref<128x128xf32, #tpu.memory_space<vmem>>, vector<16xf32>,
          tpu.vector_store %arg12[%swap3A_781, %swap3A_782], %mul3A_780 {strides = array<i32>} : memref<128x128xf32, #tpu.memory_space<vmem>>, vector<16xf32>,
          %mul3A_784 = arith.mulf %bitcast3A_779, %gather3A_187 : vector<16xf32>
          %swap3A_785 = arith.index_cast %add3A_730 : i32 to index
          %swap3A_786 = arith.constant 80 : index
          %swap3A_787 = tpu.vector_load %arg12[%swap3A_785, %swap3A_786] {strides = array<i32>} : memref<128x128xf32, #tpu.memory_space<vmem>>, vector<16xf32>,
          tpu.vector_store %arg12[%swap3A_785, %swap3A_786], %mul3A_784 {strides = array<i32>} : memref<128x128xf32, #tpu.memory_space<vmem>>, vector<16xf32>,
          %get3A_788 = arith.index_cast %add3A_730 : i32 to index
          %get3A_789 = arith.constant 96 : index
          %get3A_790 = tpu.vector_load %arg10[%get3A_788, %get3A_789] {strides = array<i32>} : memref<128x128xbf16, #tpu.memory_space<vmem>>, vector<32xbf16>,
          %bitcast3A_791 = vector.bitcast %get3A_790 : vector<32xbf16> to vector<16xi32>
          %shift_left3A_792 = arith.constant 16 : i32
          %shift_left3A_793 = vector.broadcast %shift_left3A_792 : i32 to vector<16xi32>
          %shift_left3A_794 = arith.shli %bitcast3A_791, %shift_left3A_793 : vector<16xi32>
          %bitcast3A_795 = vector.bitcast %shift_left3A_794 : vector<16xi32> to vector<16xf32>
          %and3A_796 = vector.broadcast %scan3A_19 : i32 to vector<16xi32>
          %and3A_797 = arith.andi %bitcast3A_791, %and3A_796 : vector<16xi32>
          %bitcast3A_798 = vector.bitcast %and3A_797 : vector<16xi32> to vector<16xf32>
          %mul3A_799 = arith.mulf %bitcast3A_795, %gather3A_187 : vector<16xf32>
          %swap3A_800 = arith.index_cast %add3A_730 : i32 to index
          %swap3A_801 = arith.constant 96 : index
          %swap3A_802 = tpu.vector_load %arg12[%swap3A_800, %swap3A_801] {strides = array<i32>} : memref<128x128xf32, #tpu.memory_space<vmem>>, vector<16xf32>,
          tpu.vector_store %arg12[%swap3A_800, %swap3A_801], %mul3A_799 {strides = array<i32>} : memref<128x128xf32, #tpu.memory_space<vmem>>, vector<16xf32>,
          %mul3A_803 = arith.mulf %bitcast3A_798, %gather3A_187 : vector<16xf32>
          %swap3A_804 = arith.index_cast %add3A_730 : i32 to index
          %swap3A_805 = arith.constant 112 : index
          %swap3A_806 = tpu.vector_load %arg12[%swap3A_804, %swap3A_805] {strides = array<i32>} : memref<128x128xf32, #tpu.memory_space<vmem>>, vector<16xf32>,
          tpu.vector_store %arg12[%swap3A_804, %swap3A_805], %mul3A_803 {strides = array<i32>} : memref<128x128xf32, #tpu.memory_space<vmem>>, vector<16xf32>,
          %add3A_807 = arith.constant 8 : i32
          %add3A_808 = vector.broadcast %add3A_807 : i32 to vector<16xi32>
          %add3A_809 = arith.addi %scan3A_154, %add3A_808 : vector<16xi32>
          scf.yield %add3A_809 : vector<16xi32>
        }
        %scan3A_113 = arith.constant 16 : i32
        %dma_start3A_114 = arith.constant 0 : i32
        %dma_start3A_115 = tpu.memref_slice %arg8[%mul3A_88, %dma_start3A_114] : memref<20x128xi32, #tpu.memory_space<vmem>> -> memref<1x128xi32, #tpu.memory_space<vmem>>
        %dma_start3A_116 = tpu.memref_squeeze %dma_start3A_115 : memref<1x128xi32, #tpu.memory_space<vmem>> -> memref<128xi32, #tpu.memory_space<vmem>>
        %dma_start3A_117 = arith.constant 0 : i32
        %dma_start3A_118 = arith.constant 0 : i32
        %dma_start3A_119 = tpu.memref_slice %arg13[%dma_start3A_117, %dma_start3A_118] : memref<10240x128xf32, #tpu.memory_space<vmem_shared>> -> memref<10240x128xf32, #tpu.memory_space<vmem_shared>>
        tpu.enqueue_indirect_dma source(%arg12 : memref<128x128xf32, #tpu.memory_space<vmem>>) target(%dma_start3A_119 : memref<10240x128xf32, #tpu.memory_space<vmem_shared>>) offsets(%dma_start3A_116 : memref<128xi32, #tpu.memory_space<vmem>>) semaphore(%arg16 : memref<!tpu.dma_semaphore, #tpu.memory_space<semaphore_mem>>) {add = true}
        %dma_wait3A_120 = arith.constant 0 : i32
        %dma_wait3A_121 = arith.constant 0 : i32
        %dma_wait3A_122 = tpu.memref_slice %arg7[%dma_wait3A_120, %dma_wait3A_121] : memref<20x128xi32, #tpu.memory_space<vmem>> -> memref<1x128xi32, #tpu.memory_space<vmem>>
        %dma_wait3A_123 = tpu.memref_squeeze %dma_wait3A_122 : memref<1x128xi32, #tpu.memory_space<vmem>> -> memref<128xi32, #tpu.memory_space<vmem>>
        %dma_wait3A_124 = arith.constant 0 : i32
        %dma_wait3A_125 = arith.constant 0 : i32
        %dma_wait3A_126 = tpu.memref_slice %arg2[%dma_wait3A_124, %dma_wait3A_125] : memref<10000x128xbf16, #tpu.memory_space<hbm>> -> memref<10000x128xbf16, #tpu.memory_space<hbm>>
        tpu.wait_indirect_dma semaphore(%arg15 : memref<!tpu.dma_semaphore, #tpu.memory_space<semaphore_mem>>) src(%dma_wait3A_126 : memref<10000x128xbf16, #tpu.memory_space<hbm>>) dst(%arg11 : memref<128x128xbf16, #tpu.memory_space<vmem>>)
        %dma_wait3A_127 = arith.constant 0 : i32
        %dma_wait3A_128 = arith.constant 0 : i32
        %dma_wait3A_129 = tpu.memref_slice %arg8[%dma_wait3A_127, %dma_wait3A_128] : memref<20x128xi32, #tpu.memory_space<vmem>> -> memref<1x128xi32, #tpu.memory_space<vmem>>
        %dma_wait3A_130 = tpu.memref_squeeze %dma_wait3A_129 : memref<1x128xi32, #tpu.memory_space<vmem>> -> memref<128xi32, #tpu.memory_space<vmem>>
        %dma_wait3A_131 = arith.constant 0 : i32
        %dma_wait3A_132 = arith.constant 0 : i32
        %dma_wait3A_133 = tpu.memref_slice %arg13[%dma_wait3A_131, %dma_wait3A_132] : memref<10240x128xf32, #tpu.memory_space<vmem_shared>> -> memref<10240x128xf32, #tpu.memory_space<vmem_shared>>
        tpu.wait_indirect_dma semaphore(%arg16 : memref<!tpu.dma_semaphore, #tpu.memory_space<semaphore_mem>>) src(%arg12 : memref<128x128xf32, #tpu.memory_space<vmem>>) dst(%dma_wait3A_133 : memref<10240x128xf32, #tpu.memory_space<vmem_shared>>)
        %lt3A = arith.constant 9 : i32
        %lt3A_134 = arith.cmpi slt, %scan3A_86, %lt3A : i32
        %convert_element_type3A_135 = arith.extui %lt3A_134 : i1 to i32
        %cond3A_136 = arith.constant 0 : i32
        %cond3A_137 = arith.cmpi ne, %convert_element_type3A_135, %cond3A_136 : i32
        scf.if %cond3A_137 {
          %add3A_153 = arith.constant 2 : i32
          %add3A_154 = arith.addi %mul3A_88, %add3A_153 : i32
          %dma_start3A_155 = arith.constant 0 : i32
          %dma_start3A_156 = tpu.memref_slice %arg7[%add3A_154, %dma_start3A_155] : memref<20x128xi32, #tpu.memory_space<vmem>> -> memref<1x128xi32, #tpu.memory_space<vmem>>
          %dma_start3A_157 = tpu.memref_squeeze %dma_start3A_156 : memref<1x128xi32, #tpu.memory_space<vmem>> -> memref<128xi32, #tpu.memory_space<vmem>>
          %dma_start3A_158 = arith.constant 0 : i32
          %dma_start3A_159 = arith.constant 0 : i32
          %dma_start3A_160 = tpu.memref_slice %arg2[%dma_start3A_158, %dma_start3A_159] : memref<10000x128xbf16, #tpu.memory_space<hbm>> -> memref<10000x128xbf16, #tpu.memory_space<hbm>>
          tpu.enqueue_indirect_dma source(%dma_start3A_160 : memref<10000x128xbf16, #tpu.memory_space<hbm>>) target(%arg10 : memref<128x128xbf16, #tpu.memory_space<vmem>>) offsets(%dma_start3A_157 : memref<128xi32, #tpu.memory_space<vmem>>) semaphore(%arg14 : memref<!tpu.dma_semaphore, #tpu.memory_space<semaphore_mem>>)
        } else {
        }
        %broadcast_in_dim3A_138 = vector.broadcast %add3A_90 : i32 to vector<16xi32>
        %broadcast_in_dim3A_139 = arith.constant 0 : i32
        %broadcast_in_dim3A_140 = vector.broadcast %broadcast_in_dim3A_139 : i32 to vector<16xi32>
        %scan3A_141 = arith.constant 0 : i32
        %scan3A_142 = arith.constant 16 : i32
        %scan3A_143 = arith.addi %scan3A_141, %scan3A_142 : i32
        %scan3A_144 = arith.constant 1 : i32
        %scan3A_145 = scf.for %scan3A_153 = %scan3A_141 to %scan3A_143 step %scan3A_144 iter_args(%scan3A_154 = %broadcast_in_dim3A_140) -> (vector<16xi32>)  : i32 {
          %mul3A_155 = arith.constant 8 : i32
          %mul3A_156 = arith.muli %scan3A_153, %mul3A_155 : i32
          %add3A_157 = arith.constant 0 : i32
          %add3A_158 = vector.broadcast %add3A_157 : i32 to vector<16xi32>
          %add3A_159 = arith.addi %scan3A_154, %add3A_158 : vector<16xi32>
          %gather3A = tpu.vector_load_idx %arg9[%broadcast_in_dim3A_138, %add3A_159] : memref<20x128xf32, #tpu.memory_space<vmem>>[vector<16xi32>, vector<16xi32>], vector<16xf32>,
          %add3A_160 = arith.constant 1 : i32
          %add3A_161 = vector.broadcast %add3A_160 : i32 to vector<16xi32>
          %add3A_162 = arith.addi %scan3A_154, %add3A_161 : vector<16xi32>
          %gather3A_163 = tpu.vector_load_idx %arg9[%broadcast_in_dim3A_138, %add3A_162] : memref<20x128xf32, #tpu.memory_space<vmem>>[vector<16xi32>, vector<16xi32>], vector<16xf32>,
          %add3A_164 = arith.constant 2 : i32
          %add3A_165 = vector.broadcast %add3A_164 : i32 to vector<16xi32>
          %add3A_166 = arith.addi %scan3A_154, %add3A_165 : vector<16xi32>
          %gather3A_167 = tpu.vector_load_idx %arg9[%broadcast_in_dim3A_138, %add3A_166] : memref<20x128xf32, #tpu.memory_space<vmem>>[vector<16xi32>, vector<16xi32>], vector<16xf32>,
          %add3A_168 = arith.constant 3 : i32
          %add3A_169 = vector.broadcast %add3A_168 : i32 to vector<16xi32>
          %add3A_170 = arith.addi %scan3A_154, %add3A_169 : vector<16xi32>
          %gather3A_171 = tpu.vector_load_idx %arg9[%broadcast_in_dim3A_138, %add3A_170] : memref<20x128xf32, #tpu.memory_space<vmem>>[vector<16xi32>, vector<16xi32>], vector<16xf32>,
          %add3A_172 = arith.constant 4 : i32
          %add3A_173 = vector.broadcast %add3A_172 : i32 to vector<16xi32>
          %add3A_174 = arith.addi %scan3A_154, %add3A_173 : vector<16xi32>
          %gather3A_175 = tpu.vector_load_idx %arg9[%broadcast_in_dim3A_138, %add3A_174] : memref<20x128xf32, #tpu.memory_space<vmem>>[vector<16xi32>, vector<16xi32>], vector<16xf32>,
          %add3A_176 = arith.constant 5 : i32
          %add3A_177 = vector.broadcast %add3A_176 : i32 to vector<16xi32>
          %add3A_178 = arith.addi %scan3A_154, %add3A_177 : vector<16xi32>
          %gather3A_179 = tpu.vector_load_idx %arg9[%broadcast_in_dim3A_138, %add3A_178] : memref<20x128xf32, #tpu.memory_space<vmem>>[vector<16xi32>, vector<16xi32>], vector<16xf32>,
          %add3A_180 = arith.constant 6 : i32
          %add3A_181 = vector.broadcast %add3A_180 : i32 to vector<16xi32>
          %add3A_182 = arith.addi %scan3A_154, %add3A_181 : vector<16xi32>
          %gather3A_183 = tpu.vector_load_idx %arg9[%broadcast_in_dim3A_138, %add3A_182] : memref<20x128xf32, #tpu.memory_space<vmem>>[vector<16xi32>, vector<16xi32>], vector<16xf32>,
          %add3A_184 = arith.constant 7 : i32
          %add3A_185 = vector.broadcast %add3A_184 : i32 to vector<16xi32>
          %add3A_186 = arith.addi %scan3A_154, %add3A_185 : vector<16xi32>
          %gather3A_187 = tpu.vector_load_idx %arg9[%broadcast_in_dim3A_138, %add3A_186] : memref<20x128xf32, #tpu.memory_space<vmem>>[vector<16xi32>, vector<16xi32>], vector<16xf32>,
          %add3A_188 = arith.constant 0 : i32
          %add3A_189 = arith.addi %mul3A_156, %add3A_188 : i32
          %get3A = arith.index_cast %add3A_189 : i32 to index
          %get3A_190 = arith.constant 0 : index
          %get3A_191 = tpu.vector_load %arg11[%get3A, %get3A_190] {strides = array<i32>} : memref<128x128xbf16, #tpu.memory_space<vmem>>, vector<32xbf16>,
          %bitcast3A = vector.bitcast %get3A_191 : vector<32xbf16> to vector<16xi32>
          %shift_left3A = arith.constant 16 : i32
          %shift_left3A_192 = vector.broadcast %shift_left3A : i32 to vector<16xi32>
          %shift_left3A_193 = arith.shli %bitcast3A, %shift_left3A_192 : vector<16xi32>
          %bitcast3A_194 = vector.bitcast %shift_left3A_193 : vector<16xi32> to vector<16xf32>
          %and3A = vector.broadcast %scan3A_19 : i32 to vector<16xi32>
          %and3A_195 = arith.andi %bitcast3A, %and3A : vector<16xi32>
          %bitcast3A_196 = vector.bitcast %and3A_195 : vector<16xi32> to vector<16xf32>
          %mul3A_197 = arith.mulf %bitcast3A_194, %gather3A : vector<16xf32>
          %swap3A = arith.index_cast %add3A_189 : i32 to index
          %swap3A_198 = arith.constant 0 : index
          %swap3A_199 = tpu.vector_load %arg12[%swap3A, %swap3A_198] {strides = array<i32>} : memref<128x128xf32, #tpu.memory_space<vmem>>, vector<16xf32>,
          tpu.vector_store %arg12[%swap3A, %swap3A_198], %mul3A_197 {strides = array<i32>} : memref<128x128xf32, #tpu.memory_space<vmem>>, vector<16xf32>,
          %mul3A_200 = arith.mulf %bitcast3A_196, %gather3A : vector<16xf32>
          %swap3A_201 = arith.index_cast %add3A_189 : i32 to index
          %swap3A_202 = arith.constant 16 : index
          %swap3A_203 = tpu.vector_load %arg12[%swap3A_201, %swap3A_202] {strides = array<i32>} : memref<128x128xf32, #tpu.memory_space<vmem>>, vector<16xf32>,
          tpu.vector_store %arg12[%swap3A_201, %swap3A_202], %mul3A_200 {strides = array<i32>} : memref<128x128xf32, #tpu.memory_space<vmem>>, vector<16xf32>,
          %get3A_204 = arith.index_cast %add3A_189 : i32 to index
          %get3A_205 = arith.constant 32 : index
          %get3A_206 = tpu.vector_load %arg11[%get3A_204, %get3A_205] {strides = array<i32>} : memref<128x128xbf16, #tpu.memory_space<vmem>>, vector<32xbf16>,
          %bitcast3A_207 = vector.bitcast %get3A_206 : vector<32xbf16> to vector<16xi32>
          %shift_left3A_208 = arith.constant 16 : i32
          %shift_left3A_209 = vector.broadcast %shift_left3A_208 : i32 to vector<16xi32>
          %shift_left3A_210 = arith.shli %bitcast3A_207, %shift_left3A_209 : vector<16xi32>
          %bitcast3A_211 = vector.bitcast %shift_left3A_210 : vector<16xi32> to vector<16xf32>
          %and3A_212 = vector.broadcast %scan3A_19 : i32 to vector<16xi32>
          %and3A_213 = arith.andi %bitcast3A_207, %and3A_212 : vector<16xi32>
          %bitcast3A_214 = vector.bitcast %and3A_213 : vector<16xi32> to vector<16xf32>
          %mul3A_215 = arith.mulf %bitcast3A_211, %gather3A : vector<16xf32>
          %swap3A_216 = arith.index_cast %add3A_189 : i32 to index
          %swap3A_217 = arith.constant 32 : index
          %swap3A_218 = tpu.vector_load %arg12[%swap3A_216, %swap3A_217] {strides = array<i32>} : memref<128x128xf32, #tpu.memory_space<vmem>>, vector<16xf32>,
          tpu.vector_store %arg12[%swap3A_216, %swap3A_217], %mul3A_215 {strides = array<i32>} : memref<128x128xf32, #tpu.memory_space<vmem>>, vector<16xf32>,
          %mul3A_219 = arith.mulf %bitcast3A_214, %gather3A : vector<16xf32>
          %swap3A_220 = arith.index_cast %add3A_189 : i32 to index
          %swap3A_221 = arith.constant 48 : index
          %swap3A_222 = tpu.vector_load %arg12[%swap3A_220, %swap3A_221] {strides = array<i32>} : memref<128x128xf32, #tpu.memory_space<vmem>>, vector<16xf32>,
          tpu.vector_store %arg12[%swap3A_220, %swap3A_221], %mul3A_219 {strides = array<i32>} : memref<128x128xf32, #tpu.memory_space<vmem>>, vector<16xf32>,
          %get3A_223 = arith.index_cast %add3A_189 : i32 to index
          %get3A_224 = arith.constant 64 : index
          %get3A_225 = tpu.vector_load %arg11[%get3A_223, %get3A_224] {strides = array<i32>} : memref<128x128xbf16, #tpu.memory_space<vmem>>, vector<32xbf16>,
          %bitcast3A_226 = vector.bitcast %get3A_225 : vector<32xbf16> to vector<16xi32>
          %shift_left3A_227 = arith.constant 16 : i32
          %shift_left3A_228 = vector.broadcast %shift_left3A_227 : i32 to vector<16xi32>
          %shift_left3A_229 = arith.shli %bitcast3A_226, %shift_left3A_228 : vector<16xi32>
          %bitcast3A_230 = vector.bitcast %shift_left3A_229 : vector<16xi32> to vector<16xf32>
          %and3A_231 = vector.broadcast %scan3A_19 : i32 to vector<16xi32>
          %and3A_232 = arith.andi %bitcast3A_226, %and3A_231 : vector<16xi32>
          %bitcast3A_233 = vector.bitcast %and3A_232 : vector<16xi32> to vector<16xf32>
          %mul3A_234 = arith.mulf %bitcast3A_230, %gather3A : vector<16xf32>
          %swap3A_235 = arith.index_cast %add3A_189 : i32 to index
          %swap3A_236 = arith.constant 64 : index
          %swap3A_237 = tpu.vector_load %arg12[%swap3A_235, %swap3A_236] {strides = array<i32>} : memref<128x128xf32, #tpu.memory_space<vmem>>, vector<16xf32>,
          tpu.vector_store %arg12[%swap3A_235, %swap3A_236], %mul3A_234 {strides = array<i32>} : memref<128x128xf32, #tpu.memory_space<vmem>>, vector<16xf32>,
          %mul3A_238 = arith.mulf %bitcast3A_233, %gather3A : vector<16xf32>
          %swap3A_239 = arith.index_cast %add3A_189 : i32 to index
          %swap3A_240 = arith.constant 80 : index
          %swap3A_241 = tpu.vector_load %arg12[%swap3A_239, %swap3A_240] {strides = array<i32>} : memref<128x128xf32, #tpu.memory_space<vmem>>, vector<16xf32>,
          tpu.vector_store %arg12[%swap3A_239, %swap3A_240], %mul3A_238 {strides = array<i32>} : memref<128x128xf32, #tpu.memory_space<vmem>>, vector<16xf32>,
          %get3A_242 = arith.index_cast %add3A_189 : i32 to index
          %get3A_243 = arith.constant 96 : index
          %get3A_244 = tpu.vector_load %arg11[%get3A_242, %get3A_243] {strides = array<i32>} : memref<128x128xbf16, #tpu.memory_space<vmem>>, vector<32xbf16>,
          %bitcast3A_245 = vector.bitcast %get3A_244 : vector<32xbf16> to vector<16xi32>
          %shift_left3A_246 = arith.constant 16 : i32
          %shift_left3A_247 = vector.broadcast %shift_left3A_246 : i32 to vector<16xi32>
          %shift_left3A_248 = arith.shli %bitcast3A_245, %shift_left3A_247 : vector<16xi32>
          %bitcast3A_249 = vector.bitcast %shift_left3A_248 : vector<16xi32> to vector<16xf32>
          %and3A_250 = vector.broadcast %scan3A_19 : i32 to vector<16xi32>
          %and3A_251 = arith.andi %bitcast3A_245, %and3A_250 : vector<16xi32>
          %bitcast3A_252 = vector.bitcast %and3A_251 : vector<16xi32> to vector<16xf32>
          %mul3A_253 = arith.mulf %bitcast3A_249, %gather3A : vector<16xf32>
          %swap3A_254 = arith.index_cast %add3A_189 : i32 to index
          %swap3A_255 = arith.constant 96 : index
          %swap3A_256 = tpu.vector_load %arg12[%swap3A_254, %swap3A_255] {strides = array<i32>} : memref<128x128xf32, #tpu.memory_space<vmem>>, vector<16xf32>,
          tpu.vector_store %arg12[%swap3A_254, %swap3A_255], %mul3A_253 {strides = array<i32>} : memref<128x128xf32, #tpu.memory_space<vmem>>, vector<16xf32>,
          %mul3A_257 = arith.mulf %bitcast3A_252, %gather3A : vector<16xf32>
          %swap3A_258 = arith.index_cast %add3A_189 : i32 to index
          %swap3A_259 = arith.constant 112 : index
          %swap3A_260 = tpu.vector_load %arg12[%swap3A_258, %swap3A_259] {strides = array<i32>} : memref<128x128xf32, #tpu.memory_space<vmem>>, vector<16xf32>,
          tpu.vector_store %arg12[%swap3A_258, %swap3A_259], %mul3A_257 {strides = array<i32>} : memref<128x128xf32, #tpu.memory_space<vmem>>, vector<16xf32>,
          %add3A_261 = arith.constant 1 : i32
          %add3A_262 = arith.addi %mul3A_156, %add3A_261 : i32
          %get3A_263 = arith.index_cast %add3A_262 : i32 to index
          %get3A_264 = arith.constant 0 : index
          %get3A_265 = tpu.vector_load %arg11[%get3A_263, %get3A_264] {strides = array<i32>} : memref<128x128xbf16, #tpu.memory_space<vmem>>, vector<32xbf16>,
          %bitcast3A_266 = vector.bitcast %get3A_265 : vector<32xbf16> to vector<16xi32>
          %shift_left3A_267 = arith.constant 16 : i32
          %shift_left3A_268 = vector.broadcast %shift_left3A_267 : i32 to vector<16xi32>
          %shift_left3A_269 = arith.shli %bitcast3A_266, %shift_left3A_268 : vector<16xi32>
          %bitcast3A_270 = vector.bitcast %shift_left3A_269 : vector<16xi32> to vector<16xf32>
          %and3A_271 = vector.broadcast %scan3A_19 : i32 to vector<16xi32>
          %and3A_272 = arith.andi %bitcast3A_266, %and3A_271 : vector<16xi32>
          %bitcast3A_273 = vector.bitcast %and3A_272 : vector<16xi32> to vector<16xf32>
          %mul3A_274 = arith.mulf %bitcast3A_270, %gather3A_163 : vector<16xf32>
          %swap3A_275 = arith.index_cast %add3A_262 : i32 to index
          %swap3A_276 = arith.constant 0 : index
          %swap3A_277 = tpu.vector_load %arg12[%swap3A_275, %swap3A_276] {strides = array<i32>} : memref<128x128xf32, #tpu.memory_space<vmem>>, vector<16xf32>,
          tpu.vector_store %arg12[%swap3A_275, %swap3A_276], %mul3A_274 {strides = array<i32>} : memref<128x128xf32, #tpu.memory_space<vmem>>, vector<16xf32>,
          %mul3A_278 = arith.mulf %bitcast3A_273, %gather3A_163 : vector<16xf32>
          %swap3A_279 = arith.index_cast %add3A_262 : i32 to index
          %swap3A_280 = arith.constant 16 : index
          %swap3A_281 = tpu.vector_load %arg12[%swap3A_279, %swap3A_280] {strides = array<i32>} : memref<128x128xf32, #tpu.memory_space<vmem>>, vector<16xf32>,
          tpu.vector_store %arg12[%swap3A_279, %swap3A_280], %mul3A_278 {strides = array<i32>} : memref<128x128xf32, #tpu.memory_space<vmem>>, vector<16xf32>,
          %get3A_282 = arith.index_cast %add3A_262 : i32 to index
          %get3A_283 = arith.constant 32 : index
          %get3A_284 = tpu.vector_load %arg11[%get3A_282, %get3A_283] {strides = array<i32>} : memref<128x128xbf16, #tpu.memory_space<vmem>>, vector<32xbf16>,
          %bitcast3A_285 = vector.bitcast %get3A_284 : vector<32xbf16> to vector<16xi32>
          %shift_left3A_286 = arith.constant 16 : i32
          %shift_left3A_287 = vector.broadcast %shift_left3A_286 : i32 to vector<16xi32>
          %shift_left3A_288 = arith.shli %bitcast3A_285, %shift_left3A_287 : vector<16xi32>
          %bitcast3A_289 = vector.bitcast %shift_left3A_288 : vector<16xi32> to vector<16xf32>
          %and3A_290 = vector.broadcast %scan3A_19 : i32 to vector<16xi32>
          %and3A_291 = arith.andi %bitcast3A_285, %and3A_290 : vector<16xi32>
          %bitcast3A_292 = vector.bitcast %and3A_291 : vector<16xi32> to vector<16xf32>
          %mul3A_293 = arith.mulf %bitcast3A_289, %gather3A_163 : vector<16xf32>
          %swap3A_294 = arith.index_cast %add3A_262 : i32 to index
          %swap3A_295 = arith.constant 32 : index
          %swap3A_296 = tpu.vector_load %arg12[%swap3A_294, %swap3A_295] {strides = array<i32>} : memref<128x128xf32, #tpu.memory_space<vmem>>, vector<16xf32>,
          tpu.vector_store %arg12[%swap3A_294, %swap3A_295], %mul3A_293 {strides = array<i32>} : memref<128x128xf32, #tpu.memory_space<vmem>>, vector<16xf32>,
          %mul3A_297 = arith.mulf %bitcast3A_292, %gather3A_163 : vector<16xf32>
          %swap3A_298 = arith.index_cast %add3A_262 : i32 to index
          %swap3A_299 = arith.constant 48 : index
          %swap3A_300 = tpu.vector_load %arg12[%swap3A_298, %swap3A_299] {strides = array<i32>} : memref<128x128xf32, #tpu.memory_space<vmem>>, vector<16xf32>,
          tpu.vector_store %arg12[%swap3A_298, %swap3A_299], %mul3A_297 {strides = array<i32>} : memref<128x128xf32, #tpu.memory_space<vmem>>, vector<16xf32>,
          %get3A_301 = arith.index_cast %add3A_262 : i32 to index
          %get3A_302 = arith.constant 64 : index
          %get3A_303 = tpu.vector_load %arg11[%get3A_301, %get3A_302] {strides = array<i32>} : memref<128x128xbf16, #tpu.memory_space<vmem>>, vector<32xbf16>,
          %bitcast3A_304 = vector.bitcast %get3A_303 : vector<32xbf16> to vector<16xi32>
          %shift_left3A_305 = arith.constant 16 : i32
          %shift_left3A_306 = vector.broadcast %shift_left3A_305 : i32 to vector<16xi32>
          %shift_left3A_307 = arith.shli %bitcast3A_304, %shift_left3A_306 : vector<16xi32>
          %bitcast3A_308 = vector.bitcast %shift_left3A_307 : vector<16xi32> to vector<16xf32>
          %and3A_309 = vector.broadcast %scan3A_19 : i32 to vector<16xi32>
          %and3A_310 = arith.andi %bitcast3A_304, %and3A_309 : vector<16xi32>
          %bitcast3A_311 = vector.bitcast %and3A_310 : vector<16xi32> to vector<16xf32>
          %mul3A_312 = arith.mulf %bitcast3A_308, %gather3A_163 : vector<16xf32>
          %swap3A_313 = arith.index_cast %add3A_262 : i32 to index
          %swap3A_314 = arith.constant 64 : index
          %swap3A_315 = tpu.vector_load %arg12[%swap3A_313, %swap3A_314] {strides = array<i32>} : memref<128x128xf32, #tpu.memory_space<vmem>>, vector<16xf32>,
          tpu.vector_store %arg12[%swap3A_313, %swap3A_314], %mul3A_312 {strides = array<i32>} : memref<128x128xf32, #tpu.memory_space<vmem>>, vector<16xf32>,
          %mul3A_316 = arith.mulf %bitcast3A_311, %gather3A_163 : vector<16xf32>
          %swap3A_317 = arith.index_cast %add3A_262 : i32 to index
          %swap3A_318 = arith.constant 80 : index
          %swap3A_319 = tpu.vector_load %arg12[%swap3A_317, %swap3A_318] {strides = array<i32>} : memref<128x128xf32, #tpu.memory_space<vmem>>, vector<16xf32>,
          tpu.vector_store %arg12[%swap3A_317, %swap3A_318], %mul3A_316 {strides = array<i32>} : memref<128x128xf32, #tpu.memory_space<vmem>>, vector<16xf32>,
          %get3A_320 = arith.index_cast %add3A_262 : i32 to index
          %get3A_321 = arith.constant 96 : index
          %get3A_322 = tpu.vector_load %arg11[%get3A_320, %get3A_321] {strides = array<i32>} : memref<128x128xbf16, #tpu.memory_space<vmem>>, vector<32xbf16>,
          %bitcast3A_323 = vector.bitcast %get3A_322 : vector<32xbf16> to vector<16xi32>
          %shift_left3A_324 = arith.constant 16 : i32
          %shift_left3A_325 = vector.broadcast %shift_left3A_324 : i32 to vector<16xi32>
          %shift_left3A_326 = arith.shli %bitcast3A_323, %shift_left3A_325 : vector<16xi32>
          %bitcast3A_327 = vector.bitcast %shift_left3A_326 : vector<16xi32> to vector<16xf32>
          %and3A_328 = vector.broadcast %scan3A_19 : i32 to vector<16xi32>
          %and3A_329 = arith.andi %bitcast3A_323, %and3A_328 : vector<16xi32>
          %bitcast3A_330 = vector.bitcast %and3A_329 : vector<16xi32> to vector<16xf32>
          %mul3A_331 = arith.mulf %bitcast3A_327, %gather3A_163 : vector<16xf32>
          %swap3A_332 = arith.index_cast %add3A_262 : i32 to index
          %swap3A_333 = arith.constant 96 : index
          %swap3A_334 = tpu.vector_load %arg12[%swap3A_332, %swap3A_333] {strides = array<i32>} : memref<128x128xf32, #tpu.memory_space<vmem>>, vector<16xf32>,
          tpu.vector_store %arg12[%swap3A_332, %swap3A_333], %mul3A_331 {strides = array<i32>} : memref<128x128xf32, #tpu.memory_space<vmem>>, vector<16xf32>,
          %mul3A_335 = arith.mulf %bitcast3A_330, %gather3A_163 : vector<16xf32>
          %swap3A_336 = arith.index_cast %add3A_262 : i32 to index
          %swap3A_337 = arith.constant 112 : index
          %swap3A_338 = tpu.vector_load %arg12[%swap3A_336, %swap3A_337] {strides = array<i32>} : memref<128x128xf32, #tpu.memory_space<vmem>>, vector<16xf32>,
          tpu.vector_store %arg12[%swap3A_336, %swap3A_337], %mul3A_335 {strides = array<i32>} : memref<128x128xf32, #tpu.memory_space<vmem>>, vector<16xf32>,
          %add3A_339 = arith.constant 2 : i32
          %add3A_340 = arith.addi %mul3A_156, %add3A_339 : i32
          %get3A_341 = arith.index_cast %add3A_340 : i32 to index
          %get3A_342 = arith.constant 0 : index
          %get3A_343 = tpu.vector_load %arg11[%get3A_341, %get3A_342] {strides = array<i32>} : memref<128x128xbf16, #tpu.memory_space<vmem>>, vector<32xbf16>,
          %bitcast3A_344 = vector.bitcast %get3A_343 : vector<32xbf16> to vector<16xi32>
          %shift_left3A_345 = arith.constant 16 : i32
          %shift_left3A_346 = vector.broadcast %shift_left3A_345 : i32 to vector<16xi32>
          %shift_left3A_347 = arith.shli %bitcast3A_344, %shift_left3A_346 : vector<16xi32>
          %bitcast3A_348 = vector.bitcast %shift_left3A_347 : vector<16xi32> to vector<16xf32>
          %and3A_349 = vector.broadcast %scan3A_19 : i32 to vector<16xi32>
          %and3A_350 = arith.andi %bitcast3A_344, %and3A_349 : vector<16xi32>
          %bitcast3A_351 = vector.bitcast %and3A_350 : vector<16xi32> to vector<16xf32>
          %mul3A_352 = arith.mulf %bitcast3A_348, %gather3A_167 : vector<16xf32>
          %swap3A_353 = arith.index_cast %add3A_340 : i32 to index
          %swap3A_354 = arith.constant 0 : index
          %swap3A_355 = tpu.vector_load %arg12[%swap3A_353, %swap3A_354] {strides = array<i32>} : memref<128x128xf32, #tpu.memory_space<vmem>>, vector<16xf32>,
          tpu.vector_store %arg12[%swap3A_353, %swap3A_354], %mul3A_352 {strides = array<i32>} : memref<128x128xf32, #tpu.memory_space<vmem>>, vector<16xf32>,
          %mul3A_356 = arith.mulf %bitcast3A_351, %gather3A_167 : vector<16xf32>
          %swap3A_357 = arith.index_cast %add3A_340 : i32 to index
          %swap3A_358 = arith.constant 16 : index
          %swap3A_359 = tpu.vector_load %arg12[%swap3A_357, %swap3A_358] {strides = array<i32>} : memref<128x128xf32, #tpu.memory_space<vmem>>, vector<16xf32>,
          tpu.vector_store %arg12[%swap3A_357, %swap3A_358], %mul3A_356 {strides = array<i32>} : memref<128x128xf32, #tpu.memory_space<vmem>>, vector<16xf32>,
          %get3A_360 = arith.index_cast %add3A_340 : i32 to index
          %get3A_361 = arith.constant 32 : index
          %get3A_362 = tpu.vector_load %arg11[%get3A_360, %get3A_361] {strides = array<i32>} : memref<128x128xbf16, #tpu.memory_space<vmem>>, vector<32xbf16>,
          %bitcast3A_363 = vector.bitcast %get3A_362 : vector<32xbf16> to vector<16xi32>
          %shift_left3A_364 = arith.constant 16 : i32
          %shift_left3A_365 = vector.broadcast %shift_left3A_364 : i32 to vector<16xi32>
          %shift_left3A_366 = arith.shli %bitcast3A_363, %shift_left3A_365 : vector<16xi32>
          %bitcast3A_367 = vector.bitcast %shift_left3A_366 : vector<16xi32> to vector<16xf32>
          %and3A_368 = vector.broadcast %scan3A_19 : i32 to vector<16xi32>
          %and3A_369 = arith.andi %bitcast3A_363, %and3A_368 : vector<16xi32>
          %bitcast3A_370 = vector.bitcast %and3A_369 : vector<16xi32> to vector<16xf32>
          %mul3A_371 = arith.mulf %bitcast3A_367, %gather3A_167 : vector<16xf32>
          %swap3A_372 = arith.index_cast %add3A_340 : i32 to index
          %swap3A_373 = arith.constant 32 : index
          %swap3A_374 = tpu.vector_load %arg12[%swap3A_372, %swap3A_373] {strides = array<i32>} : memref<128x128xf32, #tpu.memory_space<vmem>>, vector<16xf32>,
          tpu.vector_store %arg12[%swap3A_372, %swap3A_373], %mul3A_371 {strides = array<i32>} : memref<128x128xf32, #tpu.memory_space<vmem>>, vector<16xf32>,
          %mul3A_375 = arith.mulf %bitcast3A_370, %gather3A_167 : vector<16xf32>
          %swap3A_376 = arith.index_cast %add3A_340 : i32 to index
          %swap3A_377 = arith.constant 48 : index
          %swap3A_378 = tpu.vector_load %arg12[%swap3A_376, %swap3A_377] {strides = array<i32>} : memref<128x128xf32, #tpu.memory_space<vmem>>, vector<16xf32>,
          tpu.vector_store %arg12[%swap3A_376, %swap3A_377], %mul3A_375 {strides = array<i32>} : memref<128x128xf32, #tpu.memory_space<vmem>>, vector<16xf32>,
          %get3A_379 = arith.index_cast %add3A_340 : i32 to index
          %get3A_380 = arith.constant 64 : index
          %get3A_381 = tpu.vector_load %arg11[%get3A_379, %get3A_380] {strides = array<i32>} : memref<128x128xbf16, #tpu.memory_space<vmem>>, vector<32xbf16>,
          %bitcast3A_382 = vector.bitcast %get3A_381 : vector<32xbf16> to vector<16xi32>
          %shift_left3A_383 = arith.constant 16 : i32
          %shift_left3A_384 = vector.broadcast %shift_left3A_383 : i32 to vector<16xi32>
          %shift_left3A_385 = arith.shli %bitcast3A_382, %shift_left3A_384 : vector<16xi32>
          %bitcast3A_386 = vector.bitcast %shift_left3A_385 : vector<16xi32> to vector<16xf32>
          %and3A_387 = vector.broadcast %scan3A_19 : i32 to vector<16xi32>
          %and3A_388 = arith.andi %bitcast3A_382, %and3A_387 : vector<16xi32>
          %bitcast3A_389 = vector.bitcast %and3A_388 : vector<16xi32> to vector<16xf32>
          %mul3A_390 = arith.mulf %bitcast3A_386, %gather3A_167 : vector<16xf32>
          %swap3A_391 = arith.index_cast %add3A_340 : i32 to index
          %swap3A_392 = arith.constant 64 : index
          %swap3A_393 = tpu.vector_load %arg12[%swap3A_391, %swap3A_392] {strides = array<i32>} : memref<128x128xf32, #tpu.memory_space<vmem>>, vector<16xf32>,
          tpu.vector_store %arg12[%swap3A_391, %swap3A_392], %mul3A_390 {strides = array<i32>} : memref<128x128xf32, #tpu.memory_space<vmem>>, vector<16xf32>,
          %mul3A_394 = arith.mulf %bitcast3A_389, %gather3A_167 : vector<16xf32>
          %swap3A_395 = arith.index_cast %add3A_340 : i32 to index
          %swap3A_396 = arith.constant 80 : index
          %swap3A_397 = tpu.vector_load %arg12[%swap3A_395, %swap3A_396] {strides = array<i32>} : memref<128x128xf32, #tpu.memory_space<vmem>>, vector<16xf32>,
          tpu.vector_store %arg12[%swap3A_395, %swap3A_396], %mul3A_394 {strides = array<i32>} : memref<128x128xf32, #tpu.memory_space<vmem>>, vector<16xf32>,
          %get3A_398 = arith.index_cast %add3A_340 : i32 to index
          %get3A_399 = arith.constant 96 : index
          %get3A_400 = tpu.vector_load %arg11[%get3A_398, %get3A_399] {strides = array<i32>} : memref<128x128xbf16, #tpu.memory_space<vmem>>, vector<32xbf16>,
          %bitcast3A_401 = vector.bitcast %get3A_400 : vector<32xbf16> to vector<16xi32>
          %shift_left3A_402 = arith.constant 16 : i32
          %shift_left3A_403 = vector.broadcast %shift_left3A_402 : i32 to vector<16xi32>
          %shift_left3A_404 = arith.shli %bitcast3A_401, %shift_left3A_403 : vector<16xi32>
          %bitcast3A_405 = vector.bitcast %shift_left3A_404 : vector<16xi32> to vector<16xf32>
          %and3A_406 = vector.broadcast %scan3A_19 : i32 to vector<16xi32>
          %and3A_407 = arith.andi %bitcast3A_401, %and3A_406 : vector<16xi32>
          %bitcast3A_408 = vector.bitcast %and3A_407 : vector<16xi32> to vector<16xf32>
          %mul3A_409 = arith.mulf %bitcast3A_405, %gather3A_167 : vector<16xf32>
          %swap3A_410 = arith.index_cast %add3A_340 : i32 to index
          %swap3A_411 = arith.constant 96 : index
          %swap3A_412 = tpu.vector_load %arg12[%swap3A_410, %swap3A_411] {strides = array<i32>} : memref<128x128xf32, #tpu.memory_space<vmem>>, vector<16xf32>,
          tpu.vector_store %arg12[%swap3A_410, %swap3A_411], %mul3A_409 {strides = array<i32>} : memref<128x128xf32, #tpu.memory_space<vmem>>, vector<16xf32>,
          %mul3A_413 = arith.mulf %bitcast3A_408, %gather3A_167 : vector<16xf32>
          %swap3A_414 = arith.index_cast %add3A_340 : i32 to index
          %swap3A_415 = arith.constant 112 : index
          %swap3A_416 = tpu.vector_load %arg12[%swap3A_414, %swap3A_415] {strides = array<i32>} : memref<128x128xf32, #tpu.memory_space<vmem>>, vector<16xf32>,
          tpu.vector_store %arg12[%swap3A_414, %swap3A_415], %mul3A_413 {strides = array<i32>} : memref<128x128xf32, #tpu.memory_space<vmem>>, vector<16xf32>,
          %add3A_417 = arith.constant 3 : i32
          %add3A_418 = arith.addi %mul3A_156, %add3A_417 : i32
          %get3A_419 = arith.index_cast %add3A_418 : i32 to index
          %get3A_420 = arith.constant 0 : index
          %get3A_421 = tpu.vector_load %arg11[%get3A_419, %get3A_420] {strides = array<i32>} : memref<128x128xbf16, #tpu.memory_space<vmem>>, vector<32xbf16>,
          %bitcast3A_422 = vector.bitcast %get3A_421 : vector<32xbf16> to vector<16xi32>
          %shift_left3A_423 = arith.constant 16 : i32
          %shift_left3A_424 = vector.broadcast %shift_left3A_423 : i32 to vector<16xi32>
          %shift_left3A_425 = arith.shli %bitcast3A_422, %shift_left3A_424 : vector<16xi32>
          %bitcast3A_426 = vector.bitcast %shift_left3A_425 : vector<16xi32> to vector<16xf32>
          %and3A_427 = vector.broadcast %scan3A_19 : i32 to vector<16xi32>
          %and3A_428 = arith.andi %bitcast3A_422, %and3A_427 : vector<16xi32>
          %bitcast3A_429 = vector.bitcast %and3A_428 : vector<16xi32> to vector<16xf32>
          %mul3A_430 = arith.mulf %bitcast3A_426, %gather3A_171 : vector<16xf32>
          %swap3A_431 = arith.index_cast %add3A_418 : i32 to index
          %swap3A_432 = arith.constant 0 : index
          %swap3A_433 = tpu.vector_load %arg12[%swap3A_431, %swap3A_432] {strides = array<i32>} : memref<128x128xf32, #tpu.memory_space<vmem>>, vector<16xf32>,
          tpu.vector_store %arg12[%swap3A_431, %swap3A_432], %mul3A_430 {strides = array<i32>} : memref<128x128xf32, #tpu.memory_space<vmem>>, vector<16xf32>,
          %mul3A_434 = arith.mulf %bitcast3A_429, %gather3A_171 : vector<16xf32>
          %swap3A_435 = arith.index_cast %add3A_418 : i32 to index
          %swap3A_436 = arith.constant 16 : index
          %swap3A_437 = tpu.vector_load %arg12[%swap3A_435, %swap3A_436] {strides = array<i32>} : memref<128x128xf32, #tpu.memory_space<vmem>>, vector<16xf32>,
          tpu.vector_store %arg12[%swap3A_435, %swap3A_436], %mul3A_434 {strides = array<i32>} : memref<128x128xf32, #tpu.memory_space<vmem>>, vector<16xf32>,
          %get3A_438 = arith.index_cast %add3A_418 : i32 to index
          %get3A_439 = arith.constant 32 : index
          %get3A_440 = tpu.vector_load %arg11[%get3A_438, %get3A_439] {strides = array<i32>} : memref<128x128xbf16, #tpu.memory_space<vmem>>, vector<32xbf16>,
          %bitcast3A_441 = vector.bitcast %get3A_440 : vector<32xbf16> to vector<16xi32>
          %shift_left3A_442 = arith.constant 16 : i32
          %shift_left3A_443 = vector.broadcast %shift_left3A_442 : i32 to vector<16xi32>
          %shift_left3A_444 = arith.shli %bitcast3A_441, %shift_left3A_443 : vector<16xi32>
          %bitcast3A_445 = vector.bitcast %shift_left3A_444 : vector<16xi32> to vector<16xf32>
          %and3A_446 = vector.broadcast %scan3A_19 : i32 to vector<16xi32>
          %and3A_447 = arith.andi %bitcast3A_441, %and3A_446 : vector<16xi32>
          %bitcast3A_448 = vector.bitcast %and3A_447 : vector<16xi32> to vector<16xf32>
          %mul3A_449 = arith.mulf %bitcast3A_445, %gather3A_171 : vector<16xf32>
          %swap3A_450 = arith.index_cast %add3A_418 : i32 to index
          %swap3A_451 = arith.constant 32 : index
          %swap3A_452 = tpu.vector_load %arg12[%swap3A_450, %swap3A_451] {strides = array<i32>} : memref<128x128xf32, #tpu.memory_space<vmem>>, vector<16xf32>,
          tpu.vector_store %arg12[%swap3A_450, %swap3A_451], %mul3A_449 {strides = array<i32>} : memref<128x128xf32, #tpu.memory_space<vmem>>, vector<16xf32>,
          %mul3A_453 = arith.mulf %bitcast3A_448, %gather3A_171 : vector<16xf32>
          %swap3A_454 = arith.index_cast %add3A_418 : i32 to index
          %swap3A_455 = arith.constant 48 : index
          %swap3A_456 = tpu.vector_load %arg12[%swap3A_454, %swap3A_455] {strides = array<i32>} : memref<128x128xf32, #tpu.memory_space<vmem>>, vector<16xf32>,
          tpu.vector_store %arg12[%swap3A_454, %swap3A_455], %mul3A_453 {strides = array<i32>} : memref<128x128xf32, #tpu.memory_space<vmem>>, vector<16xf32>,
          %get3A_457 = arith.index_cast %add3A_418 : i32 to index
          %get3A_458 = arith.constant 64 : index
          %get3A_459 = tpu.vector_load %arg11[%get3A_457, %get3A_458] {strides = array<i32>} : memref<128x128xbf16, #tpu.memory_space<vmem>>, vector<32xbf16>,
          %bitcast3A_460 = vector.bitcast %get3A_459 : vector<32xbf16> to vector<16xi32>
          %shift_left3A_461 = arith.constant 16 : i32
          %shift_left3A_462 = vector.broadcast %shift_left3A_461 : i32 to vector<16xi32>
          %shift_left3A_463 = arith.shli %bitcast3A_460, %shift_left3A_462 : vector<16xi32>
          %bitcast3A_464 = vector.bitcast %shift_left3A_463 : vector<16xi32> to vector<16xf32>
          %and3A_465 = vector.broadcast %scan3A_19 : i32 to vector<16xi32>
          %and3A_466 = arith.andi %bitcast3A_460, %and3A_465 : vector<16xi32>
          %bitcast3A_467 = vector.bitcast %and3A_466 : vector<16xi32> to vector<16xf32>
          %mul3A_468 = arith.mulf %bitcast3A_464, %gather3A_171 : vector<16xf32>
          %swap3A_469 = arith.index_cast %add3A_418 : i32 to index
          %swap3A_470 = arith.constant 64 : index
          %swap3A_471 = tpu.vector_load %arg12[%swap3A_469, %swap3A_470] {strides = array<i32>} : memref<128x128xf32, #tpu.memory_space<vmem>>, vector<16xf32>,
          tpu.vector_store %arg12[%swap3A_469, %swap3A_470], %mul3A_468 {strides = array<i32>} : memref<128x128xf32, #tpu.memory_space<vmem>>, vector<16xf32>,
          %mul3A_472 = arith.mulf %bitcast3A_467, %gather3A_171 : vector<16xf32>
          %swap3A_473 = arith.index_cast %add3A_418 : i32 to index
          %swap3A_474 = arith.constant 80 : index
          %swap3A_475 = tpu.vector_load %arg12[%swap3A_473, %swap3A_474] {strides = array<i32>} : memref<128x128xf32, #tpu.memory_space<vmem>>, vector<16xf32>,
          tpu.vector_store %arg12[%swap3A_473, %swap3A_474], %mul3A_472 {strides = array<i32>} : memref<128x128xf32, #tpu.memory_space<vmem>>, vector<16xf32>,
          %get3A_476 = arith.index_cast %add3A_418 : i32 to index
          %get3A_477 = arith.constant 96 : index
          %get3A_478 = tpu.vector_load %arg11[%get3A_476, %get3A_477] {strides = array<i32>} : memref<128x128xbf16, #tpu.memory_space<vmem>>, vector<32xbf16>,
          %bitcast3A_479 = vector.bitcast %get3A_478 : vector<32xbf16> to vector<16xi32>
          %shift_left3A_480 = arith.constant 16 : i32
          %shift_left3A_481 = vector.broadcast %shift_left3A_480 : i32 to vector<16xi32>
          %shift_left3A_482 = arith.shli %bitcast3A_479, %shift_left3A_481 : vector<16xi32>
          %bitcast3A_483 = vector.bitcast %shift_left3A_482 : vector<16xi32> to vector<16xf32>
          %and3A_484 = vector.broadcast %scan3A_19 : i32 to vector<16xi32>
          %and3A_485 = arith.andi %bitcast3A_479, %and3A_484 : vector<16xi32>
          %bitcast3A_486 = vector.bitcast %and3A_485 : vector<16xi32> to vector<16xf32>
          %mul3A_487 = arith.mulf %bitcast3A_483, %gather3A_171 : vector<16xf32>
          %swap3A_488 = arith.index_cast %add3A_418 : i32 to index
          %swap3A_489 = arith.constant 96 : index
          %swap3A_490 = tpu.vector_load %arg12[%swap3A_488, %swap3A_489] {strides = array<i32>} : memref<128x128xf32, #tpu.memory_space<vmem>>, vector<16xf32>,
          tpu.vector_store %arg12[%swap3A_488, %swap3A_489], %mul3A_487 {strides = array<i32>} : memref<128x128xf32, #tpu.memory_space<vmem>>, vector<16xf32>,
          %mul3A_491 = arith.mulf %bitcast3A_486, %gather3A_171 : vector<16xf32>
          %swap3A_492 = arith.index_cast %add3A_418 : i32 to index
          %swap3A_493 = arith.constant 112 : index
          %swap3A_494 = tpu.vector_load %arg12[%swap3A_492, %swap3A_493] {strides = array<i32>} : memref<128x128xf32, #tpu.memory_space<vmem>>, vector<16xf32>,
          tpu.vector_store %arg12[%swap3A_492, %swap3A_493], %mul3A_491 {strides = array<i32>} : memref<128x128xf32, #tpu.memory_space<vmem>>, vector<16xf32>,
          %add3A_495 = arith.constant 4 : i32
          %add3A_496 = arith.addi %mul3A_156, %add3A_495 : i32
          %get3A_497 = arith.index_cast %add3A_496 : i32 to index
          %get3A_498 = arith.constant 0 : index
          %get3A_499 = tpu.vector_load %arg11[%get3A_497, %get3A_498] {strides = array<i32>} : memref<128x128xbf16, #tpu.memory_space<vmem>>, vector<32xbf16>,
          %bitcast3A_500 = vector.bitcast %get3A_499 : vector<32xbf16> to vector<16xi32>
          %shift_left3A_501 = arith.constant 16 : i32
          %shift_left3A_502 = vector.broadcast %shift_left3A_501 : i32 to vector<16xi32>
          %shift_left3A_503 = arith.shli %bitcast3A_500, %shift_left3A_502 : vector<16xi32>
          %bitcast3A_504 = vector.bitcast %shift_left3A_503 : vector<16xi32> to vector<16xf32>
          %and3A_505 = vector.broadcast %scan3A_19 : i32 to vector<16xi32>
          %and3A_506 = arith.andi %bitcast3A_500, %and3A_505 : vector<16xi32>
          %bitcast3A_507 = vector.bitcast %and3A_506 : vector<16xi32> to vector<16xf32>
          %mul3A_508 = arith.mulf %bitcast3A_504, %gather3A_175 : vector<16xf32>
          %swap3A_509 = arith.index_cast %add3A_496 : i32 to index
          %swap3A_510 = arith.constant 0 : index
          %swap3A_511 = tpu.vector_load %arg12[%swap3A_509, %swap3A_510] {strides = array<i32>} : memref<128x128xf32, #tpu.memory_space<vmem>>, vector<16xf32>,
          tpu.vector_store %arg12[%swap3A_509, %swap3A_510], %mul3A_508 {strides = array<i32>} : memref<128x128xf32, #tpu.memory_space<vmem>>, vector<16xf32>,
          %mul3A_512 = arith.mulf %bitcast3A_507, %gather3A_175 : vector<16xf32>
          %swap3A_513 = arith.index_cast %add3A_496 : i32 to index
          %swap3A_514 = arith.constant 16 : index
          %swap3A_515 = tpu.vector_load %arg12[%swap3A_513, %swap3A_514] {strides = array<i32>} : memref<128x128xf32, #tpu.memory_space<vmem>>, vector<16xf32>,
          tpu.vector_store %arg12[%swap3A_513, %swap3A_514], %mul3A_512 {strides = array<i32>} : memref<128x128xf32, #tpu.memory_space<vmem>>, vector<16xf32>,
          %get3A_516 = arith.index_cast %add3A_496 : i32 to index
          %get3A_517 = arith.constant 32 : index
          %get3A_518 = tpu.vector_load %arg11[%get3A_516, %get3A_517] {strides = array<i32>} : memref<128x128xbf16, #tpu.memory_space<vmem>>, vector<32xbf16>,
          %bitcast3A_519 = vector.bitcast %get3A_518 : vector<32xbf16> to vector<16xi32>
          %shift_left3A_520 = arith.constant 16 : i32
          %shift_left3A_521 = vector.broadcast %shift_left3A_520 : i32 to vector<16xi32>
          %shift_left3A_522 = arith.shli %bitcast3A_519, %shift_left3A_521 : vector<16xi32>
          %bitcast3A_523 = vector.bitcast %shift_left3A_522 : vector<16xi32> to vector<16xf32>
          %and3A_524 = vector.broadcast %scan3A_19 : i32 to vector<16xi32>
          %and3A_525 = arith.andi %bitcast3A_519, %and3A_524 : vector<16xi32>
          %bitcast3A_526 = vector.bitcast %and3A_525 : vector<16xi32> to vector<16xf32>
          %mul3A_527 = arith.mulf %bitcast3A_523, %gather3A_175 : vector<16xf32>
          %swap3A_528 = arith.index_cast %add3A_496 : i32 to index
          %swap3A_529 = arith.constant 32 : index
          %swap3A_530 = tpu.vector_load %arg12[%swap3A_528, %swap3A_529] {strides = array<i32>} : memref<128x128xf32, #tpu.memory_space<vmem>>, vector<16xf32>,
          tpu.vector_store %arg12[%swap3A_528, %swap3A_529], %mul3A_527 {strides = array<i32>} : memref<128x128xf32, #tpu.memory_space<vmem>>, vector<16xf32>,
          %mul3A_531 = arith.mulf %bitcast3A_526, %gather3A_175 : vector<16xf32>
          %swap3A_532 = arith.index_cast %add3A_496 : i32 to index
          %swap3A_533 = arith.constant 48 : index
          %swap3A_534 = tpu.vector_load %arg12[%swap3A_532, %swap3A_533] {strides = array<i32>} : memref<128x128xf32, #tpu.memory_space<vmem>>, vector<16xf32>,
          tpu.vector_store %arg12[%swap3A_532, %swap3A_533], %mul3A_531 {strides = array<i32>} : memref<128x128xf32, #tpu.memory_space<vmem>>, vector<16xf32>,
          %get3A_535 = arith.index_cast %add3A_496 : i32 to index
          %get3A_536 = arith.constant 64 : index
          %get3A_537 = tpu.vector_load %arg11[%get3A_535, %get3A_536] {strides = array<i32>} : memref<128x128xbf16, #tpu.memory_space<vmem>>, vector<32xbf16>,
          %bitcast3A_538 = vector.bitcast %get3A_537 : vector<32xbf16> to vector<16xi32>
          %shift_left3A_539 = arith.constant 16 : i32
          %shift_left3A_540 = vector.broadcast %shift_left3A_539 : i32 to vector<16xi32>
          %shift_left3A_541 = arith.shli %bitcast3A_538, %shift_left3A_540 : vector<16xi32>
          %bitcast3A_542 = vector.bitcast %shift_left3A_541 : vector<16xi32> to vector<16xf32>
          %and3A_543 = vector.broadcast %scan3A_19 : i32 to vector<16xi32>
          %and3A_544 = arith.andi %bitcast3A_538, %and3A_543 : vector<16xi32>
          %bitcast3A_545 = vector.bitcast %and3A_544 : vector<16xi32> to vector<16xf32>
          %mul3A_546 = arith.mulf %bitcast3A_542, %gather3A_175 : vector<16xf32>
          %swap3A_547 = arith.index_cast %add3A_496 : i32 to index
          %swap3A_548 = arith.constant 64 : index
          %swap3A_549 = tpu.vector_load %arg12[%swap3A_547, %swap3A_548] {strides = array<i32>} : memref<128x128xf32, #tpu.memory_space<vmem>>, vector<16xf32>,
          tpu.vector_store %arg12[%swap3A_547, %swap3A_548], %mul3A_546 {strides = array<i32>} : memref<128x128xf32, #tpu.memory_space<vmem>>, vector<16xf32>,
          %mul3A_550 = arith.mulf %bitcast3A_545, %gather3A_175 : vector<16xf32>
          %swap3A_551 = arith.index_cast %add3A_496 : i32 to index
          %swap3A_552 = arith.constant 80 : index
          %swap3A_553 = tpu.vector_load %arg12[%swap3A_551, %swap3A_552] {strides = array<i32>} : memref<128x128xf32, #tpu.memory_space<vmem>>, vector<16xf32>,
          tpu.vector_store %arg12[%swap3A_551, %swap3A_552], %mul3A_550 {strides = array<i32>} : memref<128x128xf32, #tpu.memory_space<vmem>>, vector<16xf32>,
          %get3A_554 = arith.index_cast %add3A_496 : i32 to index
          %get3A_555 = arith.constant 96 : index
          %get3A_556 = tpu.vector_load %arg11[%get3A_554, %get3A_555] {strides = array<i32>} : memref<128x128xbf16, #tpu.memory_space<vmem>>, vector<32xbf16>,
          %bitcast3A_557 = vector.bitcast %get3A_556 : vector<32xbf16> to vector<16xi32>
          %shift_left3A_558 = arith.constant 16 : i32
          %shift_left3A_559 = vector.broadcast %shift_left3A_558 : i32 to vector<16xi32>
          %shift_left3A_560 = arith.shli %bitcast3A_557, %shift_left3A_559 : vector<16xi32>
          %bitcast3A_561 = vector.bitcast %shift_left3A_560 : vector<16xi32> to vector<16xf32>
          %and3A_562 = vector.broadcast %scan3A_19 : i32 to vector<16xi32>
          %and3A_563 = arith.andi %bitcast3A_557, %and3A_562 : vector<16xi32>
          %bitcast3A_564 = vector.bitcast %and3A_563 : vector<16xi32> to vector<16xf32>
          %mul3A_565 = arith.mulf %bitcast3A_561, %gather3A_175 : vector<16xf32>
          %swap3A_566 = arith.index_cast %add3A_496 : i32 to index
          %swap3A_567 = arith.constant 96 : index
          %swap3A_568 = tpu.vector_load %arg12[%swap3A_566, %swap3A_567] {strides = array<i32>} : memref<128x128xf32, #tpu.memory_space<vmem>>, vector<16xf32>,
          tpu.vector_store %arg12[%swap3A_566, %swap3A_567], %mul3A_565 {strides = array<i32>} : memref<128x128xf32, #tpu.memory_space<vmem>>, vector<16xf32>,
          %mul3A_569 = arith.mulf %bitcast3A_564, %gather3A_175 : vector<16xf32>
          %swap3A_570 = arith.index_cast %add3A_496 : i32 to index
          %swap3A_571 = arith.constant 112 : index
          %swap3A_572 = tpu.vector_load %arg12[%swap3A_570, %swap3A_571] {strides = array<i32>} : memref<128x128xf32, #tpu.memory_space<vmem>>, vector<16xf32>,
          tpu.vector_store %arg12[%swap3A_570, %swap3A_571], %mul3A_569 {strides = array<i32>} : memref<128x128xf32, #tpu.memory_space<vmem>>, vector<16xf32>,
          %add3A_573 = arith.constant 5 : i32
          %add3A_574 = arith.addi %mul3A_156, %add3A_573 : i32
          %get3A_575 = arith.index_cast %add3A_574 : i32 to index
          %get3A_576 = arith.constant 0 : index
          %get3A_577 = tpu.vector_load %arg11[%get3A_575, %get3A_576] {strides = array<i32>} : memref<128x128xbf16, #tpu.memory_space<vmem>>, vector<32xbf16>,
          %bitcast3A_578 = vector.bitcast %get3A_577 : vector<32xbf16> to vector<16xi32>
          %shift_left3A_579 = arith.constant 16 : i32
          %shift_left3A_580 = vector.broadcast %shift_left3A_579 : i32 to vector<16xi32>
          %shift_left3A_581 = arith.shli %bitcast3A_578, %shift_left3A_580 : vector<16xi32>
          %bitcast3A_582 = vector.bitcast %shift_left3A_581 : vector<16xi32> to vector<16xf32>
          %and3A_583 = vector.broadcast %scan3A_19 : i32 to vector<16xi32>
          %and3A_584 = arith.andi %bitcast3A_578, %and3A_583 : vector<16xi32>
          %bitcast3A_585 = vector.bitcast %and3A_584 : vector<16xi32> to vector<16xf32>
          %mul3A_586 = arith.mulf %bitcast3A_582, %gather3A_179 : vector<16xf32>
          %swap3A_587 = arith.index_cast %add3A_574 : i32 to index
          %swap3A_588 = arith.constant 0 : index
          %swap3A_589 = tpu.vector_load %arg12[%swap3A_587, %swap3A_588] {strides = array<i32>} : memref<128x128xf32, #tpu.memory_space<vmem>>, vector<16xf32>,
          tpu.vector_store %arg12[%swap3A_587, %swap3A_588], %mul3A_586 {strides = array<i32>} : memref<128x128xf32, #tpu.memory_space<vmem>>, vector<16xf32>,
          %mul3A_590 = arith.mulf %bitcast3A_585, %gather3A_179 : vector<16xf32>
          %swap3A_591 = arith.index_cast %add3A_574 : i32 to index
          %swap3A_592 = arith.constant 16 : index
          %swap3A_593 = tpu.vector_load %arg12[%swap3A_591, %swap3A_592] {strides = array<i32>} : memref<128x128xf32, #tpu.memory_space<vmem>>, vector<16xf32>,
          tpu.vector_store %arg12[%swap3A_591, %swap3A_592], %mul3A_590 {strides = array<i32>} : memref<128x128xf32, #tpu.memory_space<vmem>>, vector<16xf32>,
          %get3A_594 = arith.index_cast %add3A_574 : i32 to index
          %get3A_595 = arith.constant 32 : index
          %get3A_596 = tpu.vector_load %arg11[%get3A_594, %get3A_595] {strides = array<i32>} : memref<128x128xbf16, #tpu.memory_space<vmem>>, vector<32xbf16>,
          %bitcast3A_597 = vector.bitcast %get3A_596 : vector<32xbf16> to vector<16xi32>
          %shift_left3A_598 = arith.constant 16 : i32
          %shift_left3A_599 = vector.broadcast %shift_left3A_598 : i32 to vector<16xi32>
          %shift_left3A_600 = arith.shli %bitcast3A_597, %shift_left3A_599 : vector<16xi32>
          %bitcast3A_601 = vector.bitcast %shift_left3A_600 : vector<16xi32> to vector<16xf32>
          %and3A_602 = vector.broadcast %scan3A_19 : i32 to vector<16xi32>
          %and3A_603 = arith.andi %bitcast3A_597, %and3A_602 : vector<16xi32>
          %bitcast3A_604 = vector.bitcast %and3A_603 : vector<16xi32> to vector<16xf32>
          %mul3A_605 = arith.mulf %bitcast3A_601, %gather3A_179 : vector<16xf32>
          %swap3A_606 = arith.index_cast %add3A_574 : i32 to index
          %swap3A_607 = arith.constant 32 : index
          %swap3A_608 = tpu.vector_load %arg12[%swap3A_606, %swap3A_607] {strides = array<i32>} : memref<128x128xf32, #tpu.memory_space<vmem>>, vector<16xf32>,
          tpu.vector_store %arg12[%swap3A_606, %swap3A_607], %mul3A_605 {strides = array<i32>} : memref<128x128xf32, #tpu.memory_space<vmem>>, vector<16xf32>,
          %mul3A_609 = arith.mulf %bitcast3A_604, %gather3A_179 : vector<16xf32>
          %swap3A_610 = arith.index_cast %add3A_574 : i32 to index
          %swap3A_611 = arith.constant 48 : index
          %swap3A_612 = tpu.vector_load %arg12[%swap3A_610, %swap3A_611] {strides = array<i32>} : memref<128x128xf32, #tpu.memory_space<vmem>>, vector<16xf32>,
          tpu.vector_store %arg12[%swap3A_610, %swap3A_611], %mul3A_609 {strides = array<i32>} : memref<128x128xf32, #tpu.memory_space<vmem>>, vector<16xf32>,
          %get3A_613 = arith.index_cast %add3A_574 : i32 to index
          %get3A_614 = arith.constant 64 : index
          %get3A_615 = tpu.vector_load %arg11[%get3A_613, %get3A_614] {strides = array<i32>} : memref<128x128xbf16, #tpu.memory_space<vmem>>, vector<32xbf16>,
          %bitcast3A_616 = vector.bitcast %get3A_615 : vector<32xbf16> to vector<16xi32>
          %shift_left3A_617 = arith.constant 16 : i32
          %shift_left3A_618 = vector.broadcast %shift_left3A_617 : i32 to vector<16xi32>
          %shift_left3A_619 = arith.shli %bitcast3A_616, %shift_left3A_618 : vector<16xi32>
          %bitcast3A_620 = vector.bitcast %shift_left3A_619 : vector<16xi32> to vector<16xf32>
          %and3A_621 = vector.broadcast %scan3A_19 : i32 to vector<16xi32>
          %and3A_622 = arith.andi %bitcast3A_616, %and3A_621 : vector<16xi32>
          %bitcast3A_623 = vector.bitcast %and3A_622 : vector<16xi32> to vector<16xf32>
          %mul3A_624 = arith.mulf %bitcast3A_620, %gather3A_179 : vector<16xf32>
          %swap3A_625 = arith.index_cast %add3A_574 : i32 to index
          %swap3A_626 = arith.constant 64 : index
          %swap3A_627 = tpu.vector_load %arg12[%swap3A_625, %swap3A_626] {strides = array<i32>} : memref<128x128xf32, #tpu.memory_space<vmem>>, vector<16xf32>,
          tpu.vector_store %arg12[%swap3A_625, %swap3A_626], %mul3A_624 {strides = array<i32>} : memref<128x128xf32, #tpu.memory_space<vmem>>, vector<16xf32>,
          %mul3A_628 = arith.mulf %bitcast3A_623, %gather3A_179 : vector<16xf32>
          %swap3A_629 = arith.index_cast %add3A_574 : i32 to index
          %swap3A_630 = arith.constant 80 : index
          %swap3A_631 = tpu.vector_load %arg12[%swap3A_629, %swap3A_630] {strides = array<i32>} : memref<128x128xf32, #tpu.memory_space<vmem>>, vector<16xf32>,
          tpu.vector_store %arg12[%swap3A_629, %swap3A_630], %mul3A_628 {strides = array<i32>} : memref<128x128xf32, #tpu.memory_space<vmem>>, vector<16xf32>,
          %get3A_632 = arith.index_cast %add3A_574 : i32 to index
          %get3A_633 = arith.constant 96 : index
          %get3A_634 = tpu.vector_load %arg11[%get3A_632, %get3A_633] {strides = array<i32>} : memref<128x128xbf16, #tpu.memory_space<vmem>>, vector<32xbf16>,
          %bitcast3A_635 = vector.bitcast %get3A_634 : vector<32xbf16> to vector<16xi32>
          %shift_left3A_636 = arith.constant 16 : i32
          %shift_left3A_637 = vector.broadcast %shift_left3A_636 : i32 to vector<16xi32>
          %shift_left3A_638 = arith.shli %bitcast3A_635, %shift_left3A_637 : vector<16xi32>
          %bitcast3A_639 = vector.bitcast %shift_left3A_638 : vector<16xi32> to vector<16xf32>
          %and3A_640 = vector.broadcast %scan3A_19 : i32 to vector<16xi32>
          %and3A_641 = arith.andi %bitcast3A_635, %and3A_640 : vector<16xi32>
          %bitcast3A_642 = vector.bitcast %and3A_641 : vector<16xi32> to vector<16xf32>
          %mul3A_643 = arith.mulf %bitcast3A_639, %gather3A_179 : vector<16xf32>
          %swap3A_644 = arith.index_cast %add3A_574 : i32 to index
          %swap3A_645 = arith.constant 96 : index
          %swap3A_646 = tpu.vector_load %arg12[%swap3A_644, %swap3A_645] {strides = array<i32>} : memref<128x128xf32, #tpu.memory_space<vmem>>, vector<16xf32>,
          tpu.vector_store %arg12[%swap3A_644, %swap3A_645], %mul3A_643 {strides = array<i32>} : memref<128x128xf32, #tpu.memory_space<vmem>>, vector<16xf32>,
          %mul3A_647 = arith.mulf %bitcast3A_642, %gather3A_179 : vector<16xf32>
          %swap3A_648 = arith.index_cast %add3A_574 : i32 to index
          %swap3A_649 = arith.constant 112 : index
          %swap3A_650 = tpu.vector_load %arg12[%swap3A_648, %swap3A_649] {strides = array<i32>} : memref<128x128xf32, #tpu.memory_space<vmem>>, vector<16xf32>,
          tpu.vector_store %arg12[%swap3A_648, %swap3A_649], %mul3A_647 {strides = array<i32>} : memref<128x128xf32, #tpu.memory_space<vmem>>, vector<16xf32>,
          %add3A_651 = arith.constant 6 : i32
          %add3A_652 = arith.addi %mul3A_156, %add3A_651 : i32
          %get3A_653 = arith.index_cast %add3A_652 : i32 to index
          %get3A_654 = arith.constant 0 : index
          %get3A_655 = tpu.vector_load %arg11[%get3A_653, %get3A_654] {strides = array<i32>} : memref<128x128xbf16, #tpu.memory_space<vmem>>, vector<32xbf16>,
          %bitcast3A_656 = vector.bitcast %get3A_655 : vector<32xbf16> to vector<16xi32>
          %shift_left3A_657 = arith.constant 16 : i32
          %shift_left3A_658 = vector.broadcast %shift_left3A_657 : i32 to vector<16xi32>
          %shift_left3A_659 = arith.shli %bitcast3A_656, %shift_left3A_658 : vector<16xi32>
          %bitcast3A_660 = vector.bitcast %shift_left3A_659 : vector<16xi32> to vector<16xf32>
          %and3A_661 = vector.broadcast %scan3A_19 : i32 to vector<16xi32>
          %and3A_662 = arith.andi %bitcast3A_656, %and3A_661 : vector<16xi32>
          %bitcast3A_663 = vector.bitcast %and3A_662 : vector<16xi32> to vector<16xf32>
          %mul3A_664 = arith.mulf %bitcast3A_660, %gather3A_183 : vector<16xf32>
          %swap3A_665 = arith.index_cast %add3A_652 : i32 to index
          %swap3A_666 = arith.constant 0 : index
          %swap3A_667 = tpu.vector_load %arg12[%swap3A_665, %swap3A_666] {strides = array<i32>} : memref<128x128xf32, #tpu.memory_space<vmem>>, vector<16xf32>,
          tpu.vector_store %arg12[%swap3A_665, %swap3A_666], %mul3A_664 {strides = array<i32>} : memref<128x128xf32, #tpu.memory_space<vmem>>, vector<16xf32>,
          %mul3A_668 = arith.mulf %bitcast3A_663, %gather3A_183 : vector<16xf32>
          %swap3A_669 = arith.index_cast %add3A_652 : i32 to index
          %swap3A_670 = arith.constant 16 : index
          %swap3A_671 = tpu.vector_load %arg12[%swap3A_669, %swap3A_670] {strides = array<i32>} : memref<128x128xf32, #tpu.memory_space<vmem>>, vector<16xf32>,
          tpu.vector_store %arg12[%swap3A_669, %swap3A_670], %mul3A_668 {strides = array<i32>} : memref<128x128xf32, #tpu.memory_space<vmem>>, vector<16xf32>,
          %get3A_672 = arith.index_cast %add3A_652 : i32 to index
          %get3A_673 = arith.constant 32 : index
          %get3A_674 = tpu.vector_load %arg11[%get3A_672, %get3A_673] {strides = array<i32>} : memref<128x128xbf16, #tpu.memory_space<vmem>>, vector<32xbf16>,
          %bitcast3A_675 = vector.bitcast %get3A_674 : vector<32xbf16> to vector<16xi32>
          %shift_left3A_676 = arith.constant 16 : i32
          %shift_left3A_677 = vector.broadcast %shift_left3A_676 : i32 to vector<16xi32>
          %shift_left3A_678 = arith.shli %bitcast3A_675, %shift_left3A_677 : vector<16xi32>
          %bitcast3A_679 = vector.bitcast %shift_left3A_678 : vector<16xi32> to vector<16xf32>
          %and3A_680 = vector.broadcast %scan3A_19 : i32 to vector<16xi32>
          %and3A_681 = arith.andi %bitcast3A_675, %and3A_680 : vector<16xi32>
          %bitcast3A_682 = vector.bitcast %and3A_681 : vector<16xi32> to vector<16xf32>
          %mul3A_683 = arith.mulf %bitcast3A_679, %gather3A_183 : vector<16xf32>
          %swap3A_684 = arith.index_cast %add3A_652 : i32 to index
          %swap3A_685 = arith.constant 32 : index
          %swap3A_686 = tpu.vector_load %arg12[%swap3A_684, %swap3A_685] {strides = array<i32>} : memref<128x128xf32, #tpu.memory_space<vmem>>, vector<16xf32>,
          tpu.vector_store %arg12[%swap3A_684, %swap3A_685], %mul3A_683 {strides = array<i32>} : memref<128x128xf32, #tpu.memory_space<vmem>>, vector<16xf32>,
          %mul3A_687 = arith.mulf %bitcast3A_682, %gather3A_183 : vector<16xf32>
          %swap3A_688 = arith.index_cast %add3A_652 : i32 to index
          %swap3A_689 = arith.constant 48 : index
          %swap3A_690 = tpu.vector_load %arg12[%swap3A_688, %swap3A_689] {strides = array<i32>} : memref<128x128xf32, #tpu.memory_space<vmem>>, vector<16xf32>,
          tpu.vector_store %arg12[%swap3A_688, %swap3A_689], %mul3A_687 {strides = array<i32>} : memref<128x128xf32, #tpu.memory_space<vmem>>, vector<16xf32>,
          %get3A_691 = arith.index_cast %add3A_652 : i32 to index
          %get3A_692 = arith.constant 64 : index
          %get3A_693 = tpu.vector_load %arg11[%get3A_691, %get3A_692] {strides = array<i32>} : memref<128x128xbf16, #tpu.memory_space<vmem>>, vector<32xbf16>,
          %bitcast3A_694 = vector.bitcast %get3A_693 : vector<32xbf16> to vector<16xi32>
          %shift_left3A_695 = arith.constant 16 : i32
          %shift_left3A_696 = vector.broadcast %shift_left3A_695 : i32 to vector<16xi32>
          %shift_left3A_697 = arith.shli %bitcast3A_694, %shift_left3A_696 : vector<16xi32>
          %bitcast3A_698 = vector.bitcast %shift_left3A_697 : vector<16xi32> to vector<16xf32>
          %and3A_699 = vector.broadcast %scan3A_19 : i32 to vector<16xi32>
          %and3A_700 = arith.andi %bitcast3A_694, %and3A_699 : vector<16xi32>
          %bitcast3A_701 = vector.bitcast %and3A_700 : vector<16xi32> to vector<16xf32>
          %mul3A_702 = arith.mulf %bitcast3A_698, %gather3A_183 : vector<16xf32>
          %swap3A_703 = arith.index_cast %add3A_652 : i32 to index
          %swap3A_704 = arith.constant 64 : index
          %swap3A_705 = tpu.vector_load %arg12[%swap3A_703, %swap3A_704] {strides = array<i32>} : memref<128x128xf32, #tpu.memory_space<vmem>>, vector<16xf32>,
          tpu.vector_store %arg12[%swap3A_703, %swap3A_704], %mul3A_702 {strides = array<i32>} : memref<128x128xf32, #tpu.memory_space<vmem>>, vector<16xf32>,
          %mul3A_706 = arith.mulf %bitcast3A_701, %gather3A_183 : vector<16xf32>
          %swap3A_707 = arith.index_cast %add3A_652 : i32 to index
          %swap3A_708 = arith.constant 80 : index
          %swap3A_709 = tpu.vector_load %arg12[%swap3A_707, %swap3A_708] {strides = array<i32>} : memref<128x128xf32, #tpu.memory_space<vmem>>, vector<16xf32>,
          tpu.vector_store %arg12[%swap3A_707, %swap3A_708], %mul3A_706 {strides = array<i32>} : memref<128x128xf32, #tpu.memory_space<vmem>>, vector<16xf32>,
          %get3A_710 = arith.index_cast %add3A_652 : i32 to index
          %get3A_711 = arith.constant 96 : index
          %get3A_712 = tpu.vector_load %arg11[%get3A_710, %get3A_711] {strides = array<i32>} : memref<128x128xbf16, #tpu.memory_space<vmem>>, vector<32xbf16>,
          %bitcast3A_713 = vector.bitcast %get3A_712 : vector<32xbf16> to vector<16xi32>
          %shift_left3A_714 = arith.constant 16 : i32
          %shift_left3A_715 = vector.broadcast %shift_left3A_714 : i32 to vector<16xi32>
          %shift_left3A_716 = arith.shli %bitcast3A_713, %shift_left3A_715 : vector<16xi32>
          %bitcast3A_717 = vector.bitcast %shift_left3A_716 : vector<16xi32> to vector<16xf32>
          %and3A_718 = vector.broadcast %scan3A_19 : i32 to vector<16xi32>
          %and3A_719 = arith.andi %bitcast3A_713, %and3A_718 : vector<16xi32>
          %bitcast3A_720 = vector.bitcast %and3A_719 : vector<16xi32> to vector<16xf32>
          %mul3A_721 = arith.mulf %bitcast3A_717, %gather3A_183 : vector<16xf32>
          %swap3A_722 = arith.index_cast %add3A_652 : i32 to index
          %swap3A_723 = arith.constant 96 : index
          %swap3A_724 = tpu.vector_load %arg12[%swap3A_722, %swap3A_723] {strides = array<i32>} : memref<128x128xf32, #tpu.memory_space<vmem>>, vector<16xf32>,
          tpu.vector_store %arg12[%swap3A_722, %swap3A_723], %mul3A_721 {strides = array<i32>} : memref<128x128xf32, #tpu.memory_space<vmem>>, vector<16xf32>,
          %mul3A_725 = arith.mulf %bitcast3A_720, %gather3A_183 : vector<16xf32>
          %swap3A_726 = arith.index_cast %add3A_652 : i32 to index
          %swap3A_727 = arith.constant 112 : index
          %swap3A_728 = tpu.vector_load %arg12[%swap3A_726, %swap3A_727] {strides = array<i32>} : memref<128x128xf32, #tpu.memory_space<vmem>>, vector<16xf32>,
          tpu.vector_store %arg12[%swap3A_726, %swap3A_727], %mul3A_725 {strides = array<i32>} : memref<128x128xf32, #tpu.memory_space<vmem>>, vector<16xf32>,
          %add3A_729 = arith.constant 7 : i32
          %add3A_730 = arith.addi %mul3A_156, %add3A_729 : i32
          %get3A_731 = arith.index_cast %add3A_730 : i32 to index
          %get3A_732 = arith.constant 0 : index
          %get3A_733 = tpu.vector_load %arg11[%get3A_731, %get3A_732] {strides = array<i32>} : memref<128x128xbf16, #tpu.memory_space<vmem>>, vector<32xbf16>,
          %bitcast3A_734 = vector.bitcast %get3A_733 : vector<32xbf16> to vector<16xi32>
          %shift_left3A_735 = arith.constant 16 : i32
          %shift_left3A_736 = vector.broadcast %shift_left3A_735 : i32 to vector<16xi32>
          %shift_left3A_737 = arith.shli %bitcast3A_734, %shift_left3A_736 : vector<16xi32>
          %bitcast3A_738 = vector.bitcast %shift_left3A_737 : vector<16xi32> to vector<16xf32>
          %and3A_739 = vector.broadcast %scan3A_19 : i32 to vector<16xi32>
          %and3A_740 = arith.andi %bitcast3A_734, %and3A_739 : vector<16xi32>
          %bitcast3A_741 = vector.bitcast %and3A_740 : vector<16xi32> to vector<16xf32>
          %mul3A_742 = arith.mulf %bitcast3A_738, %gather3A_187 : vector<16xf32>
          %swap3A_743 = arith.index_cast %add3A_730 : i32 to index
          %swap3A_744 = arith.constant 0 : index
          %swap3A_745 = tpu.vector_load %arg12[%swap3A_743, %swap3A_744] {strides = array<i32>} : memref<128x128xf32, #tpu.memory_space<vmem>>, vector<16xf32>,
          tpu.vector_store %arg12[%swap3A_743, %swap3A_744], %mul3A_742 {strides = array<i32>} : memref<128x128xf32, #tpu.memory_space<vmem>>, vector<16xf32>,
          %mul3A_746 = arith.mulf %bitcast3A_741, %gather3A_187 : vector<16xf32>
          %swap3A_747 = arith.index_cast %add3A_730 : i32 to index
          %swap3A_748 = arith.constant 16 : index
          %swap3A_749 = tpu.vector_load %arg12[%swap3A_747, %swap3A_748] {strides = array<i32>} : memref<128x128xf32, #tpu.memory_space<vmem>>, vector<16xf32>,
          tpu.vector_store %arg12[%swap3A_747, %swap3A_748], %mul3A_746 {strides = array<i32>} : memref<128x128xf32, #tpu.memory_space<vmem>>, vector<16xf32>,
          %get3A_750 = arith.index_cast %add3A_730 : i32 to index
          %get3A_751 = arith.constant 32 : index
          %get3A_752 = tpu.vector_load %arg11[%get3A_750, %get3A_751] {strides = array<i32>} : memref<128x128xbf16, #tpu.memory_space<vmem>>, vector<32xbf16>,
          %bitcast3A_753 = vector.bitcast %get3A_752 : vector<32xbf16> to vector<16xi32>
          %shift_left3A_754 = arith.constant 16 : i32
          %shift_left3A_755 = vector.broadcast %shift_left3A_754 : i32 to vector<16xi32>
          %shift_left3A_756 = arith.shli %bitcast3A_753, %shift_left3A_755 : vector<16xi32>
          %bitcast3A_757 = vector.bitcast %shift_left3A_756 : vector<16xi32> to vector<16xf32>
          %and3A_758 = vector.broadcast %scan3A_19 : i32 to vector<16xi32>
          %and3A_759 = arith.andi %bitcast3A_753, %and3A_758 : vector<16xi32>
          %bitcast3A_760 = vector.bitcast %and3A_759 : vector<16xi32> to vector<16xf32>
          %mul3A_761 = arith.mulf %bitcast3A_757, %gather3A_187 : vector<16xf32>
          %swap3A_762 = arith.index_cast %add3A_730 : i32 to index
          %swap3A_763 = arith.constant 32 : index
          %swap3A_764 = tpu.vector_load %arg12[%swap3A_762, %swap3A_763] {strides = array<i32>} : memref<128x128xf32, #tpu.memory_space<vmem>>, vector<16xf32>,
          tpu.vector_store %arg12[%swap3A_762, %swap3A_763], %mul3A_761 {strides = array<i32>} : memref<128x128xf32, #tpu.memory_space<vmem>>, vector<16xf32>,
          %mul3A_765 = arith.mulf %bitcast3A_760, %gather3A_187 : vector<16xf32>
          %swap3A_766 = arith.index_cast %add3A_730 : i32 to index
          %swap3A_767 = arith.constant 48 : index
          %swap3A_768 = tpu.vector_load %arg12[%swap3A_766, %swap3A_767] {strides = array<i32>} : memref<128x128xf32, #tpu.memory_space<vmem>>, vector<16xf32>,
          tpu.vector_store %arg12[%swap3A_766, %swap3A_767], %mul3A_765 {strides = array<i32>} : memref<128x128xf32, #tpu.memory_space<vmem>>, vector<16xf32>,
          %get3A_769 = arith.index_cast %add3A_730 : i32 to index
          %get3A_770 = arith.constant 64 : index
          %get3A_771 = tpu.vector_load %arg11[%get3A_769, %get3A_770] {strides = array<i32>} : memref<128x128xbf16, #tpu.memory_space<vmem>>, vector<32xbf16>,
          %bitcast3A_772 = vector.bitcast %get3A_771 : vector<32xbf16> to vector<16xi32>
          %shift_left3A_773 = arith.constant 16 : i32
          %shift_left3A_774 = vector.broadcast %shift_left3A_773 : i32 to vector<16xi32>
          %shift_left3A_775 = arith.shli %bitcast3A_772, %shift_left3A_774 : vector<16xi32>
          %bitcast3A_776 = vector.bitcast %shift_left3A_775 : vector<16xi32> to vector<16xf32>
          %and3A_777 = vector.broadcast %scan3A_19 : i32 to vector<16xi32>
          %and3A_778 = arith.andi %bitcast3A_772, %and3A_777 : vector<16xi32>
          %bitcast3A_779 = vector.bitcast %and3A_778 : vector<16xi32> to vector<16xf32>
          %mul3A_780 = arith.mulf %bitcast3A_776, %gather3A_187 : vector<16xf32>
          %swap3A_781 = arith.index_cast %add3A_730 : i32 to index
          %swap3A_782 = arith.constant 64 : index
          %swap3A_783 = tpu.vector_load %arg12[%swap3A_781, %swap3A_782] {strides = array<i32>} : memref<128x128xf32, #tpu.memory_space<vmem>>, vector<16xf32>,
          tpu.vector_store %arg12[%swap3A_781, %swap3A_782], %mul3A_780 {strides = array<i32>} : memref<128x128xf32, #tpu.memory_space<vmem>>, vector<16xf32>,
          %mul3A_784 = arith.mulf %bitcast3A_779, %gather3A_187 : vector<16xf32>
          %swap3A_785 = arith.index_cast %add3A_730 : i32 to index
          %swap3A_786 = arith.constant 80 : index
          %swap3A_787 = tpu.vector_load %arg12[%swap3A_785, %swap3A_786] {strides = array<i32>} : memref<128x128xf32, #tpu.memory_space<vmem>>, vector<16xf32>,
          tpu.vector_store %arg12[%swap3A_785, %swap3A_786], %mul3A_784 {strides = array<i32>} : memref<128x128xf32, #tpu.memory_space<vmem>>, vector<16xf32>,
          %get3A_788 = arith.index_cast %add3A_730 : i32 to index
          %get3A_789 = arith.constant 96 : index
          %get3A_790 = tpu.vector_load %arg11[%get3A_788, %get3A_789] {strides = array<i32>} : memref<128x128xbf16, #tpu.memory_space<vmem>>, vector<32xbf16>,
          %bitcast3A_791 = vector.bitcast %get3A_790 : vector<32xbf16> to vector<16xi32>
          %shift_left3A_792 = arith.constant 16 : i32
          %shift_left3A_793 = vector.broadcast %shift_left3A_792 : i32 to vector<16xi32>
          %shift_left3A_794 = arith.shli %bitcast3A_791, %shift_left3A_793 : vector<16xi32>
          %bitcast3A_795 = vector.bitcast %shift_left3A_794 : vector<16xi32> to vector<16xf32>
          %and3A_796 = vector.broadcast %scan3A_19 : i32 to vector<16xi32>
          %and3A_797 = arith.andi %bitcast3A_791, %and3A_796 : vector<16xi32>
          %bitcast3A_798 = vector.bitcast %and3A_797 : vector<16xi32> to vector<16xf32>
          %mul3A_799 = arith.mulf %bitcast3A_795, %gather3A_187 : vector<16xf32>
          %swap3A_800 = arith.index_cast %add3A_730 : i32 to index
          %swap3A_801 = arith.constant 96 : index
          %swap3A_802 = tpu.vector_load %arg12[%swap3A_800, %swap3A_801] {strides = array<i32>} : memref<128x128xf32, #tpu.memory_space<vmem>>, vector<16xf32>,
          tpu.vector_store %arg12[%swap3A_800, %swap3A_801], %mul3A_799 {strides = array<i32>} : memref<128x128xf32, #tpu.memory_space<vmem>>, vector<16xf32>,
          %mul3A_803 = arith.mulf %bitcast3A_798, %gather3A_187 : vector<16xf32>
          %swap3A_804 = arith.index_cast %add3A_730 : i32 to index
          %swap3A_805 = arith.constant 112 : index
          %swap3A_806 = tpu.vector_load %arg12[%swap3A_804, %swap3A_805] {strides = array<i32>} : memref<128x128xf32, #tpu.memory_space<vmem>>, vector<16xf32>,
          tpu.vector_store %arg12[%swap3A_804, %swap3A_805], %mul3A_803 {strides = array<i32>} : memref<128x128xf32, #tpu.memory_space<vmem>>, vector<16xf32>,
          %add3A_807 = arith.constant 8 : i32
          %add3A_808 = vector.broadcast %add3A_807 : i32 to vector<16xi32>
          %add3A_809 = arith.addi %scan3A_154, %add3A_808 : vector<16xi32>
          scf.yield %add3A_809 : vector<16xi32>
        }
        %scan3A_146 = arith.constant 16 : i32
        %dma_start3A_147 = arith.constant 0 : i32
        %dma_start3A_148 = tpu.memref_slice %arg8[%add3A_90, %dma_start3A_147] : memref<20x128xi32, #tpu.memory_space<vmem>> -> memref<1x128xi32, #tpu.memory_space<vmem>>
        %dma_start3A_149 = tpu.memref_squeeze %dma_start3A_148 : memref<1x128xi32, #tpu.memory_space<vmem>> -> memref<128xi32, #tpu.memory_space<vmem>>
        %dma_start3A_150 = arith.constant 0 : i32
        %dma_start3A_151 = arith.constant 0 : i32
        %dma_start3A_152 = tpu.memref_slice %arg13[%dma_start3A_150, %dma_start3A_151] : memref<10240x128xf32, #tpu.memory_space<vmem_shared>> -> memref<10240x128xf32, #tpu.memory_space<vmem_shared>>
        tpu.enqueue_indirect_dma source(%arg12 : memref<128x128xf32, #tpu.memory_space<vmem>>) target(%dma_start3A_152 : memref<10240x128xf32, #tpu.memory_space<vmem_shared>>) offsets(%dma_start3A_149 : memref<128xi32, #tpu.memory_space<vmem>>) semaphore(%arg16 : memref<!tpu.dma_semaphore, #tpu.memory_space<semaphore_mem>>) {add = true}
      }
      %scan3A_78 = arith.constant 10 : i32
      %dma_wait3A_79 = arith.constant 0 : i32
      %dma_wait3A_80 = arith.constant 0 : i32
      %dma_wait3A_81 = tpu.memref_slice %arg8[%dma_wait3A_79, %dma_wait3A_80] : memref<20x128xi32, #tpu.memory_space<vmem>> -> memref<1x128xi32, #tpu.memory_space<vmem>>
      %dma_wait3A_82 = tpu.memref_squeeze %dma_wait3A_81 : memref<1x128xi32, #tpu.memory_space<vmem>> -> memref<128xi32, #tpu.memory_space<vmem>>
      %dma_wait3A_83 = arith.constant 0 : i32
      %dma_wait3A_84 = arith.constant 0 : i32
      %dma_wait3A_85 = tpu.memref_slice %arg13[%dma_wait3A_83, %dma_wait3A_84] : memref<10240x128xf32, #tpu.memory_space<vmem_shared>> -> memref<10240x128xf32, #tpu.memory_space<vmem_shared>>
      tpu.wait_indirect_dma semaphore(%arg16 : memref<!tpu.dma_semaphore, #tpu.memory_space<semaphore_mem>>) src(%arg12 : memref<128x128xf32, #tpu.memory_space<vmem>>) dst(%dma_wait3A_85 : memref<10240x128xf32, #tpu.memory_space<vmem_shared>>)
    }
    %scan3A_24 = arith.constant 4 : i32
    %barrier3A_25 = arith.constant 0 : index
    tpu.barrier barrier_id(%barrier3A_25)
    %mul3A_26 = arith.constant 10240 : i32
    %mul3A_27 = arith.muli %arg0, %mul3A_26 : i32
    %add3A_28 = arith.addi %mul3A_27, %mul3A_2 : i32
    "tpu.region"() ({
      %run_scoped3A = tpu.sem_alloc : memref<!tpu.dma_semaphore, #tpu.memory_space<semaphore_mem>>
      %dma_start3A = arith.constant 0 : i32
      %dma_start3A_29 = tpu.memref_slice %arg6[%add3A_28, %dma_start3A] : memref<20480x128xf32, #tpu.memory_space<hbm>> -> memref<640x128xf32, #tpu.memory_space<hbm>>
      %dma_start3A_30 = arith.constant 0 : i32
      %dma_start3A_31 = tpu.memref_slice %arg13[%mul3A_2, %dma_start3A_30] : memref<10240x128xf32, #tpu.memory_space<vmem_shared>> -> memref<640x128xf32, #tpu.memory_space<vmem_shared>>
      tpu.enqueue_dma source(%dma_start3A_31 : memref<640x128xf32, #tpu.memory_space<vmem_shared>>) target(%dma_start3A_29 : memref<640x128xf32, #tpu.memory_space<hbm>>) target_semaphore(%run_scoped3A : memref<!tpu.dma_semaphore, #tpu.memory_space<semaphore_mem>>)
      %dma_wait3A = arith.constant 0 : i32
      %dma_wait3A_32 = tpu.memref_slice %arg6[%add3A_28, %dma_wait3A] : memref<20480x128xf32, #tpu.memory_space<hbm>> -> memref<640x128xf32, #tpu.memory_space<hbm>>
      %dma_wait3A_33 = arith.constant 0 : i32
      %dma_wait3A_34 = tpu.memref_slice %arg13[%mul3A_2, %dma_wait3A_33] : memref<10240x128xf32, #tpu.memory_space<vmem_shared>> -> memref<640x128xf32, #tpu.memory_space<vmem_shared>>
      tpu.wait_dma2 semaphore(%run_scoped3A : memref<!tpu.dma_semaphore, #tpu.memory_space<semaphore_mem>>) src(%dma_wait3A_34 : memref<640x128xf32, #tpu.memory_space<vmem_shared>>) dst(%dma_wait3A_32 : memref<640x128xf32, #tpu.memory_space<hbm>>)
      tpu.yield
    }) : () -> ()
    return
  }
}

#map = affine_map<(d0, d1) -> (0, 0)>
#map1 = affine_map<(d0, d1) -> (0, 0, 0)>
module attributes {stable_mosaic.version = 14 : i64} {
  func.func @body(%arg0: i32, %arg1: i32, %arg2: memref<10000x64xbf16, #tpu.memory_space<hbm>>, %arg3: memref<32x80x128xi32, #tpu.memory_space<hbm>>, %arg4: memref<32x80x128xi32, #tpu.memory_space<hbm>>, %arg5: memref<32x80x128xf32, #tpu.memory_space<hbm>>, %arg6: memref<20480x64xf32, #tpu.memory_space<hbm>>, %arg7: memref<80x128xi32, #tpu.memory_space<vmem>>, %arg8: memref<80x128xi32, #tpu.memory_space<vmem>>, %arg9: memref<80x128xf32, #tpu.memory_space<vmem>>, %arg10: memref<128x64xbf16, #tpu.memory_space<vmem>>, %arg11: memref<128x64xbf16, #tpu.memory_space<vmem>>, %arg12: memref<128x64xf32, #tpu.memory_space<vmem>>, %arg13: memref<10240x64xf32, #tpu.memory_space<vmem_shared>>, %arg14: memref<!tpu.dma_semaphore, #tpu.memory_space<semaphore_mem>>, %arg15: memref<!tpu.dma_semaphore, #tpu.memory_space<semaphore_mem>>, %arg16: memref<!tpu.dma_semaphore, #tpu.memory_space<semaphore_mem>>) attributes {dimension_semantics = [#tpu.dimension_semantics<core_parallel>, #tpu.dimension_semantics<subcore_parallel>], iteration_bounds = array<i64: 2, 16>, scalar_prefetch = 0 : i64, scratch_operands = 10 : i64, tpu.core_type = #tpu.core_type<sc_vector_subcore>, window_params = [{transform_indices = #map}, {transform_indices = #map1}, {transform_indices = #map1}, {transform_indices = #map1}, {transform_indices = #map}]} {
    %mul3A = arith.constant 16 : i32
    %mul3A_0 = arith.muli %arg0, %mul3A : i32
    %add3A = arith.addi %mul3A_0, %arg1 : i32
    %mul3A_1 = arith.constant 640 : i32
    %mul3A_2 = arith.muli %arg1, %mul3A_1 : i32
    %scan3A = arith.constant 0 : i32
    %scan3A_3 = arith.constant 0 : i32
    %scan3A_4 = arith.constant 128 : i32
    %scan3A_5 = arith.addi %scan3A_3, %scan3A_4 : i32
    %scan3A_6 = arith.constant 1 : i32
    scf.for %scan3A_82 = %scan3A_3 to %scan3A_5 step %scan3A_6  : i32 {
      %broadcast_in_dim3A = arith.constant 0.000000e+00 : f32
      %broadcast_in_dim3A_83 = vector.broadcast %broadcast_in_dim3A : f32 to vector<16xf32>
      %swap3A = arith.index_cast %scan3A_82 : i32 to index
      %swap3A_84 = arith.constant 0 : index
      %swap3A_85 = tpu.vector_load %arg12[%swap3A, %swap3A_84] {strides = array<i32>} : memref<128x64xf32, #tpu.memory_space<vmem>>, vector<16xf32>,
      tpu.vector_store %arg12[%swap3A, %swap3A_84], %broadcast_in_dim3A_83 {strides = array<i32>} : memref<128x64xf32, #tpu.memory_space<vmem>>, vector<16xf32>,
      %broadcast_in_dim3A_86 = arith.constant 0.000000e+00 : f32
      %broadcast_in_dim3A_87 = vector.broadcast %broadcast_in_dim3A_86 : f32 to vector<16xf32>
      %swap3A_88 = arith.index_cast %scan3A_82 : i32 to index
      %swap3A_89 = arith.constant 16 : index
      %swap3A_90 = tpu.vector_load %arg12[%swap3A_88, %swap3A_89] {strides = array<i32>} : memref<128x64xf32, #tpu.memory_space<vmem>>, vector<16xf32>,
      tpu.vector_store %arg12[%swap3A_88, %swap3A_89], %broadcast_in_dim3A_87 {strides = array<i32>} : memref<128x64xf32, #tpu.memory_space<vmem>>, vector<16xf32>,
      %broadcast_in_dim3A_91 = arith.constant 0.000000e+00 : f32
      %broadcast_in_dim3A_92 = vector.broadcast %broadcast_in_dim3A_91 : f32 to vector<16xf32>
      %swap3A_93 = arith.index_cast %scan3A_82 : i32 to index
      %swap3A_94 = arith.constant 32 : index
      %swap3A_95 = tpu.vector_load %arg12[%swap3A_93, %swap3A_94] {strides = array<i32>} : memref<128x64xf32, #tpu.memory_space<vmem>>, vector<16xf32>,
      tpu.vector_store %arg12[%swap3A_93, %swap3A_94], %broadcast_in_dim3A_92 {strides = array<i32>} : memref<128x64xf32, #tpu.memory_space<vmem>>, vector<16xf32>,
      %broadcast_in_dim3A_96 = arith.constant 0.000000e+00 : f32
      %broadcast_in_dim3A_97 = vector.broadcast %broadcast_in_dim3A_96 : f32 to vector<16xf32>
      %swap3A_98 = arith.index_cast %scan3A_82 : i32 to index
      %swap3A_99 = arith.constant 48 : index
      %swap3A_100 = tpu.vector_load %arg12[%swap3A_98, %swap3A_99] {strides = array<i32>} : memref<128x64xf32, #tpu.memory_space<vmem>>, vector<16xf32>,
      tpu.vector_store %arg12[%swap3A_98, %swap3A_99], %broadcast_in_dim3A_97 {strides = array<i32>} : memref<128x64xf32, #tpu.memory_space<vmem>>, vector<16xf32>,
    }
    %scan3A_7 = arith.constant 128 : i32
    %add3A_8 = arith.constant 0 : i32
    %add3A_9 = arith.addi %mul3A_2, %add3A_8 : i32
    "tpu.region"() ({
      %run_scoped3A = tpu.sem_alloc : memref<!tpu.dma_semaphore, #tpu.memory_space<semaphore_mem>>
      %dma_start3A_82 = arith.constant 0 : i32
      %dma_start3A_83 = tpu.memref_slice %arg13[%add3A_9, %dma_start3A_82] : memref<10240x64xf32, #tpu.memory_space<vmem_shared>> -> memref<128x64xf32, #tpu.memory_space<vmem_shared>>
      %dma_start3A_84 = arith.constant 0 : i32
      %dma_start3A_85 = tpu.memref_slice %arg13[%add3A_9, %dma_start3A_84] : memref<10240x64xf32, #tpu.memory_space<vmem_shared>> -> memref<128x64xf32, #tpu.memory_space<vmem_shared>>
      tpu.enqueue_dma source(%arg12 : memref<128x64xf32, #tpu.memory_space<vmem>>) target(%dma_start3A_85 : memref<128x64xf32, #tpu.memory_space<vmem_shared>>) target_semaphore(%run_scoped3A : memref<!tpu.dma_semaphore, #tpu.memory_space<semaphore_mem>>)
      %dma_wait3A_86 = arith.constant 0 : i32
      %dma_wait3A_87 = tpu.memref_slice %arg13[%add3A_9, %dma_wait3A_86] : memref<10240x64xf32, #tpu.memory_space<vmem_shared>> -> memref<128x64xf32, #tpu.memory_space<vmem_shared>>
      %dma_wait3A_88 = arith.constant 0 : i32
      %dma_wait3A_89 = tpu.memref_slice %arg13[%add3A_9, %dma_wait3A_88] : memref<10240x64xf32, #tpu.memory_space<vmem_shared>> -> memref<128x64xf32, #tpu.memory_space<vmem_shared>>
      tpu.wait_dma2 semaphore(%run_scoped3A : memref<!tpu.dma_semaphore, #tpu.memory_space<semaphore_mem>>) src(%arg12 : memref<128x64xf32, #tpu.memory_space<vmem>>) dst(%dma_wait3A_89 : memref<128x64xf32, #tpu.memory_space<vmem_shared>>)
      tpu.yield
    }) : () -> ()
    %add3A_10 = arith.constant 128 : i32
    %add3A_11 = arith.addi %mul3A_2, %add3A_10 : i32
    "tpu.region"() ({
      %run_scoped3A = tpu.sem_alloc : memref<!tpu.dma_semaphore, #tpu.memory_space<semaphore_mem>>
      %dma_start3A_82 = arith.constant 0 : i32
      %dma_start3A_83 = tpu.memref_slice %arg13[%add3A_11, %dma_start3A_82] : memref<10240x64xf32, #tpu.memory_space<vmem_shared>> -> memref<128x64xf32, #tpu.memory_space<vmem_shared>>
      %dma_start3A_84 = arith.constant 0 : i32
      %dma_start3A_85 = tpu.memref_slice %arg13[%add3A_11, %dma_start3A_84] : memref<10240x64xf32, #tpu.memory_space<vmem_shared>> -> memref<128x64xf32, #tpu.memory_space<vmem_shared>>
      tpu.enqueue_dma source(%arg12 : memref<128x64xf32, #tpu.memory_space<vmem>>) target(%dma_start3A_85 : memref<128x64xf32, #tpu.memory_space<vmem_shared>>) target_semaphore(%run_scoped3A : memref<!tpu.dma_semaphore, #tpu.memory_space<semaphore_mem>>)
      %dma_wait3A_86 = arith.constant 0 : i32
      %dma_wait3A_87 = tpu.memref_slice %arg13[%add3A_11, %dma_wait3A_86] : memref<10240x64xf32, #tpu.memory_space<vmem_shared>> -> memref<128x64xf32, #tpu.memory_space<vmem_shared>>
      %dma_wait3A_88 = arith.constant 0 : i32
      %dma_wait3A_89 = tpu.memref_slice %arg13[%add3A_11, %dma_wait3A_88] : memref<10240x64xf32, #tpu.memory_space<vmem_shared>> -> memref<128x64xf32, #tpu.memory_space<vmem_shared>>
      tpu.wait_dma2 semaphore(%run_scoped3A : memref<!tpu.dma_semaphore, #tpu.memory_space<semaphore_mem>>) src(%arg12 : memref<128x64xf32, #tpu.memory_space<vmem>>) dst(%dma_wait3A_89 : memref<128x64xf32, #tpu.memory_space<vmem_shared>>)
      tpu.yield
    }) : () -> ()
    %add3A_12 = arith.constant 256 : i32
    %add3A_13 = arith.addi %mul3A_2, %add3A_12 : i32
    "tpu.region"() ({
      %run_scoped3A = tpu.sem_alloc : memref<!tpu.dma_semaphore, #tpu.memory_space<semaphore_mem>>
      %dma_start3A_82 = arith.constant 0 : i32
      %dma_start3A_83 = tpu.memref_slice %arg13[%add3A_13, %dma_start3A_82] : memref<10240x64xf32, #tpu.memory_space<vmem_shared>> -> memref<128x64xf32, #tpu.memory_space<vmem_shared>>
      %dma_start3A_84 = arith.constant 0 : i32
      %dma_start3A_85 = tpu.memref_slice %arg13[%add3A_13, %dma_start3A_84] : memref<10240x64xf32, #tpu.memory_space<vmem_shared>> -> memref<128x64xf32, #tpu.memory_space<vmem_shared>>
      tpu.enqueue_dma source(%arg12 : memref<128x64xf32, #tpu.memory_space<vmem>>) target(%dma_start3A_85 : memref<128x64xf32, #tpu.memory_space<vmem_shared>>) target_semaphore(%run_scoped3A : memref<!tpu.dma_semaphore, #tpu.memory_space<semaphore_mem>>)
      %dma_wait3A_86 = arith.constant 0 : i32
      %dma_wait3A_87 = tpu.memref_slice %arg13[%add3A_13, %dma_wait3A_86] : memref<10240x64xf32, #tpu.memory_space<vmem_shared>> -> memref<128x64xf32, #tpu.memory_space<vmem_shared>>
      %dma_wait3A_88 = arith.constant 0 : i32
      %dma_wait3A_89 = tpu.memref_slice %arg13[%add3A_13, %dma_wait3A_88] : memref<10240x64xf32, #tpu.memory_space<vmem_shared>> -> memref<128x64xf32, #tpu.memory_space<vmem_shared>>
      tpu.wait_dma2 semaphore(%run_scoped3A : memref<!tpu.dma_semaphore, #tpu.memory_space<semaphore_mem>>) src(%arg12 : memref<128x64xf32, #tpu.memory_space<vmem>>) dst(%dma_wait3A_89 : memref<128x64xf32, #tpu.memory_space<vmem_shared>>)
      tpu.yield
    }) : () -> ()
    %add3A_14 = arith.constant 384 : i32
    %add3A_15 = arith.addi %mul3A_2, %add3A_14 : i32
    "tpu.region"() ({
      %run_scoped3A = tpu.sem_alloc : memref<!tpu.dma_semaphore, #tpu.memory_space<semaphore_mem>>
      %dma_start3A_82 = arith.constant 0 : i32
      %dma_start3A_83 = tpu.memref_slice %arg13[%add3A_15, %dma_start3A_82] : memref<10240x64xf32, #tpu.memory_space<vmem_shared>> -> memref<128x64xf32, #tpu.memory_space<vmem_shared>>
      %dma_start3A_84 = arith.constant 0 : i32
      %dma_start3A_85 = tpu.memref_slice %arg13[%add3A_15, %dma_start3A_84] : memref<10240x64xf32, #tpu.memory_space<vmem_shared>> -> memref<128x64xf32, #tpu.memory_space<vmem_shared>>
      tpu.enqueue_dma source(%arg12 : memref<128x64xf32, #tpu.memory_space<vmem>>) target(%dma_start3A_85 : memref<128x64xf32, #tpu.memory_space<vmem_shared>>) target_semaphore(%run_scoped3A : memref<!tpu.dma_semaphore, #tpu.memory_space<semaphore_mem>>)
      %dma_wait3A_86 = arith.constant 0 : i32
      %dma_wait3A_87 = tpu.memref_slice %arg13[%add3A_15, %dma_wait3A_86] : memref<10240x64xf32, #tpu.memory_space<vmem_shared>> -> memref<128x64xf32, #tpu.memory_space<vmem_shared>>
      %dma_wait3A_88 = arith.constant 0 : i32
      %dma_wait3A_89 = tpu.memref_slice %arg13[%add3A_15, %dma_wait3A_88] : memref<10240x64xf32, #tpu.memory_space<vmem_shared>> -> memref<128x64xf32, #tpu.memory_space<vmem_shared>>
      tpu.wait_dma2 semaphore(%run_scoped3A : memref<!tpu.dma_semaphore, #tpu.memory_space<semaphore_mem>>) src(%arg12 : memref<128x64xf32, #tpu.memory_space<vmem>>) dst(%dma_wait3A_89 : memref<128x64xf32, #tpu.memory_space<vmem_shared>>)
      tpu.yield
    }) : () -> ()
    %add3A_16 = arith.constant 512 : i32
    %add3A_17 = arith.addi %mul3A_2, %add3A_16 : i32
    "tpu.region"() ({
      %run_scoped3A = tpu.sem_alloc : memref<!tpu.dma_semaphore, #tpu.memory_space<semaphore_mem>>
      %dma_start3A_82 = arith.constant 0 : i32
      %dma_start3A_83 = tpu.memref_slice %arg13[%add3A_17, %dma_start3A_82] : memref<10240x64xf32, #tpu.memory_space<vmem_shared>> -> memref<128x64xf32, #tpu.memory_space<vmem_shared>>
      %dma_start3A_84 = arith.constant 0 : i32
      %dma_start3A_85 = tpu.memref_slice %arg13[%add3A_17, %dma_start3A_84] : memref<10240x64xf32, #tpu.memory_space<vmem_shared>> -> memref<128x64xf32, #tpu.memory_space<vmem_shared>>
      tpu.enqueue_dma source(%arg12 : memref<128x64xf32, #tpu.memory_space<vmem>>) target(%dma_start3A_85 : memref<128x64xf32, #tpu.memory_space<vmem_shared>>) target_semaphore(%run_scoped3A : memref<!tpu.dma_semaphore, #tpu.memory_space<semaphore_mem>>)
      %dma_wait3A_86 = arith.constant 0 : i32
      %dma_wait3A_87 = tpu.memref_slice %arg13[%add3A_17, %dma_wait3A_86] : memref<10240x64xf32, #tpu.memory_space<vmem_shared>> -> memref<128x64xf32, #tpu.memory_space<vmem_shared>>
      %dma_wait3A_88 = arith.constant 0 : i32
      %dma_wait3A_89 = tpu.memref_slice %arg13[%add3A_17, %dma_wait3A_88] : memref<10240x64xf32, #tpu.memory_space<vmem_shared>> -> memref<128x64xf32, #tpu.memory_space<vmem_shared>>
      tpu.wait_dma2 semaphore(%run_scoped3A : memref<!tpu.dma_semaphore, #tpu.memory_space<semaphore_mem>>) src(%arg12 : memref<128x64xf32, #tpu.memory_space<vmem>>) dst(%dma_wait3A_89 : memref<128x64xf32, #tpu.memory_space<vmem_shared>>)
      tpu.yield
    }) : () -> ()
    %barrier3A = arith.constant 0 : index
    tpu.barrier barrier_id(%barrier3A)
    %scan3A_18 = arith.constant 0 : i32
    %scan3A_19 = arith.constant -65536 : i32
    %scan3A_20 = arith.constant 0 : i32
    %mul3A_21 = arith.constant 80 : i32
    %mul3A_22 = arith.muli %scan3A_20, %mul3A_21 : i32
    %dma_start3A = arith.constant 0 : i32
    %dma_start3A_23 = tpu.memref_slice %arg3[%add3A, %mul3A_22, %dma_start3A] : memref<32x80x128xi32, #tpu.memory_space<hbm>> -> memref<1x80x128xi32, #tpu.memory_space<hbm>>
    %dma_start3A_24 = tpu.memref_squeeze %dma_start3A_23 : memref<1x80x128xi32, #tpu.memory_space<hbm>> -> memref<80x128xi32, #tpu.memory_space<hbm>>
    %dma_start3A_25 = arith.constant 0 : i32
    %dma_start3A_26 = tpu.memref_slice %arg3[%add3A, %mul3A_22, %dma_start3A_25] : memref<32x80x128xi32, #tpu.memory_space<hbm>> -> memref<1x80x128xi32, #tpu.memory_space<hbm>>
    %dma_start3A_27 = tpu.memref_squeeze %dma_start3A_26 : memref<1x80x128xi32, #tpu.memory_space<hbm>> -> memref<80x128xi32, #tpu.memory_space<hbm>>
    tpu.enqueue_dma source(%dma_start3A_27 : memref<80x128xi32, #tpu.memory_space<hbm>>) target(%arg7 : memref<80x128xi32, #tpu.memory_space<vmem>>) target_semaphore(%arg14 : memref<!tpu.dma_semaphore, #tpu.memory_space<semaphore_mem>>)
    %dma_start3A_28 = arith.constant 0 : i32
    %dma_start3A_29 = tpu.memref_slice %arg4[%add3A, %mul3A_22, %dma_start3A_28] : memref<32x80x128xi32, #tpu.memory_space<hbm>> -> memref<1x80x128xi32, #tpu.memory_space<hbm>>
    %dma_start3A_30 = tpu.memref_squeeze %dma_start3A_29 : memref<1x80x128xi32, #tpu.memory_space<hbm>> -> memref<80x128xi32, #tpu.memory_space<hbm>>
    %dma_start3A_31 = arith.constant 0 : i32
    %dma_start3A_32 = tpu.memref_slice %arg4[%add3A, %mul3A_22, %dma_start3A_31] : memref<32x80x128xi32, #tpu.memory_space<hbm>> -> memref<1x80x128xi32, #tpu.memory_space<hbm>>
    %dma_start3A_33 = tpu.memref_squeeze %dma_start3A_32 : memref<1x80x128xi32, #tpu.memory_space<hbm>> -> memref<80x128xi32, #tpu.memory_space<hbm>>
    tpu.enqueue_dma source(%dma_start3A_33 : memref<80x128xi32, #tpu.memory_space<hbm>>) target(%arg8 : memref<80x128xi32, #tpu.memory_space<vmem>>) target_semaphore(%arg14 : memref<!tpu.dma_semaphore, #tpu.memory_space<semaphore_mem>>)
    %dma_start3A_34 = arith.constant 0 : i32
    %dma_start3A_35 = tpu.memref_slice %arg5[%add3A, %mul3A_22, %dma_start3A_34] : memref<32x80x128xf32, #tpu.memory_space<hbm>> -> memref<1x80x128xf32, #tpu.memory_space<hbm>>
    %dma_start3A_36 = tpu.memref_squeeze %dma_start3A_35 : memref<1x80x128xf32, #tpu.memory_space<hbm>> -> memref<80x128xf32, #tpu.memory_space<hbm>>
    %dma_start3A_37 = arith.constant 0 : i32
    %dma_start3A_38 = tpu.memref_slice %arg5[%add3A, %mul3A_22, %dma_start3A_37] : memref<32x80x128xf32, #tpu.memory_space<hbm>> -> memref<1x80x128xf32, #tpu.memory_space<hbm>>
    %dma_start3A_39 = tpu.memref_squeeze %dma_start3A_38 : memref<1x80x128xf32, #tpu.memory_space<hbm>> -> memref<80x128xf32, #tpu.memory_space<hbm>>
    tpu.enqueue_dma source(%dma_start3A_39 : memref<80x128xf32, #tpu.memory_space<hbm>>) target(%arg9 : memref<80x128xf32, #tpu.memory_space<vmem>>) target_semaphore(%arg14 : memref<!tpu.dma_semaphore, #tpu.memory_space<semaphore_mem>>)
    %dma_wait3A = arith.constant 0 : i32
    %dma_wait3A_40 = tpu.memref_slice %arg3[%add3A, %mul3A_22, %dma_wait3A] : memref<32x80x128xi32, #tpu.memory_space<hbm>> -> memref<1x80x128xi32, #tpu.memory_space<hbm>>
    %dma_wait3A_41 = tpu.memref_squeeze %dma_wait3A_40 : memref<1x80x128xi32, #tpu.memory_space<hbm>> -> memref<80x128xi32, #tpu.memory_space<hbm>>
    %dma_wait3A_42 = arith.constant 0 : i32
    %dma_wait3A_43 = tpu.memref_slice %arg3[%add3A, %mul3A_22, %dma_wait3A_42] : memref<32x80x128xi32, #tpu.memory_space<hbm>> -> memref<1x80x128xi32, #tpu.memory_space<hbm>>
    %dma_wait3A_44 = tpu.memref_squeeze %dma_wait3A_43 : memref<1x80x128xi32, #tpu.memory_space<hbm>> -> memref<80x128xi32, #tpu.memory_space<hbm>>
    tpu.wait_dma2 semaphore(%arg14 : memref<!tpu.dma_semaphore, #tpu.memory_space<semaphore_mem>>) src(%dma_wait3A_44 : memref<80x128xi32, #tpu.memory_space<hbm>>) dst(%arg7 : memref<80x128xi32, #tpu.memory_space<vmem>>)
    %dma_wait3A_45 = arith.constant 0 : i32
    %dma_wait3A_46 = tpu.memref_slice %arg4[%add3A, %mul3A_22, %dma_wait3A_45] : memref<32x80x128xi32, #tpu.memory_space<hbm>> -> memref<1x80x128xi32, #tpu.memory_space<hbm>>
    %dma_wait3A_47 = tpu.memref_squeeze %dma_wait3A_46 : memref<1x80x128xi32, #tpu.memory_space<hbm>> -> memref<80x128xi32, #tpu.memory_space<hbm>>
    %dma_wait3A_48 = arith.constant 0 : i32
    %dma_wait3A_49 = tpu.memref_slice %arg4[%add3A, %mul3A_22, %dma_wait3A_48] : memref<32x80x128xi32, #tpu.memory_space<hbm>> -> memref<1x80x128xi32, #tpu.memory_space<hbm>>
    %dma_wait3A_50 = tpu.memref_squeeze %dma_wait3A_49 : memref<1x80x128xi32, #tpu.memory_space<hbm>> -> memref<80x128xi32, #tpu.memory_space<hbm>>
    tpu.wait_dma2 semaphore(%arg14 : memref<!tpu.dma_semaphore, #tpu.memory_space<semaphore_mem>>) src(%dma_wait3A_50 : memref<80x128xi32, #tpu.memory_space<hbm>>) dst(%arg8 : memref<80x128xi32, #tpu.memory_space<vmem>>)
    %dma_wait3A_51 = arith.constant 0 : i32
    %dma_wait3A_52 = tpu.memref_slice %arg5[%add3A, %mul3A_22, %dma_wait3A_51] : memref<32x80x128xf32, #tpu.memory_space<hbm>> -> memref<1x80x128xf32, #tpu.memory_space<hbm>>
    %dma_wait3A_53 = tpu.memref_squeeze %dma_wait3A_52 : memref<1x80x128xf32, #tpu.memory_space<hbm>> -> memref<80x128xf32, #tpu.memory_space<hbm>>
    %dma_wait3A_54 = arith.constant 0 : i32
    %dma_wait3A_55 = tpu.memref_slice %arg5[%add3A, %mul3A_22, %dma_wait3A_54] : memref<32x80x128xf32, #tpu.memory_space<hbm>> -> memref<1x80x128xf32, #tpu.memory_space<hbm>>
    %dma_wait3A_56 = tpu.memref_squeeze %dma_wait3A_55 : memref<1x80x128xf32, #tpu.memory_space<hbm>> -> memref<80x128xf32, #tpu.memory_space<hbm>>
    tpu.wait_dma2 semaphore(%arg14 : memref<!tpu.dma_semaphore, #tpu.memory_space<semaphore_mem>>) src(%dma_wait3A_56 : memref<80x128xf32, #tpu.memory_space<hbm>>) dst(%arg9 : memref<80x128xf32, #tpu.memory_space<vmem>>)
    %dma_start3A_57 = arith.constant 0 : i32
    %dma_start3A_58 = arith.constant 0 : i32
    %dma_start3A_59 = tpu.memref_slice %arg7[%dma_start3A_57, %dma_start3A_58] : memref<80x128xi32, #tpu.memory_space<vmem>> -> memref<1x128xi32, #tpu.memory_space<vmem>>
    %dma_start3A_60 = tpu.memref_squeeze %dma_start3A_59 : memref<1x128xi32, #tpu.memory_space<vmem>> -> memref<128xi32, #tpu.memory_space<vmem>>
    %dma_start3A_61 = arith.constant 0 : i32
    %dma_start3A_62 = arith.constant 0 : i32
    %dma_start3A_63 = tpu.memref_slice %arg2[%dma_start3A_61, %dma_start3A_62] : memref<10000x64xbf16, #tpu.memory_space<hbm>> -> memref<10000x64xbf16, #tpu.memory_space<hbm>>
    tpu.enqueue_indirect_dma source(%dma_start3A_63 : memref<10000x64xbf16, #tpu.memory_space<hbm>>) target(%arg10 : memref<128x64xbf16, #tpu.memory_space<vmem>>) offsets(%dma_start3A_60 : memref<128xi32, #tpu.memory_space<vmem>>) semaphore(%arg14 : memref<!tpu.dma_semaphore, #tpu.memory_space<semaphore_mem>>)
    %scan3A_64 = arith.constant 0 : i32
    %scan3A_65 = arith.constant 0 : i32
    %scan3A_66 = arith.constant 40 : i32
    %scan3A_67 = arith.addi %scan3A_65, %scan3A_66 : i32
    %scan3A_68 = arith.constant 1 : i32
    scf.for %scan3A_82 = %scan3A_65 to %scan3A_67 step %scan3A_68  : i32 {
      %mul3A_83 = arith.constant 2 : i32
      %mul3A_84 = arith.muli %scan3A_82, %mul3A_83 : i32
      %add3A_85 = arith.constant 1 : i32
      %add3A_86 = arith.addi %mul3A_84, %add3A_85 : i32
      %dma_wait3A_87 = arith.constant 0 : i32
      %dma_wait3A_88 = arith.constant 0 : i32
      %dma_wait3A_89 = tpu.memref_slice %arg7[%dma_wait3A_87, %dma_wait3A_88] : memref<80x128xi32, #tpu.memory_space<vmem>> -> memref<1x128xi32, #tpu.memory_space<vmem>>
      %dma_wait3A_90 = tpu.memref_squeeze %dma_wait3A_89 : memref<1x128xi32, #tpu.memory_space<vmem>> -> memref<128xi32, #tpu.memory_space<vmem>>
      %dma_wait3A_91 = arith.constant 0 : i32
      %dma_wait3A_92 = arith.constant 0 : i32
      %dma_wait3A_93 = tpu.memref_slice %arg2[%dma_wait3A_91, %dma_wait3A_92] : memref<10000x64xbf16, #tpu.memory_space<hbm>> -> memref<10000x64xbf16, #tpu.memory_space<hbm>>
      tpu.wait_indirect_dma semaphore(%arg14 : memref<!tpu.dma_semaphore, #tpu.memory_space<semaphore_mem>>) src(%dma_wait3A_93 : memref<10000x64xbf16, #tpu.memory_space<hbm>>) dst(%arg10 : memref<128x64xbf16, #tpu.memory_space<vmem>>)
      %gt3A = arith.constant 0 : i32
      %gt3A_94 = arith.cmpi sgt, %scan3A_82, %gt3A : i32
      %convert_element_type3A = arith.extui %gt3A_94 : i1 to i32
      %cond3A = arith.constant 0 : i32
      %cond3A_95 = arith.cmpi ne, %convert_element_type3A, %cond3A : i32
      scf.if %cond3A_95 {
        %dma_wait3A_149 = arith.constant 0 : i32
        %dma_wait3A_150 = arith.constant 0 : i32
        %dma_wait3A_151 = tpu.memref_slice %arg8[%dma_wait3A_149, %dma_wait3A_150] : memref<80x128xi32, #tpu.memory_space<vmem>> -> memref<1x128xi32, #tpu.memory_space<vmem>>
        %dma_wait3A_152 = tpu.memref_squeeze %dma_wait3A_151 : memref<1x128xi32, #tpu.memory_space<vmem>> -> memref<128xi32, #tpu.memory_space<vmem>>
        %dma_wait3A_153 = arith.constant 0 : i32
        %dma_wait3A_154 = arith.constant 0 : i32
        %dma_wait3A_155 = tpu.memref_slice %arg13[%dma_wait3A_153, %dma_wait3A_154] : memref<10240x64xf32, #tpu.memory_space<vmem_shared>> -> memref<10240x64xf32, #tpu.memory_space<vmem_shared>>
        tpu.wait_indirect_dma semaphore(%arg16 : memref<!tpu.dma_semaphore, #tpu.memory_space<semaphore_mem>>) src(%arg12 : memref<128x64xf32, #tpu.memory_space<vmem>>) dst(%dma_wait3A_155 : memref<10240x64xf32, #tpu.memory_space<vmem_shared>>)
      } else {
      }
      %dma_start3A_96 = arith.constant 0 : i32
      %dma_start3A_97 = tpu.memref_slice %arg7[%add3A_86, %dma_start3A_96] : memref<80x128xi32, #tpu.memory_space<vmem>> -> memref<1x128xi32, #tpu.memory_space<vmem>>
      %dma_start3A_98 = tpu.memref_squeeze %dma_start3A_97 : memref<1x128xi32, #tpu.memory_space<vmem>> -> memref<128xi32, #tpu.memory_space<vmem>>
      %dma_start3A_99 = arith.constant 0 : i32
      %dma_start3A_100 = arith.constant 0 : i32
      %dma_start3A_101 = tpu.memref_slice %arg2[%dma_start3A_99, %dma_start3A_100] : memref<10000x64xbf16, #tpu.memory_space<hbm>> -> memref<10000x64xbf16, #tpu.memory_space<hbm>>
      tpu.enqueue_indirect_dma source(%dma_start3A_101 : memref<10000x64xbf16, #tpu.memory_space<hbm>>) target(%arg11 : memref<128x64xbf16, #tpu.memory_space<vmem>>) offsets(%dma_start3A_98 : memref<128xi32, #tpu.memory_space<vmem>>) semaphore(%arg15 : memref<!tpu.dma_semaphore, #tpu.memory_space<semaphore_mem>>)
      %broadcast_in_dim3A = vector.broadcast %mul3A_84 : i32 to vector<16xi32>
      %broadcast_in_dim3A_102 = arith.constant 0 : i32
      %broadcast_in_dim3A_103 = vector.broadcast %broadcast_in_dim3A_102 : i32 to vector<16xi32>
      %scan3A_104 = arith.constant 0 : i32
      %scan3A_105 = arith.constant 16 : i32
      %scan3A_106 = arith.addi %scan3A_104, %scan3A_105 : i32
      %scan3A_107 = arith.constant 1 : i32
      %scan3A_108 = scf.for %scan3A_149 = %scan3A_104 to %scan3A_106 step %scan3A_107 iter_args(%scan3A_150 = %broadcast_in_dim3A_103) -> (vector<16xi32>)  : i32 {
        %mul3A_151 = arith.constant 8 : i32
        %mul3A_152 = arith.muli %scan3A_149, %mul3A_151 : i32
        %add3A_153 = arith.constant 0 : i32
        %add3A_154 = vector.broadcast %add3A_153 : i32 to vector<16xi32>
        %add3A_155 = arith.addi %scan3A_150, %add3A_154 : vector<16xi32>
        %gather3A = tpu.vector_load_idx %arg9[%broadcast_in_dim3A, %add3A_155] : memref<80x128xf32, #tpu.memory_space<vmem>>[vector<16xi32>, vector<16xi32>], vector<16xf32>,
        %add3A_156 = arith.constant 1 : i32
        %add3A_157 = vector.broadcast %add3A_156 : i32 to vector<16xi32>
        %add3A_158 = arith.addi %scan3A_150, %add3A_157 : vector<16xi32>
        %gather3A_159 = tpu.vector_load_idx %arg9[%broadcast_in_dim3A, %add3A_158] : memref<80x128xf32, #tpu.memory_space<vmem>>[vector<16xi32>, vector<16xi32>], vector<16xf32>,
        %add3A_160 = arith.constant 2 : i32
        %add3A_161 = vector.broadcast %add3A_160 : i32 to vector<16xi32>
        %add3A_162 = arith.addi %scan3A_150, %add3A_161 : vector<16xi32>
        %gather3A_163 = tpu.vector_load_idx %arg9[%broadcast_in_dim3A, %add3A_162] : memref<80x128xf32, #tpu.memory_space<vmem>>[vector<16xi32>, vector<16xi32>], vector<16xf32>,
        %add3A_164 = arith.constant 3 : i32
        %add3A_165 = vector.broadcast %add3A_164 : i32 to vector<16xi32>
        %add3A_166 = arith.addi %scan3A_150, %add3A_165 : vector<16xi32>
        %gather3A_167 = tpu.vector_load_idx %arg9[%broadcast_in_dim3A, %add3A_166] : memref<80x128xf32, #tpu.memory_space<vmem>>[vector<16xi32>, vector<16xi32>], vector<16xf32>,
        %add3A_168 = arith.constant 4 : i32
        %add3A_169 = vector.broadcast %add3A_168 : i32 to vector<16xi32>
        %add3A_170 = arith.addi %scan3A_150, %add3A_169 : vector<16xi32>
        %gather3A_171 = tpu.vector_load_idx %arg9[%broadcast_in_dim3A, %add3A_170] : memref<80x128xf32, #tpu.memory_space<vmem>>[vector<16xi32>, vector<16xi32>], vector<16xf32>,
        %add3A_172 = arith.constant 5 : i32
        %add3A_173 = vector.broadcast %add3A_172 : i32 to vector<16xi32>
        %add3A_174 = arith.addi %scan3A_150, %add3A_173 : vector<16xi32>
        %gather3A_175 = tpu.vector_load_idx %arg9[%broadcast_in_dim3A, %add3A_174] : memref<80x128xf32, #tpu.memory_space<vmem>>[vector<16xi32>, vector<16xi32>], vector<16xf32>,
        %add3A_176 = arith.constant 6 : i32
        %add3A_177 = vector.broadcast %add3A_176 : i32 to vector<16xi32>
        %add3A_178 = arith.addi %scan3A_150, %add3A_177 : vector<16xi32>
        %gather3A_179 = tpu.vector_load_idx %arg9[%broadcast_in_dim3A, %add3A_178] : memref<80x128xf32, #tpu.memory_space<vmem>>[vector<16xi32>, vector<16xi32>], vector<16xf32>,
        %add3A_180 = arith.constant 7 : i32
        %add3A_181 = vector.broadcast %add3A_180 : i32 to vector<16xi32>
        %add3A_182 = arith.addi %scan3A_150, %add3A_181 : vector<16xi32>
        %gather3A_183 = tpu.vector_load_idx %arg9[%broadcast_in_dim3A, %add3A_182] : memref<80x128xf32, #tpu.memory_space<vmem>>[vector<16xi32>, vector<16xi32>], vector<16xf32>,
        %add3A_184 = arith.constant 0 : i32
        %add3A_185 = arith.addi %mul3A_152, %add3A_184 : i32
        %get3A = arith.index_cast %add3A_185 : i32 to index
        %get3A_186 = arith.constant 0 : index
        %get3A_187 = tpu.vector_load %arg10[%get3A, %get3A_186] {strides = array<i32>} : memref<128x64xbf16, #tpu.memory_space<vmem>>, vector<32xbf16>,
        %bitcast3A = vector.bitcast %get3A_187 : vector<32xbf16> to vector<16xi32>
        %shift_left3A = arith.constant 16 : i32
        %shift_left3A_188 = vector.broadcast %shift_left3A : i32 to vector<16xi32>
        %shift_left3A_189 = arith.shli %bitcast3A, %shift_left3A_188 : vector<16xi32>
        %bitcast3A_190 = vector.bitcast %shift_left3A_189 : vector<16xi32> to vector<16xf32>
        %and3A = vector.broadcast %scan3A_19 : i32 to vector<16xi32>
        %and3A_191 = arith.andi %bitcast3A, %and3A : vector<16xi32>
        %bitcast3A_192 = vector.bitcast %and3A_191 : vector<16xi32> to vector<16xf32>
        %mul3A_193 = arith.mulf %bitcast3A_190, %gather3A : vector<16xf32>
        %swap3A = arith.index_cast %add3A_185 : i32 to index
        %swap3A_194 = arith.constant 0 : index
        %swap3A_195 = tpu.vector_load %arg12[%swap3A, %swap3A_194] {strides = array<i32>} : memref<128x64xf32, #tpu.memory_space<vmem>>, vector<16xf32>,
        tpu.vector_store %arg12[%swap3A, %swap3A_194], %mul3A_193 {strides = array<i32>} : memref<128x64xf32, #tpu.memory_space<vmem>>, vector<16xf32>,
        %mul3A_196 = arith.mulf %bitcast3A_192, %gather3A : vector<16xf32>
        %swap3A_197 = arith.index_cast %add3A_185 : i32 to index
        %swap3A_198 = arith.constant 16 : index
        %swap3A_199 = tpu.vector_load %arg12[%swap3A_197, %swap3A_198] {strides = array<i32>} : memref<128x64xf32, #tpu.memory_space<vmem>>, vector<16xf32>,
        tpu.vector_store %arg12[%swap3A_197, %swap3A_198], %mul3A_196 {strides = array<i32>} : memref<128x64xf32, #tpu.memory_space<vmem>>, vector<16xf32>,
        %get3A_200 = arith.index_cast %add3A_185 : i32 to index
        %get3A_201 = arith.constant 32 : index
        %get3A_202 = tpu.vector_load %arg10[%get3A_200, %get3A_201] {strides = array<i32>} : memref<128x64xbf16, #tpu.memory_space<vmem>>, vector<32xbf16>,
        %bitcast3A_203 = vector.bitcast %get3A_202 : vector<32xbf16> to vector<16xi32>
        %shift_left3A_204 = arith.constant 16 : i32
        %shift_left3A_205 = vector.broadcast %shift_left3A_204 : i32 to vector<16xi32>
        %shift_left3A_206 = arith.shli %bitcast3A_203, %shift_left3A_205 : vector<16xi32>
        %bitcast3A_207 = vector.bitcast %shift_left3A_206 : vector<16xi32> to vector<16xf32>
        %and3A_208 = vector.broadcast %scan3A_19 : i32 to vector<16xi32>
        %and3A_209 = arith.andi %bitcast3A_203, %and3A_208 : vector<16xi32>
        %bitcast3A_210 = vector.bitcast %and3A_209 : vector<16xi32> to vector<16xf32>
        %mul3A_211 = arith.mulf %bitcast3A_207, %gather3A : vector<16xf32>
        %swap3A_212 = arith.index_cast %add3A_185 : i32 to index
        %swap3A_213 = arith.constant 32 : index
        %swap3A_214 = tpu.vector_load %arg12[%swap3A_212, %swap3A_213] {strides = array<i32>} : memref<128x64xf32, #tpu.memory_space<vmem>>, vector<16xf32>,
        tpu.vector_store %arg12[%swap3A_212, %swap3A_213], %mul3A_211 {strides = array<i32>} : memref<128x64xf32, #tpu.memory_space<vmem>>, vector<16xf32>,
        %mul3A_215 = arith.mulf %bitcast3A_210, %gather3A : vector<16xf32>
        %swap3A_216 = arith.index_cast %add3A_185 : i32 to index
        %swap3A_217 = arith.constant 48 : index
        %swap3A_218 = tpu.vector_load %arg12[%swap3A_216, %swap3A_217] {strides = array<i32>} : memref<128x64xf32, #tpu.memory_space<vmem>>, vector<16xf32>,
        tpu.vector_store %arg12[%swap3A_216, %swap3A_217], %mul3A_215 {strides = array<i32>} : memref<128x64xf32, #tpu.memory_space<vmem>>, vector<16xf32>,
        %add3A_219 = arith.constant 1 : i32
        %add3A_220 = arith.addi %mul3A_152, %add3A_219 : i32
        %get3A_221 = arith.index_cast %add3A_220 : i32 to index
        %get3A_222 = arith.constant 0 : index
        %get3A_223 = tpu.vector_load %arg10[%get3A_221, %get3A_222] {strides = array<i32>} : memref<128x64xbf16, #tpu.memory_space<vmem>>, vector<32xbf16>,
        %bitcast3A_224 = vector.bitcast %get3A_223 : vector<32xbf16> to vector<16xi32>
        %shift_left3A_225 = arith.constant 16 : i32
        %shift_left3A_226 = vector.broadcast %shift_left3A_225 : i32 to vector<16xi32>
        %shift_left3A_227 = arith.shli %bitcast3A_224, %shift_left3A_226 : vector<16xi32>
        %bitcast3A_228 = vector.bitcast %shift_left3A_227 : vector<16xi32> to vector<16xf32>
        %and3A_229 = vector.broadcast %scan3A_19 : i32 to vector<16xi32>
        %and3A_230 = arith.andi %bitcast3A_224, %and3A_229 : vector<16xi32>
        %bitcast3A_231 = vector.bitcast %and3A_230 : vector<16xi32> to vector<16xf32>
        %mul3A_232 = arith.mulf %bitcast3A_228, %gather3A_159 : vector<16xf32>
        %swap3A_233 = arith.index_cast %add3A_220 : i32 to index
        %swap3A_234 = arith.constant 0 : index
        %swap3A_235 = tpu.vector_load %arg12[%swap3A_233, %swap3A_234] {strides = array<i32>} : memref<128x64xf32, #tpu.memory_space<vmem>>, vector<16xf32>,
        tpu.vector_store %arg12[%swap3A_233, %swap3A_234], %mul3A_232 {strides = array<i32>} : memref<128x64xf32, #tpu.memory_space<vmem>>, vector<16xf32>,
        %mul3A_236 = arith.mulf %bitcast3A_231, %gather3A_159 : vector<16xf32>
        %swap3A_237 = arith.index_cast %add3A_220 : i32 to index
        %swap3A_238 = arith.constant 16 : index
        %swap3A_239 = tpu.vector_load %arg12[%swap3A_237, %swap3A_238] {strides = array<i32>} : memref<128x64xf32, #tpu.memory_space<vmem>>, vector<16xf32>,
        tpu.vector_store %arg12[%swap3A_237, %swap3A_238], %mul3A_236 {strides = array<i32>} : memref<128x64xf32, #tpu.memory_space<vmem>>, vector<16xf32>,
        %get3A_240 = arith.index_cast %add3A_220 : i32 to index
        %get3A_241 = arith.constant 32 : index
        %get3A_242 = tpu.vector_load %arg10[%get3A_240, %get3A_241] {strides = array<i32>} : memref<128x64xbf16, #tpu.memory_space<vmem>>, vector<32xbf16>,
        %bitcast3A_243 = vector.bitcast %get3A_242 : vector<32xbf16> to vector<16xi32>
        %shift_left3A_244 = arith.constant 16 : i32
        %shift_left3A_245 = vector.broadcast %shift_left3A_244 : i32 to vector<16xi32>
        %shift_left3A_246 = arith.shli %bitcast3A_243, %shift_left3A_245 : vector<16xi32>
        %bitcast3A_247 = vector.bitcast %shift_left3A_246 : vector<16xi32> to vector<16xf32>
        %and3A_248 = vector.broadcast %scan3A_19 : i32 to vector<16xi32>
        %and3A_249 = arith.andi %bitcast3A_243, %and3A_248 : vector<16xi32>
        %bitcast3A_250 = vector.bitcast %and3A_249 : vector<16xi32> to vector<16xf32>
        %mul3A_251 = arith.mulf %bitcast3A_247, %gather3A_159 : vector<16xf32>
        %swap3A_252 = arith.index_cast %add3A_220 : i32 to index
        %swap3A_253 = arith.constant 32 : index
        %swap3A_254 = tpu.vector_load %arg12[%swap3A_252, %swap3A_253] {strides = array<i32>} : memref<128x64xf32, #tpu.memory_space<vmem>>, vector<16xf32>,
        tpu.vector_store %arg12[%swap3A_252, %swap3A_253], %mul3A_251 {strides = array<i32>} : memref<128x64xf32, #tpu.memory_space<vmem>>, vector<16xf32>,
        %mul3A_255 = arith.mulf %bitcast3A_250, %gather3A_159 : vector<16xf32>
        %swap3A_256 = arith.index_cast %add3A_220 : i32 to index
        %swap3A_257 = arith.constant 48 : index
        %swap3A_258 = tpu.vector_load %arg12[%swap3A_256, %swap3A_257] {strides = array<i32>} : memref<128x64xf32, #tpu.memory_space<vmem>>, vector<16xf32>,
        tpu.vector_store %arg12[%swap3A_256, %swap3A_257], %mul3A_255 {strides = array<i32>} : memref<128x64xf32, #tpu.memory_space<vmem>>, vector<16xf32>,
        %add3A_259 = arith.constant 2 : i32
        %add3A_260 = arith.addi %mul3A_152, %add3A_259 : i32
        %get3A_261 = arith.index_cast %add3A_260 : i32 to index
        %get3A_262 = arith.constant 0 : index
        %get3A_263 = tpu.vector_load %arg10[%get3A_261, %get3A_262] {strides = array<i32>} : memref<128x64xbf16, #tpu.memory_space<vmem>>, vector<32xbf16>,
        %bitcast3A_264 = vector.bitcast %get3A_263 : vector<32xbf16> to vector<16xi32>
        %shift_left3A_265 = arith.constant 16 : i32
        %shift_left3A_266 = vector.broadcast %shift_left3A_265 : i32 to vector<16xi32>
        %shift_left3A_267 = arith.shli %bitcast3A_264, %shift_left3A_266 : vector<16xi32>
        %bitcast3A_268 = vector.bitcast %shift_left3A_267 : vector<16xi32> to vector<16xf32>
        %and3A_269 = vector.broadcast %scan3A_19 : i32 to vector<16xi32>
        %and3A_270 = arith.andi %bitcast3A_264, %and3A_269 : vector<16xi32>
        %bitcast3A_271 = vector.bitcast %and3A_270 : vector<16xi32> to vector<16xf32>
        %mul3A_272 = arith.mulf %bitcast3A_268, %gather3A_163 : vector<16xf32>
        %swap3A_273 = arith.index_cast %add3A_260 : i32 to index
        %swap3A_274 = arith.constant 0 : index
        %swap3A_275 = tpu.vector_load %arg12[%swap3A_273, %swap3A_274] {strides = array<i32>} : memref<128x64xf32, #tpu.memory_space<vmem>>, vector<16xf32>,
        tpu.vector_store %arg12[%swap3A_273, %swap3A_274], %mul3A_272 {strides = array<i32>} : memref<128x64xf32, #tpu.memory_space<vmem>>, vector<16xf32>,
        %mul3A_276 = arith.mulf %bitcast3A_271, %gather3A_163 : vector<16xf32>
        %swap3A_277 = arith.index_cast %add3A_260 : i32 to index
        %swap3A_278 = arith.constant 16 : index
        %swap3A_279 = tpu.vector_load %arg12[%swap3A_277, %swap3A_278] {strides = array<i32>} : memref<128x64xf32, #tpu.memory_space<vmem>>, vector<16xf32>,
        tpu.vector_store %arg12[%swap3A_277, %swap3A_278], %mul3A_276 {strides = array<i32>} : memref<128x64xf32, #tpu.memory_space<vmem>>, vector<16xf32>,
        %get3A_280 = arith.index_cast %add3A_260 : i32 to index
        %get3A_281 = arith.constant 32 : index
        %get3A_282 = tpu.vector_load %arg10[%get3A_280, %get3A_281] {strides = array<i32>} : memref<128x64xbf16, #tpu.memory_space<vmem>>, vector<32xbf16>,
        %bitcast3A_283 = vector.bitcast %get3A_282 : vector<32xbf16> to vector<16xi32>
        %shift_left3A_284 = arith.constant 16 : i32
        %shift_left3A_285 = vector.broadcast %shift_left3A_284 : i32 to vector<16xi32>
        %shift_left3A_286 = arith.shli %bitcast3A_283, %shift_left3A_285 : vector<16xi32>
        %bitcast3A_287 = vector.bitcast %shift_left3A_286 : vector<16xi32> to vector<16xf32>
        %and3A_288 = vector.broadcast %scan3A_19 : i32 to vector<16xi32>
        %and3A_289 = arith.andi %bitcast3A_283, %and3A_288 : vector<16xi32>
        %bitcast3A_290 = vector.bitcast %and3A_289 : vector<16xi32> to vector<16xf32>
        %mul3A_291 = arith.mulf %bitcast3A_287, %gather3A_163 : vector<16xf32>
        %swap3A_292 = arith.index_cast %add3A_260 : i32 to index
        %swap3A_293 = arith.constant 32 : index
        %swap3A_294 = tpu.vector_load %arg12[%swap3A_292, %swap3A_293] {strides = array<i32>} : memref<128x64xf32, #tpu.memory_space<vmem>>, vector<16xf32>,
        tpu.vector_store %arg12[%swap3A_292, %swap3A_293], %mul3A_291 {strides = array<i32>} : memref<128x64xf32, #tpu.memory_space<vmem>>, vector<16xf32>,
        %mul3A_295 = arith.mulf %bitcast3A_290, %gather3A_163 : vector<16xf32>
        %swap3A_296 = arith.index_cast %add3A_260 : i32 to index
        %swap3A_297 = arith.constant 48 : index
        %swap3A_298 = tpu.vector_load %arg12[%swap3A_296, %swap3A_297] {strides = array<i32>} : memref<128x64xf32, #tpu.memory_space<vmem>>, vector<16xf32>,
        tpu.vector_store %arg12[%swap3A_296, %swap3A_297], %mul3A_295 {strides = array<i32>} : memref<128x64xf32, #tpu.memory_space<vmem>>, vector<16xf32>,
        %add3A_299 = arith.constant 3 : i32
        %add3A_300 = arith.addi %mul3A_152, %add3A_299 : i32
        %get3A_301 = arith.index_cast %add3A_300 : i32 to index
        %get3A_302 = arith.constant 0 : index
        %get3A_303 = tpu.vector_load %arg10[%get3A_301, %get3A_302] {strides = array<i32>} : memref<128x64xbf16, #tpu.memory_space<vmem>>, vector<32xbf16>,
        %bitcast3A_304 = vector.bitcast %get3A_303 : vector<32xbf16> to vector<16xi32>
        %shift_left3A_305 = arith.constant 16 : i32
        %shift_left3A_306 = vector.broadcast %shift_left3A_305 : i32 to vector<16xi32>
        %shift_left3A_307 = arith.shli %bitcast3A_304, %shift_left3A_306 : vector<16xi32>
        %bitcast3A_308 = vector.bitcast %shift_left3A_307 : vector<16xi32> to vector<16xf32>
        %and3A_309 = vector.broadcast %scan3A_19 : i32 to vector<16xi32>
        %and3A_310 = arith.andi %bitcast3A_304, %and3A_309 : vector<16xi32>
        %bitcast3A_311 = vector.bitcast %and3A_310 : vector<16xi32> to vector<16xf32>
        %mul3A_312 = arith.mulf %bitcast3A_308, %gather3A_167 : vector<16xf32>
        %swap3A_313 = arith.index_cast %add3A_300 : i32 to index
        %swap3A_314 = arith.constant 0 : index
        %swap3A_315 = tpu.vector_load %arg12[%swap3A_313, %swap3A_314] {strides = array<i32>} : memref<128x64xf32, #tpu.memory_space<vmem>>, vector<16xf32>,
        tpu.vector_store %arg12[%swap3A_313, %swap3A_314], %mul3A_312 {strides = array<i32>} : memref<128x64xf32, #tpu.memory_space<vmem>>, vector<16xf32>,
        %mul3A_316 = arith.mulf %bitcast3A_311, %gather3A_167 : vector<16xf32>
        %swap3A_317 = arith.index_cast %add3A_300 : i32 to index
        %swap3A_318 = arith.constant 16 : index
        %swap3A_319 = tpu.vector_load %arg12[%swap3A_317, %swap3A_318] {strides = array<i32>} : memref<128x64xf32, #tpu.memory_space<vmem>>, vector<16xf32>,
        tpu.vector_store %arg12[%swap3A_317, %swap3A_318], %mul3A_316 {strides = array<i32>} : memref<128x64xf32, #tpu.memory_space<vmem>>, vector<16xf32>,
        %get3A_320 = arith.index_cast %add3A_300 : i32 to index
        %get3A_321 = arith.constant 32 : index
        %get3A_322 = tpu.vector_load %arg10[%get3A_320, %get3A_321] {strides = array<i32>} : memref<128x64xbf16, #tpu.memory_space<vmem>>, vector<32xbf16>,
        %bitcast3A_323 = vector.bitcast %get3A_322 : vector<32xbf16> to vector<16xi32>
        %shift_left3A_324 = arith.constant 16 : i32
        %shift_left3A_325 = vector.broadcast %shift_left3A_324 : i32 to vector<16xi32>
        %shift_left3A_326 = arith.shli %bitcast3A_323, %shift_left3A_325 : vector<16xi32>
        %bitcast3A_327 = vector.bitcast %shift_left3A_326 : vector<16xi32> to vector<16xf32>
        %and3A_328 = vector.broadcast %scan3A_19 : i32 to vector<16xi32>
        %and3A_329 = arith.andi %bitcast3A_323, %and3A_328 : vector<16xi32>
        %bitcast3A_330 = vector.bitcast %and3A_329 : vector<16xi32> to vector<16xf32>
        %mul3A_331 = arith.mulf %bitcast3A_327, %gather3A_167 : vector<16xf32>
        %swap3A_332 = arith.index_cast %add3A_300 : i32 to index
        %swap3A_333 = arith.constant 32 : index
        %swap3A_334 = tpu.vector_load %arg12[%swap3A_332, %swap3A_333] {strides = array<i32>} : memref<128x64xf32, #tpu.memory_space<vmem>>, vector<16xf32>,
        tpu.vector_store %arg12[%swap3A_332, %swap3A_333], %mul3A_331 {strides = array<i32>} : memref<128x64xf32, #tpu.memory_space<vmem>>, vector<16xf32>,
        %mul3A_335 = arith.mulf %bitcast3A_330, %gather3A_167 : vector<16xf32>
        %swap3A_336 = arith.index_cast %add3A_300 : i32 to index
        %swap3A_337 = arith.constant 48 : index
        %swap3A_338 = tpu.vector_load %arg12[%swap3A_336, %swap3A_337] {strides = array<i32>} : memref<128x64xf32, #tpu.memory_space<vmem>>, vector<16xf32>,
        tpu.vector_store %arg12[%swap3A_336, %swap3A_337], %mul3A_335 {strides = array<i32>} : memref<128x64xf32, #tpu.memory_space<vmem>>, vector<16xf32>,
        %add3A_339 = arith.constant 4 : i32
        %add3A_340 = arith.addi %mul3A_152, %add3A_339 : i32
        %get3A_341 = arith.index_cast %add3A_340 : i32 to index
        %get3A_342 = arith.constant 0 : index
        %get3A_343 = tpu.vector_load %arg10[%get3A_341, %get3A_342] {strides = array<i32>} : memref<128x64xbf16, #tpu.memory_space<vmem>>, vector<32xbf16>,
        %bitcast3A_344 = vector.bitcast %get3A_343 : vector<32xbf16> to vector<16xi32>
        %shift_left3A_345 = arith.constant 16 : i32
        %shift_left3A_346 = vector.broadcast %shift_left3A_345 : i32 to vector<16xi32>
        %shift_left3A_347 = arith.shli %bitcast3A_344, %shift_left3A_346 : vector<16xi32>
        %bitcast3A_348 = vector.bitcast %shift_left3A_347 : vector<16xi32> to vector<16xf32>
        %and3A_349 = vector.broadcast %scan3A_19 : i32 to vector<16xi32>
        %and3A_350 = arith.andi %bitcast3A_344, %and3A_349 : vector<16xi32>
        %bitcast3A_351 = vector.bitcast %and3A_350 : vector<16xi32> to vector<16xf32>
        %mul3A_352 = arith.mulf %bitcast3A_348, %gather3A_171 : vector<16xf32>
        %swap3A_353 = arith.index_cast %add3A_340 : i32 to index
        %swap3A_354 = arith.constant 0 : index
        %swap3A_355 = tpu.vector_load %arg12[%swap3A_353, %swap3A_354] {strides = array<i32>} : memref<128x64xf32, #tpu.memory_space<vmem>>, vector<16xf32>,
        tpu.vector_store %arg12[%swap3A_353, %swap3A_354], %mul3A_352 {strides = array<i32>} : memref<128x64xf32, #tpu.memory_space<vmem>>, vector<16xf32>,
        %mul3A_356 = arith.mulf %bitcast3A_351, %gather3A_171 : vector<16xf32>
        %swap3A_357 = arith.index_cast %add3A_340 : i32 to index
        %swap3A_358 = arith.constant 16 : index
        %swap3A_359 = tpu.vector_load %arg12[%swap3A_357, %swap3A_358] {strides = array<i32>} : memref<128x64xf32, #tpu.memory_space<vmem>>, vector<16xf32>,
        tpu.vector_store %arg12[%swap3A_357, %swap3A_358], %mul3A_356 {strides = array<i32>} : memref<128x64xf32, #tpu.memory_space<vmem>>, vector<16xf32>,
        %get3A_360 = arith.index_cast %add3A_340 : i32 to index
        %get3A_361 = arith.constant 32 : index
        %get3A_362 = tpu.vector_load %arg10[%get3A_360, %get3A_361] {strides = array<i32>} : memref<128x64xbf16, #tpu.memory_space<vmem>>, vector<32xbf16>,
        %bitcast3A_363 = vector.bitcast %get3A_362 : vector<32xbf16> to vector<16xi32>
        %shift_left3A_364 = arith.constant 16 : i32
        %shift_left3A_365 = vector.broadcast %shift_left3A_364 : i32 to vector<16xi32>
        %shift_left3A_366 = arith.shli %bitcast3A_363, %shift_left3A_365 : vector<16xi32>
        %bitcast3A_367 = vector.bitcast %shift_left3A_366 : vector<16xi32> to vector<16xf32>
        %and3A_368 = vector.broadcast %scan3A_19 : i32 to vector<16xi32>
        %and3A_369 = arith.andi %bitcast3A_363, %and3A_368 : vector<16xi32>
        %bitcast3A_370 = vector.bitcast %and3A_369 : vector<16xi32> to vector<16xf32>
        %mul3A_371 = arith.mulf %bitcast3A_367, %gather3A_171 : vector<16xf32>
        %swap3A_372 = arith.index_cast %add3A_340 : i32 to index
        %swap3A_373 = arith.constant 32 : index
        %swap3A_374 = tpu.vector_load %arg12[%swap3A_372, %swap3A_373] {strides = array<i32>} : memref<128x64xf32, #tpu.memory_space<vmem>>, vector<16xf32>,
        tpu.vector_store %arg12[%swap3A_372, %swap3A_373], %mul3A_371 {strides = array<i32>} : memref<128x64xf32, #tpu.memory_space<vmem>>, vector<16xf32>,
        %mul3A_375 = arith.mulf %bitcast3A_370, %gather3A_171 : vector<16xf32>
        %swap3A_376 = arith.index_cast %add3A_340 : i32 to index
        %swap3A_377 = arith.constant 48 : index
        %swap3A_378 = tpu.vector_load %arg12[%swap3A_376, %swap3A_377] {strides = array<i32>} : memref<128x64xf32, #tpu.memory_space<vmem>>, vector<16xf32>,
        tpu.vector_store %arg12[%swap3A_376, %swap3A_377], %mul3A_375 {strides = array<i32>} : memref<128x64xf32, #tpu.memory_space<vmem>>, vector<16xf32>,
        %add3A_379 = arith.constant 5 : i32
        %add3A_380 = arith.addi %mul3A_152, %add3A_379 : i32
        %get3A_381 = arith.index_cast %add3A_380 : i32 to index
        %get3A_382 = arith.constant 0 : index
        %get3A_383 = tpu.vector_load %arg10[%get3A_381, %get3A_382] {strides = array<i32>} : memref<128x64xbf16, #tpu.memory_space<vmem>>, vector<32xbf16>,
        %bitcast3A_384 = vector.bitcast %get3A_383 : vector<32xbf16> to vector<16xi32>
        %shift_left3A_385 = arith.constant 16 : i32
        %shift_left3A_386 = vector.broadcast %shift_left3A_385 : i32 to vector<16xi32>
        %shift_left3A_387 = arith.shli %bitcast3A_384, %shift_left3A_386 : vector<16xi32>
        %bitcast3A_388 = vector.bitcast %shift_left3A_387 : vector<16xi32> to vector<16xf32>
        %and3A_389 = vector.broadcast %scan3A_19 : i32 to vector<16xi32>
        %and3A_390 = arith.andi %bitcast3A_384, %and3A_389 : vector<16xi32>
        %bitcast3A_391 = vector.bitcast %and3A_390 : vector<16xi32> to vector<16xf32>
        %mul3A_392 = arith.mulf %bitcast3A_388, %gather3A_175 : vector<16xf32>
        %swap3A_393 = arith.index_cast %add3A_380 : i32 to index
        %swap3A_394 = arith.constant 0 : index
        %swap3A_395 = tpu.vector_load %arg12[%swap3A_393, %swap3A_394] {strides = array<i32>} : memref<128x64xf32, #tpu.memory_space<vmem>>, vector<16xf32>,
        tpu.vector_store %arg12[%swap3A_393, %swap3A_394], %mul3A_392 {strides = array<i32>} : memref<128x64xf32, #tpu.memory_space<vmem>>, vector<16xf32>,
        %mul3A_396 = arith.mulf %bitcast3A_391, %gather3A_175 : vector<16xf32>
        %swap3A_397 = arith.index_cast %add3A_380 : i32 to index
        %swap3A_398 = arith.constant 16 : index
        %swap3A_399 = tpu.vector_load %arg12[%swap3A_397, %swap3A_398] {strides = array<i32>} : memref<128x64xf32, #tpu.memory_space<vmem>>, vector<16xf32>,
        tpu.vector_store %arg12[%swap3A_397, %swap3A_398], %mul3A_396 {strides = array<i32>} : memref<128x64xf32, #tpu.memory_space<vmem>>, vector<16xf32>,
        %get3A_400 = arith.index_cast %add3A_380 : i32 to index
        %get3A_401 = arith.constant 32 : index
        %get3A_402 = tpu.vector_load %arg10[%get3A_400, %get3A_401] {strides = array<i32>} : memref<128x64xbf16, #tpu.memory_space<vmem>>, vector<32xbf16>,
        %bitcast3A_403 = vector.bitcast %get3A_402 : vector<32xbf16> to vector<16xi32>
        %shift_left3A_404 = arith.constant 16 : i32
        %shift_left3A_405 = vector.broadcast %shift_left3A_404 : i32 to vector<16xi32>
        %shift_left3A_406 = arith.shli %bitcast3A_403, %shift_left3A_405 : vector<16xi32>
        %bitcast3A_407 = vector.bitcast %shift_left3A_406 : vector<16xi32> to vector<16xf32>
        %and3A_408 = vector.broadcast %scan3A_19 : i32 to vector<16xi32>
        %and3A_409 = arith.andi %bitcast3A_403, %and3A_408 : vector<16xi32>
        %bitcast3A_410 = vector.bitcast %and3A_409 : vector<16xi32> to vector<16xf32>
        %mul3A_411 = arith.mulf %bitcast3A_407, %gather3A_175 : vector<16xf32>
        %swap3A_412 = arith.index_cast %add3A_380 : i32 to index
        %swap3A_413 = arith.constant 32 : index
        %swap3A_414 = tpu.vector_load %arg12[%swap3A_412, %swap3A_413] {strides = array<i32>} : memref<128x64xf32, #tpu.memory_space<vmem>>, vector<16xf32>,
        tpu.vector_store %arg12[%swap3A_412, %swap3A_413], %mul3A_411 {strides = array<i32>} : memref<128x64xf32, #tpu.memory_space<vmem>>, vector<16xf32>,
        %mul3A_415 = arith.mulf %bitcast3A_410, %gather3A_175 : vector<16xf32>
        %swap3A_416 = arith.index_cast %add3A_380 : i32 to index
        %swap3A_417 = arith.constant 48 : index
        %swap3A_418 = tpu.vector_load %arg12[%swap3A_416, %swap3A_417] {strides = array<i32>} : memref<128x64xf32, #tpu.memory_space<vmem>>, vector<16xf32>,
        tpu.vector_store %arg12[%swap3A_416, %swap3A_417], %mul3A_415 {strides = array<i32>} : memref<128x64xf32, #tpu.memory_space<vmem>>, vector<16xf32>,
        %add3A_419 = arith.constant 6 : i32
        %add3A_420 = arith.addi %mul3A_152, %add3A_419 : i32
        %get3A_421 = arith.index_cast %add3A_420 : i32 to index
        %get3A_422 = arith.constant 0 : index
        %get3A_423 = tpu.vector_load %arg10[%get3A_421, %get3A_422] {strides = array<i32>} : memref<128x64xbf16, #tpu.memory_space<vmem>>, vector<32xbf16>,
        %bitcast3A_424 = vector.bitcast %get3A_423 : vector<32xbf16> to vector<16xi32>
        %shift_left3A_425 = arith.constant 16 : i32
        %shift_left3A_426 = vector.broadcast %shift_left3A_425 : i32 to vector<16xi32>
        %shift_left3A_427 = arith.shli %bitcast3A_424, %shift_left3A_426 : vector<16xi32>
        %bitcast3A_428 = vector.bitcast %shift_left3A_427 : vector<16xi32> to vector<16xf32>
        %and3A_429 = vector.broadcast %scan3A_19 : i32 to vector<16xi32>
        %and3A_430 = arith.andi %bitcast3A_424, %and3A_429 : vector<16xi32>
        %bitcast3A_431 = vector.bitcast %and3A_430 : vector<16xi32> to vector<16xf32>
        %mul3A_432 = arith.mulf %bitcast3A_428, %gather3A_179 : vector<16xf32>
        %swap3A_433 = arith.index_cast %add3A_420 : i32 to index
        %swap3A_434 = arith.constant 0 : index
        %swap3A_435 = tpu.vector_load %arg12[%swap3A_433, %swap3A_434] {strides = array<i32>} : memref<128x64xf32, #tpu.memory_space<vmem>>, vector<16xf32>,
        tpu.vector_store %arg12[%swap3A_433, %swap3A_434], %mul3A_432 {strides = array<i32>} : memref<128x64xf32, #tpu.memory_space<vmem>>, vector<16xf32>,
        %mul3A_436 = arith.mulf %bitcast3A_431, %gather3A_179 : vector<16xf32>
        %swap3A_437 = arith.index_cast %add3A_420 : i32 to index
        %swap3A_438 = arith.constant 16 : index
        %swap3A_439 = tpu.vector_load %arg12[%swap3A_437, %swap3A_438] {strides = array<i32>} : memref<128x64xf32, #tpu.memory_space<vmem>>, vector<16xf32>,
        tpu.vector_store %arg12[%swap3A_437, %swap3A_438], %mul3A_436 {strides = array<i32>} : memref<128x64xf32, #tpu.memory_space<vmem>>, vector<16xf32>,
        %get3A_440 = arith.index_cast %add3A_420 : i32 to index
        %get3A_441 = arith.constant 32 : index
        %get3A_442 = tpu.vector_load %arg10[%get3A_440, %get3A_441] {strides = array<i32>} : memref<128x64xbf16, #tpu.memory_space<vmem>>, vector<32xbf16>,
        %bitcast3A_443 = vector.bitcast %get3A_442 : vector<32xbf16> to vector<16xi32>
        %shift_left3A_444 = arith.constant 16 : i32
        %shift_left3A_445 = vector.broadcast %shift_left3A_444 : i32 to vector<16xi32>
        %shift_left3A_446 = arith.shli %bitcast3A_443, %shift_left3A_445 : vector<16xi32>
        %bitcast3A_447 = vector.bitcast %shift_left3A_446 : vector<16xi32> to vector<16xf32>
        %and3A_448 = vector.broadcast %scan3A_19 : i32 to vector<16xi32>
        %and3A_449 = arith.andi %bitcast3A_443, %and3A_448 : vector<16xi32>
        %bitcast3A_450 = vector.bitcast %and3A_449 : vector<16xi32> to vector<16xf32>
        %mul3A_451 = arith.mulf %bitcast3A_447, %gather3A_179 : vector<16xf32>
        %swap3A_452 = arith.index_cast %add3A_420 : i32 to index
        %swap3A_453 = arith.constant 32 : index
        %swap3A_454 = tpu.vector_load %arg12[%swap3A_452, %swap3A_453] {strides = array<i32>} : memref<128x64xf32, #tpu.memory_space<vmem>>, vector<16xf32>,
        tpu.vector_store %arg12[%swap3A_452, %swap3A_453], %mul3A_451 {strides = array<i32>} : memref<128x64xf32, #tpu.memory_space<vmem>>, vector<16xf32>,
        %mul3A_455 = arith.mulf %bitcast3A_450, %gather3A_179 : vector<16xf32>
        %swap3A_456 = arith.index_cast %add3A_420 : i32 to index
        %swap3A_457 = arith.constant 48 : index
        %swap3A_458 = tpu.vector_load %arg12[%swap3A_456, %swap3A_457] {strides = array<i32>} : memref<128x64xf32, #tpu.memory_space<vmem>>, vector<16xf32>,
        tpu.vector_store %arg12[%swap3A_456, %swap3A_457], %mul3A_455 {strides = array<i32>} : memref<128x64xf32, #tpu.memory_space<vmem>>, vector<16xf32>,
        %add3A_459 = arith.constant 7 : i32
        %add3A_460 = arith.addi %mul3A_152, %add3A_459 : i32
        %get3A_461 = arith.index_cast %add3A_460 : i32 to index
        %get3A_462 = arith.constant 0 : index
        %get3A_463 = tpu.vector_load %arg10[%get3A_461, %get3A_462] {strides = array<i32>} : memref<128x64xbf16, #tpu.memory_space<vmem>>, vector<32xbf16>,
        %bitcast3A_464 = vector.bitcast %get3A_463 : vector<32xbf16> to vector<16xi32>
        %shift_left3A_465 = arith.constant 16 : i32
        %shift_left3A_466 = vector.broadcast %shift_left3A_465 : i32 to vector<16xi32>
        %shift_left3A_467 = arith.shli %bitcast3A_464, %shift_left3A_466 : vector<16xi32>
        %bitcast3A_468 = vector.bitcast %shift_left3A_467 : vector<16xi32> to vector<16xf32>
        %and3A_469 = vector.broadcast %scan3A_19 : i32 to vector<16xi32>
        %and3A_470 = arith.andi %bitcast3A_464, %and3A_469 : vector<16xi32>
        %bitcast3A_471 = vector.bitcast %and3A_470 : vector<16xi32> to vector<16xf32>
        %mul3A_472 = arith.mulf %bitcast3A_468, %gather3A_183 : vector<16xf32>
        %swap3A_473 = arith.index_cast %add3A_460 : i32 to index
        %swap3A_474 = arith.constant 0 : index
        %swap3A_475 = tpu.vector_load %arg12[%swap3A_473, %swap3A_474] {strides = array<i32>} : memref<128x64xf32, #tpu.memory_space<vmem>>, vector<16xf32>,
        tpu.vector_store %arg12[%swap3A_473, %swap3A_474], %mul3A_472 {strides = array<i32>} : memref<128x64xf32, #tpu.memory_space<vmem>>, vector<16xf32>,
        %mul3A_476 = arith.mulf %bitcast3A_471, %gather3A_183 : vector<16xf32>
        %swap3A_477 = arith.index_cast %add3A_460 : i32 to index
        %swap3A_478 = arith.constant 16 : index
        %swap3A_479 = tpu.vector_load %arg12[%swap3A_477, %swap3A_478] {strides = array<i32>} : memref<128x64xf32, #tpu.memory_space<vmem>>, vector<16xf32>,
        tpu.vector_store %arg12[%swap3A_477, %swap3A_478], %mul3A_476 {strides = array<i32>} : memref<128x64xf32, #tpu.memory_space<vmem>>, vector<16xf32>,
        %get3A_480 = arith.index_cast %add3A_460 : i32 to index
        %get3A_481 = arith.constant 32 : index
        %get3A_482 = tpu.vector_load %arg10[%get3A_480, %get3A_481] {strides = array<i32>} : memref<128x64xbf16, #tpu.memory_space<vmem>>, vector<32xbf16>,
        %bitcast3A_483 = vector.bitcast %get3A_482 : vector<32xbf16> to vector<16xi32>
        %shift_left3A_484 = arith.constant 16 : i32
        %shift_left3A_485 = vector.broadcast %shift_left3A_484 : i32 to vector<16xi32>
        %shift_left3A_486 = arith.shli %bitcast3A_483, %shift_left3A_485 : vector<16xi32>
        %bitcast3A_487 = vector.bitcast %shift_left3A_486 : vector<16xi32> to vector<16xf32>
        %and3A_488 = vector.broadcast %scan3A_19 : i32 to vector<16xi32>
        %and3A_489 = arith.andi %bitcast3A_483, %and3A_488 : vector<16xi32>
        %bitcast3A_490 = vector.bitcast %and3A_489 : vector<16xi32> to vector<16xf32>
        %mul3A_491 = arith.mulf %bitcast3A_487, %gather3A_183 : vector<16xf32>
        %swap3A_492 = arith.index_cast %add3A_460 : i32 to index
        %swap3A_493 = arith.constant 32 : index
        %swap3A_494 = tpu.vector_load %arg12[%swap3A_492, %swap3A_493] {strides = array<i32>} : memref<128x64xf32, #tpu.memory_space<vmem>>, vector<16xf32>,
        tpu.vector_store %arg12[%swap3A_492, %swap3A_493], %mul3A_491 {strides = array<i32>} : memref<128x64xf32, #tpu.memory_space<vmem>>, vector<16xf32>,
        %mul3A_495 = arith.mulf %bitcast3A_490, %gather3A_183 : vector<16xf32>
        %swap3A_496 = arith.index_cast %add3A_460 : i32 to index
        %swap3A_497 = arith.constant 48 : index
        %swap3A_498 = tpu.vector_load %arg12[%swap3A_496, %swap3A_497] {strides = array<i32>} : memref<128x64xf32, #tpu.memory_space<vmem>>, vector<16xf32>,
        tpu.vector_store %arg12[%swap3A_496, %swap3A_497], %mul3A_495 {strides = array<i32>} : memref<128x64xf32, #tpu.memory_space<vmem>>, vector<16xf32>,
        %add3A_499 = arith.constant 8 : i32
        %add3A_500 = vector.broadcast %add3A_499 : i32 to vector<16xi32>
        %add3A_501 = arith.addi %scan3A_150, %add3A_500 : vector<16xi32>
        scf.yield %add3A_501 : vector<16xi32>
      }
      %scan3A_109 = arith.constant 16 : i32
      %dma_start3A_110 = arith.constant 0 : i32
      %dma_start3A_111 = tpu.memref_slice %arg8[%mul3A_84, %dma_start3A_110] : memref<80x128xi32, #tpu.memory_space<vmem>> -> memref<1x128xi32, #tpu.memory_space<vmem>>
      %dma_start3A_112 = tpu.memref_squeeze %dma_start3A_111 : memref<1x128xi32, #tpu.memory_space<vmem>> -> memref<128xi32, #tpu.memory_space<vmem>>
      %dma_start3A_113 = arith.constant 0 : i32
      %dma_start3A_114 = arith.constant 0 : i32
      %dma_start3A_115 = tpu.memref_slice %arg13[%dma_start3A_113, %dma_start3A_114] : memref<10240x64xf32, #tpu.memory_space<vmem_shared>> -> memref<10240x64xf32, #tpu.memory_space<vmem_shared>>
      tpu.enqueue_indirect_dma source(%arg12 : memref<128x64xf32, #tpu.memory_space<vmem>>) target(%dma_start3A_115 : memref<10240x64xf32, #tpu.memory_space<vmem_shared>>) offsets(%dma_start3A_112 : memref<128xi32, #tpu.memory_space<vmem>>) semaphore(%arg16 : memref<!tpu.dma_semaphore, #tpu.memory_space<semaphore_mem>>) {add = true}
      %dma_wait3A_116 = arith.constant 0 : i32
      %dma_wait3A_117 = arith.constant 0 : i32
      %dma_wait3A_118 = tpu.memref_slice %arg7[%dma_wait3A_116, %dma_wait3A_117] : memref<80x128xi32, #tpu.memory_space<vmem>> -> memref<1x128xi32, #tpu.memory_space<vmem>>
      %dma_wait3A_119 = tpu.memref_squeeze %dma_wait3A_118 : memref<1x128xi32, #tpu.memory_space<vmem>> -> memref<128xi32, #tpu.memory_space<vmem>>
      %dma_wait3A_120 = arith.constant 0 : i32
      %dma_wait3A_121 = arith.constant 0 : i32
      %dma_wait3A_122 = tpu.memref_slice %arg2[%dma_wait3A_120, %dma_wait3A_121] : memref<10000x64xbf16, #tpu.memory_space<hbm>> -> memref<10000x64xbf16, #tpu.memory_space<hbm>>
      tpu.wait_indirect_dma semaphore(%arg15 : memref<!tpu.dma_semaphore, #tpu.memory_space<semaphore_mem>>) src(%dma_wait3A_122 : memref<10000x64xbf16, #tpu.memory_space<hbm>>) dst(%arg11 : memref<128x64xbf16, #tpu.memory_space<vmem>>)
      %dma_wait3A_123 = arith.constant 0 : i32
      %dma_wait3A_124 = arith.constant 0 : i32
      %dma_wait3A_125 = tpu.memref_slice %arg8[%dma_wait3A_123, %dma_wait3A_124] : memref<80x128xi32, #tpu.memory_space<vmem>> -> memref<1x128xi32, #tpu.memory_space<vmem>>
      %dma_wait3A_126 = tpu.memref_squeeze %dma_wait3A_125 : memref<1x128xi32, #tpu.memory_space<vmem>> -> memref<128xi32, #tpu.memory_space<vmem>>
      %dma_wait3A_127 = arith.constant 0 : i32
      %dma_wait3A_128 = arith.constant 0 : i32
      %dma_wait3A_129 = tpu.memref_slice %arg13[%dma_wait3A_127, %dma_wait3A_128] : memref<10240x64xf32, #tpu.memory_space<vmem_shared>> -> memref<10240x64xf32, #tpu.memory_space<vmem_shared>>
      tpu.wait_indirect_dma semaphore(%arg16 : memref<!tpu.dma_semaphore, #tpu.memory_space<semaphore_mem>>) src(%arg12 : memref<128x64xf32, #tpu.memory_space<vmem>>) dst(%dma_wait3A_129 : memref<10240x64xf32, #tpu.memory_space<vmem_shared>>)
      %lt3A = arith.constant 39 : i32
      %lt3A_130 = arith.cmpi slt, %scan3A_82, %lt3A : i32
      %convert_element_type3A_131 = arith.extui %lt3A_130 : i1 to i32
      %cond3A_132 = arith.constant 0 : i32
      %cond3A_133 = arith.cmpi ne, %convert_element_type3A_131, %cond3A_132 : i32
      scf.if %cond3A_133 {
        %add3A_149 = arith.constant 2 : i32
        %add3A_150 = arith.addi %mul3A_84, %add3A_149 : i32
        %dma_start3A_151 = arith.constant 0 : i32
        %dma_start3A_152 = tpu.memref_slice %arg7[%add3A_150, %dma_start3A_151] : memref<80x128xi32, #tpu.memory_space<vmem>> -> memref<1x128xi32, #tpu.memory_space<vmem>>
        %dma_start3A_153 = tpu.memref_squeeze %dma_start3A_152 : memref<1x128xi32, #tpu.memory_space<vmem>> -> memref<128xi32, #tpu.memory_space<vmem>>
        %dma_start3A_154 = arith.constant 0 : i32
        %dma_start3A_155 = arith.constant 0 : i32
        %dma_start3A_156 = tpu.memref_slice %arg2[%dma_start3A_154, %dma_start3A_155] : memref<10000x64xbf16, #tpu.memory_space<hbm>> -> memref<10000x64xbf16, #tpu.memory_space<hbm>>
        tpu.enqueue_indirect_dma source(%dma_start3A_156 : memref<10000x64xbf16, #tpu.memory_space<hbm>>) target(%arg10 : memref<128x64xbf16, #tpu.memory_space<vmem>>) offsets(%dma_start3A_153 : memref<128xi32, #tpu.memory_space<vmem>>) semaphore(%arg14 : memref<!tpu.dma_semaphore, #tpu.memory_space<semaphore_mem>>)
      } else {
      }
      %broadcast_in_dim3A_134 = vector.broadcast %add3A_86 : i32 to vector<16xi32>
      %broadcast_in_dim3A_135 = arith.constant 0 : i32
      %broadcast_in_dim3A_136 = vector.broadcast %broadcast_in_dim3A_135 : i32 to vector<16xi32>
      %scan3A_137 = arith.constant 0 : i32
      %scan3A_138 = arith.constant 16 : i32
      %scan3A_139 = arith.addi %scan3A_137, %scan3A_138 : i32
      %scan3A_140 = arith.constant 1 : i32
      %scan3A_141 = scf.for %scan3A_149 = %scan3A_137 to %scan3A_139 step %scan3A_140 iter_args(%scan3A_150 = %broadcast_in_dim3A_136) -> (vector<16xi32>)  : i32 {
        %mul3A_151 = arith.constant 8 : i32
        %mul3A_152 = arith.muli %scan3A_149, %mul3A_151 : i32
        %add3A_153 = arith.constant 0 : i32
        %add3A_154 = vector.broadcast %add3A_153 : i32 to vector<16xi32>
        %add3A_155 = arith.addi %scan3A_150, %add3A_154 : vector<16xi32>
        %gather3A = tpu.vector_load_idx %arg9[%broadcast_in_dim3A_134, %add3A_155] : memref<80x128xf32, #tpu.memory_space<vmem>>[vector<16xi32>, vector<16xi32>], vector<16xf32>,
        %add3A_156 = arith.constant 1 : i32
        %add3A_157 = vector.broadcast %add3A_156 : i32 to vector<16xi32>
        %add3A_158 = arith.addi %scan3A_150, %add3A_157 : vector<16xi32>
        %gather3A_159 = tpu.vector_load_idx %arg9[%broadcast_in_dim3A_134, %add3A_158] : memref<80x128xf32, #tpu.memory_space<vmem>>[vector<16xi32>, vector<16xi32>], vector<16xf32>,
        %add3A_160 = arith.constant 2 : i32
        %add3A_161 = vector.broadcast %add3A_160 : i32 to vector<16xi32>
        %add3A_162 = arith.addi %scan3A_150, %add3A_161 : vector<16xi32>
        %gather3A_163 = tpu.vector_load_idx %arg9[%broadcast_in_dim3A_134, %add3A_162] : memref<80x128xf32, #tpu.memory_space<vmem>>[vector<16xi32>, vector<16xi32>], vector<16xf32>,
        %add3A_164 = arith.constant 3 : i32
        %add3A_165 = vector.broadcast %add3A_164 : i32 to vector<16xi32>
        %add3A_166 = arith.addi %scan3A_150, %add3A_165 : vector<16xi32>
        %gather3A_167 = tpu.vector_load_idx %arg9[%broadcast_in_dim3A_134, %add3A_166] : memref<80x128xf32, #tpu.memory_space<vmem>>[vector<16xi32>, vector<16xi32>], vector<16xf32>,
        %add3A_168 = arith.constant 4 : i32
        %add3A_169 = vector.broadcast %add3A_168 : i32 to vector<16xi32>
        %add3A_170 = arith.addi %scan3A_150, %add3A_169 : vector<16xi32>
        %gather3A_171 = tpu.vector_load_idx %arg9[%broadcast_in_dim3A_134, %add3A_170] : memref<80x128xf32, #tpu.memory_space<vmem>>[vector<16xi32>, vector<16xi32>], vector<16xf32>,
        %add3A_172 = arith.constant 5 : i32
        %add3A_173 = vector.broadcast %add3A_172 : i32 to vector<16xi32>
        %add3A_174 = arith.addi %scan3A_150, %add3A_173 : vector<16xi32>
        %gather3A_175 = tpu.vector_load_idx %arg9[%broadcast_in_dim3A_134, %add3A_174] : memref<80x128xf32, #tpu.memory_space<vmem>>[vector<16xi32>, vector<16xi32>], vector<16xf32>,
        %add3A_176 = arith.constant 6 : i32
        %add3A_177 = vector.broadcast %add3A_176 : i32 to vector<16xi32>
        %add3A_178 = arith.addi %scan3A_150, %add3A_177 : vector<16xi32>
        %gather3A_179 = tpu.vector_load_idx %arg9[%broadcast_in_dim3A_134, %add3A_178] : memref<80x128xf32, #tpu.memory_space<vmem>>[vector<16xi32>, vector<16xi32>], vector<16xf32>,
        %add3A_180 = arith.constant 7 : i32
        %add3A_181 = vector.broadcast %add3A_180 : i32 to vector<16xi32>
        %add3A_182 = arith.addi %scan3A_150, %add3A_181 : vector<16xi32>
        %gather3A_183 = tpu.vector_load_idx %arg9[%broadcast_in_dim3A_134, %add3A_182] : memref<80x128xf32, #tpu.memory_space<vmem>>[vector<16xi32>, vector<16xi32>], vector<16xf32>,
        %add3A_184 = arith.constant 0 : i32
        %add3A_185 = arith.addi %mul3A_152, %add3A_184 : i32
        %get3A = arith.index_cast %add3A_185 : i32 to index
        %get3A_186 = arith.constant 0 : index
        %get3A_187 = tpu.vector_load %arg11[%get3A, %get3A_186] {strides = array<i32>} : memref<128x64xbf16, #tpu.memory_space<vmem>>, vector<32xbf16>,
        %bitcast3A = vector.bitcast %get3A_187 : vector<32xbf16> to vector<16xi32>
        %shift_left3A = arith.constant 16 : i32
        %shift_left3A_188 = vector.broadcast %shift_left3A : i32 to vector<16xi32>
        %shift_left3A_189 = arith.shli %bitcast3A, %shift_left3A_188 : vector<16xi32>
        %bitcast3A_190 = vector.bitcast %shift_left3A_189 : vector<16xi32> to vector<16xf32>
        %and3A = vector.broadcast %scan3A_19 : i32 to vector<16xi32>
        %and3A_191 = arith.andi %bitcast3A, %and3A : vector<16xi32>
        %bitcast3A_192 = vector.bitcast %and3A_191 : vector<16xi32> to vector<16xf32>
        %mul3A_193 = arith.mulf %bitcast3A_190, %gather3A : vector<16xf32>
        %swap3A = arith.index_cast %add3A_185 : i32 to index
        %swap3A_194 = arith.constant 0 : index
        %swap3A_195 = tpu.vector_load %arg12[%swap3A, %swap3A_194] {strides = array<i32>} : memref<128x64xf32, #tpu.memory_space<vmem>>, vector<16xf32>,
        tpu.vector_store %arg12[%swap3A, %swap3A_194], %mul3A_193 {strides = array<i32>} : memref<128x64xf32, #tpu.memory_space<vmem>>, vector<16xf32>,
        %mul3A_196 = arith.mulf %bitcast3A_192, %gather3A : vector<16xf32>
        %swap3A_197 = arith.index_cast %add3A_185 : i32 to index
        %swap3A_198 = arith.constant 16 : index
        %swap3A_199 = tpu.vector_load %arg12[%swap3A_197, %swap3A_198] {strides = array<i32>} : memref<128x64xf32, #tpu.memory_space<vmem>>, vector<16xf32>,
        tpu.vector_store %arg12[%swap3A_197, %swap3A_198], %mul3A_196 {strides = array<i32>} : memref<128x64xf32, #tpu.memory_space<vmem>>, vector<16xf32>,
        %get3A_200 = arith.index_cast %add3A_185 : i32 to index
        %get3A_201 = arith.constant 32 : index
        %get3A_202 = tpu.vector_load %arg11[%get3A_200, %get3A_201] {strides = array<i32>} : memref<128x64xbf16, #tpu.memory_space<vmem>>, vector<32xbf16>,
        %bitcast3A_203 = vector.bitcast %get3A_202 : vector<32xbf16> to vector<16xi32>
        %shift_left3A_204 = arith.constant 16 : i32
        %shift_left3A_205 = vector.broadcast %shift_left3A_204 : i32 to vector<16xi32>
        %shift_left3A_206 = arith.shli %bitcast3A_203, %shift_left3A_205 : vector<16xi32>
        %bitcast3A_207 = vector.bitcast %shift_left3A_206 : vector<16xi32> to vector<16xf32>
        %and3A_208 = vector.broadcast %scan3A_19 : i32 to vector<16xi32>
        %and3A_209 = arith.andi %bitcast3A_203, %and3A_208 : vector<16xi32>
        %bitcast3A_210 = vector.bitcast %and3A_209 : vector<16xi32> to vector<16xf32>
        %mul3A_211 = arith.mulf %bitcast3A_207, %gather3A : vector<16xf32>
        %swap3A_212 = arith.index_cast %add3A_185 : i32 to index
        %swap3A_213 = arith.constant 32 : index
        %swap3A_214 = tpu.vector_load %arg12[%swap3A_212, %swap3A_213] {strides = array<i32>} : memref<128x64xf32, #tpu.memory_space<vmem>>, vector<16xf32>,
        tpu.vector_store %arg12[%swap3A_212, %swap3A_213], %mul3A_211 {strides = array<i32>} : memref<128x64xf32, #tpu.memory_space<vmem>>, vector<16xf32>,
        %mul3A_215 = arith.mulf %bitcast3A_210, %gather3A : vector<16xf32>
        %swap3A_216 = arith.index_cast %add3A_185 : i32 to index
        %swap3A_217 = arith.constant 48 : index
        %swap3A_218 = tpu.vector_load %arg12[%swap3A_216, %swap3A_217] {strides = array<i32>} : memref<128x64xf32, #tpu.memory_space<vmem>>, vector<16xf32>,
        tpu.vector_store %arg12[%swap3A_216, %swap3A_217], %mul3A_215 {strides = array<i32>} : memref<128x64xf32, #tpu.memory_space<vmem>>, vector<16xf32>,
        %add3A_219 = arith.constant 1 : i32
        %add3A_220 = arith.addi %mul3A_152, %add3A_219 : i32
        %get3A_221 = arith.index_cast %add3A_220 : i32 to index
        %get3A_222 = arith.constant 0 : index
        %get3A_223 = tpu.vector_load %arg11[%get3A_221, %get3A_222] {strides = array<i32>} : memref<128x64xbf16, #tpu.memory_space<vmem>>, vector<32xbf16>,
        %bitcast3A_224 = vector.bitcast %get3A_223 : vector<32xbf16> to vector<16xi32>
        %shift_left3A_225 = arith.constant 16 : i32
        %shift_left3A_226 = vector.broadcast %shift_left3A_225 : i32 to vector<16xi32>
        %shift_left3A_227 = arith.shli %bitcast3A_224, %shift_left3A_226 : vector<16xi32>
        %bitcast3A_228 = vector.bitcast %shift_left3A_227 : vector<16xi32> to vector<16xf32>
        %and3A_229 = vector.broadcast %scan3A_19 : i32 to vector<16xi32>
        %and3A_230 = arith.andi %bitcast3A_224, %and3A_229 : vector<16xi32>
        %bitcast3A_231 = vector.bitcast %and3A_230 : vector<16xi32> to vector<16xf32>
        %mul3A_232 = arith.mulf %bitcast3A_228, %gather3A_159 : vector<16xf32>
        %swap3A_233 = arith.index_cast %add3A_220 : i32 to index
        %swap3A_234 = arith.constant 0 : index
        %swap3A_235 = tpu.vector_load %arg12[%swap3A_233, %swap3A_234] {strides = array<i32>} : memref<128x64xf32, #tpu.memory_space<vmem>>, vector<16xf32>,
        tpu.vector_store %arg12[%swap3A_233, %swap3A_234], %mul3A_232 {strides = array<i32>} : memref<128x64xf32, #tpu.memory_space<vmem>>, vector<16xf32>,
        %mul3A_236 = arith.mulf %bitcast3A_231, %gather3A_159 : vector<16xf32>
        %swap3A_237 = arith.index_cast %add3A_220 : i32 to index
        %swap3A_238 = arith.constant 16 : index
        %swap3A_239 = tpu.vector_load %arg12[%swap3A_237, %swap3A_238] {strides = array<i32>} : memref<128x64xf32, #tpu.memory_space<vmem>>, vector<16xf32>,
        tpu.vector_store %arg12[%swap3A_237, %swap3A_238], %mul3A_236 {strides = array<i32>} : memref<128x64xf32, #tpu.memory_space<vmem>>, vector<16xf32>,
        %get3A_240 = arith.index_cast %add3A_220 : i32 to index
        %get3A_241 = arith.constant 32 : index
        %get3A_242 = tpu.vector_load %arg11[%get3A_240, %get3A_241] {strides = array<i32>} : memref<128x64xbf16, #tpu.memory_space<vmem>>, vector<32xbf16>,
        %bitcast3A_243 = vector.bitcast %get3A_242 : vector<32xbf16> to vector<16xi32>
        %shift_left3A_244 = arith.constant 16 : i32
        %shift_left3A_245 = vector.broadcast %shift_left3A_244 : i32 to vector<16xi32>
        %shift_left3A_246 = arith.shli %bitcast3A_243, %shift_left3A_245 : vector<16xi32>
        %bitcast3A_247 = vector.bitcast %shift_left3A_246 : vector<16xi32> to vector<16xf32>
        %and3A_248 = vector.broadcast %scan3A_19 : i32 to vector<16xi32>
        %and3A_249 = arith.andi %bitcast3A_243, %and3A_248 : vector<16xi32>
        %bitcast3A_250 = vector.bitcast %and3A_249 : vector<16xi32> to vector<16xf32>
        %mul3A_251 = arith.mulf %bitcast3A_247, %gather3A_159 : vector<16xf32>
        %swap3A_252 = arith.index_cast %add3A_220 : i32 to index
        %swap3A_253 = arith.constant 32 : index
        %swap3A_254 = tpu.vector_load %arg12[%swap3A_252, %swap3A_253] {strides = array<i32>} : memref<128x64xf32, #tpu.memory_space<vmem>>, vector<16xf32>,
        tpu.vector_store %arg12[%swap3A_252, %swap3A_253], %mul3A_251 {strides = array<i32>} : memref<128x64xf32, #tpu.memory_space<vmem>>, vector<16xf32>,
        %mul3A_255 = arith.mulf %bitcast3A_250, %gather3A_159 : vector<16xf32>
        %swap3A_256 = arith.index_cast %add3A_220 : i32 to index
        %swap3A_257 = arith.constant 48 : index
        %swap3A_258 = tpu.vector_load %arg12[%swap3A_256, %swap3A_257] {strides = array<i32>} : memref<128x64xf32, #tpu.memory_space<vmem>>, vector<16xf32>,
        tpu.vector_store %arg12[%swap3A_256, %swap3A_257], %mul3A_255 {strides = array<i32>} : memref<128x64xf32, #tpu.memory_space<vmem>>, vector<16xf32>,
        %add3A_259 = arith.constant 2 : i32
        %add3A_260 = arith.addi %mul3A_152, %add3A_259 : i32
        %get3A_261 = arith.index_cast %add3A_260 : i32 to index
        %get3A_262 = arith.constant 0 : index
        %get3A_263 = tpu.vector_load %arg11[%get3A_261, %get3A_262] {strides = array<i32>} : memref<128x64xbf16, #tpu.memory_space<vmem>>, vector<32xbf16>,
        %bitcast3A_264 = vector.bitcast %get3A_263 : vector<32xbf16> to vector<16xi32>
        %shift_left3A_265 = arith.constant 16 : i32
        %shift_left3A_266 = vector.broadcast %shift_left3A_265 : i32 to vector<16xi32>
        %shift_left3A_267 = arith.shli %bitcast3A_264, %shift_left3A_266 : vector<16xi32>
        %bitcast3A_268 = vector.bitcast %shift_left3A_267 : vector<16xi32> to vector<16xf32>
        %and3A_269 = vector.broadcast %scan3A_19 : i32 to vector<16xi32>
        %and3A_270 = arith.andi %bitcast3A_264, %and3A_269 : vector<16xi32>
        %bitcast3A_271 = vector.bitcast %and3A_270 : vector<16xi32> to vector<16xf32>
        %mul3A_272 = arith.mulf %bitcast3A_268, %gather3A_163 : vector<16xf32>
        %swap3A_273 = arith.index_cast %add3A_260 : i32 to index
        %swap3A_274 = arith.constant 0 : index
        %swap3A_275 = tpu.vector_load %arg12[%swap3A_273, %swap3A_274] {strides = array<i32>} : memref<128x64xf32, #tpu.memory_space<vmem>>, vector<16xf32>,
        tpu.vector_store %arg12[%swap3A_273, %swap3A_274], %mul3A_272 {strides = array<i32>} : memref<128x64xf32, #tpu.memory_space<vmem>>, vector<16xf32>,
        %mul3A_276 = arith.mulf %bitcast3A_271, %gather3A_163 : vector<16xf32>
        %swap3A_277 = arith.index_cast %add3A_260 : i32 to index
        %swap3A_278 = arith.constant 16 : index
        %swap3A_279 = tpu.vector_load %arg12[%swap3A_277, %swap3A_278] {strides = array<i32>} : memref<128x64xf32, #tpu.memory_space<vmem>>, vector<16xf32>,
        tpu.vector_store %arg12[%swap3A_277, %swap3A_278], %mul3A_276 {strides = array<i32>} : memref<128x64xf32, #tpu.memory_space<vmem>>, vector<16xf32>,
        %get3A_280 = arith.index_cast %add3A_260 : i32 to index
        %get3A_281 = arith.constant 32 : index
        %get3A_282 = tpu.vector_load %arg11[%get3A_280, %get3A_281] {strides = array<i32>} : memref<128x64xbf16, #tpu.memory_space<vmem>>, vector<32xbf16>,
        %bitcast3A_283 = vector.bitcast %get3A_282 : vector<32xbf16> to vector<16xi32>
        %shift_left3A_284 = arith.constant 16 : i32
        %shift_left3A_285 = vector.broadcast %shift_left3A_284 : i32 to vector<16xi32>
        %shift_left3A_286 = arith.shli %bitcast3A_283, %shift_left3A_285 : vector<16xi32>
        %bitcast3A_287 = vector.bitcast %shift_left3A_286 : vector<16xi32> to vector<16xf32>
        %and3A_288 = vector.broadcast %scan3A_19 : i32 to vector<16xi32>
        %and3A_289 = arith.andi %bitcast3A_283, %and3A_288 : vector<16xi32>
        %bitcast3A_290 = vector.bitcast %and3A_289 : vector<16xi32> to vector<16xf32>
        %mul3A_291 = arith.mulf %bitcast3A_287, %gather3A_163 : vector<16xf32>
        %swap3A_292 = arith.index_cast %add3A_260 : i32 to index
        %swap3A_293 = arith.constant 32 : index
        %swap3A_294 = tpu.vector_load %arg12[%swap3A_292, %swap3A_293] {strides = array<i32>} : memref<128x64xf32, #tpu.memory_space<vmem>>, vector<16xf32>,
        tpu.vector_store %arg12[%swap3A_292, %swap3A_293], %mul3A_291 {strides = array<i32>} : memref<128x64xf32, #tpu.memory_space<vmem>>, vector<16xf32>,
        %mul3A_295 = arith.mulf %bitcast3A_290, %gather3A_163 : vector<16xf32>
        %swap3A_296 = arith.index_cast %add3A_260 : i32 to index
        %swap3A_297 = arith.constant 48 : index
        %swap3A_298 = tpu.vector_load %arg12[%swap3A_296, %swap3A_297] {strides = array<i32>} : memref<128x64xf32, #tpu.memory_space<vmem>>, vector<16xf32>,
        tpu.vector_store %arg12[%swap3A_296, %swap3A_297], %mul3A_295 {strides = array<i32>} : memref<128x64xf32, #tpu.memory_space<vmem>>, vector<16xf32>,
        %add3A_299 = arith.constant 3 : i32
        %add3A_300 = arith.addi %mul3A_152, %add3A_299 : i32
        %get3A_301 = arith.index_cast %add3A_300 : i32 to index
        %get3A_302 = arith.constant 0 : index
        %get3A_303 = tpu.vector_load %arg11[%get3A_301, %get3A_302] {strides = array<i32>} : memref<128x64xbf16, #tpu.memory_space<vmem>>, vector<32xbf16>,
        %bitcast3A_304 = vector.bitcast %get3A_303 : vector<32xbf16> to vector<16xi32>
        %shift_left3A_305 = arith.constant 16 : i32
        %shift_left3A_306 = vector.broadcast %shift_left3A_305 : i32 to vector<16xi32>
        %shift_left3A_307 = arith.shli %bitcast3A_304, %shift_left3A_306 : vector<16xi32>
        %bitcast3A_308 = vector.bitcast %shift_left3A_307 : vector<16xi32> to vector<16xf32>
        %and3A_309 = vector.broadcast %scan3A_19 : i32 to vector<16xi32>
        %and3A_310 = arith.andi %bitcast3A_304, %and3A_309 : vector<16xi32>
        %bitcast3A_311 = vector.bitcast %and3A_310 : vector<16xi32> to vector<16xf32>
        %mul3A_312 = arith.mulf %bitcast3A_308, %gather3A_167 : vector<16xf32>
        %swap3A_313 = arith.index_cast %add3A_300 : i32 to index
        %swap3A_314 = arith.constant 0 : index
        %swap3A_315 = tpu.vector_load %arg12[%swap3A_313, %swap3A_314] {strides = array<i32>} : memref<128x64xf32, #tpu.memory_space<vmem>>, vector<16xf32>,
        tpu.vector_store %arg12[%swap3A_313, %swap3A_314], %mul3A_312 {strides = array<i32>} : memref<128x64xf32, #tpu.memory_space<vmem>>, vector<16xf32>,
        %mul3A_316 = arith.mulf %bitcast3A_311, %gather3A_167 : vector<16xf32>
        %swap3A_317 = arith.index_cast %add3A_300 : i32 to index
        %swap3A_318 = arith.constant 16 : index
        %swap3A_319 = tpu.vector_load %arg12[%swap3A_317, %swap3A_318] {strides = array<i32>} : memref<128x64xf32, #tpu.memory_space<vmem>>, vector<16xf32>,
        tpu.vector_store %arg12[%swap3A_317, %swap3A_318], %mul3A_316 {strides = array<i32>} : memref<128x64xf32, #tpu.memory_space<vmem>>, vector<16xf32>,
        %get3A_320 = arith.index_cast %add3A_300 : i32 to index
        %get3A_321 = arith.constant 32 : index
        %get3A_322 = tpu.vector_load %arg11[%get3A_320, %get3A_321] {strides = array<i32>} : memref<128x64xbf16, #tpu.memory_space<vmem>>, vector<32xbf16>,
        %bitcast3A_323 = vector.bitcast %get3A_322 : vector<32xbf16> to vector<16xi32>
        %shift_left3A_324 = arith.constant 16 : i32
        %shift_left3A_325 = vector.broadcast %shift_left3A_324 : i32 to vector<16xi32>
        %shift_left3A_326 = arith.shli %bitcast3A_323, %shift_left3A_325 : vector<16xi32>
        %bitcast3A_327 = vector.bitcast %shift_left3A_326 : vector<16xi32> to vector<16xf32>
        %and3A_328 = vector.broadcast %scan3A_19 : i32 to vector<16xi32>
        %and3A_329 = arith.andi %bitcast3A_323, %and3A_328 : vector<16xi32>
        %bitcast3A_330 = vector.bitcast %and3A_329 : vector<16xi32> to vector<16xf32>
        %mul3A_331 = arith.mulf %bitcast3A_327, %gather3A_167 : vector<16xf32>
        %swap3A_332 = arith.index_cast %add3A_300 : i32 to index
        %swap3A_333 = arith.constant 32 : index
        %swap3A_334 = tpu.vector_load %arg12[%swap3A_332, %swap3A_333] {strides = array<i32>} : memref<128x64xf32, #tpu.memory_space<vmem>>, vector<16xf32>,
        tpu.vector_store %arg12[%swap3A_332, %swap3A_333], %mul3A_331 {strides = array<i32>} : memref<128x64xf32, #tpu.memory_space<vmem>>, vector<16xf32>,
        %mul3A_335 = arith.mulf %bitcast3A_330, %gather3A_167 : vector<16xf32>
        %swap3A_336 = arith.index_cast %add3A_300 : i32 to index
        %swap3A_337 = arith.constant 48 : index
        %swap3A_338 = tpu.vector_load %arg12[%swap3A_336, %swap3A_337] {strides = array<i32>} : memref<128x64xf32, #tpu.memory_space<vmem>>, vector<16xf32>,
        tpu.vector_store %arg12[%swap3A_336, %swap3A_337], %mul3A_335 {strides = array<i32>} : memref<128x64xf32, #tpu.memory_space<vmem>>, vector<16xf32>,
        %add3A_339 = arith.constant 4 : i32
        %add3A_340 = arith.addi %mul3A_152, %add3A_339 : i32
        %get3A_341 = arith.index_cast %add3A_340 : i32 to index
        %get3A_342 = arith.constant 0 : index
        %get3A_343 = tpu.vector_load %arg11[%get3A_341, %get3A_342] {strides = array<i32>} : memref<128x64xbf16, #tpu.memory_space<vmem>>, vector<32xbf16>,
        %bitcast3A_344 = vector.bitcast %get3A_343 : vector<32xbf16> to vector<16xi32>
        %shift_left3A_345 = arith.constant 16 : i32
        %shift_left3A_346 = vector.broadcast %shift_left3A_345 : i32 to vector<16xi32>
        %shift_left3A_347 = arith.shli %bitcast3A_344, %shift_left3A_346 : vector<16xi32>
        %bitcast3A_348 = vector.bitcast %shift_left3A_347 : vector<16xi32> to vector<16xf32>
        %and3A_349 = vector.broadcast %scan3A_19 : i32 to vector<16xi32>
        %and3A_350 = arith.andi %bitcast3A_344, %and3A_349 : vector<16xi32>
        %bitcast3A_351 = vector.bitcast %and3A_350 : vector<16xi32> to vector<16xf32>
        %mul3A_352 = arith.mulf %bitcast3A_348, %gather3A_171 : vector<16xf32>
        %swap3A_353 = arith.index_cast %add3A_340 : i32 to index
        %swap3A_354 = arith.constant 0 : index
        %swap3A_355 = tpu.vector_load %arg12[%swap3A_353, %swap3A_354] {strides = array<i32>} : memref<128x64xf32, #tpu.memory_space<vmem>>, vector<16xf32>,
        tpu.vector_store %arg12[%swap3A_353, %swap3A_354], %mul3A_352 {strides = array<i32>} : memref<128x64xf32, #tpu.memory_space<vmem>>, vector<16xf32>,
        %mul3A_356 = arith.mulf %bitcast3A_351, %gather3A_171 : vector<16xf32>
        %swap3A_357 = arith.index_cast %add3A_340 : i32 to index
        %swap3A_358 = arith.constant 16 : index
        %swap3A_359 = tpu.vector_load %arg12[%swap3A_357, %swap3A_358] {strides = array<i32>} : memref<128x64xf32, #tpu.memory_space<vmem>>, vector<16xf32>,
        tpu.vector_store %arg12[%swap3A_357, %swap3A_358], %mul3A_356 {strides = array<i32>} : memref<128x64xf32, #tpu.memory_space<vmem>>, vector<16xf32>,
        %get3A_360 = arith.index_cast %add3A_340 : i32 to index
        %get3A_361 = arith.constant 32 : index
        %get3A_362 = tpu.vector_load %arg11[%get3A_360, %get3A_361] {strides = array<i32>} : memref<128x64xbf16, #tpu.memory_space<vmem>>, vector<32xbf16>,
        %bitcast3A_363 = vector.bitcast %get3A_362 : vector<32xbf16> to vector<16xi32>
        %shift_left3A_364 = arith.constant 16 : i32
        %shift_left3A_365 = vector.broadcast %shift_left3A_364 : i32 to vector<16xi32>
        %shift_left3A_366 = arith.shli %bitcast3A_363, %shift_left3A_365 : vector<16xi32>
        %bitcast3A_367 = vector.bitcast %shift_left3A_366 : vector<16xi32> to vector<16xf32>
        %and3A_368 = vector.broadcast %scan3A_19 : i32 to vector<16xi32>
        %and3A_369 = arith.andi %bitcast3A_363, %and3A_368 : vector<16xi32>
        %bitcast3A_370 = vector.bitcast %and3A_369 : vector<16xi32> to vector<16xf32>
        %mul3A_371 = arith.mulf %bitcast3A_367, %gather3A_171 : vector<16xf32>
        %swap3A_372 = arith.index_cast %add3A_340 : i32 to index
        %swap3A_373 = arith.constant 32 : index
        %swap3A_374 = tpu.vector_load %arg12[%swap3A_372, %swap3A_373] {strides = array<i32>} : memref<128x64xf32, #tpu.memory_space<vmem>>, vector<16xf32>,
        tpu.vector_store %arg12[%swap3A_372, %swap3A_373], %mul3A_371 {strides = array<i32>} : memref<128x64xf32, #tpu.memory_space<vmem>>, vector<16xf32>,
        %mul3A_375 = arith.mulf %bitcast3A_370, %gather3A_171 : vector<16xf32>
        %swap3A_376 = arith.index_cast %add3A_340 : i32 to index
        %swap3A_377 = arith.constant 48 : index
        %swap3A_378 = tpu.vector_load %arg12[%swap3A_376, %swap3A_377] {strides = array<i32>} : memref<128x64xf32, #tpu.memory_space<vmem>>, vector<16xf32>,
        tpu.vector_store %arg12[%swap3A_376, %swap3A_377], %mul3A_375 {strides = array<i32>} : memref<128x64xf32, #tpu.memory_space<vmem>>, vector<16xf32>,
        %add3A_379 = arith.constant 5 : i32
        %add3A_380 = arith.addi %mul3A_152, %add3A_379 : i32
        %get3A_381 = arith.index_cast %add3A_380 : i32 to index
        %get3A_382 = arith.constant 0 : index
        %get3A_383 = tpu.vector_load %arg11[%get3A_381, %get3A_382] {strides = array<i32>} : memref<128x64xbf16, #tpu.memory_space<vmem>>, vector<32xbf16>,
        %bitcast3A_384 = vector.bitcast %get3A_383 : vector<32xbf16> to vector<16xi32>
        %shift_left3A_385 = arith.constant 16 : i32
        %shift_left3A_386 = vector.broadcast %shift_left3A_385 : i32 to vector<16xi32>
        %shift_left3A_387 = arith.shli %bitcast3A_384, %shift_left3A_386 : vector<16xi32>
        %bitcast3A_388 = vector.bitcast %shift_left3A_387 : vector<16xi32> to vector<16xf32>
        %and3A_389 = vector.broadcast %scan3A_19 : i32 to vector<16xi32>
        %and3A_390 = arith.andi %bitcast3A_384, %and3A_389 : vector<16xi32>
        %bitcast3A_391 = vector.bitcast %and3A_390 : vector<16xi32> to vector<16xf32>
        %mul3A_392 = arith.mulf %bitcast3A_388, %gather3A_175 : vector<16xf32>
        %swap3A_393 = arith.index_cast %add3A_380 : i32 to index
        %swap3A_394 = arith.constant 0 : index
        %swap3A_395 = tpu.vector_load %arg12[%swap3A_393, %swap3A_394] {strides = array<i32>} : memref<128x64xf32, #tpu.memory_space<vmem>>, vector<16xf32>,
        tpu.vector_store %arg12[%swap3A_393, %swap3A_394], %mul3A_392 {strides = array<i32>} : memref<128x64xf32, #tpu.memory_space<vmem>>, vector<16xf32>,
        %mul3A_396 = arith.mulf %bitcast3A_391, %gather3A_175 : vector<16xf32>
        %swap3A_397 = arith.index_cast %add3A_380 : i32 to index
        %swap3A_398 = arith.constant 16 : index
        %swap3A_399 = tpu.vector_load %arg12[%swap3A_397, %swap3A_398] {strides = array<i32>} : memref<128x64xf32, #tpu.memory_space<vmem>>, vector<16xf32>,
        tpu.vector_store %arg12[%swap3A_397, %swap3A_398], %mul3A_396 {strides = array<i32>} : memref<128x64xf32, #tpu.memory_space<vmem>>, vector<16xf32>,
        %get3A_400 = arith.index_cast %add3A_380 : i32 to index
        %get3A_401 = arith.constant 32 : index
        %get3A_402 = tpu.vector_load %arg11[%get3A_400, %get3A_401] {strides = array<i32>} : memref<128x64xbf16, #tpu.memory_space<vmem>>, vector<32xbf16>,
        %bitcast3A_403 = vector.bitcast %get3A_402 : vector<32xbf16> to vector<16xi32>
        %shift_left3A_404 = arith.constant 16 : i32
        %shift_left3A_405 = vector.broadcast %shift_left3A_404 : i32 to vector<16xi32>
        %shift_left3A_406 = arith.shli %bitcast3A_403, %shift_left3A_405 : vector<16xi32>
        %bitcast3A_407 = vector.bitcast %shift_left3A_406 : vector<16xi32> to vector<16xf32>
        %and3A_408 = vector.broadcast %scan3A_19 : i32 to vector<16xi32>
        %and3A_409 = arith.andi %bitcast3A_403, %and3A_408 : vector<16xi32>
        %bitcast3A_410 = vector.bitcast %and3A_409 : vector<16xi32> to vector<16xf32>
        %mul3A_411 = arith.mulf %bitcast3A_407, %gather3A_175 : vector<16xf32>
        %swap3A_412 = arith.index_cast %add3A_380 : i32 to index
        %swap3A_413 = arith.constant 32 : index
        %swap3A_414 = tpu.vector_load %arg12[%swap3A_412, %swap3A_413] {strides = array<i32>} : memref<128x64xf32, #tpu.memory_space<vmem>>, vector<16xf32>,
        tpu.vector_store %arg12[%swap3A_412, %swap3A_413], %mul3A_411 {strides = array<i32>} : memref<128x64xf32, #tpu.memory_space<vmem>>, vector<16xf32>,
        %mul3A_415 = arith.mulf %bitcast3A_410, %gather3A_175 : vector<16xf32>
        %swap3A_416 = arith.index_cast %add3A_380 : i32 to index
        %swap3A_417 = arith.constant 48 : index
        %swap3A_418 = tpu.vector_load %arg12[%swap3A_416, %swap3A_417] {strides = array<i32>} : memref<128x64xf32, #tpu.memory_space<vmem>>, vector<16xf32>,
        tpu.vector_store %arg12[%swap3A_416, %swap3A_417], %mul3A_415 {strides = array<i32>} : memref<128x64xf32, #tpu.memory_space<vmem>>, vector<16xf32>,
        %add3A_419 = arith.constant 6 : i32
        %add3A_420 = arith.addi %mul3A_152, %add3A_419 : i32
        %get3A_421 = arith.index_cast %add3A_420 : i32 to index
        %get3A_422 = arith.constant 0 : index
        %get3A_423 = tpu.vector_load %arg11[%get3A_421, %get3A_422] {strides = array<i32>} : memref<128x64xbf16, #tpu.memory_space<vmem>>, vector<32xbf16>,
        %bitcast3A_424 = vector.bitcast %get3A_423 : vector<32xbf16> to vector<16xi32>
        %shift_left3A_425 = arith.constant 16 : i32
        %shift_left3A_426 = vector.broadcast %shift_left3A_425 : i32 to vector<16xi32>
        %shift_left3A_427 = arith.shli %bitcast3A_424, %shift_left3A_426 : vector<16xi32>
        %bitcast3A_428 = vector.bitcast %shift_left3A_427 : vector<16xi32> to vector<16xf32>
        %and3A_429 = vector.broadcast %scan3A_19 : i32 to vector<16xi32>
        %and3A_430 = arith.andi %bitcast3A_424, %and3A_429 : vector<16xi32>
        %bitcast3A_431 = vector.bitcast %and3A_430 : vector<16xi32> to vector<16xf32>
        %mul3A_432 = arith.mulf %bitcast3A_428, %gather3A_179 : vector<16xf32>
        %swap3A_433 = arith.index_cast %add3A_420 : i32 to index
        %swap3A_434 = arith.constant 0 : index
        %swap3A_435 = tpu.vector_load %arg12[%swap3A_433, %swap3A_434] {strides = array<i32>} : memref<128x64xf32, #tpu.memory_space<vmem>>, vector<16xf32>,
        tpu.vector_store %arg12[%swap3A_433, %swap3A_434], %mul3A_432 {strides = array<i32>} : memref<128x64xf32, #tpu.memory_space<vmem>>, vector<16xf32>,
        %mul3A_436 = arith.mulf %bitcast3A_431, %gather3A_179 : vector<16xf32>
        %swap3A_437 = arith.index_cast %add3A_420 : i32 to index
        %swap3A_438 = arith.constant 16 : index
        %swap3A_439 = tpu.vector_load %arg12[%swap3A_437, %swap3A_438] {strides = array<i32>} : memref<128x64xf32, #tpu.memory_space<vmem>>, vector<16xf32>,
        tpu.vector_store %arg12[%swap3A_437, %swap3A_438], %mul3A_436 {strides = array<i32>} : memref<128x64xf32, #tpu.memory_space<vmem>>, vector<16xf32>,
        %get3A_440 = arith.index_cast %add3A_420 : i32 to index
        %get3A_441 = arith.constant 32 : index
        %get3A_442 = tpu.vector_load %arg11[%get3A_440, %get3A_441] {strides = array<i32>} : memref<128x64xbf16, #tpu.memory_space<vmem>>, vector<32xbf16>,
        %bitcast3A_443 = vector.bitcast %get3A_442 : vector<32xbf16> to vector<16xi32>
        %shift_left3A_444 = arith.constant 16 : i32
        %shift_left3A_445 = vector.broadcast %shift_left3A_444 : i32 to vector<16xi32>
        %shift_left3A_446 = arith.shli %bitcast3A_443, %shift_left3A_445 : vector<16xi32>
        %bitcast3A_447 = vector.bitcast %shift_left3A_446 : vector<16xi32> to vector<16xf32>
        %and3A_448 = vector.broadcast %scan3A_19 : i32 to vector<16xi32>
        %and3A_449 = arith.andi %bitcast3A_443, %and3A_448 : vector<16xi32>
        %bitcast3A_450 = vector.bitcast %and3A_449 : vector<16xi32> to vector<16xf32>
        %mul3A_451 = arith.mulf %bitcast3A_447, %gather3A_179 : vector<16xf32>
        %swap3A_452 = arith.index_cast %add3A_420 : i32 to index
        %swap3A_453 = arith.constant 32 : index
        %swap3A_454 = tpu.vector_load %arg12[%swap3A_452, %swap3A_453] {strides = array<i32>} : memref<128x64xf32, #tpu.memory_space<vmem>>, vector<16xf32>,
        tpu.vector_store %arg12[%swap3A_452, %swap3A_453], %mul3A_451 {strides = array<i32>} : memref<128x64xf32, #tpu.memory_space<vmem>>, vector<16xf32>,
        %mul3A_455 = arith.mulf %bitcast3A_450, %gather3A_179 : vector<16xf32>
        %swap3A_456 = arith.index_cast %add3A_420 : i32 to index
        %swap3A_457 = arith.constant 48 : index
        %swap3A_458 = tpu.vector_load %arg12[%swap3A_456, %swap3A_457] {strides = array<i32>} : memref<128x64xf32, #tpu.memory_space<vmem>>, vector<16xf32>,
        tpu.vector_store %arg12[%swap3A_456, %swap3A_457], %mul3A_455 {strides = array<i32>} : memref<128x64xf32, #tpu.memory_space<vmem>>, vector<16xf32>,
        %add3A_459 = arith.constant 7 : i32
        %add3A_460 = arith.addi %mul3A_152, %add3A_459 : i32
        %get3A_461 = arith.index_cast %add3A_460 : i32 to index
        %get3A_462 = arith.constant 0 : index
        %get3A_463 = tpu.vector_load %arg11[%get3A_461, %get3A_462] {strides = array<i32>} : memref<128x64xbf16, #tpu.memory_space<vmem>>, vector<32xbf16>,
        %bitcast3A_464 = vector.bitcast %get3A_463 : vector<32xbf16> to vector<16xi32>
        %shift_left3A_465 = arith.constant 16 : i32
        %shift_left3A_466 = vector.broadcast %shift_left3A_465 : i32 to vector<16xi32>
        %shift_left3A_467 = arith.shli %bitcast3A_464, %shift_left3A_466 : vector<16xi32>
        %bitcast3A_468 = vector.bitcast %shift_left3A_467 : vector<16xi32> to vector<16xf32>
        %and3A_469 = vector.broadcast %scan3A_19 : i32 to vector<16xi32>
        %and3A_470 = arith.andi %bitcast3A_464, %and3A_469 : vector<16xi32>
        %bitcast3A_471 = vector.bitcast %and3A_470 : vector<16xi32> to vector<16xf32>
        %mul3A_472 = arith.mulf %bitcast3A_468, %gather3A_183 : vector<16xf32>
        %swap3A_473 = arith.index_cast %add3A_460 : i32 to index
        %swap3A_474 = arith.constant 0 : index
        %swap3A_475 = tpu.vector_load %arg12[%swap3A_473, %swap3A_474] {strides = array<i32>} : memref<128x64xf32, #tpu.memory_space<vmem>>, vector<16xf32>,
        tpu.vector_store %arg12[%swap3A_473, %swap3A_474], %mul3A_472 {strides = array<i32>} : memref<128x64xf32, #tpu.memory_space<vmem>>, vector<16xf32>,
        %mul3A_476 = arith.mulf %bitcast3A_471, %gather3A_183 : vector<16xf32>
        %swap3A_477 = arith.index_cast %add3A_460 : i32 to index
        %swap3A_478 = arith.constant 16 : index
        %swap3A_479 = tpu.vector_load %arg12[%swap3A_477, %swap3A_478] {strides = array<i32>} : memref<128x64xf32, #tpu.memory_space<vmem>>, vector<16xf32>,
        tpu.vector_store %arg12[%swap3A_477, %swap3A_478], %mul3A_476 {strides = array<i32>} : memref<128x64xf32, #tpu.memory_space<vmem>>, vector<16xf32>,
        %get3A_480 = arith.index_cast %add3A_460 : i32 to index
        %get3A_481 = arith.constant 32 : index
        %get3A_482 = tpu.vector_load %arg11[%get3A_480, %get3A_481] {strides = array<i32>} : memref<128x64xbf16, #tpu.memory_space<vmem>>, vector<32xbf16>,
        %bitcast3A_483 = vector.bitcast %get3A_482 : vector<32xbf16> to vector<16xi32>
        %shift_left3A_484 = arith.constant 16 : i32
        %shift_left3A_485 = vector.broadcast %shift_left3A_484 : i32 to vector<16xi32>
        %shift_left3A_486 = arith.shli %bitcast3A_483, %shift_left3A_485 : vector<16xi32>
        %bitcast3A_487 = vector.bitcast %shift_left3A_486 : vector<16xi32> to vector<16xf32>
        %and3A_488 = vector.broadcast %scan3A_19 : i32 to vector<16xi32>
        %and3A_489 = arith.andi %bitcast3A_483, %and3A_488 : vector<16xi32>
        %bitcast3A_490 = vector.bitcast %and3A_489 : vector<16xi32> to vector<16xf32>
        %mul3A_491 = arith.mulf %bitcast3A_487, %gather3A_183 : vector<16xf32>
        %swap3A_492 = arith.index_cast %add3A_460 : i32 to index
        %swap3A_493 = arith.constant 32 : index
        %swap3A_494 = tpu.vector_load %arg12[%swap3A_492, %swap3A_493] {strides = array<i32>} : memref<128x64xf32, #tpu.memory_space<vmem>>, vector<16xf32>,
        tpu.vector_store %arg12[%swap3A_492, %swap3A_493], %mul3A_491 {strides = array<i32>} : memref<128x64xf32, #tpu.memory_space<vmem>>, vector<16xf32>,
        %mul3A_495 = arith.mulf %bitcast3A_490, %gather3A_183 : vector<16xf32>
        %swap3A_496 = arith.index_cast %add3A_460 : i32 to index
        %swap3A_497 = arith.constant 48 : index
        %swap3A_498 = tpu.vector_load %arg12[%swap3A_496, %swap3A_497] {strides = array<i32>} : memref<128x64xf32, #tpu.memory_space<vmem>>, vector<16xf32>,
        tpu.vector_store %arg12[%swap3A_496, %swap3A_497], %mul3A_495 {strides = array<i32>} : memref<128x64xf32, #tpu.memory_space<vmem>>, vector<16xf32>,
        %add3A_499 = arith.constant 8 : i32
        %add3A_500 = vector.broadcast %add3A_499 : i32 to vector<16xi32>
        %add3A_501 = arith.addi %scan3A_150, %add3A_500 : vector<16xi32>
        scf.yield %add3A_501 : vector<16xi32>
      }
      %scan3A_142 = arith.constant 16 : i32
      %dma_start3A_143 = arith.constant 0 : i32
      %dma_start3A_144 = tpu.memref_slice %arg8[%add3A_86, %dma_start3A_143] : memref<80x128xi32, #tpu.memory_space<vmem>> -> memref<1x128xi32, #tpu.memory_space<vmem>>
      %dma_start3A_145 = tpu.memref_squeeze %dma_start3A_144 : memref<1x128xi32, #tpu.memory_space<vmem>> -> memref<128xi32, #tpu.memory_space<vmem>>
      %dma_start3A_146 = arith.constant 0 : i32
      %dma_start3A_147 = arith.constant 0 : i32
      %dma_start3A_148 = tpu.memref_slice %arg13[%dma_start3A_146, %dma_start3A_147] : memref<10240x64xf32, #tpu.memory_space<vmem_shared>> -> memref<10240x64xf32, #tpu.memory_space<vmem_shared>>
      tpu.enqueue_indirect_dma source(%arg12 : memref<128x64xf32, #tpu.memory_space<vmem>>) target(%dma_start3A_148 : memref<10240x64xf32, #tpu.memory_space<vmem_shared>>) offsets(%dma_start3A_145 : memref<128xi32, #tpu.memory_space<vmem>>) semaphore(%arg16 : memref<!tpu.dma_semaphore, #tpu.memory_space<semaphore_mem>>) {add = true}
    }
    %scan3A_69 = arith.constant 40 : i32
    %dma_wait3A_70 = arith.constant 0 : i32
    %dma_wait3A_71 = arith.constant 0 : i32
    %dma_wait3A_72 = tpu.memref_slice %arg8[%dma_wait3A_70, %dma_wait3A_71] : memref<80x128xi32, #tpu.memory_space<vmem>> -> memref<1x128xi32, #tpu.memory_space<vmem>>
    %dma_wait3A_73 = tpu.memref_squeeze %dma_wait3A_72 : memref<1x128xi32, #tpu.memory_space<vmem>> -> memref<128xi32, #tpu.memory_space<vmem>>
    %dma_wait3A_74 = arith.constant 0 : i32
    %dma_wait3A_75 = arith.constant 0 : i32
    %dma_wait3A_76 = tpu.memref_slice %arg13[%dma_wait3A_74, %dma_wait3A_75] : memref<10240x64xf32, #tpu.memory_space<vmem_shared>> -> memref<10240x64xf32, #tpu.memory_space<vmem_shared>>
    tpu.wait_indirect_dma semaphore(%arg16 : memref<!tpu.dma_semaphore, #tpu.memory_space<semaphore_mem>>) src(%arg12 : memref<128x64xf32, #tpu.memory_space<vmem>>) dst(%dma_wait3A_76 : memref<10240x64xf32, #tpu.memory_space<vmem_shared>>)
    %scan3A_77 = arith.constant 1 : i32
    %barrier3A_78 = arith.constant 0 : index
    tpu.barrier barrier_id(%barrier3A_78)
    %mul3A_79 = arith.constant 10240 : i32
    %mul3A_80 = arith.muli %arg0, %mul3A_79 : i32
    %add3A_81 = arith.addi %mul3A_80, %mul3A_2 : i32
    "tpu.region"() ({
      %run_scoped3A = tpu.sem_alloc : memref<!tpu.dma_semaphore, #tpu.memory_space<semaphore_mem>>
      %dma_start3A_82 = arith.constant 0 : i32
      %dma_start3A_83 = tpu.memref_slice %arg6[%add3A_81, %dma_start3A_82] : memref<20480x64xf32, #tpu.memory_space<hbm>> -> memref<640x64xf32, #tpu.memory_space<hbm>>
      %dma_start3A_84 = arith.constant 0 : i32
      %dma_start3A_85 = tpu.memref_slice %arg13[%mul3A_2, %dma_start3A_84] : memref<10240x64xf32, #tpu.memory_space<vmem_shared>> -> memref<640x64xf32, #tpu.memory_space<vmem_shared>>
      tpu.enqueue_dma source(%dma_start3A_85 : memref<640x64xf32, #tpu.memory_space<vmem_shared>>) target(%dma_start3A_83 : memref<640x64xf32, #tpu.memory_space<hbm>>) target_semaphore(%run_scoped3A : memref<!tpu.dma_semaphore, #tpu.memory_space<semaphore_mem>>)
      %dma_wait3A_86 = arith.constant 0 : i32
      %dma_wait3A_87 = tpu.memref_slice %arg6[%add3A_81, %dma_wait3A_86] : memref<20480x64xf32, #tpu.memory_space<hbm>> -> memref<640x64xf32, #tpu.memory_space<hbm>>
      %dma_wait3A_88 = arith.constant 0 : i32
      %dma_wait3A_89 = tpu.memref_slice %arg13[%mul3A_2, %dma_wait3A_88] : memref<10240x64xf32, #tpu.memory_space<vmem_shared>> -> memref<640x64xf32, #tpu.memory_space<vmem_shared>>
      tpu.wait_dma2 semaphore(%run_scoped3A : memref<!tpu.dma_semaphore, #tpu.memory_space<semaphore_mem>>) src(%dma_wait3A_89 : memref<640x64xf32, #tpu.memory_space<vmem_shared>>) dst(%dma_wait3A_87 : memref<640x64xf32, #tpu.memory_space<hbm>>)
      tpu.yield
    }) : () -> ()
    return
  }
}

#map = affine_map<(d0, d1) -> (0, 0, 0)>
#map1 = affine_map<(d0, d1) -> (0)>
module attributes {stable_mosaic.version = 14 : i64} {
  func.func @_deg_body(%arg0: i32, %arg1: i32, %arg2: memref<32x80x128xi32, #tpu.memory_space<hbm>>, %arg3: memref<32x80x128xf32, #tpu.memory_space<hbm>>, %arg4: memref<10240xf32, #tpu.memory_space<hbm>>, %arg5: memref<20480xf32, #tpu.memory_space<hbm>>, %arg6: memref<80x128xi32, #tpu.memory_space<vmem>>, %arg7: memref<80x128xf32, #tpu.memory_space<vmem>>, %arg8: memref<10240xf32, #tpu.memory_space<vmem_shared>>, %arg9: memref<!tpu.dma_semaphore, #tpu.memory_space<semaphore_mem>>) attributes {dimension_semantics = [#tpu.dimension_semantics<core_parallel>, #tpu.dimension_semantics<subcore_parallel>], iteration_bounds = array<i64: 2, 16>, scalar_prefetch = 0 : i64, scratch_operands = 4 : i64, tpu.core_type = #tpu.core_type<sc_vector_subcore>, window_params = [{transform_indices = #map}, {transform_indices = #map}, {transform_indices = #map1}, {transform_indices = #map1}]} {
    %mul3A = arith.constant 16 : i32
    %mul3A_0 = arith.muli %arg0, %mul3A : i32
    %add3A = arith.addi %mul3A_0, %arg1 : i32
    %mul3A_1 = arith.constant 640 : i32
    %mul3A_2 = arith.muli %arg1, %mul3A_1 : i32
    "tpu.region"() ({
      %run_scoped3A = tpu.sem_alloc : memref<!tpu.dma_semaphore, #tpu.memory_space<semaphore_mem>>
      %dma_start3A = tpu.memref_slice %arg8[%mul3A_2] : memref<10240xf32, #tpu.memory_space<vmem_shared>> -> memref<640xf32, #tpu.memory_space<vmem_shared>>
      %dma_start3A_12 = tpu.memref_slice %arg4[%mul3A_2] : memref<10240xf32, #tpu.memory_space<hbm>> -> memref<640xf32, #tpu.memory_space<hbm>>
      tpu.enqueue_dma source(%dma_start3A_12 : memref<640xf32, #tpu.memory_space<hbm>>) target(%dma_start3A : memref<640xf32, #tpu.memory_space<vmem_shared>>) target_semaphore(%run_scoped3A : memref<!tpu.dma_semaphore, #tpu.memory_space<semaphore_mem>>)
      %dma_wait3A = tpu.memref_slice %arg8[%mul3A_2] : memref<10240xf32, #tpu.memory_space<vmem_shared>> -> memref<640xf32, #tpu.memory_space<vmem_shared>>
      %dma_wait3A_13 = tpu.memref_slice %arg4[%mul3A_2] : memref<10240xf32, #tpu.memory_space<hbm>> -> memref<640xf32, #tpu.memory_space<hbm>>
      tpu.wait_dma2 semaphore(%run_scoped3A : memref<!tpu.dma_semaphore, #tpu.memory_space<semaphore_mem>>) src(%dma_wait3A_13 : memref<640xf32, #tpu.memory_space<hbm>>) dst(%dma_wait3A : memref<640xf32, #tpu.memory_space<vmem_shared>>)
      tpu.yield
    }) : () -> ()
    "tpu.region"() ({
      %run_scoped3A = tpu.sem_alloc : memref<!tpu.dma_semaphore, #tpu.memory_space<semaphore_mem>>
      %dma_start3A = arith.constant 0 : i32
      %dma_start3A_12 = arith.constant 0 : i32
      %dma_start3A_13 = tpu.memref_slice %arg2[%add3A, %dma_start3A, %dma_start3A_12] : memref<32x80x128xi32, #tpu.memory_space<hbm>> -> memref<1x80x128xi32, #tpu.memory_space<hbm>>
      %dma_start3A_14 = tpu.memref_squeeze %dma_start3A_13 : memref<1x80x128xi32, #tpu.memory_space<hbm>> -> memref<80x128xi32, #tpu.memory_space<hbm>>
      %dma_start3A_15 = arith.constant 0 : i32
      %dma_start3A_16 = arith.constant 0 : i32
      %dma_start3A_17 = tpu.memref_slice %arg2[%add3A, %dma_start3A_15, %dma_start3A_16] : memref<32x80x128xi32, #tpu.memory_space<hbm>> -> memref<1x80x128xi32, #tpu.memory_space<hbm>>
      %dma_start3A_18 = tpu.memref_squeeze %dma_start3A_17 : memref<1x80x128xi32, #tpu.memory_space<hbm>> -> memref<80x128xi32, #tpu.memory_space<hbm>>
      tpu.enqueue_dma source(%dma_start3A_18 : memref<80x128xi32, #tpu.memory_space<hbm>>) target(%arg6 : memref<80x128xi32, #tpu.memory_space<vmem>>) target_semaphore(%run_scoped3A : memref<!tpu.dma_semaphore, #tpu.memory_space<semaphore_mem>>)
      %dma_wait3A = arith.constant 0 : i32
      %dma_wait3A_19 = arith.constant 0 : i32
      %dma_wait3A_20 = tpu.memref_slice %arg2[%add3A, %dma_wait3A, %dma_wait3A_19] : memref<32x80x128xi32, #tpu.memory_space<hbm>> -> memref<1x80x128xi32, #tpu.memory_space<hbm>>
      %dma_wait3A_21 = tpu.memref_squeeze %dma_wait3A_20 : memref<1x80x128xi32, #tpu.memory_space<hbm>> -> memref<80x128xi32, #tpu.memory_space<hbm>>
      %dma_wait3A_22 = arith.constant 0 : i32
      %dma_wait3A_23 = arith.constant 0 : i32
      %dma_wait3A_24 = tpu.memref_slice %arg2[%add3A, %dma_wait3A_22, %dma_wait3A_23] : memref<32x80x128xi32, #tpu.memory_space<hbm>> -> memref<1x80x128xi32, #tpu.memory_space<hbm>>
      %dma_wait3A_25 = tpu.memref_squeeze %dma_wait3A_24 : memref<1x80x128xi32, #tpu.memory_space<hbm>> -> memref<80x128xi32, #tpu.memory_space<hbm>>
      tpu.wait_dma2 semaphore(%run_scoped3A : memref<!tpu.dma_semaphore, #tpu.memory_space<semaphore_mem>>) src(%dma_wait3A_25 : memref<80x128xi32, #tpu.memory_space<hbm>>) dst(%arg6 : memref<80x128xi32, #tpu.memory_space<vmem>>)
      tpu.yield
    }) : () -> ()
    "tpu.region"() ({
      %run_scoped3A = tpu.sem_alloc : memref<!tpu.dma_semaphore, #tpu.memory_space<semaphore_mem>>
      %dma_start3A = arith.constant 0 : i32
      %dma_start3A_12 = arith.constant 0 : i32
      %dma_start3A_13 = tpu.memref_slice %arg3[%add3A, %dma_start3A, %dma_start3A_12] : memref<32x80x128xf32, #tpu.memory_space<hbm>> -> memref<1x80x128xf32, #tpu.memory_space<hbm>>
      %dma_start3A_14 = tpu.memref_squeeze %dma_start3A_13 : memref<1x80x128xf32, #tpu.memory_space<hbm>> -> memref<80x128xf32, #tpu.memory_space<hbm>>
      %dma_start3A_15 = arith.constant 0 : i32
      %dma_start3A_16 = arith.constant 0 : i32
      %dma_start3A_17 = tpu.memref_slice %arg3[%add3A, %dma_start3A_15, %dma_start3A_16] : memref<32x80x128xf32, #tpu.memory_space<hbm>> -> memref<1x80x128xf32, #tpu.memory_space<hbm>>
      %dma_start3A_18 = tpu.memref_squeeze %dma_start3A_17 : memref<1x80x128xf32, #tpu.memory_space<hbm>> -> memref<80x128xf32, #tpu.memory_space<hbm>>
      tpu.enqueue_dma source(%dma_start3A_18 : memref<80x128xf32, #tpu.memory_space<hbm>>) target(%arg7 : memref<80x128xf32, #tpu.memory_space<vmem>>) target_semaphore(%run_scoped3A : memref<!tpu.dma_semaphore, #tpu.memory_space<semaphore_mem>>)
      %dma_wait3A = arith.constant 0 : i32
      %dma_wait3A_19 = arith.constant 0 : i32
      %dma_wait3A_20 = tpu.memref_slice %arg3[%add3A, %dma_wait3A, %dma_wait3A_19] : memref<32x80x128xf32, #tpu.memory_space<hbm>> -> memref<1x80x128xf32, #tpu.memory_space<hbm>>
      %dma_wait3A_21 = tpu.memref_squeeze %dma_wait3A_20 : memref<1x80x128xf32, #tpu.memory_space<hbm>> -> memref<80x128xf32, #tpu.memory_space<hbm>>
      %dma_wait3A_22 = arith.constant 0 : i32
      %dma_wait3A_23 = arith.constant 0 : i32
      %dma_wait3A_24 = tpu.memref_slice %arg3[%add3A, %dma_wait3A_22, %dma_wait3A_23] : memref<32x80x128xf32, #tpu.memory_space<hbm>> -> memref<1x80x128xf32, #tpu.memory_space<hbm>>
      %dma_wait3A_25 = tpu.memref_squeeze %dma_wait3A_24 : memref<1x80x128xf32, #tpu.memory_space<hbm>> -> memref<80x128xf32, #tpu.memory_space<hbm>>
      tpu.wait_dma2 semaphore(%run_scoped3A : memref<!tpu.dma_semaphore, #tpu.memory_space<semaphore_mem>>) src(%dma_wait3A_25 : memref<80x128xf32, #tpu.memory_space<hbm>>) dst(%arg7 : memref<80x128xf32, #tpu.memory_space<vmem>>)
      tpu.yield
    }) : () -> ()
    %barrier3A = arith.constant 0 : index
    tpu.barrier barrier_id(%barrier3A)
    %scan3A = arith.constant 0 : i32
    %scan3A_3 = arith.constant 0 : i32
    %scan3A_4 = arith.constant 5 : i32
    %scan3A_5 = arith.addi %scan3A_3, %scan3A_4 : i32
    %scan3A_6 = arith.constant 1 : i32
    scf.for %scan3A_12 = %scan3A_3 to %scan3A_5 step %scan3A_6  : i32 {
      %mul3A_13 = arith.constant 16 : i32
      %mul3A_14 = arith.muli %scan3A_12, %mul3A_13 : i32
      %add3A_15 = arith.constant 0 : i32
      %add3A_16 = arith.addi %mul3A_14, %add3A_15 : i32
      %dma_start3A = arith.constant 0 : i32
      %dma_start3A_17 = tpu.memref_slice %arg7[%add3A_16, %dma_start3A] : memref<80x128xf32, #tpu.memory_space<vmem>> -> memref<1x128xf32, #tpu.memory_space<vmem>>
      %dma_start3A_18 = tpu.memref_squeeze %dma_start3A_17 : memref<1x128xf32, #tpu.memory_space<vmem>> -> memref<128xf32, #tpu.memory_space<vmem>>
      %dma_start3A_19 = arith.constant 0 : i32
      %dma_start3A_20 = tpu.memref_slice %arg6[%add3A_16, %dma_start3A_19] : memref<80x128xi32, #tpu.memory_space<vmem>> -> memref<1x128xi32, #tpu.memory_space<vmem>>
      %dma_start3A_21 = tpu.memref_squeeze %dma_start3A_20 : memref<1x128xi32, #tpu.memory_space<vmem>> -> memref<128xi32, #tpu.memory_space<vmem>>
      %dma_start3A_22 = arith.constant 0 : i32
      %dma_start3A_23 = tpu.memref_slice %arg8[%dma_start3A_22] : memref<10240xf32, #tpu.memory_space<vmem_shared>> -> memref<10240xf32, #tpu.memory_space<vmem_shared>>
      tpu.enqueue_indirect_dma source(%dma_start3A_18 : memref<128xf32, #tpu.memory_space<vmem>>) target(%dma_start3A_23 : memref<10240xf32, #tpu.memory_space<vmem_shared>>) offsets(%dma_start3A_21 : memref<128xi32, #tpu.memory_space<vmem>>) semaphore(%arg9 : memref<!tpu.dma_semaphore, #tpu.memory_space<semaphore_mem>>) {add = true}
      %mul3A_24 = arith.constant 16 : i32
      %mul3A_25 = arith.muli %scan3A_12, %mul3A_24 : i32
      %add3A_26 = arith.constant 1 : i32
      %add3A_27 = arith.addi %mul3A_25, %add3A_26 : i32
      %dma_start3A_28 = arith.constant 0 : i32
      %dma_start3A_29 = tpu.memref_slice %arg7[%add3A_27, %dma_start3A_28] : memref<80x128xf32, #tpu.memory_space<vmem>> -> memref<1x128xf32, #tpu.memory_space<vmem>>
      %dma_start3A_30 = tpu.memref_squeeze %dma_start3A_29 : memref<1x128xf32, #tpu.memory_space<vmem>> -> memref<128xf32, #tpu.memory_space<vmem>>
      %dma_start3A_31 = arith.constant 0 : i32
      %dma_start3A_32 = tpu.memref_slice %arg6[%add3A_27, %dma_start3A_31] : memref<80x128xi32, #tpu.memory_space<vmem>> -> memref<1x128xi32, #tpu.memory_space<vmem>>
      %dma_start3A_33 = tpu.memref_squeeze %dma_start3A_32 : memref<1x128xi32, #tpu.memory_space<vmem>> -> memref<128xi32, #tpu.memory_space<vmem>>
      %dma_start3A_34 = arith.constant 0 : i32
      %dma_start3A_35 = tpu.memref_slice %arg8[%dma_start3A_34] : memref<10240xf32, #tpu.memory_space<vmem_shared>> -> memref<10240xf32, #tpu.memory_space<vmem_shared>>
      tpu.enqueue_indirect_dma source(%dma_start3A_30 : memref<128xf32, #tpu.memory_space<vmem>>) target(%dma_start3A_35 : memref<10240xf32, #tpu.memory_space<vmem_shared>>) offsets(%dma_start3A_33 : memref<128xi32, #tpu.memory_space<vmem>>) semaphore(%arg9 : memref<!tpu.dma_semaphore, #tpu.memory_space<semaphore_mem>>) {add = true}
      %mul3A_36 = arith.constant 16 : i32
      %mul3A_37 = arith.muli %scan3A_12, %mul3A_36 : i32
      %add3A_38 = arith.constant 2 : i32
      %add3A_39 = arith.addi %mul3A_37, %add3A_38 : i32
      %dma_start3A_40 = arith.constant 0 : i32
      %dma_start3A_41 = tpu.memref_slice %arg7[%add3A_39, %dma_start3A_40] : memref<80x128xf32, #tpu.memory_space<vmem>> -> memref<1x128xf32, #tpu.memory_space<vmem>>
      %dma_start3A_42 = tpu.memref_squeeze %dma_start3A_41 : memref<1x128xf32, #tpu.memory_space<vmem>> -> memref<128xf32, #tpu.memory_space<vmem>>
      %dma_start3A_43 = arith.constant 0 : i32
      %dma_start3A_44 = tpu.memref_slice %arg6[%add3A_39, %dma_start3A_43] : memref<80x128xi32, #tpu.memory_space<vmem>> -> memref<1x128xi32, #tpu.memory_space<vmem>>
      %dma_start3A_45 = tpu.memref_squeeze %dma_start3A_44 : memref<1x128xi32, #tpu.memory_space<vmem>> -> memref<128xi32, #tpu.memory_space<vmem>>
      %dma_start3A_46 = arith.constant 0 : i32
      %dma_start3A_47 = tpu.memref_slice %arg8[%dma_start3A_46] : memref<10240xf32, #tpu.memory_space<vmem_shared>> -> memref<10240xf32, #tpu.memory_space<vmem_shared>>
      tpu.enqueue_indirect_dma source(%dma_start3A_42 : memref<128xf32, #tpu.memory_space<vmem>>) target(%dma_start3A_47 : memref<10240xf32, #tpu.memory_space<vmem_shared>>) offsets(%dma_start3A_45 : memref<128xi32, #tpu.memory_space<vmem>>) semaphore(%arg9 : memref<!tpu.dma_semaphore, #tpu.memory_space<semaphore_mem>>) {add = true}
      %mul3A_48 = arith.constant 16 : i32
      %mul3A_49 = arith.muli %scan3A_12, %mul3A_48 : i32
      %add3A_50 = arith.constant 3 : i32
      %add3A_51 = arith.addi %mul3A_49, %add3A_50 : i32
      %dma_start3A_52 = arith.constant 0 : i32
      %dma_start3A_53 = tpu.memref_slice %arg7[%add3A_51, %dma_start3A_52] : memref<80x128xf32, #tpu.memory_space<vmem>> -> memref<1x128xf32, #tpu.memory_space<vmem>>
      %dma_start3A_54 = tpu.memref_squeeze %dma_start3A_53 : memref<1x128xf32, #tpu.memory_space<vmem>> -> memref<128xf32, #tpu.memory_space<vmem>>
      %dma_start3A_55 = arith.constant 0 : i32
      %dma_start3A_56 = tpu.memref_slice %arg6[%add3A_51, %dma_start3A_55] : memref<80x128xi32, #tpu.memory_space<vmem>> -> memref<1x128xi32, #tpu.memory_space<vmem>>
      %dma_start3A_57 = tpu.memref_squeeze %dma_start3A_56 : memref<1x128xi32, #tpu.memory_space<vmem>> -> memref<128xi32, #tpu.memory_space<vmem>>
      %dma_start3A_58 = arith.constant 0 : i32
      %dma_start3A_59 = tpu.memref_slice %arg8[%dma_start3A_58] : memref<10240xf32, #tpu.memory_space<vmem_shared>> -> memref<10240xf32, #tpu.memory_space<vmem_shared>>
      tpu.enqueue_indirect_dma source(%dma_start3A_54 : memref<128xf32, #tpu.memory_space<vmem>>) target(%dma_start3A_59 : memref<10240xf32, #tpu.memory_space<vmem_shared>>) offsets(%dma_start3A_57 : memref<128xi32, #tpu.memory_space<vmem>>) semaphore(%arg9 : memref<!tpu.dma_semaphore, #tpu.memory_space<semaphore_mem>>) {add = true}
      %mul3A_60 = arith.constant 16 : i32
      %mul3A_61 = arith.muli %scan3A_12, %mul3A_60 : i32
      %add3A_62 = arith.constant 4 : i32
      %add3A_63 = arith.addi %mul3A_61, %add3A_62 : i32
      %dma_start3A_64 = arith.constant 0 : i32
      %dma_start3A_65 = tpu.memref_slice %arg7[%add3A_63, %dma_start3A_64] : memref<80x128xf32, #tpu.memory_space<vmem>> -> memref<1x128xf32, #tpu.memory_space<vmem>>
      %dma_start3A_66 = tpu.memref_squeeze %dma_start3A_65 : memref<1x128xf32, #tpu.memory_space<vmem>> -> memref<128xf32, #tpu.memory_space<vmem>>
      %dma_start3A_67 = arith.constant 0 : i32
      %dma_start3A_68 = tpu.memref_slice %arg6[%add3A_63, %dma_start3A_67] : memref<80x128xi32, #tpu.memory_space<vmem>> -> memref<1x128xi32, #tpu.memory_space<vmem>>
      %dma_start3A_69 = tpu.memref_squeeze %dma_start3A_68 : memref<1x128xi32, #tpu.memory_space<vmem>> -> memref<128xi32, #tpu.memory_space<vmem>>
      %dma_start3A_70 = arith.constant 0 : i32
      %dma_start3A_71 = tpu.memref_slice %arg8[%dma_start3A_70] : memref<10240xf32, #tpu.memory_space<vmem_shared>> -> memref<10240xf32, #tpu.memory_space<vmem_shared>>
      tpu.enqueue_indirect_dma source(%dma_start3A_66 : memref<128xf32, #tpu.memory_space<vmem>>) target(%dma_start3A_71 : memref<10240xf32, #tpu.memory_space<vmem_shared>>) offsets(%dma_start3A_69 : memref<128xi32, #tpu.memory_space<vmem>>) semaphore(%arg9 : memref<!tpu.dma_semaphore, #tpu.memory_space<semaphore_mem>>) {add = true}
      %mul3A_72 = arith.constant 16 : i32
      %mul3A_73 = arith.muli %scan3A_12, %mul3A_72 : i32
      %add3A_74 = arith.constant 5 : i32
      %add3A_75 = arith.addi %mul3A_73, %add3A_74 : i32
      %dma_start3A_76 = arith.constant 0 : i32
      %dma_start3A_77 = tpu.memref_slice %arg7[%add3A_75, %dma_start3A_76] : memref<80x128xf32, #tpu.memory_space<vmem>> -> memref<1x128xf32, #tpu.memory_space<vmem>>
      %dma_start3A_78 = tpu.memref_squeeze %dma_start3A_77 : memref<1x128xf32, #tpu.memory_space<vmem>> -> memref<128xf32, #tpu.memory_space<vmem>>
      %dma_start3A_79 = arith.constant 0 : i32
      %dma_start3A_80 = tpu.memref_slice %arg6[%add3A_75, %dma_start3A_79] : memref<80x128xi32, #tpu.memory_space<vmem>> -> memref<1x128xi32, #tpu.memory_space<vmem>>
      %dma_start3A_81 = tpu.memref_squeeze %dma_start3A_80 : memref<1x128xi32, #tpu.memory_space<vmem>> -> memref<128xi32, #tpu.memory_space<vmem>>
      %dma_start3A_82 = arith.constant 0 : i32
      %dma_start3A_83 = tpu.memref_slice %arg8[%dma_start3A_82] : memref<10240xf32, #tpu.memory_space<vmem_shared>> -> memref<10240xf32, #tpu.memory_space<vmem_shared>>
      tpu.enqueue_indirect_dma source(%dma_start3A_78 : memref<128xf32, #tpu.memory_space<vmem>>) target(%dma_start3A_83 : memref<10240xf32, #tpu.memory_space<vmem_shared>>) offsets(%dma_start3A_81 : memref<128xi32, #tpu.memory_space<vmem>>) semaphore(%arg9 : memref<!tpu.dma_semaphore, #tpu.memory_space<semaphore_mem>>) {add = true}
      %mul3A_84 = arith.constant 16 : i32
      %mul3A_85 = arith.muli %scan3A_12, %mul3A_84 : i32
      %add3A_86 = arith.constant 6 : i32
      %add3A_87 = arith.addi %mul3A_85, %add3A_86 : i32
      %dma_start3A_88 = arith.constant 0 : i32
      %dma_start3A_89 = tpu.memref_slice %arg7[%add3A_87, %dma_start3A_88] : memref<80x128xf32, #tpu.memory_space<vmem>> -> memref<1x128xf32, #tpu.memory_space<vmem>>
      %dma_start3A_90 = tpu.memref_squeeze %dma_start3A_89 : memref<1x128xf32, #tpu.memory_space<vmem>> -> memref<128xf32, #tpu.memory_space<vmem>>
      %dma_start3A_91 = arith.constant 0 : i32
      %dma_start3A_92 = tpu.memref_slice %arg6[%add3A_87, %dma_start3A_91] : memref<80x128xi32, #tpu.memory_space<vmem>> -> memref<1x128xi32, #tpu.memory_space<vmem>>
      %dma_start3A_93 = tpu.memref_squeeze %dma_start3A_92 : memref<1x128xi32, #tpu.memory_space<vmem>> -> memref<128xi32, #tpu.memory_space<vmem>>
      %dma_start3A_94 = arith.constant 0 : i32
      %dma_start3A_95 = tpu.memref_slice %arg8[%dma_start3A_94] : memref<10240xf32, #tpu.memory_space<vmem_shared>> -> memref<10240xf32, #tpu.memory_space<vmem_shared>>
      tpu.enqueue_indirect_dma source(%dma_start3A_90 : memref<128xf32, #tpu.memory_space<vmem>>) target(%dma_start3A_95 : memref<10240xf32, #tpu.memory_space<vmem_shared>>) offsets(%dma_start3A_93 : memref<128xi32, #tpu.memory_space<vmem>>) semaphore(%arg9 : memref<!tpu.dma_semaphore, #tpu.memory_space<semaphore_mem>>) {add = true}
      %mul3A_96 = arith.constant 16 : i32
      %mul3A_97 = arith.muli %scan3A_12, %mul3A_96 : i32
      %add3A_98 = arith.constant 7 : i32
      %add3A_99 = arith.addi %mul3A_97, %add3A_98 : i32
      %dma_start3A_100 = arith.constant 0 : i32
      %dma_start3A_101 = tpu.memref_slice %arg7[%add3A_99, %dma_start3A_100] : memref<80x128xf32, #tpu.memory_space<vmem>> -> memref<1x128xf32, #tpu.memory_space<vmem>>
      %dma_start3A_102 = tpu.memref_squeeze %dma_start3A_101 : memref<1x128xf32, #tpu.memory_space<vmem>> -> memref<128xf32, #tpu.memory_space<vmem>>
      %dma_start3A_103 = arith.constant 0 : i32
      %dma_start3A_104 = tpu.memref_slice %arg6[%add3A_99, %dma_start3A_103] : memref<80x128xi32, #tpu.memory_space<vmem>> -> memref<1x128xi32, #tpu.memory_space<vmem>>
      %dma_start3A_105 = tpu.memref_squeeze %dma_start3A_104 : memref<1x128xi32, #tpu.memory_space<vmem>> -> memref<128xi32, #tpu.memory_space<vmem>>
      %dma_start3A_106 = arith.constant 0 : i32
      %dma_start3A_107 = tpu.memref_slice %arg8[%dma_start3A_106] : memref<10240xf32, #tpu.memory_space<vmem_shared>> -> memref<10240xf32, #tpu.memory_space<vmem_shared>>
      tpu.enqueue_indirect_dma source(%dma_start3A_102 : memref<128xf32, #tpu.memory_space<vmem>>) target(%dma_start3A_107 : memref<10240xf32, #tpu.memory_space<vmem_shared>>) offsets(%dma_start3A_105 : memref<128xi32, #tpu.memory_space<vmem>>) semaphore(%arg9 : memref<!tpu.dma_semaphore, #tpu.memory_space<semaphore_mem>>) {add = true}
      %mul3A_108 = arith.constant 16 : i32
      %mul3A_109 = arith.muli %scan3A_12, %mul3A_108 : i32
      %add3A_110 = arith.constant 8 : i32
      %add3A_111 = arith.addi %mul3A_109, %add3A_110 : i32
      %dma_start3A_112 = arith.constant 0 : i32
      %dma_start3A_113 = tpu.memref_slice %arg7[%add3A_111, %dma_start3A_112] : memref<80x128xf32, #tpu.memory_space<vmem>> -> memref<1x128xf32, #tpu.memory_space<vmem>>
      %dma_start3A_114 = tpu.memref_squeeze %dma_start3A_113 : memref<1x128xf32, #tpu.memory_space<vmem>> -> memref<128xf32, #tpu.memory_space<vmem>>
      %dma_start3A_115 = arith.constant 0 : i32
      %dma_start3A_116 = tpu.memref_slice %arg6[%add3A_111, %dma_start3A_115] : memref<80x128xi32, #tpu.memory_space<vmem>> -> memref<1x128xi32, #tpu.memory_space<vmem>>
      %dma_start3A_117 = tpu.memref_squeeze %dma_start3A_116 : memref<1x128xi32, #tpu.memory_space<vmem>> -> memref<128xi32, #tpu.memory_space<vmem>>
      %dma_start3A_118 = arith.constant 0 : i32
      %dma_start3A_119 = tpu.memref_slice %arg8[%dma_start3A_118] : memref<10240xf32, #tpu.memory_space<vmem_shared>> -> memref<10240xf32, #tpu.memory_space<vmem_shared>>
      tpu.enqueue_indirect_dma source(%dma_start3A_114 : memref<128xf32, #tpu.memory_space<vmem>>) target(%dma_start3A_119 : memref<10240xf32, #tpu.memory_space<vmem_shared>>) offsets(%dma_start3A_117 : memref<128xi32, #tpu.memory_space<vmem>>) semaphore(%arg9 : memref<!tpu.dma_semaphore, #tpu.memory_space<semaphore_mem>>) {add = true}
      %mul3A_120 = arith.constant 16 : i32
      %mul3A_121 = arith.muli %scan3A_12, %mul3A_120 : i32
      %add3A_122 = arith.constant 9 : i32
      %add3A_123 = arith.addi %mul3A_121, %add3A_122 : i32
      %dma_start3A_124 = arith.constant 0 : i32
      %dma_start3A_125 = tpu.memref_slice %arg7[%add3A_123, %dma_start3A_124] : memref<80x128xf32, #tpu.memory_space<vmem>> -> memref<1x128xf32, #tpu.memory_space<vmem>>
      %dma_start3A_126 = tpu.memref_squeeze %dma_start3A_125 : memref<1x128xf32, #tpu.memory_space<vmem>> -> memref<128xf32, #tpu.memory_space<vmem>>
      %dma_start3A_127 = arith.constant 0 : i32
      %dma_start3A_128 = tpu.memref_slice %arg6[%add3A_123, %dma_start3A_127] : memref<80x128xi32, #tpu.memory_space<vmem>> -> memref<1x128xi32, #tpu.memory_space<vmem>>
      %dma_start3A_129 = tpu.memref_squeeze %dma_start3A_128 : memref<1x128xi32, #tpu.memory_space<vmem>> -> memref<128xi32, #tpu.memory_space<vmem>>
      %dma_start3A_130 = arith.constant 0 : i32
      %dma_start3A_131 = tpu.memref_slice %arg8[%dma_start3A_130] : memref<10240xf32, #tpu.memory_space<vmem_shared>> -> memref<10240xf32, #tpu.memory_space<vmem_shared>>
      tpu.enqueue_indirect_dma source(%dma_start3A_126 : memref<128xf32, #tpu.memory_space<vmem>>) target(%dma_start3A_131 : memref<10240xf32, #tpu.memory_space<vmem_shared>>) offsets(%dma_start3A_129 : memref<128xi32, #tpu.memory_space<vmem>>) semaphore(%arg9 : memref<!tpu.dma_semaphore, #tpu.memory_space<semaphore_mem>>) {add = true}
      %mul3A_132 = arith.constant 16 : i32
      %mul3A_133 = arith.muli %scan3A_12, %mul3A_132 : i32
      %add3A_134 = arith.constant 10 : i32
      %add3A_135 = arith.addi %mul3A_133, %add3A_134 : i32
      %dma_start3A_136 = arith.constant 0 : i32
      %dma_start3A_137 = tpu.memref_slice %arg7[%add3A_135, %dma_start3A_136] : memref<80x128xf32, #tpu.memory_space<vmem>> -> memref<1x128xf32, #tpu.memory_space<vmem>>
      %dma_start3A_138 = tpu.memref_squeeze %dma_start3A_137 : memref<1x128xf32, #tpu.memory_space<vmem>> -> memref<128xf32, #tpu.memory_space<vmem>>
      %dma_start3A_139 = arith.constant 0 : i32
      %dma_start3A_140 = tpu.memref_slice %arg6[%add3A_135, %dma_start3A_139] : memref<80x128xi32, #tpu.memory_space<vmem>> -> memref<1x128xi32, #tpu.memory_space<vmem>>
      %dma_start3A_141 = tpu.memref_squeeze %dma_start3A_140 : memref<1x128xi32, #tpu.memory_space<vmem>> -> memref<128xi32, #tpu.memory_space<vmem>>
      %dma_start3A_142 = arith.constant 0 : i32
      %dma_start3A_143 = tpu.memref_slice %arg8[%dma_start3A_142] : memref<10240xf32, #tpu.memory_space<vmem_shared>> -> memref<10240xf32, #tpu.memory_space<vmem_shared>>
      tpu.enqueue_indirect_dma source(%dma_start3A_138 : memref<128xf32, #tpu.memory_space<vmem>>) target(%dma_start3A_143 : memref<10240xf32, #tpu.memory_space<vmem_shared>>) offsets(%dma_start3A_141 : memref<128xi32, #tpu.memory_space<vmem>>) semaphore(%arg9 : memref<!tpu.dma_semaphore, #tpu.memory_space<semaphore_mem>>) {add = true}
      %mul3A_144 = arith.constant 16 : i32
      %mul3A_145 = arith.muli %scan3A_12, %mul3A_144 : i32
      %add3A_146 = arith.constant 11 : i32
      %add3A_147 = arith.addi %mul3A_145, %add3A_146 : i32
      %dma_start3A_148 = arith.constant 0 : i32
      %dma_start3A_149 = tpu.memref_slice %arg7[%add3A_147, %dma_start3A_148] : memref<80x128xf32, #tpu.memory_space<vmem>> -> memref<1x128xf32, #tpu.memory_space<vmem>>
      %dma_start3A_150 = tpu.memref_squeeze %dma_start3A_149 : memref<1x128xf32, #tpu.memory_space<vmem>> -> memref<128xf32, #tpu.memory_space<vmem>>
      %dma_start3A_151 = arith.constant 0 : i32
      %dma_start3A_152 = tpu.memref_slice %arg6[%add3A_147, %dma_start3A_151] : memref<80x128xi32, #tpu.memory_space<vmem>> -> memref<1x128xi32, #tpu.memory_space<vmem>>
      %dma_start3A_153 = tpu.memref_squeeze %dma_start3A_152 : memref<1x128xi32, #tpu.memory_space<vmem>> -> memref<128xi32, #tpu.memory_space<vmem>>
      %dma_start3A_154 = arith.constant 0 : i32
      %dma_start3A_155 = tpu.memref_slice %arg8[%dma_start3A_154] : memref<10240xf32, #tpu.memory_space<vmem_shared>> -> memref<10240xf32, #tpu.memory_space<vmem_shared>>
      tpu.enqueue_indirect_dma source(%dma_start3A_150 : memref<128xf32, #tpu.memory_space<vmem>>) target(%dma_start3A_155 : memref<10240xf32, #tpu.memory_space<vmem_shared>>) offsets(%dma_start3A_153 : memref<128xi32, #tpu.memory_space<vmem>>) semaphore(%arg9 : memref<!tpu.dma_semaphore, #tpu.memory_space<semaphore_mem>>) {add = true}
      %mul3A_156 = arith.constant 16 : i32
      %mul3A_157 = arith.muli %scan3A_12, %mul3A_156 : i32
      %add3A_158 = arith.constant 12 : i32
      %add3A_159 = arith.addi %mul3A_157, %add3A_158 : i32
      %dma_start3A_160 = arith.constant 0 : i32
      %dma_start3A_161 = tpu.memref_slice %arg7[%add3A_159, %dma_start3A_160] : memref<80x128xf32, #tpu.memory_space<vmem>> -> memref<1x128xf32, #tpu.memory_space<vmem>>
      %dma_start3A_162 = tpu.memref_squeeze %dma_start3A_161 : memref<1x128xf32, #tpu.memory_space<vmem>> -> memref<128xf32, #tpu.memory_space<vmem>>
      %dma_start3A_163 = arith.constant 0 : i32
      %dma_start3A_164 = tpu.memref_slice %arg6[%add3A_159, %dma_start3A_163] : memref<80x128xi32, #tpu.memory_space<vmem>> -> memref<1x128xi32, #tpu.memory_space<vmem>>
      %dma_start3A_165 = tpu.memref_squeeze %dma_start3A_164 : memref<1x128xi32, #tpu.memory_space<vmem>> -> memref<128xi32, #tpu.memory_space<vmem>>
      %dma_start3A_166 = arith.constant 0 : i32
      %dma_start3A_167 = tpu.memref_slice %arg8[%dma_start3A_166] : memref<10240xf32, #tpu.memory_space<vmem_shared>> -> memref<10240xf32, #tpu.memory_space<vmem_shared>>
      tpu.enqueue_indirect_dma source(%dma_start3A_162 : memref<128xf32, #tpu.memory_space<vmem>>) target(%dma_start3A_167 : memref<10240xf32, #tpu.memory_space<vmem_shared>>) offsets(%dma_start3A_165 : memref<128xi32, #tpu.memory_space<vmem>>) semaphore(%arg9 : memref<!tpu.dma_semaphore, #tpu.memory_space<semaphore_mem>>) {add = true}
      %mul3A_168 = arith.constant 16 : i32
      %mul3A_169 = arith.muli %scan3A_12, %mul3A_168 : i32
      %add3A_170 = arith.constant 13 : i32
      %add3A_171 = arith.addi %mul3A_169, %add3A_170 : i32
      %dma_start3A_172 = arith.constant 0 : i32
      %dma_start3A_173 = tpu.memref_slice %arg7[%add3A_171, %dma_start3A_172] : memref<80x128xf32, #tpu.memory_space<vmem>> -> memref<1x128xf32, #tpu.memory_space<vmem>>
      %dma_start3A_174 = tpu.memref_squeeze %dma_start3A_173 : memref<1x128xf32, #tpu.memory_space<vmem>> -> memref<128xf32, #tpu.memory_space<vmem>>
      %dma_start3A_175 = arith.constant 0 : i32
      %dma_start3A_176 = tpu.memref_slice %arg6[%add3A_171, %dma_start3A_175] : memref<80x128xi32, #tpu.memory_space<vmem>> -> memref<1x128xi32, #tpu.memory_space<vmem>>
      %dma_start3A_177 = tpu.memref_squeeze %dma_start3A_176 : memref<1x128xi32, #tpu.memory_space<vmem>> -> memref<128xi32, #tpu.memory_space<vmem>>
      %dma_start3A_178 = arith.constant 0 : i32
      %dma_start3A_179 = tpu.memref_slice %arg8[%dma_start3A_178] : memref<10240xf32, #tpu.memory_space<vmem_shared>> -> memref<10240xf32, #tpu.memory_space<vmem_shared>>
      tpu.enqueue_indirect_dma source(%dma_start3A_174 : memref<128xf32, #tpu.memory_space<vmem>>) target(%dma_start3A_179 : memref<10240xf32, #tpu.memory_space<vmem_shared>>) offsets(%dma_start3A_177 : memref<128xi32, #tpu.memory_space<vmem>>) semaphore(%arg9 : memref<!tpu.dma_semaphore, #tpu.memory_space<semaphore_mem>>) {add = true}
      %mul3A_180 = arith.constant 16 : i32
      %mul3A_181 = arith.muli %scan3A_12, %mul3A_180 : i32
      %add3A_182 = arith.constant 14 : i32
      %add3A_183 = arith.addi %mul3A_181, %add3A_182 : i32
      %dma_start3A_184 = arith.constant 0 : i32
      %dma_start3A_185 = tpu.memref_slice %arg7[%add3A_183, %dma_start3A_184] : memref<80x128xf32, #tpu.memory_space<vmem>> -> memref<1x128xf32, #tpu.memory_space<vmem>>
      %dma_start3A_186 = tpu.memref_squeeze %dma_start3A_185 : memref<1x128xf32, #tpu.memory_space<vmem>> -> memref<128xf32, #tpu.memory_space<vmem>>
      %dma_start3A_187 = arith.constant 0 : i32
      %dma_start3A_188 = tpu.memref_slice %arg6[%add3A_183, %dma_start3A_187] : memref<80x128xi32, #tpu.memory_space<vmem>> -> memref<1x128xi32, #tpu.memory_space<vmem>>
      %dma_start3A_189 = tpu.memref_squeeze %dma_start3A_188 : memref<1x128xi32, #tpu.memory_space<vmem>> -> memref<128xi32, #tpu.memory_space<vmem>>
      %dma_start3A_190 = arith.constant 0 : i32
      %dma_start3A_191 = tpu.memref_slice %arg8[%dma_start3A_190] : memref<10240xf32, #tpu.memory_space<vmem_shared>> -> memref<10240xf32, #tpu.memory_space<vmem_shared>>
      tpu.enqueue_indirect_dma source(%dma_start3A_186 : memref<128xf32, #tpu.memory_space<vmem>>) target(%dma_start3A_191 : memref<10240xf32, #tpu.memory_space<vmem_shared>>) offsets(%dma_start3A_189 : memref<128xi32, #tpu.memory_space<vmem>>) semaphore(%arg9 : memref<!tpu.dma_semaphore, #tpu.memory_space<semaphore_mem>>) {add = true}
      %mul3A_192 = arith.constant 16 : i32
      %mul3A_193 = arith.muli %scan3A_12, %mul3A_192 : i32
      %add3A_194 = arith.constant 15 : i32
      %add3A_195 = arith.addi %mul3A_193, %add3A_194 : i32
      %dma_start3A_196 = arith.constant 0 : i32
      %dma_start3A_197 = tpu.memref_slice %arg7[%add3A_195, %dma_start3A_196] : memref<80x128xf32, #tpu.memory_space<vmem>> -> memref<1x128xf32, #tpu.memory_space<vmem>>
      %dma_start3A_198 = tpu.memref_squeeze %dma_start3A_197 : memref<1x128xf32, #tpu.memory_space<vmem>> -> memref<128xf32, #tpu.memory_space<vmem>>
      %dma_start3A_199 = arith.constant 0 : i32
      %dma_start3A_200 = tpu.memref_slice %arg6[%add3A_195, %dma_start3A_199] : memref<80x128xi32, #tpu.memory_space<vmem>> -> memref<1x128xi32, #tpu.memory_space<vmem>>
      %dma_start3A_201 = tpu.memref_squeeze %dma_start3A_200 : memref<1x128xi32, #tpu.memory_space<vmem>> -> memref<128xi32, #tpu.memory_space<vmem>>
      %dma_start3A_202 = arith.constant 0 : i32
      %dma_start3A_203 = tpu.memref_slice %arg8[%dma_start3A_202] : memref<10240xf32, #tpu.memory_space<vmem_shared>> -> memref<10240xf32, #tpu.memory_space<vmem_shared>>
      tpu.enqueue_indirect_dma source(%dma_start3A_198 : memref<128xf32, #tpu.memory_space<vmem>>) target(%dma_start3A_203 : memref<10240xf32, #tpu.memory_space<vmem_shared>>) offsets(%dma_start3A_201 : memref<128xi32, #tpu.memory_space<vmem>>) semaphore(%arg9 : memref<!tpu.dma_semaphore, #tpu.memory_space<semaphore_mem>>) {add = true}
      %dma_wait3A = arith.constant 0 : i32
      %dma_wait3A_204 = arith.constant 0 : i32
      %dma_wait3A_205 = arith.constant 0 : i32
      %dma_wait3A_206 = tpu.memref_slice %arg7[%dma_wait3A, %dma_wait3A_205] : memref<80x128xf32, #tpu.memory_space<vmem>> -> memref<1x128xf32, #tpu.memory_space<vmem>>
      %dma_wait3A_207 = tpu.memref_squeeze %dma_wait3A_206 : memref<1x128xf32, #tpu.memory_space<vmem>> -> memref<128xf32, #tpu.memory_space<vmem>>
      %dma_wait3A_208 = arith.constant 0 : i32
      %dma_wait3A_209 = tpu.memref_slice %arg6[%dma_wait3A_204, %dma_wait3A_208] : memref<80x128xi32, #tpu.memory_space<vmem>> -> memref<1x128xi32, #tpu.memory_space<vmem>>
      %dma_wait3A_210 = tpu.memref_squeeze %dma_wait3A_209 : memref<1x128xi32, #tpu.memory_space<vmem>> -> memref<128xi32, #tpu.memory_space<vmem>>
      %dma_wait3A_211 = arith.constant 0 : i32
      %dma_wait3A_212 = tpu.memref_slice %arg8[%dma_wait3A_211] : memref<10240xf32, #tpu.memory_space<vmem_shared>> -> memref<10240xf32, #tpu.memory_space<vmem_shared>>
      tpu.wait_indirect_dma semaphore(%arg9 : memref<!tpu.dma_semaphore, #tpu.memory_space<semaphore_mem>>) src(%dma_wait3A_207 : memref<128xf32, #tpu.memory_space<vmem>>) dst(%dma_wait3A_212 : memref<10240xf32, #tpu.memory_space<vmem_shared>>)
      %dma_wait3A_213 = arith.constant 0 : i32
      %dma_wait3A_214 = arith.constant 0 : i32
      %dma_wait3A_215 = arith.constant 0 : i32
      %dma_wait3A_216 = tpu.memref_slice %arg7[%dma_wait3A_213, %dma_wait3A_215] : memref<80x128xf32, #tpu.memory_space<vmem>> -> memref<1x128xf32, #tpu.memory_space<vmem>>
      %dma_wait3A_217 = tpu.memref_squeeze %dma_wait3A_216 : memref<1x128xf32, #tpu.memory_space<vmem>> -> memref<128xf32, #tpu.memory_space<vmem>>
      %dma_wait3A_218 = arith.constant 0 : i32
      %dma_wait3A_219 = tpu.memref_slice %arg6[%dma_wait3A_214, %dma_wait3A_218] : memref<80x128xi32, #tpu.memory_space<vmem>> -> memref<1x128xi32, #tpu.memory_space<vmem>>
      %dma_wait3A_220 = tpu.memref_squeeze %dma_wait3A_219 : memref<1x128xi32, #tpu.memory_space<vmem>> -> memref<128xi32, #tpu.memory_space<vmem>>
      %dma_wait3A_221 = arith.constant 0 : i32
      %dma_wait3A_222 = tpu.memref_slice %arg8[%dma_wait3A_221] : memref<10240xf32, #tpu.memory_space<vmem_shared>> -> memref<10240xf32, #tpu.memory_space<vmem_shared>>
      tpu.wait_indirect_dma semaphore(%arg9 : memref<!tpu.dma_semaphore, #tpu.memory_space<semaphore_mem>>) src(%dma_wait3A_217 : memref<128xf32, #tpu.memory_space<vmem>>) dst(%dma_wait3A_222 : memref<10240xf32, #tpu.memory_space<vmem_shared>>)
      %dma_wait3A_223 = arith.constant 0 : i32
      %dma_wait3A_224 = arith.constant 0 : i32
      %dma_wait3A_225 = arith.constant 0 : i32
      %dma_wait3A_226 = tpu.memref_slice %arg7[%dma_wait3A_223, %dma_wait3A_225] : memref<80x128xf32, #tpu.memory_space<vmem>> -> memref<1x128xf32, #tpu.memory_space<vmem>>
      %dma_wait3A_227 = tpu.memref_squeeze %dma_wait3A_226 : memref<1x128xf32, #tpu.memory_space<vmem>> -> memref<128xf32, #tpu.memory_space<vmem>>
      %dma_wait3A_228 = arith.constant 0 : i32
      %dma_wait3A_229 = tpu.memref_slice %arg6[%dma_wait3A_224, %dma_wait3A_228] : memref<80x128xi32, #tpu.memory_space<vmem>> -> memref<1x128xi32, #tpu.memory_space<vmem>>
      %dma_wait3A_230 = tpu.memref_squeeze %dma_wait3A_229 : memref<1x128xi32, #tpu.memory_space<vmem>> -> memref<128xi32, #tpu.memory_space<vmem>>
      %dma_wait3A_231 = arith.constant 0 : i32
      %dma_wait3A_232 = tpu.memref_slice %arg8[%dma_wait3A_231] : memref<10240xf32, #tpu.memory_space<vmem_shared>> -> memref<10240xf32, #tpu.memory_space<vmem_shared>>
      tpu.wait_indirect_dma semaphore(%arg9 : memref<!tpu.dma_semaphore, #tpu.memory_space<semaphore_mem>>) src(%dma_wait3A_227 : memref<128xf32, #tpu.memory_space<vmem>>) dst(%dma_wait3A_232 : memref<10240xf32, #tpu.memory_space<vmem_shared>>)
      %dma_wait3A_233 = arith.constant 0 : i32
      %dma_wait3A_234 = arith.constant 0 : i32
      %dma_wait3A_235 = arith.constant 0 : i32
      %dma_wait3A_236 = tpu.memref_slice %arg7[%dma_wait3A_233, %dma_wait3A_235] : memref<80x128xf32, #tpu.memory_space<vmem>> -> memref<1x128xf32, #tpu.memory_space<vmem>>
      %dma_wait3A_237 = tpu.memref_squeeze %dma_wait3A_236 : memref<1x128xf32, #tpu.memory_space<vmem>> -> memref<128xf32, #tpu.memory_space<vmem>>
      %dma_wait3A_238 = arith.constant 0 : i32
      %dma_wait3A_239 = tpu.memref_slice %arg6[%dma_wait3A_234, %dma_wait3A_238] : memref<80x128xi32, #tpu.memory_space<vmem>> -> memref<1x128xi32, #tpu.memory_space<vmem>>
      %dma_wait3A_240 = tpu.memref_squeeze %dma_wait3A_239 : memref<1x128xi32, #tpu.memory_space<vmem>> -> memref<128xi32, #tpu.memory_space<vmem>>
      %dma_wait3A_241 = arith.constant 0 : i32
      %dma_wait3A_242 = tpu.memref_slice %arg8[%dma_wait3A_241] : memref<10240xf32, #tpu.memory_space<vmem_shared>> -> memref<10240xf32, #tpu.memory_space<vmem_shared>>
      tpu.wait_indirect_dma semaphore(%arg9 : memref<!tpu.dma_semaphore, #tpu.memory_space<semaphore_mem>>) src(%dma_wait3A_237 : memref<128xf32, #tpu.memory_space<vmem>>) dst(%dma_wait3A_242 : memref<10240xf32, #tpu.memory_space<vmem_shared>>)
      %dma_wait3A_243 = arith.constant 0 : i32
      %dma_wait3A_244 = arith.constant 0 : i32
      %dma_wait3A_245 = arith.constant 0 : i32
      %dma_wait3A_246 = tpu.memref_slice %arg7[%dma_wait3A_243, %dma_wait3A_245] : memref<80x128xf32, #tpu.memory_space<vmem>> -> memref<1x128xf32, #tpu.memory_space<vmem>>
      %dma_wait3A_247 = tpu.memref_squeeze %dma_wait3A_246 : memref<1x128xf32, #tpu.memory_space<vmem>> -> memref<128xf32, #tpu.memory_space<vmem>>
      %dma_wait3A_248 = arith.constant 0 : i32
      %dma_wait3A_249 = tpu.memref_slice %arg6[%dma_wait3A_244, %dma_wait3A_248] : memref<80x128xi32, #tpu.memory_space<vmem>> -> memref<1x128xi32, #tpu.memory_space<vmem>>
      %dma_wait3A_250 = tpu.memref_squeeze %dma_wait3A_249 : memref<1x128xi32, #tpu.memory_space<vmem>> -> memref<128xi32, #tpu.memory_space<vmem>>
      %dma_wait3A_251 = arith.constant 0 : i32
      %dma_wait3A_252 = tpu.memref_slice %arg8[%dma_wait3A_251] : memref<10240xf32, #tpu.memory_space<vmem_shared>> -> memref<10240xf32, #tpu.memory_space<vmem_shared>>
      tpu.wait_indirect_dma semaphore(%arg9 : memref<!tpu.dma_semaphore, #tpu.memory_space<semaphore_mem>>) src(%dma_wait3A_247 : memref<128xf32, #tpu.memory_space<vmem>>) dst(%dma_wait3A_252 : memref<10240xf32, #tpu.memory_space<vmem_shared>>)
      %dma_wait3A_253 = arith.constant 0 : i32
      %dma_wait3A_254 = arith.constant 0 : i32
      %dma_wait3A_255 = arith.constant 0 : i32
      %dma_wait3A_256 = tpu.memref_slice %arg7[%dma_wait3A_253, %dma_wait3A_255] : memref<80x128xf32, #tpu.memory_space<vmem>> -> memref<1x128xf32, #tpu.memory_space<vmem>>
      %dma_wait3A_257 = tpu.memref_squeeze %dma_wait3A_256 : memref<1x128xf32, #tpu.memory_space<vmem>> -> memref<128xf32, #tpu.memory_space<vmem>>
      %dma_wait3A_258 = arith.constant 0 : i32
      %dma_wait3A_259 = tpu.memref_slice %arg6[%dma_wait3A_254, %dma_wait3A_258] : memref<80x128xi32, #tpu.memory_space<vmem>> -> memref<1x128xi32, #tpu.memory_space<vmem>>
      %dma_wait3A_260 = tpu.memref_squeeze %dma_wait3A_259 : memref<1x128xi32, #tpu.memory_space<vmem>> -> memref<128xi32, #tpu.memory_space<vmem>>
      %dma_wait3A_261 = arith.constant 0 : i32
      %dma_wait3A_262 = tpu.memref_slice %arg8[%dma_wait3A_261] : memref<10240xf32, #tpu.memory_space<vmem_shared>> -> memref<10240xf32, #tpu.memory_space<vmem_shared>>
      tpu.wait_indirect_dma semaphore(%arg9 : memref<!tpu.dma_semaphore, #tpu.memory_space<semaphore_mem>>) src(%dma_wait3A_257 : memref<128xf32, #tpu.memory_space<vmem>>) dst(%dma_wait3A_262 : memref<10240xf32, #tpu.memory_space<vmem_shared>>)
      %dma_wait3A_263 = arith.constant 0 : i32
      %dma_wait3A_264 = arith.constant 0 : i32
      %dma_wait3A_265 = arith.constant 0 : i32
      %dma_wait3A_266 = tpu.memref_slice %arg7[%dma_wait3A_263, %dma_wait3A_265] : memref<80x128xf32, #tpu.memory_space<vmem>> -> memref<1x128xf32, #tpu.memory_space<vmem>>
      %dma_wait3A_267 = tpu.memref_squeeze %dma_wait3A_266 : memref<1x128xf32, #tpu.memory_space<vmem>> -> memref<128xf32, #tpu.memory_space<vmem>>
      %dma_wait3A_268 = arith.constant 0 : i32
      %dma_wait3A_269 = tpu.memref_slice %arg6[%dma_wait3A_264, %dma_wait3A_268] : memref<80x128xi32, #tpu.memory_space<vmem>> -> memref<1x128xi32, #tpu.memory_space<vmem>>
      %dma_wait3A_270 = tpu.memref_squeeze %dma_wait3A_269 : memref<1x128xi32, #tpu.memory_space<vmem>> -> memref<128xi32, #tpu.memory_space<vmem>>
      %dma_wait3A_271 = arith.constant 0 : i32
      %dma_wait3A_272 = tpu.memref_slice %arg8[%dma_wait3A_271] : memref<10240xf32, #tpu.memory_space<vmem_shared>> -> memref<10240xf32, #tpu.memory_space<vmem_shared>>
      tpu.wait_indirect_dma semaphore(%arg9 : memref<!tpu.dma_semaphore, #tpu.memory_space<semaphore_mem>>) src(%dma_wait3A_267 : memref<128xf32, #tpu.memory_space<vmem>>) dst(%dma_wait3A_272 : memref<10240xf32, #tpu.memory_space<vmem_shared>>)
      %dma_wait3A_273 = arith.constant 0 : i32
      %dma_wait3A_274 = arith.constant 0 : i32
      %dma_wait3A_275 = arith.constant 0 : i32
      %dma_wait3A_276 = tpu.memref_slice %arg7[%dma_wait3A_273, %dma_wait3A_275] : memref<80x128xf32, #tpu.memory_space<vmem>> -> memref<1x128xf32, #tpu.memory_space<vmem>>
      %dma_wait3A_277 = tpu.memref_squeeze %dma_wait3A_276 : memref<1x128xf32, #tpu.memory_space<vmem>> -> memref<128xf32, #tpu.memory_space<vmem>>
      %dma_wait3A_278 = arith.constant 0 : i32
      %dma_wait3A_279 = tpu.memref_slice %arg6[%dma_wait3A_274, %dma_wait3A_278] : memref<80x128xi32, #tpu.memory_space<vmem>> -> memref<1x128xi32, #tpu.memory_space<vmem>>
      %dma_wait3A_280 = tpu.memref_squeeze %dma_wait3A_279 : memref<1x128xi32, #tpu.memory_space<vmem>> -> memref<128xi32, #tpu.memory_space<vmem>>
      %dma_wait3A_281 = arith.constant 0 : i32
      %dma_wait3A_282 = tpu.memref_slice %arg8[%dma_wait3A_281] : memref<10240xf32, #tpu.memory_space<vmem_shared>> -> memref<10240xf32, #tpu.memory_space<vmem_shared>>
      tpu.wait_indirect_dma semaphore(%arg9 : memref<!tpu.dma_semaphore, #tpu.memory_space<semaphore_mem>>) src(%dma_wait3A_277 : memref<128xf32, #tpu.memory_space<vmem>>) dst(%dma_wait3A_282 : memref<10240xf32, #tpu.memory_space<vmem_shared>>)
      %dma_wait3A_283 = arith.constant 0 : i32
      %dma_wait3A_284 = arith.constant 0 : i32
      %dma_wait3A_285 = arith.constant 0 : i32
      %dma_wait3A_286 = tpu.memref_slice %arg7[%dma_wait3A_283, %dma_wait3A_285] : memref<80x128xf32, #tpu.memory_space<vmem>> -> memref<1x128xf32, #tpu.memory_space<vmem>>
      %dma_wait3A_287 = tpu.memref_squeeze %dma_wait3A_286 : memref<1x128xf32, #tpu.memory_space<vmem>> -> memref<128xf32, #tpu.memory_space<vmem>>
      %dma_wait3A_288 = arith.constant 0 : i32
      %dma_wait3A_289 = tpu.memref_slice %arg6[%dma_wait3A_284, %dma_wait3A_288] : memref<80x128xi32, #tpu.memory_space<vmem>> -> memref<1x128xi32, #tpu.memory_space<vmem>>
      %dma_wait3A_290 = tpu.memref_squeeze %dma_wait3A_289 : memref<1x128xi32, #tpu.memory_space<vmem>> -> memref<128xi32, #tpu.memory_space<vmem>>
      %dma_wait3A_291 = arith.constant 0 : i32
      %dma_wait3A_292 = tpu.memref_slice %arg8[%dma_wait3A_291] : memref<10240xf32, #tpu.memory_space<vmem_shared>> -> memref<10240xf32, #tpu.memory_space<vmem_shared>>
      tpu.wait_indirect_dma semaphore(%arg9 : memref<!tpu.dma_semaphore, #tpu.memory_space<semaphore_mem>>) src(%dma_wait3A_287 : memref<128xf32, #tpu.memory_space<vmem>>) dst(%dma_wait3A_292 : memref<10240xf32, #tpu.memory_space<vmem_shared>>)
      %dma_wait3A_293 = arith.constant 0 : i32
      %dma_wait3A_294 = arith.constant 0 : i32
      %dma_wait3A_295 = arith.constant 0 : i32
      %dma_wait3A_296 = tpu.memref_slice %arg7[%dma_wait3A_293, %dma_wait3A_295] : memref<80x128xf32, #tpu.memory_space<vmem>> -> memref<1x128xf32, #tpu.memory_space<vmem>>
      %dma_wait3A_297 = tpu.memref_squeeze %dma_wait3A_296 : memref<1x128xf32, #tpu.memory_space<vmem>> -> memref<128xf32, #tpu.memory_space<vmem>>
      %dma_wait3A_298 = arith.constant 0 : i32
      %dma_wait3A_299 = tpu.memref_slice %arg6[%dma_wait3A_294, %dma_wait3A_298] : memref<80x128xi32, #tpu.memory_space<vmem>> -> memref<1x128xi32, #tpu.memory_space<vmem>>
      %dma_wait3A_300 = tpu.memref_squeeze %dma_wait3A_299 : memref<1x128xi32, #tpu.memory_space<vmem>> -> memref<128xi32, #tpu.memory_space<vmem>>
      %dma_wait3A_301 = arith.constant 0 : i32
      %dma_wait3A_302 = tpu.memref_slice %arg8[%dma_wait3A_301] : memref<10240xf32, #tpu.memory_space<vmem_shared>> -> memref<10240xf32, #tpu.memory_space<vmem_shared>>
      tpu.wait_indirect_dma semaphore(%arg9 : memref<!tpu.dma_semaphore, #tpu.memory_space<semaphore_mem>>) src(%dma_wait3A_297 : memref<128xf32, #tpu.memory_space<vmem>>) dst(%dma_wait3A_302 : memref<10240xf32, #tpu.memory_space<vmem_shared>>)
      %dma_wait3A_303 = arith.constant 0 : i32
      %dma_wait3A_304 = arith.constant 0 : i32
      %dma_wait3A_305 = arith.constant 0 : i32
      %dma_wait3A_306 = tpu.memref_slice %arg7[%dma_wait3A_303, %dma_wait3A_305] : memref<80x128xf32, #tpu.memory_space<vmem>> -> memref<1x128xf32, #tpu.memory_space<vmem>>
      %dma_wait3A_307 = tpu.memref_squeeze %dma_wait3A_306 : memref<1x128xf32, #tpu.memory_space<vmem>> -> memref<128xf32, #tpu.memory_space<vmem>>
      %dma_wait3A_308 = arith.constant 0 : i32
      %dma_wait3A_309 = tpu.memref_slice %arg6[%dma_wait3A_304, %dma_wait3A_308] : memref<80x128xi32, #tpu.memory_space<vmem>> -> memref<1x128xi32, #tpu.memory_space<vmem>>
      %dma_wait3A_310 = tpu.memref_squeeze %dma_wait3A_309 : memref<1x128xi32, #tpu.memory_space<vmem>> -> memref<128xi32, #tpu.memory_space<vmem>>
      %dma_wait3A_311 = arith.constant 0 : i32
      %dma_wait3A_312 = tpu.memref_slice %arg8[%dma_wait3A_311] : memref<10240xf32, #tpu.memory_space<vmem_shared>> -> memref<10240xf32, #tpu.memory_space<vmem_shared>>
      tpu.wait_indirect_dma semaphore(%arg9 : memref<!tpu.dma_semaphore, #tpu.memory_space<semaphore_mem>>) src(%dma_wait3A_307 : memref<128xf32, #tpu.memory_space<vmem>>) dst(%dma_wait3A_312 : memref<10240xf32, #tpu.memory_space<vmem_shared>>)
      %dma_wait3A_313 = arith.constant 0 : i32
      %dma_wait3A_314 = arith.constant 0 : i32
      %dma_wait3A_315 = arith.constant 0 : i32
      %dma_wait3A_316 = tpu.memref_slice %arg7[%dma_wait3A_313, %dma_wait3A_315] : memref<80x128xf32, #tpu.memory_space<vmem>> -> memref<1x128xf32, #tpu.memory_space<vmem>>
      %dma_wait3A_317 = tpu.memref_squeeze %dma_wait3A_316 : memref<1x128xf32, #tpu.memory_space<vmem>> -> memref<128xf32, #tpu.memory_space<vmem>>
      %dma_wait3A_318 = arith.constant 0 : i32
      %dma_wait3A_319 = tpu.memref_slice %arg6[%dma_wait3A_314, %dma_wait3A_318] : memref<80x128xi32, #tpu.memory_space<vmem>> -> memref<1x128xi32, #tpu.memory_space<vmem>>
      %dma_wait3A_320 = tpu.memref_squeeze %dma_wait3A_319 : memref<1x128xi32, #tpu.memory_space<vmem>> -> memref<128xi32, #tpu.memory_space<vmem>>
      %dma_wait3A_321 = arith.constant 0 : i32
      %dma_wait3A_322 = tpu.memref_slice %arg8[%dma_wait3A_321] : memref<10240xf32, #tpu.memory_space<vmem_shared>> -> memref<10240xf32, #tpu.memory_space<vmem_shared>>
      tpu.wait_indirect_dma semaphore(%arg9 : memref<!tpu.dma_semaphore, #tpu.memory_space<semaphore_mem>>) src(%dma_wait3A_317 : memref<128xf32, #tpu.memory_space<vmem>>) dst(%dma_wait3A_322 : memref<10240xf32, #tpu.memory_space<vmem_shared>>)
      %dma_wait3A_323 = arith.constant 0 : i32
      %dma_wait3A_324 = arith.constant 0 : i32
      %dma_wait3A_325 = arith.constant 0 : i32
      %dma_wait3A_326 = tpu.memref_slice %arg7[%dma_wait3A_323, %dma_wait3A_325] : memref<80x128xf32, #tpu.memory_space<vmem>> -> memref<1x128xf32, #tpu.memory_space<vmem>>
      %dma_wait3A_327 = tpu.memref_squeeze %dma_wait3A_326 : memref<1x128xf32, #tpu.memory_space<vmem>> -> memref<128xf32, #tpu.memory_space<vmem>>
      %dma_wait3A_328 = arith.constant 0 : i32
      %dma_wait3A_329 = tpu.memref_slice %arg6[%dma_wait3A_324, %dma_wait3A_328] : memref<80x128xi32, #tpu.memory_space<vmem>> -> memref<1x128xi32, #tpu.memory_space<vmem>>
      %dma_wait3A_330 = tpu.memref_squeeze %dma_wait3A_329 : memref<1x128xi32, #tpu.memory_space<vmem>> -> memref<128xi32, #tpu.memory_space<vmem>>
      %dma_wait3A_331 = arith.constant 0 : i32
      %dma_wait3A_332 = tpu.memref_slice %arg8[%dma_wait3A_331] : memref<10240xf32, #tpu.memory_space<vmem_shared>> -> memref<10240xf32, #tpu.memory_space<vmem_shared>>
      tpu.wait_indirect_dma semaphore(%arg9 : memref<!tpu.dma_semaphore, #tpu.memory_space<semaphore_mem>>) src(%dma_wait3A_327 : memref<128xf32, #tpu.memory_space<vmem>>) dst(%dma_wait3A_332 : memref<10240xf32, #tpu.memory_space<vmem_shared>>)
      %dma_wait3A_333 = arith.constant 0 : i32
      %dma_wait3A_334 = arith.constant 0 : i32
      %dma_wait3A_335 = arith.constant 0 : i32
      %dma_wait3A_336 = tpu.memref_slice %arg7[%dma_wait3A_333, %dma_wait3A_335] : memref<80x128xf32, #tpu.memory_space<vmem>> -> memref<1x128xf32, #tpu.memory_space<vmem>>
      %dma_wait3A_337 = tpu.memref_squeeze %dma_wait3A_336 : memref<1x128xf32, #tpu.memory_space<vmem>> -> memref<128xf32, #tpu.memory_space<vmem>>
      %dma_wait3A_338 = arith.constant 0 : i32
      %dma_wait3A_339 = tpu.memref_slice %arg6[%dma_wait3A_334, %dma_wait3A_338] : memref<80x128xi32, #tpu.memory_space<vmem>> -> memref<1x128xi32, #tpu.memory_space<vmem>>
      %dma_wait3A_340 = tpu.memref_squeeze %dma_wait3A_339 : memref<1x128xi32, #tpu.memory_space<vmem>> -> memref<128xi32, #tpu.memory_space<vmem>>
      %dma_wait3A_341 = arith.constant 0 : i32
      %dma_wait3A_342 = tpu.memref_slice %arg8[%dma_wait3A_341] : memref<10240xf32, #tpu.memory_space<vmem_shared>> -> memref<10240xf32, #tpu.memory_space<vmem_shared>>
      tpu.wait_indirect_dma semaphore(%arg9 : memref<!tpu.dma_semaphore, #tpu.memory_space<semaphore_mem>>) src(%dma_wait3A_337 : memref<128xf32, #tpu.memory_space<vmem>>) dst(%dma_wait3A_342 : memref<10240xf32, #tpu.memory_space<vmem_shared>>)
      %dma_wait3A_343 = arith.constant 0 : i32
      %dma_wait3A_344 = arith.constant 0 : i32
      %dma_wait3A_345 = arith.constant 0 : i32
      %dma_wait3A_346 = tpu.memref_slice %arg7[%dma_wait3A_343, %dma_wait3A_345] : memref<80x128xf32, #tpu.memory_space<vmem>> -> memref<1x128xf32, #tpu.memory_space<vmem>>
      %dma_wait3A_347 = tpu.memref_squeeze %dma_wait3A_346 : memref<1x128xf32, #tpu.memory_space<vmem>> -> memref<128xf32, #tpu.memory_space<vmem>>
      %dma_wait3A_348 = arith.constant 0 : i32
      %dma_wait3A_349 = tpu.memref_slice %arg6[%dma_wait3A_344, %dma_wait3A_348] : memref<80x128xi32, #tpu.memory_space<vmem>> -> memref<1x128xi32, #tpu.memory_space<vmem>>
      %dma_wait3A_350 = tpu.memref_squeeze %dma_wait3A_349 : memref<1x128xi32, #tpu.memory_space<vmem>> -> memref<128xi32, #tpu.memory_space<vmem>>
      %dma_wait3A_351 = arith.constant 0 : i32
      %dma_wait3A_352 = tpu.memref_slice %arg8[%dma_wait3A_351] : memref<10240xf32, #tpu.memory_space<vmem_shared>> -> memref<10240xf32, #tpu.memory_space<vmem_shared>>
      tpu.wait_indirect_dma semaphore(%arg9 : memref<!tpu.dma_semaphore, #tpu.memory_space<semaphore_mem>>) src(%dma_wait3A_347 : memref<128xf32, #tpu.memory_space<vmem>>) dst(%dma_wait3A_352 : memref<10240xf32, #tpu.memory_space<vmem_shared>>)
      %dma_wait3A_353 = arith.constant 0 : i32
      %dma_wait3A_354 = arith.constant 0 : i32
      %dma_wait3A_355 = arith.constant 0 : i32
      %dma_wait3A_356 = tpu.memref_slice %arg7[%dma_wait3A_353, %dma_wait3A_355] : memref<80x128xf32, #tpu.memory_space<vmem>> -> memref<1x128xf32, #tpu.memory_space<vmem>>
      %dma_wait3A_357 = tpu.memref_squeeze %dma_wait3A_356 : memref<1x128xf32, #tpu.memory_space<vmem>> -> memref<128xf32, #tpu.memory_space<vmem>>
      %dma_wait3A_358 = arith.constant 0 : i32
      %dma_wait3A_359 = tpu.memref_slice %arg6[%dma_wait3A_354, %dma_wait3A_358] : memref<80x128xi32, #tpu.memory_space<vmem>> -> memref<1x128xi32, #tpu.memory_space<vmem>>
      %dma_wait3A_360 = tpu.memref_squeeze %dma_wait3A_359 : memref<1x128xi32, #tpu.memory_space<vmem>> -> memref<128xi32, #tpu.memory_space<vmem>>
      %dma_wait3A_361 = arith.constant 0 : i32
      %dma_wait3A_362 = tpu.memref_slice %arg8[%dma_wait3A_361] : memref<10240xf32, #tpu.memory_space<vmem_shared>> -> memref<10240xf32, #tpu.memory_space<vmem_shared>>
      tpu.wait_indirect_dma semaphore(%arg9 : memref<!tpu.dma_semaphore, #tpu.memory_space<semaphore_mem>>) src(%dma_wait3A_357 : memref<128xf32, #tpu.memory_space<vmem>>) dst(%dma_wait3A_362 : memref<10240xf32, #tpu.memory_space<vmem_shared>>)
    }
    %scan3A_7 = arith.constant 5 : i32
    %barrier3A_8 = arith.constant 0 : index
    tpu.barrier barrier_id(%barrier3A_8)
    %mul3A_9 = arith.constant 10240 : i32
    %mul3A_10 = arith.muli %arg0, %mul3A_9 : i32
    %add3A_11 = arith.addi %mul3A_10, %mul3A_2 : i32
    "tpu.region"() ({
      %run_scoped3A = tpu.sem_alloc : memref<!tpu.dma_semaphore, #tpu.memory_space<semaphore_mem>>
      %dma_start3A = tpu.memref_slice %arg5[%add3A_11] : memref<20480xf32, #tpu.memory_space<hbm>> -> memref<640xf32, #tpu.memory_space<hbm>>
      %dma_start3A_12 = tpu.memref_slice %arg8[%mul3A_2] : memref<10240xf32, #tpu.memory_space<vmem_shared>> -> memref<640xf32, #tpu.memory_space<vmem_shared>>
      tpu.enqueue_dma source(%dma_start3A_12 : memref<640xf32, #tpu.memory_space<vmem_shared>>) target(%dma_start3A : memref<640xf32, #tpu.memory_space<hbm>>) target_semaphore(%run_scoped3A : memref<!tpu.dma_semaphore, #tpu.memory_space<semaphore_mem>>)
      %dma_wait3A = tpu.memref_slice %arg5[%add3A_11] : memref<20480xf32, #tpu.memory_space<hbm>> -> memref<640xf32, #tpu.memory_space<hbm>>
      %dma_wait3A_13 = tpu.memref_slice %arg8[%mul3A_2] : memref<10240xf32, #tpu.memory_space<vmem_shared>> -> memref<640xf32, #tpu.memory_space<vmem_shared>>
      tpu.wait_dma2 semaphore(%run_scoped3A : memref<!tpu.dma_semaphore, #tpu.memory_space<semaphore_mem>>) src(%dma_wait3A_13 : memref<640xf32, #tpu.memory_space<vmem_shared>>) dst(%dma_wait3A : memref<640xf32, #tpu.memory_space<hbm>>)
      tpu.yield
    }) : () -> ()
    return
  }
}

module attributes {stable_mosaic.version = 14 : i64} {
  func.func @_tc1_body(%arg0: i32, %arg1: memref<8000x16xf32, #tpu.memory_space<vmem>>, %arg2: memref<8000x1xf32, #tpu.memory_space<vmem>>) attributes {dimension_semantics = [#tpu.dimension_semantics<arbitrary>], iteration_bounds = array<i64: 40>, scalar_prefetch = 0 : i64, scratch_operands = 0 : i64, tpu.core_type = #tpu.core_type<tc>, window_params = [{transform_indices = @transform_0, window_bounds = array<i64: 8000, 16>}, {transform_indices = @transform_1, window_bounds = array<i64: 8000, 1>}]} {
    %get3A = arith.constant 0 : index
    %get3A_0 = arith.constant 0 : index
    %get3A_1 = vector.load %arg1[%get3A, %get3A_0] : memref<8000x16xf32, #tpu.memory_space<vmem>>, vector<8000x16xf32>
    %reduce_sum3A = arith.constant dense<0.000000e+00> : vector<8000xf32>
    %reduce_sum3A_2 = vector.multi_reduction <add>, %get3A_1, %reduce_sum3A [1] : vector<8000x16xf32> to vector<8000xf32>
    %broadcast_in_dim3A = vector.shape_cast %reduce_sum3A_2 : vector<8000xf32> to vector<8000x1xf32>
    %div3A = arith.constant 1.600000e+01 : f32
    %div3A_3 = vector.broadcast %div3A : f32 to vector<8000x1xf32>
    %div3A_4 = arith.divf %broadcast_in_dim3A, %div3A_3 : vector<8000x1xf32>
    %swap3A = arith.constant 0 : index
    %swap3A_5 = arith.constant 0 : index
    %swap3A_6 = vector.load %arg2[%swap3A, %swap3A_5] : memref<8000x1xf32, #tpu.memory_space<vmem>>, vector<8000x1xf32>
    tpu.vector_store %arg2[%swap3A, %swap3A_5], %div3A_4 {strides = array<i32>} : memref<8000x1xf32, #tpu.memory_space<vmem>>, vector<8000x1xf32>,
    return
  }
  func.func @transform_0(%arg0: i32) -> (i32, i32) {
    %c0_i32 = arith.constant 0 : i32
    %c0_i32_0 = arith.constant 0 : i32
    return %arg0, %c0_i32 : i32, i32
  }
  func.func @transform_1(%arg0: i32) -> (i32, i32) {
    %c0_i32 = arith.constant 0 : i32
    %c0_i32_0 = arith.constant 0 : i32
    return %arg0, %c0_i32 : i32, i32
  }
}

module attributes {stable_mosaic.version = 14 : i64} {
  func.func @_tc2_body(%arg0: memref<2x10240xf32, #tpu.memory_space<vmem>>, %arg1: memref<10000x128xf32, #tpu.memory_space<vmem>>, %arg2: memref<128x128xf32, #tpu.memory_space<vmem>>, %arg3: memref<10000x1xf32, #tpu.memory_space<vmem>>, %arg4: memref<10000x128xf32, #tpu.memory_space<vmem>>) attributes {dimension_semantics = [], scalar_prefetch = 0 : i64, scratch_operands = 0 : i64, tpu.core_type = #tpu.core_type<tc>} {
    %get3A = arith.constant 0 : index
    %get3A_0 = arith.constant 0 : index
    %get3A_1 = vector.load %arg0[%get3A, %get3A_0] : memref<2x10240xf32, #tpu.memory_space<vmem>>, vector<2x10240xf32>
    %slice3A = vector.extract_strided_slice %get3A_1 {offsets = [0, 0], sizes = [1, 10000], strides = [1, 1]} : vector<2x10240xf32> to vector<1x10000xf32>
    %squeeze3A = vector.shape_cast %slice3A : vector<1x10000xf32> to vector<10000xf32>
    %slice3A_2 = vector.extract_strided_slice %get3A_1 {offsets = [1, 0], sizes = [1, 10000], strides = [1, 1]} : vector<2x10240xf32> to vector<1x10000xf32>
    %squeeze3A_3 = vector.shape_cast %slice3A_2 : vector<1x10000xf32> to vector<10000xf32>
    %add3A = arith.addf %squeeze3A, %squeeze3A_3 : vector<10000xf32>
    %add3A_4 = arith.constant 1.000000e+00 : f32
    %add3A_5 = vector.broadcast %add3A_4 : f32 to vector<10000xf32>
    %add3A_6 = arith.addf %add3A, %add3A_5 : vector<10000xf32>
    %gt3A = arith.constant 0.000000e+00 : f32
    %gt3A_7 = vector.broadcast %gt3A : f32 to vector<10000xf32>
    %gt3A_8 = arith.cmpf ogt, %add3A_6, %gt3A_7 : vector<10000xf32>
    %rsqrt3A = math.rsqrt %add3A_6 : vector<10000xf32>
    %jit3A = arith.constant 0.000000e+00 : f32
    %broadcast_in_dim3A = vector.broadcast %jit3A : f32 to vector<10000xf32>
    %select_n3A = arith.select %gt3A_8, %rsqrt3A, %broadcast_in_dim3A : vector<10000xi1>, vector<10000xf32>
    %broadcast_in_dim3A_9 = vector.shape_cast %select_n3A : vector<10000xf32> to vector<10000x1xf32>
    %swap3A = arith.constant 0 : index
    %swap3A_10 = arith.constant 0 : index
    %swap3A_11 = vector.load %arg3[%swap3A, %swap3A_10] : memref<10000x1xf32, #tpu.memory_space<vmem>>, vector<10000x1xf32>
    tpu.vector_store %arg3[%swap3A, %swap3A_10], %broadcast_in_dim3A_9 {strides = array<i32>} : memref<10000x1xf32, #tpu.memory_space<vmem>>, vector<10000x1xf32>,
    %get3A_12 = arith.constant 0 : index
    %get3A_13 = arith.constant 0 : index
    %get3A_14 = vector.load %arg1[%get3A_12, %get3A_13] : memref<10000x128xf32, #tpu.memory_space<vmem>>, vector<10000x128xf32>
    %get3A_15 = arith.constant 0 : index
    %get3A_16 = arith.constant 0 : index
    %get3A_17 = vector.load %arg2[%get3A_15, %get3A_16] : memref<128x128xf32, #tpu.memory_space<vmem>>, vector<128x128xf32>
    %dot_general3A = arith.constant dense<0.000000e+00> : vector<10000x128xf32>
    %dot_general3A_18 = tpu.matmul %get3A_14, %get3A_17, %dot_general3A {dimension_numbers = #tpu.dot_dimension_numbers<[1], [0], [0], [1], [0, 0, 1, 1], [], []>, transpose_lhs_hint = false} : vector<10000x128xf32>, vector<128x128xf32>, vector<10000x128xf32> -> vector<10000x128xf32>
    %mul3A = vector.broadcast %broadcast_in_dim3A_9 : vector<10000x1xf32> to vector<10000x128xf32>
    %mul3A_19 = arith.mulf %mul3A, %dot_general3A_18 : vector<10000x128xf32>
    %swap3A_20 = arith.constant 0 : index
    %swap3A_21 = arith.constant 0 : index
    %swap3A_22 = vector.load %arg4[%swap3A_20, %swap3A_21] : memref<10000x128xf32, #tpu.memory_space<vmem>>, vector<10000x128xf32>
    tpu.vector_store %arg4[%swap3A_20, %swap3A_21], %mul3A_19 {strides = array<i32>} : memref<10000x128xf32, #tpu.memory_space<vmem>>, vector<10000x128xf32>,
    return
  }
}

module attributes {stable_mosaic.version = 14 : i64} {
  func.func @_tc3_body(%arg0: memref<10000x128xf32, #tpu.memory_space<vmem>>, %arg1: memref<10000x128xf32, #tpu.memory_space<vmem>>, %arg2: memref<10000x128xf32, #tpu.memory_space<vmem>>, %arg3: memref<10000x1xf32, #tpu.memory_space<vmem>>, %arg4: memref<1x128xf32, #tpu.memory_space<vmem>>, %arg5: memref<128x64xf32, #tpu.memory_space<vmem>>, %arg6: memref<10000x64xf32, #tpu.memory_space<vmem>>) attributes {dimension_semantics = [], scalar_prefetch = 0 : i64, scratch_operands = 0 : i64, tpu.core_type = #tpu.core_type<tc>} {
    %get3A = arith.constant 0 : index
    %get3A_0 = arith.constant 0 : index
    %get3A_1 = vector.load %arg3[%get3A, %get3A_0] : memref<10000x1xf32, #tpu.memory_space<vmem>>, vector<10000x1xf32>
    %get3A_2 = arith.constant 0 : index
    %get3A_3 = arith.constant 0 : index
    %get3A_4 = vector.load %arg0[%get3A_2, %get3A_3] : memref<10000x128xf32, #tpu.memory_space<vmem>>, vector<10000x128xf32>
    %get3A_5 = arith.constant 0 : index
    %get3A_6 = arith.constant 0 : index
    %get3A_7 = vector.load %arg1[%get3A_5, %get3A_6] : memref<10000x128xf32, #tpu.memory_space<vmem>>, vector<10000x128xf32>
    %add3A = arith.addf %get3A_4, %get3A_7 : vector<10000x128xf32>
    %get3A_8 = arith.constant 0 : index
    %get3A_9 = arith.constant 0 : index
    %get3A_10 = vector.load %arg2[%get3A_8, %get3A_9] : memref<10000x128xf32, #tpu.memory_space<vmem>>, vector<10000x128xf32>
    %add3A_11 = arith.addf %add3A, %get3A_10 : vector<10000x128xf32>
    %mul3A = vector.broadcast %get3A_1 : vector<10000x1xf32> to vector<10000x128xf32>
    %mul3A_12 = arith.mulf %mul3A, %add3A_11 : vector<10000x128xf32>
    %get3A_13 = arith.constant 0 : index
    %get3A_14 = arith.constant 0 : index
    %get3A_15 = vector.load %arg4[%get3A_13, %get3A_14] : memref<1x128xf32, #tpu.memory_space<vmem>>, vector<1x128xf32>
    %add3A_16 = vector.broadcast %get3A_15 : vector<1x128xf32> to vector<10000x128xf32>
    %add3A_17 = arith.addf %mul3A_12, %add3A_16 : vector<10000x128xf32>
    %max3A = arith.constant 0.000000e+00 : f32
    %max3A_18 = vector.broadcast %max3A : f32 to vector<10000x128xf32>
    %max3A_19 = arith.maximumf %add3A_17, %max3A_18 : vector<10000x128xf32>
    %get3A_20 = arith.constant 0 : index
    %get3A_21 = arith.constant 0 : index
    %get3A_22 = vector.load %arg5[%get3A_20, %get3A_21] : memref<128x64xf32, #tpu.memory_space<vmem>>, vector<128x64xf32>
    %dot_general3A = arith.constant dense<0.000000e+00> : vector<10000x64xf32>
    %dot_general3A_23 = tpu.matmul %max3A_19, %get3A_22, %dot_general3A {dimension_numbers = #tpu.dot_dimension_numbers<[1], [0], [0], [1], [0, 0, 1, 1], [], []>, transpose_lhs_hint = false} : vector<10000x128xf32>, vector<128x64xf32>, vector<10000x64xf32> -> vector<10000x64xf32>
    %mul3A_24 = vector.broadcast %get3A_1 : vector<10000x1xf32> to vector<10000x64xf32>
    %mul3A_25 = arith.mulf %mul3A_24, %dot_general3A_23 : vector<10000x64xf32>
    %swap3A = arith.constant 0 : index
    %swap3A_26 = arith.constant 0 : index
    %swap3A_27 = vector.load %arg6[%swap3A, %swap3A_26] : memref<10000x64xf32, #tpu.memory_space<vmem>>, vector<10000x64xf32>
    tpu.vector_store %arg6[%swap3A, %swap3A_26], %mul3A_25 {strides = array<i32>} : memref<10000x64xf32, #tpu.memory_space<vmem>>, vector<10000x64xf32>,
    return
  }
}

module attributes {stable_mosaic.version = 14 : i64} {
  func.func @_tc4_body(%arg0: memref<10000x64xf32, #tpu.memory_space<vmem>>, %arg1: memref<10000x64xf32, #tpu.memory_space<vmem>>, %arg2: memref<10000x64xf32, #tpu.memory_space<vmem>>, %arg3: memref<10000x1xf32, #tpu.memory_space<vmem>>, %arg4: memref<1x64xf32, #tpu.memory_space<vmem>>, %arg5: memref<10000x64xf32, #tpu.memory_space<vmem>>) attributes {dimension_semantics = [], scalar_prefetch = 0 : i64, scratch_operands = 0 : i64, tpu.core_type = #tpu.core_type<tc>} {
    %get3A = arith.constant 0 : index
    %get3A_0 = arith.constant 0 : index
    %get3A_1 = vector.load %arg3[%get3A, %get3A_0] : memref<10000x1xf32, #tpu.memory_space<vmem>>, vector<10000x1xf32>
    %get3A_2 = arith.constant 0 : index
    %get3A_3 = arith.constant 0 : index
    %get3A_4 = vector.load %arg0[%get3A_2, %get3A_3] : memref<10000x64xf32, #tpu.memory_space<vmem>>, vector<10000x64xf32>
    %get3A_5 = arith.constant 0 : index
    %get3A_6 = arith.constant 0 : index
    %get3A_7 = vector.load %arg1[%get3A_5, %get3A_6] : memref<10000x64xf32, #tpu.memory_space<vmem>>, vector<10000x64xf32>
    %add3A = arith.addf %get3A_4, %get3A_7 : vector<10000x64xf32>
    %get3A_8 = arith.constant 0 : index
    %get3A_9 = arith.constant 0 : index
    %get3A_10 = vector.load %arg2[%get3A_8, %get3A_9] : memref<10000x64xf32, #tpu.memory_space<vmem>>, vector<10000x64xf32>
    %add3A_11 = arith.addf %add3A, %get3A_10 : vector<10000x64xf32>
    %mul3A = vector.broadcast %get3A_1 : vector<10000x1xf32> to vector<10000x64xf32>
    %mul3A_12 = arith.mulf %mul3A, %add3A_11 : vector<10000x64xf32>
    %get3A_13 = arith.constant 0 : index
    %get3A_14 = arith.constant 0 : index
    %get3A_15 = vector.load %arg4[%get3A_13, %get3A_14] : memref<1x64xf32, #tpu.memory_space<vmem>>, vector<1x64xf32>
    %add3A_16 = vector.broadcast %get3A_15 : vector<1x64xf32> to vector<10000x64xf32>
    %add3A_17 = arith.addf %mul3A_12, %add3A_16 : vector<10000x64xf32>
    %swap3A = arith.constant 0 : index
    %swap3A_18 = arith.constant 0 : index
    %swap3A_19 = vector.load %arg5[%swap3A, %swap3A_18] : memref<10000x64xf32, #tpu.memory_space<vmem>>, vector<10000x64xf32>
    tpu.vector_store %arg5[%swap3A, %swap3A_18], %add3A_17 {strides = array<i32>} : memref<10000x64xf32, #tpu.memory_space<vmem>>, vector<10000x64xf32>,
    return
  }
}

</mosaic_0001>

<sc_bundles>
// kernel: kernel.12.cloned.1.call-start
scs
__scs_entry_jumppad:
0x0: {  	(pc) =	sbr.rel $0x88, $3  }
0x1: {  	(tag) =	ssettag $0x0;
	lr =	simm.s32 $0x1  }
0x2: {  	[smem:$0x3F9A] =	sst lr;
	_ =	strace $0xD0000000  }
0x3: {  	_ = 	snop  }
0x4: {  	_ = 	snop  }
0x5: {  	_ = 	snop  }
0x6: {  	_ = 	snop  }
0x7: {  	_ = 	snop  }
__scs_overlays_trampoline_lowered:
0x8: {  	[smem:$0x3FA9] =	sst s0  }
0x9: {  	[smem:$0x3FAA] =	sst s1  }
0xa: {  	[smem:$0x3FAB] =	sst s2  }
0xb: {  	[smem:$0x3FAC] =	sst s3  }
0xc: {  	[smem:$0x3FAD] =	sst s4  }
0xd: {  	[smem:$0x3FAE] =	sst s5  }
0xe: {  	[smem:$0x3FAF] =	sst s6  }
0xf: {  	[smem:$0x3FB0] =	sst s7  }
0x10: {  	[smem:$0x3FB1] =	sst s8  }
0x11: {  	[smem:$0x3FB2] =	sst s9;
	s0 =	simm.s32 @!p0 $0x0  }
0x12: {  	s1 =	sld [smem:$0x3F98];
	s0 =	simm.s32 @p0 $0x1  }
0x13: {  	[smem:$0x3FB3] =	sst s0;
	s0 =	simm.s32 @!p1 $0x0  }
0x14: {  	s2 =	sld [smem:$0x3F97];
	s0 =	simm.s32 @p1 $0x1  }
0x15: {  	[smem:$0x3FB4] =	sst s0;
	s0 =	simm.s32 @!p2 $0x0  }
0x16: {  	s3 =	sld [smem:$0x3FDB];
	s0 =	simm.s32 @p2 $0x1  }
0x17: {  	s4 =	simm.s32 $0x1BF5;
	[smem:$0x3FB6] =	sst s0  }
0x18: {  	s0 =	sld [smem:$0x3F99];
	_ =	swait.ge [sflag:s4], $0x0  }
0x19: {  	s7 =	sld [smem:$0x3F9A]  }
0x1a: {  	s8 =	sadd.s32 $0xFFFFE003, lr  }
0x1b: {  	s9 =	sadd.s32 $0xFFFFFEF7, lr;
	s5 =	simm.s32 $0xFFFFFFFF;
	p2 =	slt.u32 s8, $0xFFFFF086  }
0x1c: {  	p1 =	slt.u32 s9, $0xF7A;
	s5 =	simm.s32 @!p2 $0x0  }
0x1d: {  	s5 =	simm.s32 @p1 $0x1;
	p0 =	seq.s32 s7, s2  }
0x1e: {  	s7 =	smul.u32 @!p0 $0xF7A, s2;
	p2 =	seq.s32 @!p0 s5, $0x0  }
0x1f: {  	s9 =	smul.u32 $0xF7A, s1;
	s8 =	simm.s32 @!p0 $0x1BF5;
	p2 =	por !p2, p0  }
0x20: {  	[sflag:s8] =	ssyncset.s32 @!p0 $0xFFFFF086;
	s6 =	sadd.s32 @!p0 s3, s7;
	s7 =	simm.s32 @!p0 $0x108  }
0x21: {  	s3 =	sadd.s32 s3, s9;
	s6 =	sadd.s32 @!p0 $0x88, s6;
	s7 =	simm.s32 @p2 $0x1082  }
0x22: {  	[simem:s7], [sflag:s8] =	dma.local @!p0 [hbm:s6], $0xF7A  }
0x23: {  	s9 =	sor.u32 $0xD0000000, s2;
	s6 =	simm.s32 $0x108;
	_ =	swait.ge @!p0 [sflag:s8], $0x0  }
0x24: {  	s3 =	sadd.s32 $0x88, s3;
	s6 =	simm.s32 @!p1 $0x1082;
	[sflag:s4] =	ssyncset.s32 $0xFFFFF086  }
0x25: {  	[simem:s6], [sflag:s4] =	dma.local [hbm:s3], $0xF7A  }
0x26: {  	[smem:$0x3F9A] =	sst s1;
	(tag) =	ssettag s2;
	_ =	strace s9  }
0x27: {  	s1 =	sld [smem:$0x3FAA]  }
0x28: {  	s2 =	sld [smem:$0x3FAB]  }
0x29: {  	s4 =	sld [smem:$0x3FAD]  }
0x2a: {  	p0 =	seq.s32 s5, $0x0;
	s5 =	sld [smem:$0x3FAE]  }
0x2b: {  	s6 =	sld [smem:$0x3FAF]  }
0x2c: {  	s7 =	sld [smem:$0x3FB0]  }
0x2d: {  	s3 =	simm.s32 $0x108;
	s8 =	sld [smem:$0x3FB1]  }
0x2e: {  	s3 =	simm.s32 @!p0 $0x1082;
	s9 =	sld [smem:$0x3FB2]  }
0x2f: {  	lr =	sadd.s32 s0, s3;
	s0 =	sld [smem:$0x3FA9]  }
0x30: {  	s3 =	sld [smem:$0x3FAC]  }
0x31: {  	[smem:$0x3FB5] =	sst s10  }
0x32: {  	s10 =	sld [smem:$0x3FB3];
	_ =	sdelay $0x3  }
0x33: {  	p0 =	seq.s32 s10, $0x1;
	s10 =	sld [smem:$0x3FB5];
	_ =	sdelay $0x3  }
0x34: {  	[smem:$0x3FB5] =	sst s10  }
0x35: {  	s10 =	sld [smem:$0x3FB4];
	_ =	sdelay $0x3  }
0x36: {  	p1 =	seq.s32 s10, $0x1;
	s10 =	sld [smem:$0x3FB5];
	_ =	sdelay $0x3  }
0x37: {  	[smem:$0x3FB5] =	sst s10  }
0x38: {  	s10 =	sld [smem:$0x3FB6]  }
0x39: {  	_ = 	snop;
	(pc) =	sbr.ind lr, $3  }
0x3a: {  	_ = 	snop  }
0x3b: {  	_ = 	snop  }
0x3c: {  	p2 =	seq.s32 s10, $0x1;
	s10 =	sld [smem:$0x3FB5]  }
0x3d: {  	_ =	shalt  }
0x3e: {  	_ =	shalt  }
0x3f: {  	_ =	shalt  }
0x40: {  	_ =	shalt  }
0x41: {  	_ =	shalt  }
0x42: {  	_ =	shalt  }
0x43: {  	_ =	shalt  }
0x44: {  	_ =	shalt  }
0x45: {  	_ =	shalt  }
0x46: {  	_ =	shalt  }
0x47: {  	_ =	shalt  }
0x48: {  	_ =	shalt  }
0x49: {  	_ =	shalt  }
0x4a: {  	_ =	shalt  }
0x4b: {  	_ =	shalt  }
0x4c: {  	_ =	shalt  }
0x4d: {  	_ =	shalt  }
0x4e: {  	_ =	shalt  }
0x4f: {  	_ =	shalt  }
0x50: {  	_ =	shalt  }
0x51: {  	_ =	shalt  }
0x52: {  	_ =	shalt  }
0x53: {  	_ =	shalt  }
0x54: {  	_ =	shalt  }
0x55: {  	_ =	shalt  }
0x56: {  	_ =	shalt  }
0x57: {  	_ =	shalt  }
0x58: {  	_ =	shalt  }
0x59: {  	_ =	shalt  }
0x5a: {  	_ =	shalt  }
0x5b: {  	_ =	shalt  }
0x5c: {  	_ =	shalt  }
0x5d: {  	_ =	shalt  }
0x5e: {  	_ =	shalt  }
0x5f: {  	_ =	shalt  }
0x60: {  	_ =	shalt  }
0x61: {  	_ =	shalt  }
0x62: {  	_ =	shalt  }
0x63: {  	_ =	shalt  }
0x64: {  	_ =	shalt  }
0x65: {  	_ =	shalt  }
0x66: {  	_ =	shalt  }
0x67: {  	_ =	shalt  }
0x68: {  	_ =	shalt  }
0x69: {  	_ =	shalt  }
0x6a: {  	_ =	shalt  }
0x6b: {  	_ =	shalt  }
0x6c: {  	_ =	shalt  }
0x6d: {  	_ =	shalt  }
0x6e: {  	_ =	shalt  }
0x6f: {  	_ =	shalt  }
0x70: {  	_ =	shalt  }
0x71: {  	_ =	shalt  }
0x72: {  	_ =	shalt  }
0x73: {  	_ =	shalt  }
0x74: {  	_ =	shalt  }
0x75: {  	_ =	shalt  }
0x76: {  	_ =	shalt  }
0x77: {  	_ =	shalt  }
0x78: {  	_ =	shalt  }
0x79: {  	_ =	shalt  }
0x7a: {  	_ =	shalt  }
0x7b: {  	_ =	shalt  }
0x7c: {  	_ =	shalt  }
0x7d: {  	_ =	shalt  }
0x7e: {  	_ =	shalt  }
0x7f: {  	_ =	shalt  }
0x80: {  	_ =	shalt  }
0x81: {  	_ =	shalt  }
0x82: {  	_ =	shalt  }
0x83: {  	_ =	shalt  }
0x84: {  	_ =	shalt  }
0x85: {  	_ =	shalt  }
0x86: {  	_ =	shalt  }
0x87: {  	_ =	shalt  }
.Lfunc_end0:
.L_simem_size_0:
called_computation.1_lowered:
.L_overlay_start_0:
0x88: {  	s2 =	sld [smem:$0x3FD9]  }
0x89: {  	s3 =	sld [smem:$0x3FFE];
	_ =	sdelay $0x1  }
0x8a: {  	s1 =	srdreg.scid  }
0x8b: {  	s0 =	sand.u32 $0x1, s1  }
0x8c: {  	s14 =	sshll.u32 s0, $0xA;
	s2 =	sadd.s32 s3, s2  }
0x8d: {  	s2 =	sadd.s32 s2, s14  }
0x8e: {  	[smem:$0x3FC1] =	sst s2  }
0x8f: {  	_ = 	snop  }
0x90: {  	s2 =	sld [smem:$0x3FD0];
	_ =	sdelay $0x2  }
0x91: {  	s15 =	simm.s32 $0xA;
	s4 =	simm.s32 $0x10  }
0x92: {  	[smem:s4], [sflag:s15] =	dma.local [hbm:s2], $0x1  }
0x93: {  	_ =	swait.eq [sflag:s15], $0x1  }
0x94: {  	[sflag:s15] =	ssyncset.done $0x0  }
0x95: {  	s16 =	sld [smem:$0x10];
	[sflag:s15] =	ssyncadd.s32 $0xFFFFFFFF  }
0x96: {  	s17 =	sld [smem:$0x11];
	(tm) =	ssettm $0x1  }
0x97: {  	s18 =	sld [smem:$0x3FFB];
	_ =	sdelay $0x3  }
0x98: {  	_ =	strace s18  }
0x99: {  	s4 =	sld [smem:$0x3FFC];
	_ =	sdelay $0x3  }
0x9a: {  	_ =	strace s4  }
0x9b: {  	s4 =	sld [smem:$0x3FFD];
	_ =	sdelay $0x3  }
0x9c: {  	_ =	strace s4  }
0x9d: {  	_ =	strace $0x8FFFFFFF  }
0x9e: {  	s19 =	sld [smem:$0x3FDB];
	_ =	sdelay $0x1  }
0x9f: {  	s5 =	simm.s32 $_scs_section_size  }
0xa0: {  	s6 =	simm.s32 $_size__tile_overlayer_lowered;
	s7 =	simm.s32 $_tile_overlayer_lowered  }
0xa1: {  	s22 =	simm.s32 $0x1BFF;
	s21 =	sshll.u32 s7, $0x1;
	s4 =	sadd.s32 s5, s19  }
0xa2: {  	s8 =	simm.s32 $0x0;
	s20 =	sshll.u32 s6, $0x1;
	s6 =	sadd.s32 s21, s4  }
0xa3: {  	[timem:s8], [sflag:s22] =	dma.local [hbm:s6], s20  }
0xa4: {  	_ =	swait.ge [sflag:s22], s20  }
0xa5: {  	s5 =	ssub.s32 $0x0, s20;
	[sflag:s22] =	ssyncset.done $0x0  }
0xa6: {  	[sflag:s22] =	ssyncadd.s32 s5;
	_ =	sdelay $0x1  }
0xa7: {  	s23 =	simm.s32 $0x1B8B  }
0xa8: {  	_ =	swait.ge [sflag:s23], $0x1  }
0xa9: {  	[sflag:s23] =	ssyncset.done $0x0  }
0xaa: {  	s25 =	simm.s32 $0x1B8E;
	s24 =	sld [smem:$0x3FFE];
	[sflag:s23] =	ssyncadd.s32 $0xFFFFFFFF  }
0xab: {  	s26 =	simm.s32 $execute0_lowered;
	[smem:$0x3FD2] =	sst s25  }
0xac: {  	s6 =	sshll.u32 s26, $0x1;
	_ =	strace $0x80000049;
	[dreg:$0x1] =	wrdreg $0xFFFFFFFF  }
0xad: {  	s28 =	simm.s32 $_size_execute0_lowered;
	s4 =	sadd.s32 s4, s6;
	[dreg:$0x0] =	wrdreg $0x0  }
0xae: {  	s6 =	sshll.u32 s28, $0x1;
	[dreg:$0x2] =	wrdreg s4  }
0xaf: {  	[dreg:$0x3] =	wrdreg s6  }
0xb0: {  	[dreg:$0x4] =	wrdreg $0xC0  }
0xb1: {  	_ =	task [dreg:s8], $0x5FFFF  }
0xb2: {  	[dreg:$0x1] =	wrdreg $0xFFFFFFFF  }
0xb3: {  	[dreg:$0x0] =	wrdreg $0x60  }
0xb4: {  	[dreg:$0x2] =	wrdreg s17  }
0xb5: {  	[dreg:$0x3] =	wrdreg s24  }
0xb6: {  	[dreg:$0x4] =	wrdreg s16  }
0xb7: {  	[dreg:$0x5] =	wrdreg $0x9E000  }
0xb8: {  	[dreg:$0x6] =	wrdreg $0x9  }
0xb9: {  	_ =	task.clear_ibuf [dreg:s8], $0x7FFFF;
	_ =	strace $0x90000049  }
0xba: {  	s29 =	simm.s32 $0x9;
	_ =	strace $0x8000004B  }
0xbb: {  	_ =	swait.ge [sflag:s29], $0x1  }
0xbc: {  	[sflag:s29] =	ssyncadd.s32 $0xFFFFFFFF  }
0xbd: {  	_ =	strace $0x9000004B  }
0xbe: {  	_ =	sfence  }
0xbf: {  	s30 =	sld [smem:$0x0];
	_ =	sdelay $0x2  }
0xc0: {  	s31 =	sshll.u32 s1, $0xD;
	s1 =	sshrl.u32 s1, $0x2  }
0xc1: {  	s3 =	sand.u32 $0x4000, s31;
	s1 =	sadd.s32 s1, s30  }
0xc2: {  	s0 =	sor.u32 s3, s0;
	s1 =	sshll.u32 s1, $0x11  }
0xc3: {  	s0 =	sor.u32 s1, s0  }
0xc4: {  	s0 =	sadd.s32 $0x8F2B, s0  }
0xc5: {  	[sflag:s0] =	ssyncadd.remote.s32 $0x1  }
0xc6: {  	_ =	sfence.sel $0xFFFF  }
0xc7: {  	[dreg:$0x0] =	wrdreg $0xFFFFFFFF;
	(pc) =	sbr.abs _section_cstart, $3  }
0xc8: {  	[dreg:$0x1] =	wrdreg $0xFFFFFFFF  }
0xc9: {  	_ =	task.clear_ibuf [dreg:s8], $0x2FFFF;
	_ =	strace $0x9FFFFFFF  }
0xca: {  	(tm) =	ssettm $0x7FFFFFFF  }
0xcb: {  	_ =	shalt  }
tec
execute0_lowered:
.L_overlay_start_1:
0x0: {  	(tag) =	ssettag $0x1  }
0x1: {  	s1 =	rddreg [dreg:$0x0]  }
0x2: {  	s0 =	rddreg [dreg:$0x1]  }
0x3: {  	s3 =	rddreg [dreg:$0x2]  }
0x4: {  	s4 =	rddreg [dreg:$0x3]  }
0x5: {  	s2 =	srdreg.scid;
	s11 =	stileid.u32  }
0x6: {  	s5 =	simm.s32 $0x0;
	s16 =	simm.s32 $0x5E00;
	s17 =	simm.s32 $0x4  }
0x7: {  	s18 =	simm.s32 $0xA00;
	s19 =	simm.s32 $0x1400;
	s20 =	simm.s32 $0x1  }
0x8: {  	s21 =	simm.s32 $0x80;
	s22 =	simm.s32 $0x1E00;
	s23 =	simm.s32 $0x3E00  }
0x9: {  	s24 =	simm.s32 $0x2;
	s25 =	simm.s32 $0x3;
	s26 =	simm.s32 $0x0  }
0xa: {  	s2 =	sand.u32 $0x1, s2;
	s8 =	smul.u32 $0x2800, s11;
	[smem:$0x7FF] =	sst s5  }
0xb: {  	s6 =	sadd.s32 $0xCE00, s0;
	s10 =	smul.u32 $0x50000, s11;
	s7 =	sadd.s32 $0x1E00, s0  }
0xc: {  	s9 =	smul.u32 $0x28000, s2;
	_ =	strace $0x8000004A;
	s30 =	ssub.s32 $0x2, s2  }
0xd: {  	s2 =	sshll.u32 s2, $0x4;
	s31 =	sshrl.u32 s30, $0x1;
	s10 =	sshrl.u32 s10, $0x2  }
0xe: {  	s2 =	sor.u32 s11, s2;
	s8 =	sadd.s32 s8, s9;
	s15 =	ssub.s32 s30, s31  }
0xf: {  	s13 =	smul.u32 $0x2800, s2;
	s0 =	sadd.s32 s8, s0;
	s8 =	sadd.s32 s10, s4  }
0x10: {  	s15 =	smax.u32 s15, $0x1;
	s9 =	sadd.s32 $0x4000, s8;
	s10 =	sadd.s32 $0x8000, s8  }
0x11: {  	v0 =	vimm.f32 $0.0e+00;
	s11 =	sadd.s32 $0xC000, s8;
	s12 =	sadd.s32 $0x10000, s8;
	s14 =	sadd.s32 $0x3E000, s0  }
.LBB2_1:
0x12: {  	s0 =	simm.s32 $0x0;
	s2 =	simm.s32 $0x200  }
.LBB2_2:
0x13: {  	p0 =	sne.s32 s2, $0xFE00;
	[tilespmem:s0+$0x5E70] =	vst v0  }
0x14: {  	[tilespmem:s0+$0x5E00] =	vst v0  }
0x15: {  	[tilespmem:s0+$0x5E10] =	vst v0  }
.Ltmp0:
0x16: {  	[tilespmem:s0+$0x5E20] =	vst v0;
	(pc) =	sbr.rel @p0 .LBB2_2-.Ltmp0, $4  }
0x17: {  	[tilespmem:s0+$0x5E30] =	vst v0  }
0x18: {  	[tilespmem:s0+$0x5E40] =	vst v0  }
0x19: {  	[tilespmem:s0+$0x5E50] =	vst v0  }
0x1a: {  	[tilespmem:s0+$0x5E60] =	vst v0;
	s0 =	sshra.s32 s2, $0x2;
	s2 =	sadd.s32 $0x200, s2  }
0x1b: {  	[tilespmem:s0+$0x5E70] =	vst v0  }
0x1c: {  	[tilespmem:s0+$0x5E00] =	vst v0  }
0x1d: {  	[tilespmem:s0+$0x5E10] =	vst v0  }
0x1e: {  	[tilespmem:s0+$0x5E20] =	vst v0  }
0x1f: {  	[tilespmem:s0+$0x5E30] =	vst v0  }
0x20: {  	[tilespmem:s0+$0x5E40] =	vst v0  }
0x21: {  	[tilespmem:s0+$0x5E50] =	vst v0  }
0x22: {  	[tilespmem:s0+$0x5E60] =	vst v0  }
0x23: {  	[spmem:s8] =	stream.linear.scatter [tilespmem:s16], [sflag:$0x4], $0x4000, $0x38;
	[tilespmem:$0x1DE00] =	vst v63  }
0x24: {  	_ =	swait.ge [sflag:s17], $0x4000  }
0x25: {  	[sflag:s17] =	ssyncset.done $0x0  }
0x26: {  	[sflag:s17] =	ssyncadd.s32 $0xFFFFC000  }
0x27: {  	[spmem:s9] =	stream.linear.scatter [tilespmem:s16], [sflag:$0x4], $0x4000, $0x38;
	[tilespmem:$0x1DE00] =	vst v63  }
0x28: {  	_ =	swait.ge [sflag:s17], $0x4000  }
0x29: {  	[sflag:s17] =	ssyncset.done $0x0  }
0x2a: {  	[sflag:s17] =	ssyncadd.s32 $0xFFFFC000  }
0x2b: {  	[spmem:s10] =	stream.linear.scatter [tilespmem:s16], [sflag:$0x4], $0x4000, $0x38;
	[tilespmem:$0x1DE00] =	vst v63  }
0x2c: {  	_ =	swait.ge [sflag:s17], $0x4000  }
0x2d: {  	[sflag:s17] =	ssyncset.done $0x0  }
0x2e: {  	[sflag:s17] =	ssyncadd.s32 $0xFFFFC000  }
0x2f: {  	[spmem:s11] =	stream.linear.scatter [tilespmem:s16], [sflag:$0x4], $0x4000, $0x38;
	[tilespmem:$0x1DE00] =	vst v63  }
0x30: {  	_ =	swait.ge [sflag:s17], $0x4000  }
0x31: {  	[sflag:s17] =	ssyncset.done $0x0  }
0x32: {  	[sflag:s17] =	ssyncadd.s32 $0xFFFFC000  }
0x33: {  	[spmem:s12] =	stream.linear.scatter [tilespmem:s16], [sflag:$0x4], $0x4000, $0x38;
	[tilespmem:$0x1DE00] =	vst v63  }
0x34: {  	_ =	swait.ge [sflag:s17], $0x4000  }
0x35: {  	[sflag:s17] =	ssyncset.done $0x0  }
0x36: {  	[sflag:s17] =	ssyncadd.s32 $0xFFFFC000  }
0x37: {  	s28 =	simm.s32 $0x0;
	[bflag:$0x0] =	sbarrier.arrive $0xFFFF  }
.LBB2_4:
0x38: {  	s0 =	smul.u32 $0xA00, s28;
	_ =	sdelay $0x1  }
0x39: {  	s0 =	sadd.s32 s13, s0  }
0x3a: {  	s0 =	sshrl.u32 s0, $0x3  }
0x3b: {  	s2 =	sadd.s32 s6, s0  }
0x3c: {  	[tilespmem:s26], [sflag:$0x1] =	stream.linear.gather [hbm4b:s2+s26], $0xA00, $0x38;
	[tilespmem:$0x1DE00] =	vst v63  }
0x3d: {  	s31 =	sadd.s32 s3, s0  }
0x3e: {  	[tilespmem:s18], [sflag:$0x1] =	stream.linear.gather [hbm4b:s31+s26], $0xA00, $0x38;
	[tilespmem:$0x1DE00] =	vst v63  }
0x3f: {  	s0 =	sadd.s32 s7, s0  }
0x40: {  	[tilespmem:s19], [sflag:$0x1] =	stream.linear.gather [hbm4b:s0+s26], $0xA00, $0x38;
	[tilespmem:$0x1DE00] =	vst v63  }
0x41: {  	_ =	swait.ge [sflag:s20], $0xA00  }
0x42: {  	[sflag:s20] =	ssyncset.done $0x0  }
0x43: {  	[sflag:s20] =	ssyncadd.s32 $0xFFFFF600  }
0x44: {  	_ =	swait.ge [sflag:s20], $0xA00  }
0x45: {  	[sflag:s20] =	ssyncset.done $0x0  }
0x46: {  	[sflag:s20] =	ssyncadd.s32 $0xFFFFF600  }
0x47: {  	_ =	swait.ge [sflag:s20], $0xA00  }
0x48: {  	[sflag:s20] =	ssyncset.done $0x0  }
0x49: {  	s29 =	simm.s32 $0x0;
	[sflag:s20] =	ssyncadd.s32 $0xFFFFF600  }
0x4a: {  	[tilespmem:s22], [sflag:$0x1] =	stream.indirect.gather [hbm4b:s1+s21], $0x40, s26, s21, $0xb8;
	[tilespmem:$0x1DE00] =	vst v63  }
.LBB2_5:
0x4b: {  	_ =	swait.ge [sflag:s20], $0x2000  }
0x4c: {  	p0 =	seq.s32 s29, $0x0;
	[sflag:s20] =	ssyncset.done $0x0  }
0x4d: {  	s0 =	simm.s32 @!p0 $0x3;
	[sflag:s20] =	ssyncadd.s32 $0xFFFFE000  }
0x4e: {  	s2 =	sshllo.u32 s29, $0x1;
	s31 =	sshll.u32 s29, $0x1;
	_ =	swait.ge @!p0 [sflag:s0], $0x4000  }
0x4f: {  	s30 =	sshll.u32 s2, $0x7;
	s2 =	sshll.u32 s31, $0x7;
	[sflag:s0] =	ssyncset.done @!p0 $0x0  }
0x50: {  	s31 =	simm.s32 $0x0;
	[sflag:s0] =	ssyncadd.s32 @!p0 $0xFFFFC000;
	s0 =	simm.s32 $0x6000  }
0x51: {  	v2 =	vimm.s32 $0x0;
	v1 =	vmov s2;
	[tilespmem:s23], [sflag:$0x2] =	stream.indirect.gather [hbm4b:s1+s21], $0x40, s30, s21, $0xb8;
	[tilespmem:$0x1DE00] =	vst v63  }
.LBB2_6:
0x52: {  	v3 =	vadd.s32 v1, v2  }
0x53: {  	v4 =	vor.u32 $0x1, v3  }
0x54: {  	v5 =	vor.u32 $0x2, v3  }
0x55: {  	s2 =	sshra.s32 s31, $0x2;
	v6 =	vor.u32 $0x3, v3  }
0x56: {  	v8 =	vor.u32 $0x4, v3;
	v10 =	vld [tilespmem:s2+$0x1E00]  }
0x57: {  	v9 =	vor.u32 $0x5, v3;
	v7 =	vld.idx.msk [tilespmem:v3+s19+$0x0], $0xffff  }
0x58: {  	v28 =	vor.u32 $0x6, v3;
	v11 =	vld.idx.msk [tilespmem:v4+s19+$0x0], $0xffff  }
0x59: {  	v3 =	vor.u32 $0x7, v3;
	v12 =	vld.idx.msk [tilespmem:v5+s19+$0x0], $0xffff  }
0x5a: {  	v13 =	vld.idx.msk [tilespmem:v6+s19+$0x0], $0xffff  }
0x5b: {  	v29 =	vld.idx.msk [tilespmem:v8+s19+$0x0], $0xffff;
	v31 =	vshll.u32 v10, $0x10  }
0x5c: {  	v30 =	vld.idx.msk [tilespmem:v9+s19+$0x0], $0xffff;
	v32 =	vand.u32 $0xFFFF0000, v10;
	v8 =	vmul.f32 v31, v7  }
0x5d: {  	v4 =	vld.idx.msk [tilespmem:v28+s19+$0x0], $0xffff;
	v9 =	vmul.f32 v32, v7  }
0x5e: {  	v3 =	vld.idx.msk [tilespmem:v3+s19+$0x0], $0xffff;
	[tilespmem:s0+$0xFFFFFE00] =	vst v8  }
0x5f: {  	[tilespmem:s0+$0xFFFFFE10] =	vst v9  }
0x60: {  	v8 =	vld [tilespmem:s2+$0x1E10];
	_ =	sdelay $0x4  }
0x61: {  	v33 =	vshll.u32 v8, $0x10  }
0x62: {  	v8 =	vand.u32 $0xFFFF0000, v8;
	v9 =	vmul.f32 v33, v7  }
0x63: {  	v8 =	vmul.f32 v8, v7  }
0x64: {  	[tilespmem:s0+$0xFFFFFE20] =	vst v9  }
0x65: {  	[tilespmem:s0+$0xFFFFFE30] =	vst v8  }
0x66: {  	v8 =	vld [tilespmem:s2+$0x1E20];
	_ =	sdelay $0x4  }
0x67: {  	v34 =	vshll.u32 v8, $0x10  }
0x68: {  	v8 =	vand.u32 $0xFFFF0000, v8;
	v9 =	vmul.f32 v34, v7  }
0x69: {  	v8 =	vmul.f32 v8, v7  }
0x6a: {  	[tilespmem:s0+$0xFFFFFE40] =	vst v9  }
0x6b: {  	[tilespmem:s0+$0xFFFFFE50] =	vst v8  }
0x6c: {  	v8 =	vld [tilespmem:s2+$0x1E30];
	_ =	sdelay $0x4  }
0x6d: {  	v35 =	vshll.u32 v8, $0x10  }
0x6e: {  	v8 =	vand.u32 $0xFFFF0000, v8;
	v9 =	vmul.f32 v35, v7  }
0x6f: {  	v7 =	vmul.f32 v8, v7  }
0x70: {  	[tilespmem:s0+$0xFFFFFE60] =	vst v9  }
0x71: {  	[tilespmem:s0+$0xFFFFFE70] =	vst v7  }
0x72: {  	v7 =	vld [tilespmem:s2+$0x1E40];
	_ =	sdelay $0x4  }
0x73: {  	v36 =	vshll.u32 v7, $0x10  }
0x74: {  	v7 =	vand.u32 $0xFFFF0000, v7;
	v8 =	vmul.f32 v36, v11  }
0x75: {  	v7 =	vmul.f32 v7, v11  }
0x76: {  	[tilespmem:s0+$0xFFFFFE80] =	vst v8  }
0x77: {  	[tilespmem:s0+$0xFFFFFE90] =	vst v7  }
0x78: {  	v7 =	vld [tilespmem:s2+$0x1E50];
	_ =	sdelay $0x4  }
0x79: {  	v37 =	vshll.u32 v7, $0x10  }
0x7a: {  	v7 =	vand.u32 $0xFFFF0000, v7;
	v8 =	vmul.f32 v37, v11  }
0x7b: {  	v7 =	vmul.f32 v7, v11  }
0x7c: {  	[tilespmem:s0+$0xFFFFFEA0] =	vst v8  }
0x7d: {  	[tilespmem:s0+$0xFFFFFEB0] =	vst v7  }
0x7e: {  	v7 =	vld [tilespmem:s2+$0x1E60];
	_ =	sdelay $0x4  }
0x7f: {  	v38 =	vshll.u32 v7, $0x10  }
0x80: {  	v7 =	vand.u32 $0xFFFF0000, v7;
	v8 =	vmul.f32 v38, v11  }
0x81: {  	v7 =	vmul.f32 v7, v11  }
0x82: {  	[tilespmem:s0+$0xFFFFFEC0] =	vst v8  }
0x83: {  	[tilespmem:s0+$0xFFFFFED0] =	vst v7  }
0x84: {  	v7 =	vld [tilespmem:s2+$0x1E70];
	_ =	sdelay $0x4  }
0x85: {  	v39 =	vshll.u32 v7, $0x10  }
0x86: {  	v7 =	vand.u32 $0xFFFF0000, v7;
	v8 =	vmul.f32 v39, v11  }
0x87: {  	v7 =	vmul.f32 v7, v11  }
0x88: {  	[tilespmem:s0+$0xFFFFFEE0] =	vst v8  }
0x89: {  	[tilespmem:s0+$0xFFFFFEF0] =	vst v7  }
0x8a: {  	v7 =	vld [tilespmem:s2+$0x1E80];
	_ =	sdelay $0x4  }
0x8b: {  	v40 =	vshll.u32 v7, $0x10  }
0x8c: {  	v7 =	vand.u32 $0xFFFF0000, v7;
	v8 =	vmul.f32 v40, v12  }
0x8d: {  	v7 =	vmul.f32 v7, v12  }
0x8e: {  	[tilespmem:s0+$0xFFFFFF00] =	vst v8  }
0x8f: {  	[tilespmem:s0+$0xFFFFFF10] =	vst v7  }
0x90: {  	v7 =	vld [tilespmem:s2+$0x1E90];
	_ =	sdelay $0x4  }
0x91: {  	v41 =	vshll.u32 v7, $0x10  }
0x92: {  	v7 =	vand.u32 $0xFFFF0000, v7;
	v8 =	vmul.f32 v41, v12  }
0x93: {  	v7 =	vmul.f32 v7, v12  }
0x94: {  	[tilespmem:s0+$0xFFFFFF20] =	vst v8  }
0x95: {  	[tilespmem:s0+$0xFFFFFF30] =	vst v7  }
0x96: {  	v7 =	vld [tilespmem:s2+$0x1EA0];
	_ =	sdelay $0x4  }
0x97: {  	v42 =	vshll.u32 v7, $0x10  }
0x98: {  	v7 =	vand.u32 $0xFFFF0000, v7;
	v8 =	vmul.f32 v42, v12  }
0x99: {  	v7 =	vmul.f32 v7, v12  }
0x9a: {  	[tilespmem:s0+$0xFFFFFF40] =	vst v8  }
0x9b: {  	[tilespmem:s0+$0xFFFFFF50] =	vst v7  }
0x9c: {  	v7 =	vld [tilespmem:s2+$0x1EB0];
	_ =	sdelay $0x4  }
0x9d: {  	v43 =	vshll.u32 v7, $0x10  }
0x9e: {  	v7 =	vand.u32 $0xFFFF0000, v7;
	v8 =	vmul.f32 v43, v12  }
0x9f: {  	v7 =	vmul.f32 v7, v12  }
0xa0: {  	[tilespmem:s0+$0xFFFFFF60] =	vst v8  }
0xa1: {  	[tilespmem:s0+$0xFFFFFF70] =	vst v7  }
0xa2: {  	v7 =	vld [tilespmem:s2+$0x1EC0];
	_ =	sdelay $0x4  }
0xa3: {  	v44 =	vshll.u32 v7, $0x10  }
0xa4: {  	v7 =	vand.u32 $0xFFFF0000, v7;
	v8 =	vmul.f32 v44, v13  }
0xa5: {  	v7 =	vmul.f32 v7, v13  }
0xa6: {  	[tilespmem:s0+$0xFFFFFF80] =	vst v8  }
0xa7: {  	[tilespmem:s0+$0xFFFFFF90] =	vst v7  }
0xa8: {  	v7 =	vld [tilespmem:s2+$0x1ED0];
	_ =	sdelay $0x4  }
0xa9: {  	v45 =	vshll.u32 v7, $0x10  }
0xaa: {  	v7 =	vand.u32 $0xFFFF0000, v7;
	v8 =	vmul.f32 v45, v13  }
0xab: {  	v7 =	vmul.f32 v7, v13  }
0xac: {  	[tilespmem:s0+$0xFFFFFFA0] =	vst v8  }
0xad: {  	[tilespmem:s0+$0xFFFFFFB0] =	vst v7  }
0xae: {  	v7 =	vld [tilespmem:s2+$0x1EE0];
	_ =	sdelay $0x4  }
0xaf: {  	v46 =	vshll.u32 v7, $0x10  }
0xb0: {  	v7 =	vand.u32 $0xFFFF0000, v7;
	v8 =	vmul.f32 v46, v13  }
0xb1: {  	v7 =	vmul.f32 v7, v13  }
0xb2: {  	[tilespmem:s0+$0xFFFFFFC0] =	vst v8  }
0xb3: {  	[tilespmem:s0+$0xFFFFFFD0] =	vst v7  }
0xb4: {  	v7 =	vld [tilespmem:s2+$0x1EF0];
	_ =	sdelay $0x4  }
0xb5: {  	v47 =	vshll.u32 v7, $0x10  }
0xb6: {  	v7 =	vand.u32 $0xFFFF0000, v7;
	v8 =	vmul.f32 v47, v13  }
0xb7: {  	v7 =	vmul.f32 v7, v13  }
0xb8: {  	[tilespmem:s0+$0xFFFFFFE0] =	vst v8  }
0xb9: {  	[tilespmem:s0+$0xFFFFFFF0] =	vst v7  }
0xba: {  	v7 =	vld [tilespmem:s2+$0x1F00];
	_ =	sdelay $0x4  }
0xbb: {  	v48 =	vshll.u32 v7, $0x10  }
0xbc: {  	v7 =	vand.u32 $0xFFFF0000, v7;
	v8 =	vmul.f32 v48, v29  }
0xbd: {  	v7 =	vmul.f32 v7, v29  }
0xbe: {  	[tilespmem:s0+$0x0] =	vst v8  }
0xbf: {  	[tilespmem:s0+$0x10] =	vst v7  }
0xc0: {  	v7 =	vld [tilespmem:s2+$0x1F10];
	_ =	sdelay $0x4  }
0xc1: {  	v49 =	vshll.u32 v7, $0x10  }
0xc2: {  	v7 =	vand.u32 $0xFFFF0000, v7;
	v8 =	vmul.f32 v49, v29  }
0xc3: {  	v7 =	vmul.f32 v7, v29  }
0xc4: {  	[tilespmem:s0+$0x20] =	vst v8  }
0xc5: {  	[tilespmem:s0+$0x30] =	vst v7  }
0xc6: {  	v7 =	vld [tilespmem:s2+$0x1F20];
	_ =	sdelay $0x4  }
0xc7: {  	v50 =	vshll.u32 v7, $0x10  }
0xc8: {  	v7 =	vand.u32 $0xFFFF0000, v7;
	v8 =	vmul.f32 v50, v29  }
0xc9: {  	v7 =	vmul.f32 v7, v29  }
0xca: {  	[tilespmem:s0+$0x40] =	vst v8  }
0xcb: {  	[tilespmem:s0+$0x50] =	vst v7  }
0xcc: {  	v7 =	vld [tilespmem:s2+$0x1F30];
	_ =	sdelay $0x4  }
0xcd: {  	v51 =	vshll.u32 v7, $0x10  }
0xce: {  	v7 =	vand.u32 $0xFFFF0000, v7;
	v8 =	vmul.f32 v51, v29  }
0xcf: {  	v6 =	vmul.f32 v7, v29  }
0xd0: {  	[tilespmem:s0+$0x60] =	vst v8  }
0xd1: {  	[tilespmem:s0+$0x70] =	vst v6  }
0xd2: {  	v6 =	vld [tilespmem:s2+$0x1F40];
	_ =	sdelay $0x4  }
0xd3: {  	v52 =	vshll.u32 v6, $0x10  }
0xd4: {  	v6 =	vand.u32 $0xFFFF0000, v6;
	v7 =	vmul.f32 v52, v30  }
0xd5: {  	v6 =	vmul.f32 v6, v30  }
0xd6: {  	[tilespmem:s0+$0x80] =	vst v7  }
0xd7: {  	[tilespmem:s0+$0x90] =	vst v6  }
0xd8: {  	v6 =	vld [tilespmem:s2+$0x1F50];
	_ =	sdelay $0x4  }
0xd9: {  	v53 =	vshll.u32 v6, $0x10  }
0xda: {  	v6 =	vand.u32 $0xFFFF0000, v6;
	v7 =	vmul.f32 v53, v30  }
0xdb: {  	v6 =	vmul.f32 v6, v30  }
0xdc: {  	[tilespmem:s0+$0xA0] =	vst v7  }
0xdd: {  	[tilespmem:s0+$0xB0] =	vst v6  }
0xde: {  	v6 =	vld [tilespmem:s2+$0x1F60];
	_ =	sdelay $0x4  }
0xdf: {  	v54 =	vshll.u32 v6, $0x10  }
0xe0: {  	v6 =	vand.u32 $0xFFFF0000, v6;
	v7 =	vmul.f32 v54, v30  }
0xe1: {  	v6 =	vmul.f32 v6, v30  }
0xe2: {  	[tilespmem:s0+$0xC0] =	vst v7  }
0xe3: {  	[tilespmem:s0+$0xD0] =	vst v6  }
0xe4: {  	v6 =	vld [tilespmem:s2+$0x1F70];
	_ =	sdelay $0x4  }
0xe5: {  	v55 =	vshll.u32 v6, $0x10  }
0xe6: {  	v6 =	vand.u32 $0xFFFF0000, v6;
	v7 =	vmul.f32 v55, v30  }
0xe7: {  	v5 =	vmul.f32 v6, v30  }
0xe8: {  	[tilespmem:s0+$0xE0] =	vst v7  }
0xe9: {  	[tilespmem:s0+$0xF0] =	vst v5  }
0xea: {  	v5 =	vld [tilespmem:s2+$0x1F80];
	_ =	sdelay $0x4  }
0xeb: {  	v56 =	vshll.u32 v5, $0x10  }
0xec: {  	v5 =	vand.u32 $0xFFFF0000, v5;
	v6 =	vmul.f32 v56, v4  }
0xed: {  	v5 =	vmul.f32 v5, v4  }
0xee: {  	[tilespmem:s0+$0x100] =	vst v6  }
0xef: {  	[tilespmem:s0+$0x110] =	vst v5  }
0xf0: {  	v5 =	vld [tilespmem:s2+$0x1F90];
	_ =	sdelay $0x4  }
0xf1: {  	v57 =	vshll.u32 v5, $0x10  }
0xf2: {  	v5 =	vand.u32 $0xFFFF0000, v5;
	v6 =	vmul.f32 v57, v4  }
0xf3: {  	v5 =	vmul.f32 v5, v4  }
0xf4: {  	[tilespmem:s0+$0x120] =	vst v6  }
0xf5: {  	[tilespmem:s0+$0x130] =	vst v5  }
0xf6: {  	v5 =	vld [tilespmem:s2+$0x1FA0];
	_ =	sdelay $0x4  }
0xf7: {  	v58 =	vshll.u32 v5, $0x10  }
0xf8: {  	v5 =	vand.u32 $0xFFFF0000, v5;
	v6 =	vmul.f32 v58, v4  }
0xf9: {  	v5 =	vmul.f32 v5, v4  }
0xfa: {  	[tilespmem:s0+$0x140] =	vst v6  }
0xfb: {  	[tilespmem:s0+$0x150] =	vst v5  }
0xfc: {  	v5 =	vld [tilespmem:s2+$0x1FB0];
	_ =	sdelay $0x4  }
0xfd: {  	v59 =	vshll.u32 v5, $0x10  }
0xfe: {  	v5 =	vand.u32 $0xFFFF0000, v5;
	v6 =	vmul.f32 v59, v4  }
0xff: {  	v4 =	vmul.f32 v5, v4  }
0x100: {  	[tilespmem:s0+$0x160] =	vst v6  }
0x101: {  	[tilespmem:s0+$0x170] =	vst v4  }
0x102: {  	v4 =	vld [tilespmem:s2+$0x1FC0];
	_ =	sdelay $0x4  }
0x103: {  	v60 =	vshll.u32 v4, $0x10  }
0x104: {  	v4 =	vand.u32 $0xFFFF0000, v4;
	v5 =	vmul.f32 v60, v3  }
0x105: {  	v4 =	vmul.f32 v4, v3  }
0x106: {  	[tilespmem:s0+$0x180] =	vst v5  }
0x107: {  	[tilespmem:s0+$0x190] =	vst v4  }
0x108: {  	v4 =	vld [tilespmem:s2+$0x1FD0];
	_ =	sdelay $0x4  }
0x109: {  	v61 =	vshll.u32 v4, $0x10  }
0x10a: {  	v4 =	vand.u32 $0xFFFF0000, v4;
	v5 =	vmul.f32 v61, v3  }
0x10b: {  	v4 =	vmul.f32 v4, v3  }
0x10c: {  	[tilespmem:s0+$0x1A0] =	vst v5  }
0x10d: {  	[tilespmem:s0+$0x1B0] =	vst v4  }
0x10e: {  	v4 =	vld [tilespmem:s2+$0x1FE0];
	_ =	sdelay $0x4  }
0x10f: {  	v62 =	vshll.u32 v4, $0x10  }
0x110: {  	v4 =	vand.u32 $0xFFFF0000, v4;
	v5 =	vmul.f32 v62, v3  }
0x111: {  	v4 =	vmul.f32 v4, v3  }
0x112: {  	[tilespmem:s0+$0x1C0] =	vst v5  }
0x113: {  	[tilespmem:s0+$0x1D0] =	vst v4  }
0x114: {  	v4 =	vld [tilespmem:s2+$0x1FF0];
	_ =	sdelay $0x3  }
0x115: {  	p0 =	sne.s32 s31, $0x7800  }
.Ltmp1:
0x116: {  	v63 =	vshll.u32 v4, $0x10;
	(pc) =	sbr.rel @p0 .LBB2_6-.Ltmp1, $4  }
0x117: {  	v4 =	vand.u32 $0xFFFF0000, v4;
	v5 =	vmul.f32 v63, v3  }
0x118: {  	v3 =	vmul.f32 v4, v3  }
0x119: {  	[tilespmem:s0+$0x1E0] =	vst v5  }
0x11a: {  	v2 =	vadd.s32 $0x8, v2;
	s31 =	sadd.s32 $0x800, s31;
	[tilespmem:s0+$0x1F0] =	vst v3;
	s0 =	sadd.s32 $0x400, s0  }
0x11b: {  	s0 =	sshll.u32 s29, $0xA  }
0x11c: {  	s2 =	sshrl.u32 s0, $0x2  }
0x11d: {  	s2 =	sadd.s32 $0xA00, s2  }
0x11e: {  	[spmem:s4] =	stream.indirect.scatter.add.f32 [tilespmem:s16], [sflag:$0x3], $0x80, s2, s21, $0xb8;
	[tilespmem:$0x1DE00] =	vst v63  }
0x11f: {  	_ =	swait.ge [sflag:s24], $0x2000  }
0x120: {  	[sflag:s24] =	ssyncset.done $0x0  }
0x121: {  	[sflag:s24] =	ssyncadd.s32 $0xFFFFE000  }
0x122: {  	p0 =	seq.s32 s29, $0x9;
	_ =	swait.ge [sflag:s25], $0x4000  }
0x123: {  	s0 =	sshrl.u32 @!p0 s0, $0x2;
	s31 =	simm.s32 @!p0 $0x1E00;
	[sflag:s25] =	ssyncset.done $0x0  }
0x124: {  	s0 =	sadd.s32 @!p0 $0x100, s0;
	s2 =	simm.s32 @!p0 $0x80;
	[sflag:s25] =	ssyncadd.s32 $0xFFFFC000  }
0x125: {  	[tilespmem:s31], [sflag:$0x1] =	stream.indirect.gather @!p0 [hbm4b:s1+s2], $0x40, s0, s2, $0xb8;
	[tilespmem:$0x1DE00] =	vst v63  }
0x126: {  	v1 =	vmov s30;
	v2 =	vimm.s32 $0x0;
	s31 =	simm.s32 $0x0;
	s0 =	simm.s32 $0x6000  }
.LBB2_8:
0x127: {  	v3 =	vadd.s32 v1, v2  }
0x128: {  	v4 =	vor.u32 $0x1, v3  }
0x129: {  	v5 =	vor.u32 $0x2, v3  }
0x12a: {  	s2 =	sshra.s32 s31, $0x2;
	v6 =	vor.u32 $0x3, v3  }
0x12b: {  	v8 =	vor.u32 $0x4, v3;
	v10 =	vld [tilespmem:s2+$0x3E00]  }
0x12c: {  	v9 =	vor.u32 $0x5, v3;
	v7 =	vld.idx.msk [tilespmem:v3+s19+$0x0], $0xffff  }
0x12d: {  	v28 =	vor.u32 $0x6, v3;
	v11 =	vld.idx.msk [tilespmem:v4+s19+$0x0], $0xffff  }
0x12e: {  	v3 =	vor.u32 $0x7, v3;
	v12 =	vld.idx.msk [tilespmem:v5+s19+$0x0], $0xffff  }
0x12f: {  	v13 =	vld.idx.msk [tilespmem:v6+s19+$0x0], $0xffff  }
0x130: {  	v29 =	vld.idx.msk [tilespmem:v8+s19+$0x0], $0xffff;
	v31 =	vshll.u32 v10, $0x10  }
0x131: {  	v30 =	vld.idx.msk [tilespmem:v9+s19+$0x0], $0xffff;
	v32 =	vand.u32 $0xFFFF0000, v10;
	v8 =	vmul.f32 v31, v7  }
0x132: {  	v4 =	vld.idx.msk [tilespmem:v28+s19+$0x0], $0xffff;
	v9 =	vmul.f32 v32, v7  }
0x133: {  	v3 =	vld.idx.msk [tilespmem:v3+s19+$0x0], $0xffff;
	[tilespmem:s0+$0xFFFFFE00] =	vst v8  }
0x134: {  	[tilespmem:s0+$0xFFFFFE10] =	vst v9  }
0x135: {  	v8 =	vld [tilespmem:s2+$0x3E10];
	_ =	sdelay $0x4  }
0x136: {  	v33 =	vshll.u32 v8, $0x10  }
0x137: {  	v8 =	vand.u32 $0xFFFF0000, v8;
	v9 =	vmul.f32 v33, v7  }
0x138: {  	v8 =	vmul.f32 v8, v7  }
0x139: {  	[tilespmem:s0+$0xFFFFFE20] =	vst v9  }
0x13a: {  	[tilespmem:s0+$0xFFFFFE30] =	vst v8  }
0x13b: {  	v8 =	vld [tilespmem:s2+$0x3E20];
	_ =	sdelay $0x4  }
0x13c: {  	v34 =	vshll.u32 v8, $0x10  }
0x13d: {  	v8 =	vand.u32 $0xFFFF0000, v8;
	v9 =	vmul.f32 v34, v7  }
0x13e: {  	v8 =	vmul.f32 v8, v7  }
0x13f: {  	[tilespmem:s0+$0xFFFFFE40] =	vst v9  }
0x140: {  	[tilespmem:s0+$0xFFFFFE50] =	vst v8  }
0x141: {  	v8 =	vld [tilespmem:s2+$0x3E30];
	_ =	sdelay $0x4  }
0x142: {  	v35 =	vshll.u32 v8, $0x10  }
0x143: {  	v8 =	vand.u32 $0xFFFF0000, v8;
	v9 =	vmul.f32 v35, v7  }
0x144: {  	v7 =	vmul.f32 v8, v7  }
0x145: {  	[tilespmem:s0+$0xFFFFFE60] =	vst v9  }
0x146: {  	[tilespmem:s0+$0xFFFFFE70] =	vst v7  }
0x147: {  	v7 =	vld [tilespmem:s2+$0x3E40];
	_ =	sdelay $0x4  }
0x148: {  	v36 =	vshll.u32 v7, $0x10  }
0x149: {  	v7 =	vand.u32 $0xFFFF0000, v7;
	v8 =	vmul.f32 v36, v11  }
0x14a: {  	v7 =	vmul.f32 v7, v11  }
0x14b: {  	[tilespmem:s0+$0xFFFFFE80] =	vst v8  }
0x14c: {  	[tilespmem:s0+$0xFFFFFE90] =	vst v7  }
0x14d: {  	v7 =	vld [tilespmem:s2+$0x3E50];
	_ =	sdelay $0x4  }
0x14e: {  	v37 =	vshll.u32 v7, $0x10  }
0x14f: {  	v7 =	vand.u32 $0xFFFF0000, v7;
	v8 =	vmul.f32 v37, v11  }
0x150: {  	v7 =	vmul.f32 v7, v11  }
0x151: {  	[tilespmem:s0+$0xFFFFFEA0] =	vst v8  }
0x152: {  	[tilespmem:s0+$0xFFFFFEB0] =	vst v7  }
0x153: {  	v7 =	vld [tilespmem:s2+$0x3E60];
	_ =	sdelay $0x4  }
0x154: {  	v38 =	vshll.u32 v7, $0x10  }
0x155: {  	v7 =	vand.u32 $0xFFFF0000, v7;
	v8 =	vmul.f32 v38, v11  }
0x156: {  	v7 =	vmul.f32 v7, v11  }
0x157: {  	[tilespmem:s0+$0xFFFFFEC0] =	vst v8  }
0x158: {  	[tilespmem:s0+$0xFFFFFED0] =	vst v7  }
0x159: {  	v7 =	vld [tilespmem:s2+$0x3E70];
	_ =	sdelay $0x4  }
0x15a: {  	v39 =	vshll.u32 v7, $0x10  }
0x15b: {  	v7 =	vand.u32 $0xFFFF0000, v7;
	v8 =	vmul.f32 v39, v11  }
0x15c: {  	v7 =	vmul.f32 v7, v11  }
0x15d: {  	[tilespmem:s0+$0xFFFFFEE0] =	vst v8  }
0x15e: {  	[tilespmem:s0+$0xFFFFFEF0] =	vst v7  }
0x15f: {  	v7 =	vld [tilespmem:s2+$0x3E80];
	_ =	sdelay $0x4  }
0x160: {  	v40 =	vshll.u32 v7, $0x10  }
0x161: {  	v7 =	vand.u32 $0xFFFF0000, v7;
	v8 =	vmul.f32 v40, v12  }
0x162: {  	v7 =	vmul.f32 v7, v12  }
0x163: {  	[tilespmem:s0+$0xFFFFFF00] =	vst v8  }
0x164: {  	[tilespmem:s0+$0xFFFFFF10] =	vst v7  }
0x165: {  	v7 =	vld [tilespmem:s2+$0x3E90];
	_ =	sdelay $0x4  }
0x166: {  	v41 =	vshll.u32 v7, $0x10  }
0x167: {  	v7 =	vand.u32 $0xFFFF0000, v7;
	v8 =	vmul.f32 v41, v12  }
0x168: {  	v7 =	vmul.f32 v7, v12  }
0x169: {  	[tilespmem:s0+$0xFFFFFF20] =	vst v8  }
0x16a: {  	[tilespmem:s0+$0xFFFFFF30] =	vst v7  }
0x16b: {  	v7 =	vld [tilespmem:s2+$0x3EA0];
	_ =	sdelay $0x4  }
0x16c: {  	v42 =	vshll.u32 v7, $0x10  }
0x16d: {  	v7 =	vand.u32 $0xFFFF0000, v7;
	v8 =	vmul.f32 v42, v12  }
0x16e: {  	v7 =	vmul.f32 v7, v12  }
0x16f: {  	[tilespmem:s0+$0xFFFFFF40] =	vst v8  }
0x170: {  	[tilespmem:s0+$0xFFFFFF50] =	vst v7  }
0x171: {  	v7 =	vld [tilespmem:s2+$0x3EB0];
	_ =	sdelay $0x4  }
0x172: {  	v43 =	vshll.u32 v7, $0x10  }
0x173: {  	v7 =	vand.u32 $0xFFFF0000, v7;
	v8 =	vmul.f32 v43, v12  }
0x174: {  	v7 =	vmul.f32 v7, v12  }
0x175: {  	[tilespmem:s0+$0xFFFFFF60] =	vst v8  }
0x176: {  	[tilespmem:s0+$0xFFFFFF70] =	vst v7  }
0x177: {  	v7 =	vld [tilespmem:s2+$0x3EC0];
	_ =	sdelay $0x4  }
0x178: {  	v44 =	vshll.u32 v7, $0x10  }
0x179: {  	v7 =	vand.u32 $0xFFFF0000, v7;
	v8 =	vmul.f32 v44, v13  }
0x17a: {  	v7 =	vmul.f32 v7, v13  }
0x17b: {  	[tilespmem:s0+$0xFFFFFF80] =	vst v8  }
0x17c: {  	[tilespmem:s0+$0xFFFFFF90] =	vst v7  }
0x17d: {  	v7 =	vld [tilespmem:s2+$0x3ED0];
	_ =	sdelay $0x4  }
0x17e: {  	v45 =	vshll.u32 v7, $0x10  }
0x17f: {  	v7 =	vand.u32 $0xFFFF0000, v7;
	v8 =	vmul.f32 v45, v13  }
0x180: {  	v7 =	vmul.f32 v7, v13  }
0x181: {  	[tilespmem:s0+$0xFFFFFFA0] =	vst v8  }
0x182: {  	[tilespmem:s0+$0xFFFFFFB0] =	vst v7  }
0x183: {  	v7 =	vld [tilespmem:s2+$0x3EE0];
	_ =	sdelay $0x4  }
0x184: {  	v46 =	vshll.u32 v7, $0x10  }
0x185: {  	v7 =	vand.u32 $0xFFFF0000, v7;
	v8 =	vmul.f32 v46, v13  }
0x186: {  	v7 =	vmul.f32 v7, v13  }
0x187: {  	[tilespmem:s0+$0xFFFFFFC0] =	vst v8  }
0x188: {  	[tilespmem:s0+$0xFFFFFFD0] =	vst v7  }
0x189: {  	v7 =	vld [tilespmem:s2+$0x3EF0];
	_ =	sdelay $0x4  }
0x18a: {  	v47 =	vshll.u32 v7, $0x10  }
0x18b: {  	v7 =	vand.u32 $0xFFFF0000, v7;
	v8 =	vmul.f32 v47, v13  }
0x18c: {  	v7 =	vmul.f32 v7, v13  }
0x18d: {  	[tilespmem:s0+$0xFFFFFFE0] =	vst v8  }
0x18e: {  	[tilespmem:s0+$0xFFFFFFF0] =	vst v7  }
0x18f: {  	v7 =	vld [tilespmem:s2+$0x3F00];
	_ =	sdelay $0x4  }
0x190: {  	v48 =	vshll.u32 v7, $0x10  }
0x191: {  	v7 =	vand.u32 $0xFFFF0000, v7;
	v8 =	vmul.f32 v48, v29  }
0x192: {  	v7 =	vmul.f32 v7, v29  }
0x193: {  	[tilespmem:s0+$0x0] =	vst v8  }
0x194: {  	[tilespmem:s0+$0x10] =	vst v7  }
0x195: {  	v7 =	vld [tilespmem:s2+$0x3F10];
	_ =	sdelay $0x4  }
0x196: {  	v49 =	vshll.u32 v7, $0x10  }
0x197: {  	v7 =	vand.u32 $0xFFFF0000, v7;
	v8 =	vmul.f32 v49, v29  }
0x198: {  	v7 =	vmul.f32 v7, v29  }
0x199: {  	[tilespmem:s0+$0x20] =	vst v8  }
0x19a: {  	[tilespmem:s0+$0x30] =	vst v7  }
0x19b: {  	v7 =	vld [tilespmem:s2+$0x3F20];
	_ =	sdelay $0x4  }
0x19c: {  	v50 =	vshll.u32 v7, $0x10  }
0x19d: {  	v7 =	vand.u32 $0xFFFF0000, v7;
	v8 =	vmul.f32 v50, v29  }
0x19e: {  	v7 =	vmul.f32 v7, v29  }
0x19f: {  	[tilespmem:s0+$0x40] =	vst v8  }
0x1a0: {  	[tilespmem:s0+$0x50] =	vst v7  }
0x1a1: {  	v7 =	vld [tilespmem:s2+$0x3F30];
	_ =	sdelay $0x4  }
0x1a2: {  	v51 =	vshll.u32 v7, $0x10  }
0x1a3: {  	v7 =	vand.u32 $0xFFFF0000, v7;
	v8 =	vmul.f32 v51, v29  }
0x1a4: {  	v6 =	vmul.f32 v7, v29  }
0x1a5: {  	[tilespmem:s0+$0x60] =	vst v8  }
0x1a6: {  	[tilespmem:s0+$0x70] =	vst v6  }
0x1a7: {  	v6 =	vld [tilespmem:s2+$0x3F40];
	_ =	sdelay $0x4  }
0x1a8: {  	v52 =	vshll.u32 v6, $0x10  }
0x1a9: {  	v6 =	vand.u32 $0xFFFF0000, v6;
	v7 =	vmul.f32 v52, v30  }
0x1aa: {  	v6 =	vmul.f32 v6, v30  }
0x1ab: {  	[tilespmem:s0+$0x80] =	vst v7  }
0x1ac: {  	[tilespmem:s0+$0x90] =	vst v6  }
0x1ad: {  	v6 =	vld [tilespmem:s2+$0x3F50];
	_ =	sdelay $0x4  }
0x1ae: {  	v53 =	vshll.u32 v6, $0x10  }
0x1af: {  	v6 =	vand.u32 $0xFFFF0000, v6;
	v7 =	vmul.f32 v53, v30  }
0x1b0: {  	v6 =	vmul.f32 v6, v30  }
0x1b1: {  	[tilespmem:s0+$0xA0] =	vst v7  }
0x1b2: {  	[tilespmem:s0+$0xB0] =	vst v6  }
0x1b3: {  	v6 =	vld [tilespmem:s2+$0x3F60];
	_ =	sdelay $0x4  }
0x1b4: {  	v54 =	vshll.u32 v6, $0x10  }
0x1b5: {  	v6 =	vand.u32 $0xFFFF0000, v6;
	v7 =	vmul.f32 v54, v30  }
0x1b6: {  	v6 =	vmul.f32 v6, v30  }
0x1b7: {  	[tilespmem:s0+$0xC0] =	vst v7  }
0x1b8: {  	[tilespmem:s0+$0xD0] =	vst v6  }
0x1b9: {  	v6 =	vld [tilespmem:s2+$0x3F70];
	_ =	sdelay $0x4  }
0x1ba: {  	v55 =	vshll.u32 v6, $0x10  }
0x1bb: {  	v6 =	vand.u32 $0xFFFF0000, v6;
	v7 =	vmul.f32 v55, v30  }
0x1bc: {  	v5 =	vmul.f32 v6, v30  }
0x1bd: {  	[tilespmem:s0+$0xE0] =	vst v7  }
0x1be: {  	[tilespmem:s0+$0xF0] =	vst v5  }
0x1bf: {  	v5 =	vld [tilespmem:s2+$0x3F80];
	_ =	sdelay $0x4  }
0x1c0: {  	v56 =	vshll.u32 v5, $0x10  }
0x1c1: {  	v5 =	vand.u32 $0xFFFF0000, v5;
	v6 =	vmul.f32 v56, v4  }
0x1c2: {  	v5 =	vmul.f32 v5, v4  }
0x1c3: {  	[tilespmem:s0+$0x100] =	vst v6  }
0x1c4: {  	[tilespmem:s0+$0x110] =	vst v5  }
0x1c5: {  	v5 =	vld [tilespmem:s2+$0x3F90];
	_ =	sdelay $0x4  }
0x1c6: {  	v57 =	vshll.u32 v5, $0x10  }
0x1c7: {  	v5 =	vand.u32 $0xFFFF0000, v5;
	v6 =	vmul.f32 v57, v4  }
0x1c8: {  	v5 =	vmul.f32 v5, v4  }
0x1c9: {  	[tilespmem:s0+$0x120] =	vst v6  }
0x1ca: {  	[tilespmem:s0+$0x130] =	vst v5  }
0x1cb: {  	v5 =	vld [tilespmem:s2+$0x3FA0];
	_ =	sdelay $0x4  }
0x1cc: {  	v58 =	vshll.u32 v5, $0x10  }
0x1cd: {  	v5 =	vand.u32 $0xFFFF0000, v5;
	v6 =	vmul.f32 v58, v4  }
0x1ce: {  	v5 =	vmul.f32 v5, v4  }
0x1cf: {  	[tilespmem:s0+$0x140] =	vst v6  }
0x1d0: {  	[tilespmem:s0+$0x150] =	vst v5  }
0x1d1: {  	v5 =	vld [tilespmem:s2+$0x3FB0];
	_ =	sdelay $0x4  }
0x1d2: {  	v59 =	vshll.u32 v5, $0x10  }
0x1d3: {  	v5 =	vand.u32 $0xFFFF0000, v5;
	v6 =	vmul.f32 v59, v4  }
0x1d4: {  	v4 =	vmul.f32 v5, v4  }
0x1d5: {  	[tilespmem:s0+$0x160] =	vst v6  }
0x1d6: {  	[tilespmem:s0+$0x170] =	vst v4  }
0x1d7: {  	v4 =	vld [tilespmem:s2+$0x3FC0];
	_ =	sdelay $0x4  }
0x1d8: {  	v60 =	vshll.u32 v4, $0x10  }
0x1d9: {  	v4 =	vand.u32 $0xFFFF0000, v4;
	v5 =	vmul.f32 v60, v3  }
0x1da: {  	v4 =	vmul.f32 v4, v3  }
0x1db: {  	[tilespmem:s0+$0x180] =	vst v5  }
0x1dc: {  	[tilespmem:s0+$0x190] =	vst v4  }
0x1dd: {  	v4 =	vld [tilespmem:s2+$0x3FD0];
	_ =	sdelay $0x4  }
0x1de: {  	v61 =	vshll.u32 v4, $0x10  }
0x1df: {  	v4 =	vand.u32 $0xFFFF0000, v4;
	v5 =	vmul.f32 v61, v3  }
0x1e0: {  	v4 =	vmul.f32 v4, v3  }
0x1e1: {  	[tilespmem:s0+$0x1A0] =	vst v5  }
0x1e2: {  	[tilespmem:s0+$0x1B0] =	vst v4  }
0x1e3: {  	v4 =	vld [tilespmem:s2+$0x3FE0];
	_ =	sdelay $0x4  }
0x1e4: {  	v62 =	vshll.u32 v4, $0x10  }
0x1e5: {  	v4 =	vand.u32 $0xFFFF0000, v4;
	v5 =	vmul.f32 v62, v3  }
0x1e6: {  	v4 =	vmul.f32 v4, v3  }
0x1e7: {  	[tilespmem:s0+$0x1C0] =	vst v5  }
0x1e8: {  	[tilespmem:s0+$0x1D0] =	vst v4  }
0x1e9: {  	v4 =	vld [tilespmem:s2+$0x3FF0];
	_ =	sdelay $0x3  }
0x1ea: {  	p0 =	sne.s32 s31, $0x7800  }
.Ltmp2:
0x1eb: {  	v63 =	vshll.u32 v4, $0x10;
	(pc) =	sbr.rel @p0 .LBB2_8-.Ltmp2, $4  }
0x1ec: {  	v4 =	vand.u32 $0xFFFF0000, v4;
	v5 =	vmul.f32 v63, v3  }
0x1ed: {  	v3 =	vmul.f32 v4, v3  }
0x1ee: {  	[tilespmem:s0+$0x1E0] =	vst v5  }
0x1ef: {  	v2 =	vadd.s32 $0x8, v2;
	s31 =	sadd.s32 $0x800, s31;
	[tilespmem:s0+$0x1F0] =	vst v3;
	s0 =	sadd.s32 $0x400, s0  }
0x1f0: {  	s29 =	sadd.s32 $0x1, s29  }
0x1f1: {  	p0 =	sne.s32 s29, $0xA  }
.Ltmp3:
0x1f2: {  	_ = 	snop;
	(pc) =	sbr.rel @p0 .LBB2_5-.Ltmp3, $3  }
0x1f3: {  	_ =	sdelay $0x1  }
0x1f4: {  	s0 =	sadd.s32 $0xA00, s30  }
0x1f5: {  	[spmem:s4] =	stream.indirect.scatter.add.f32 [tilespmem:s16], [sflag:$0x3], $0x80, s0, s21, $0xb8;
	[tilespmem:$0x1DE00] =	vst v63  }
0x1f6: {  	s28 =	sadd.s32 $0x1, s28  }
0x1f7: {  	p0 =	sne.s32 s28, $0x4  }
.Ltmp4:
0x1f8: {  	_ = 	snop;
	(pc) =	sbr.rel @p0 .LBB2_4-.Ltmp4, $4  }
0x1f9: {  	_ = 	snop  }
0x1fa: {  	_ =	swait.ge [sflag:s25], $0x4000  }
0x1fb: {  	[sflag:s25] =	ssyncset.done $0x0  }
0x1fc: {  	[sflag:s25] =	ssyncadd.s32 $0xFFFFC000  }
0x1fd: {  	s0 =	stileid.u32;
	s5 =	sadd.s32 $0x1, s5  }
0x1fe: {  	[bflag:$0x0] =	sbarrier.arrive $0xFFFF;
	s0 =	sshll.u32 s0, $0x6;
	p0 =	sne.s32 s5, s15  }
.Ltmp5:
0x1ff: {  	s2 =	sshrl.u32 s8, $0x3;
	s0 =	sor.u32 $0x1C04, s0;
	(pc) =	sbr.rel @p0 .LBB2_1-.Ltmp5, $4  }
0x200: {  	[hbm:s14], [sflag:s0] =	dma.local [spmem:s2], $0x2800  }
0x201: {  	_ =	swait.ge [sflag:s17], $0x2800  }
0x202: {  	[sflag:s17] =	ssyncset.done $0x0  }
0x203: {  	[sflag:s17] =	ssyncadd.s32 $0xFFFFD800  }
0x204: {  	_ =	sfence.sel $0x180000  }
0x205: {  	[bflag:$0x0] =	sbarrier.arrive $0xFFFF  }
0x206: {  	_ =	strace $0x9000004A  }
0x207: {  	s0 =	stileid.u32;
	[bflag:$0x2] =	sbarrier.arrive $0xFFFF  }
0x208: {  	p0 =	sne.s32 s0, $0x0;
	s0 =	rddreg [dreg:$0x4]  }
0x209: {  	s0 =	sadd.s32 @!p0 $0x100000, s0  }
0x20a: {  	[sflag:s0] =	ssyncadd.tile.s32 @!p0 $0x1;
	_ =	shalt  }
.Lfunc_end2:
_tile_overlayer_lowered:
.L_overlay_start_2:
0x20b: {  	(tag) =	ssettag $0x2  }
0x20c: {  	s0 =	rddreg [dreg:$0x0];
	s2 =	stileid.u32  }
0x20d: {  	s1 =	rddreg [dreg:$0x1];
	p0 =	sne.s32 s2, $0x0  }
0x20e: {  	s3 =	rddreg [dreg:$0x2];
	[bflag:$0x3] =	sbarrier.arrive $0xFFFF;
	s2 =	simm.s32 @!p0 $0x1C04  }
0x20f: {  	[timem:s3], [sflag:s2] =	dma.local @!p0 [hbm:s0], s1  }
0x210: {  	s0 =	simm.s32 @!p0 $0x4  }
0x211: {  	_ =	swait.ge @!p0 [sflag:s0], s1  }
0x212: {  	s1 =	ssub.s32 @!p0 $0x0, s1;
	[sflag:s0] =	ssyncset.done @!p0 $0x0  }
0x213: {  	[sflag:s0] =	ssyncadd.s32 @!p0 s1  }
0x214: {  	[bflag:$0x3] =	sbarrier.arrive $0xFFFF  }
0x215: {  	_ =	shalt  }

// kernel: kernel.15.cloned.1.call-start
scs
__scs_entry_jumppad:
0x0: {  	(pc) =	sbr.rel $0x88, $3  }
0x1: {  	(tag) =	ssettag $0x0;
	lr =	simm.s32 $0x1  }
0x2: {  	[smem:$0x3F9A] =	sst lr;
	_ =	strace $0xD0000000  }
0x3: {  	_ = 	snop  }
0x4: {  	_ = 	snop  }
0x5: {  	_ = 	snop  }
0x6: {  	_ = 	snop  }
0x7: {  	_ = 	snop  }
__scs_overlays_trampoline_lowered:
0x8: {  	[smem:$0x3FA9] =	sst s0  }
0x9: {  	[smem:$0x3FAA] =	sst s1  }
0xa: {  	[smem:$0x3FAB] =	sst s2  }
0xb: {  	[smem:$0x3FAC] =	sst s3  }
0xc: {  	[smem:$0x3FAD] =	sst s4  }
0xd: {  	[smem:$0x3FAE] =	sst s5  }
0xe: {  	[smem:$0x3FAF] =	sst s6  }
0xf: {  	[smem:$0x3FB0] =	sst s7  }
0x10: {  	[smem:$0x3FB1] =	sst s8  }
0x11: {  	[smem:$0x3FB2] =	sst s9;
	s0 =	simm.s32 @!p0 $0x0  }
0x12: {  	s1 =	sld [smem:$0x3F98];
	s0 =	simm.s32 @p0 $0x1  }
0x13: {  	[smem:$0x3FB3] =	sst s0;
	s0 =	simm.s32 @!p1 $0x0  }
0x14: {  	s2 =	sld [smem:$0x3F97];
	s0 =	simm.s32 @p1 $0x1  }
0x15: {  	[smem:$0x3FB4] =	sst s0;
	s0 =	simm.s32 @!p2 $0x0  }
0x16: {  	s3 =	sld [smem:$0x3FDB];
	s0 =	simm.s32 @p2 $0x1  }
0x17: {  	s4 =	simm.s32 $0x1BF5;
	[smem:$0x3FB6] =	sst s0  }
0x18: {  	s0 =	sld [smem:$0x3F99];
	_ =	swait.ge [sflag:s4], $0x0  }
0x19: {  	s7 =	sld [smem:$0x3F9A]  }
0x1a: {  	s8 =	sadd.s32 $0xFFFFE003, lr  }
0x1b: {  	s9 =	sadd.s32 $0xFFFFFEF7, lr;
	s5 =	simm.s32 $0xFFFFFFFF;
	p2 =	slt.u32 s8, $0xFFFFF086  }
0x1c: {  	p1 =	slt.u32 s9, $0xF7A;
	s5 =	simm.s32 @!p2 $0x0  }
0x1d: {  	s5 =	simm.s32 @p1 $0x1;
	p0 =	seq.s32 s7, s2  }
0x1e: {  	s7 =	smul.u32 @!p0 $0xF7A, s2;
	p2 =	seq.s32 @!p0 s5, $0x0  }
0x1f: {  	s9 =	smul.u32 $0xF7A, s1;
	s8 =	simm.s32 @!p0 $0x1BF5;
	p2 =	por !p2, p0  }
0x20: {  	[sflag:s8] =	ssyncset.s32 @!p0 $0xFFFFF086;
	s6 =	sadd.s32 @!p0 s3, s7;
	s7 =	simm.s32 @!p0 $0x108  }
0x21: {  	s3 =	sadd.s32 s3, s9;
	s6 =	sadd.s32 @!p0 $0x88, s6;
	s7 =	simm.s32 @p2 $0x1082  }
0x22: {  	[simem:s7], [sflag:s8] =	dma.local @!p0 [hbm:s6], $0xF7A  }
0x23: {  	s9 =	sor.u32 $0xD0000000, s2;
	s6 =	simm.s32 $0x108;
	_ =	swait.ge @!p0 [sflag:s8], $0x0  }
0x24: {  	s3 =	sadd.s32 $0x88, s3;
	s6 =	simm.s32 @!p1 $0x1082;
	[sflag:s4] =	ssyncset.s32 $0xFFFFF086  }
0x25: {  	[simem:s6], [sflag:s4] =	dma.local [hbm:s3], $0xF7A  }
0x26: {  	[smem:$0x3F9A] =	sst s1;
	(tag) =	ssettag s2;
	_ =	strace s9  }
0x27: {  	s1 =	sld [smem:$0x3FAA]  }
0x28: {  	s2 =	sld [smem:$0x3FAB]  }
0x29: {  	s4 =	sld [smem:$0x3FAD]  }
0x2a: {  	p0 =	seq.s32 s5, $0x0;
	s5 =	sld [smem:$0x3FAE]  }
0x2b: {  	s6 =	sld [smem:$0x3FAF]  }
0x2c: {  	s7 =	sld [smem:$0x3FB0]  }
0x2d: {  	s3 =	simm.s32 $0x108;
	s8 =	sld [smem:$0x3FB1]  }
0x2e: {  	s3 =	simm.s32 @!p0 $0x1082;
	s9 =	sld [smem:$0x3FB2]  }
0x2f: {  	lr =	sadd.s32 s0, s3;
	s0 =	sld [smem:$0x3FA9]  }
0x30: {  	s3 =	sld [smem:$0x3FAC]  }
0x31: {  	[smem:$0x3FB5] =	sst s10  }
0x32: {  	s10 =	sld [smem:$0x3FB3];
	_ =	sdelay $0x3  }
0x33: {  	p0 =	seq.s32 s10, $0x1;
	s10 =	sld [smem:$0x3FB5];
	_ =	sdelay $0x3  }
0x34: {  	[smem:$0x3FB5] =	sst s10  }
0x35: {  	s10 =	sld [smem:$0x3FB4];
	_ =	sdelay $0x3  }
0x36: {  	p1 =	seq.s32 s10, $0x1;
	s10 =	sld [smem:$0x3FB5];
	_ =	sdelay $0x3  }
0x37: {  	[smem:$0x3FB5] =	sst s10  }
0x38: {  	s10 =	sld [smem:$0x3FB6]  }
0x39: {  	_ = 	snop;
	(pc) =	sbr.ind lr, $3  }
0x3a: {  	_ = 	snop  }
0x3b: {  	_ = 	snop  }
0x3c: {  	p2 =	seq.s32 s10, $0x1;
	s10 =	sld [smem:$0x3FB5]  }
0x3d: {  	_ =	shalt  }
0x3e: {  	_ =	shalt  }
0x3f: {  	_ =	shalt  }
0x40: {  	_ =	shalt  }
0x41: {  	_ =	shalt  }
0x42: {  	_ =	shalt  }
0x43: {  	_ =	shalt  }
0x44: {  	_ =	shalt  }
0x45: {  	_ =	shalt  }
0x46: {  	_ =	shalt  }
0x47: {  	_ =	shalt  }
0x48: {  	_ =	shalt  }
0x49: {  	_ =	shalt  }
0x4a: {  	_ =	shalt  }
0x4b: {  	_ =	shalt  }
0x4c: {  	_ =	shalt  }
0x4d: {  	_ =	shalt  }
0x4e: {  	_ =	shalt  }
0x4f: {  	_ =	shalt  }
0x50: {  	_ =	shalt  }
0x51: {  	_ =	shalt  }
0x52: {  	_ =	shalt  }
0x53: {  	_ =	shalt  }
0x54: {  	_ =	shalt  }
0x55: {  	_ =	shalt  }
0x56: {  	_ =	shalt  }
0x57: {  	_ =	shalt  }
0x58: {  	_ =	shalt  }
0x59: {  	_ =	shalt  }
0x5a: {  	_ =	shalt  }
0x5b: {  	_ =	shalt  }
0x5c: {  	_ =	shalt  }
0x5d: {  	_ =	shalt  }
0x5e: {  	_ =	shalt  }
0x5f: {  	_ =	shalt  }
0x60: {  	_ =	shalt  }
0x61: {  	_ =	shalt  }
0x62: {  	_ =	shalt  }
0x63: {  	_ =	shalt  }
0x64: {  	_ =	shalt  }
0x65: {  	_ =	shalt  }
0x66: {  	_ =	shalt  }
0x67: {  	_ =	shalt  }
0x68: {  	_ =	shalt  }
0x69: {  	_ =	shalt  }
0x6a: {  	_ =	shalt  }
0x6b: {  	_ =	shalt  }
0x6c: {  	_ =	shalt  }
0x6d: {  	_ =	shalt  }
0x6e: {  	_ =	shalt  }
0x6f: {  	_ =	shalt  }
0x70: {  	_ =	shalt  }
0x71: {  	_ =	shalt  }
0x72: {  	_ =	shalt  }
0x73: {  	_ =	shalt  }
0x74: {  	_ =	shalt  }
0x75: {  	_ =	shalt  }
0x76: {  	_ =	shalt  }
0x77: {  	_ =	shalt  }
0x78: {  	_ =	shalt  }
0x79: {  	_ =	shalt  }
0x7a: {  	_ =	shalt  }
0x7b: {  	_ =	shalt  }
0x7c: {  	_ =	shalt  }
0x7d: {  	_ =	shalt  }
0x7e: {  	_ =	shalt  }
0x7f: {  	_ =	shalt  }
0x80: {  	_ =	shalt  }
0x81: {  	_ =	shalt  }
0x82: {  	_ =	shalt  }
0x83: {  	_ =	shalt  }
0x84: {  	_ =	shalt  }
0x85: {  	_ =	shalt  }
0x86: {  	_ =	shalt  }
0x87: {  	_ =	shalt  }
.Lfunc_end0:
.L_simem_size_0:
called_computation.2_lowered:
.L_overlay_start_0:
0x88: {  	s2 =	sld [smem:$0x3FD9]  }
0x89: {  	s3 =	sld [smem:$0x3FFE];
	_ =	sdelay $0x1  }
0x8a: {  	s1 =	srdreg.scid  }
0x8b: {  	s0 =	sand.u32 $0x1, s1  }
0x8c: {  	s14 =	sshll.u32 s0, $0xA;
	s2 =	sadd.s32 s3, s2  }
0x8d: {  	s2 =	sadd.s32 s2, s14  }
0x8e: {  	[smem:$0x3FC1] =	sst s2  }
0x8f: {  	_ = 	snop  }
0x90: {  	s2 =	sld [smem:$0x3FD0];
	_ =	sdelay $0x2  }
0x91: {  	s15 =	simm.s32 $0xA;
	s4 =	simm.s32 $0x10  }
0x92: {  	[smem:s4], [sflag:s15] =	dma.local [hbm:s2], $0x1  }
0x93: {  	_ =	swait.eq [sflag:s15], $0x1  }
0x94: {  	[sflag:s15] =	ssyncset.done $0x0  }
0x95: {  	s16 =	sld [smem:$0x10];
	[sflag:s15] =	ssyncadd.s32 $0xFFFFFFFF  }
0x96: {  	s17 =	sld [smem:$0x11];
	(tm) =	ssettm $0x1  }
0x97: {  	s18 =	sld [smem:$0x3FFB];
	_ =	sdelay $0x3  }
0x98: {  	_ =	strace s18  }
0x99: {  	s4 =	sld [smem:$0x3FFC];
	_ =	sdelay $0x3  }
0x9a: {  	_ =	strace s4  }
0x9b: {  	s4 =	sld [smem:$0x3FFD];
	_ =	sdelay $0x3  }
0x9c: {  	_ =	strace s4  }
0x9d: {  	_ =	strace $0x8FFFFFFF  }
0x9e: {  	s19 =	sld [smem:$0x3FDB];
	_ =	sdelay $0x1  }
0x9f: {  	s5 =	simm.s32 $_scs_section_size  }
0xa0: {  	s6 =	simm.s32 $_size__tile_overlayer_lowered;
	s7 =	simm.s32 $_tile_overlayer_lowered  }
0xa1: {  	s22 =	simm.s32 $0x1BFF;
	s21 =	sshll.u32 s7, $0x1;
	s4 =	sadd.s32 s5, s19  }
0xa2: {  	s8 =	simm.s32 $0x0;
	s20 =	sshll.u32 s6, $0x1;
	s6 =	sadd.s32 s21, s4  }
0xa3: {  	[timem:s8], [sflag:s22] =	dma.local [hbm:s6], s20  }
0xa4: {  	_ =	swait.ge [sflag:s22], s20  }
0xa5: {  	s5 =	ssub.s32 $0x0, s20;
	[sflag:s22] =	ssyncset.done $0x0  }
0xa6: {  	[sflag:s22] =	ssyncadd.s32 s5;
	_ =	sdelay $0x1  }
0xa7: {  	s23 =	simm.s32 $0x1B8B  }
0xa8: {  	_ =	swait.ge [sflag:s23], $0x1  }
0xa9: {  	[sflag:s23] =	ssyncset.done $0x0  }
0xaa: {  	s25 =	simm.s32 $0x1B8E;
	s24 =	sld [smem:$0x3FFE];
	[sflag:s23] =	ssyncadd.s32 $0xFFFFFFFF  }
0xab: {  	s26 =	simm.s32 $execute0_lowered;
	[smem:$0x3FD2] =	sst s25  }
0xac: {  	s6 =	sshll.u32 s26, $0x1;
	_ =	strace $0x8000004C;
	[dreg:$0x1] =	wrdreg $0xFFFFFFFF  }
0xad: {  	s28 =	simm.s32 $_size_execute0_lowered;
	s4 =	sadd.s32 s4, s6;
	[dreg:$0x0] =	wrdreg $0x0  }
0xae: {  	s6 =	sshll.u32 s28, $0x1;
	[dreg:$0x2] =	wrdreg s4  }
0xaf: {  	[dreg:$0x3] =	wrdreg s6  }
0xb0: {  	[dreg:$0x4] =	wrdreg $0xC0  }
0xb1: {  	_ =	task [dreg:s8], $0x5FFFF  }
0xb2: {  	[dreg:$0x1] =	wrdreg $0xFFFFFFFF  }
0xb3: {  	[dreg:$0x0] =	wrdreg $0x60  }
0xb4: {  	[dreg:$0x2] =	wrdreg s17  }
0xb5: {  	[dreg:$0x3] =	wrdreg s24  }
0xb6: {  	[dreg:$0x4] =	wrdreg s16  }
0xb7: {  	[dreg:$0x5] =	wrdreg $0xB8000  }
0xb8: {  	[dreg:$0x6] =	wrdreg $0x9  }
0xb9: {  	_ =	task.clear_ibuf [dreg:s8], $0x7FFFF;
	_ =	strace $0x9000004C  }
0xba: {  	s29 =	simm.s32 $0x9;
	_ =	strace $0x8000004E  }
0xbb: {  	_ =	swait.ge [sflag:s29], $0x1  }
0xbc: {  	[sflag:s29] =	ssyncadd.s32 $0xFFFFFFFF  }
0xbd: {  	_ =	strace $0x9000004E  }
0xbe: {  	_ =	sfence  }
0xbf: {  	s30 =	sld [smem:$0x0];
	_ =	sdelay $0x2  }
0xc0: {  	s31 =	sshll.u32 s1, $0xD;
	s1 =	sshrl.u32 s1, $0x2  }
0xc1: {  	s3 =	sand.u32 $0x4000, s31;
	s1 =	sadd.s32 s1, s30  }
0xc2: {  	s0 =	sor.u32 s3, s0;
	s1 =	sshll.u32 s1, $0x11  }
0xc3: {  	s0 =	sor.u32 s1, s0  }
0xc4: {  	s0 =	sadd.s32 $0x8F2B, s0  }
0xc5: {  	[sflag:s0] =	ssyncadd.remote.s32 $0x1  }
0xc6: {  	_ =	sfence.sel $0xFFFF  }
0xc7: {  	[dreg:$0x0] =	wrdreg $0xFFFFFFFF;
	(pc) =	sbr.abs _section_cstart, $3  }
0xc8: {  	[dreg:$0x1] =	wrdreg $0xFFFFFFFF  }
0xc9: {  	_ =	task.clear_ibuf [dreg:s8], $0x2FFFF;
	_ =	strace $0x9FFFFFFF  }
0xca: {  	(tm) =	ssettm $0x7FFFFFFF  }
0xcb: {  	_ =	shalt  }
tec
execute0_lowered:
.L_overlay_start_1:
0x0: {  	(tag) =	ssettag $0x1  }
0x1: {  	s1 =	rddreg [dreg:$0x0]  }
0x2: {  	s6 =	rddreg [dreg:$0x1]  }
0x3: {  	s0 =	srdreg.scid;
	s11 =	rddreg [dreg:$0x2]  }
0x4: {  	s3 =	rddreg [dreg:$0x3];
	s4 =	simm.s32 $0x0;
	s16 =	simm.s32 $0x4  }
0x5: {  	s17 =	simm.s32 $0x2800;
	s18 =	simm.s32 $0x5000;
	s19 =	simm.s32 $0x1  }
0x6: {  	s20 =	simm.s32 $0x80;
	s21 =	simm.s32 $0x7800;
	s22 =	simm.s32 $0x8800  }
0x7: {  	s23 =	simm.s32 $0x2;
	s5 =	sand.u32 $0x1, s0;
	s0 =	stileid.u32  }
0x8: {  	s24 =	simm.s32 $0x3;
	[smem:$0x7FF] =	sst s4;
	s7 =	smul.u32 $0x1400, s0  }
0x9: {  	s2 =	sshll.u32 s5, $0x4;
	s8 =	smul.u32 $0x28000, s0;
	_ =	strace $0x8000004D  }
0xa: {  	s9 =	smul.u32 $0x14000, s5;
	s10 =	ssub.s32 $0x2, s5;
	s2 =	sor.u32 s0, s2  }
0xb: {  	s31 =	sshrl.u32 s10, $0x1;
	s12 =	smul.u32 $0x500, s2;
	s30 =	sshrl.u32 s8, $0x2  }
0xc: {  	s7 =	sadd.s32 s7, s9;
	s15 =	ssub.s32 s10, s31;
	s5 =	sadd.s32 s30, s3  }
0xd: {  	s14 =	sadd.s32 s7, s6;
	s13 =	sadd.s32 s12, s6;
	s6 =	sadd.s32 $0x2000, s5  }
0xe: {  	s7 =	sadd.s32 $0x4000, s5;
	s8 =	sadd.s32 $0x6000, s5;
	s9 =	sadd.s32 $0x8000, s5  }
0xf: {  	s11 =	sadd.s32 s11, s12;
	s10 =	sadd.s32 $0xCE00, s13;
	s12 =	sadd.s32 $0x1E00, s13  }
0x10: {  	v0 =	vimm.f32 $0.0e+00;
	s13 =	sadd.s32 $0x3E000, s14;
	s14 =	smax.u32 s15, $0x1;
	s15 =	simm.s32 $0x9800  }
.LBB2_1:
0x11: {  	s26 =	simm.s32 $0x100;
	s25 =	simm.s32 $0x0  }
.LBB2_2:
0x12: {  	p0 =	sne.s32 s26, $0x7F00;
	[tilespmem:s25+$0x9830] =	vst v0;
	s28 =	smov.u32 s26;
	s26 =	sadd.s32 $0x100, s26  }
.Ltmp0:
0x13: {  	[tilespmem:s25+$0x9820] =	vst v0;
	(pc) =	sbr.rel @p0 .LBB2_2-.Ltmp0, $3  }
0x14: {  	[tilespmem:s25+$0x9800] =	vst v0  }
0x15: {  	[tilespmem:s25+$0x9810] =	vst v0;
	_ =	sdelay $0x1  }
0x16: {  	s25 =	sshra.s32 s28, $0x2  }
0x17: {  	[tilespmem:s25+$0x9830] =	vst v0  }
0x18: {  	[tilespmem:s25+$0x9820] =	vst v0  }
0x19: {  	[tilespmem:s25+$0x9800] =	vst v0  }
0x1a: {  	[tilespmem:s25+$0x9810] =	vst v0  }
0x1b: {  	[spmem:s5] =	stream.linear.scatter [tilespmem:s15], [sflag:$0x4], $0x2000, $0x38;
	[tilespmem:$0x15800] =	vst v63  }
0x1c: {  	_ =	swait.ge [sflag:s16], $0x2000  }
0x1d: {  	[sflag:s16] =	ssyncset.done $0x0  }
0x1e: {  	[sflag:s16] =	ssyncadd.s32 $0xFFFFE000  }
0x1f: {  	[spmem:s6] =	stream.linear.scatter [tilespmem:s15], [sflag:$0x4], $0x2000, $0x38;
	[tilespmem:$0x15800] =	vst v63  }
0x20: {  	_ =	swait.ge [sflag:s16], $0x2000  }
0x21: {  	[sflag:s16] =	ssyncset.done $0x0  }
0x22: {  	[sflag:s16] =	ssyncadd.s32 $0xFFFFE000  }
0x23: {  	[spmem:s7] =	stream.linear.scatter [tilespmem:s15], [sflag:$0x4], $0x2000, $0x38;
	[tilespmem:$0x15800] =	vst v63  }
0x24: {  	_ =	swait.ge [sflag:s16], $0x2000  }
0x25: {  	[sflag:s16] =	ssyncset.done $0x0  }
0x26: {  	[sflag:s16] =	ssyncadd.s32 $0xFFFFE000  }
0x27: {  	[spmem:s8] =	stream.linear.scatter [tilespmem:s15], [sflag:$0x4], $0x2000, $0x38;
	[tilespmem:$0x15800] =	vst v63  }
0x28: {  	_ =	swait.ge [sflag:s16], $0x2000  }
0x29: {  	[sflag:s16] =	ssyncset.done $0x0  }
0x2a: {  	[sflag:s16] =	ssyncadd.s32 $0xFFFFE000  }
0x2b: {  	[spmem:s9] =	stream.linear.scatter [tilespmem:s15], [sflag:$0x4], $0x2000, $0x38;
	[tilespmem:$0x15800] =	vst v63  }
0x2c: {  	_ =	swait.ge [sflag:s16], $0x2000  }
0x2d: {  	[sflag:s16] =	ssyncset.done $0x0  }
0x2e: {  	[sflag:s16] =	ssyncadd.s32 $0xFFFFE000  }
0x2f: {  	s25 =	simm.s32 $0x0;
	[bflag:$0x0] =	sbarrier.arrive $0xFFFF  }
0x30: {  	[tilespmem:s25], [sflag:$0x1] =	stream.linear.gather [hbm4b:s10+s25], $0x2800, $0x38;
	[tilespmem:$0x15800] =	vst v63  }
0x31: {  	_ = 	snop  }
0x32: {  	[tilespmem:s17], [sflag:$0x1] =	stream.linear.gather [hbm4b:s11+s25], $0x2800, $0x38;
	[tilespmem:$0x15800] =	vst v63  }
0x33: {  	_ = 	snop  }
0x34: {  	[tilespmem:s18], [sflag:$0x1] =	stream.linear.gather [hbm4b:s12+s25], $0x2800, $0x38;
	[tilespmem:$0x15800] =	vst v63  }
0x35: {  	_ =	swait.ge [sflag:s19], $0x2800  }
0x36: {  	[sflag:s19] =	ssyncset.done $0x0  }
0x37: {  	[sflag:s19] =	ssyncadd.s32 $0xFFFFD800  }
0x38: {  	_ =	swait.ge [sflag:s19], $0x2800  }
0x39: {  	[sflag:s19] =	ssyncset.done $0x0  }
0x3a: {  	[sflag:s19] =	ssyncadd.s32 $0xFFFFD800  }
0x3b: {  	_ =	swait.ge [sflag:s19], $0x2800  }
0x3c: {  	[sflag:s19] =	ssyncset.done $0x0  }
0x3d: {  	[sflag:s19] =	ssyncadd.s32 $0xFFFFD800  }
0x3e: {  	[tilespmem:s21], [sflag:$0x1] =	stream.indirect.gather [hbm4b:s1+s20], $0x20, s25, s20, $0xb8;
	[tilespmem:$0x15800] =	vst v63  }
.LBB2_4:
0x3f: {  	_ =	swait.ge [sflag:s19], $0x1000;
	s26 =	sshll.u32 s25, $0x1  }
0x40: {  	p0 =	seq.s32 s25, $0x0;
	[sflag:s19] =	ssyncset.done $0x0;
	s26 =	sshll.u32 s26, $0x7  }
0x41: {  	v2 =	vimm.s32 $0x0;
	s28 =	simm.s32 @!p0 $0x3;
	[sflag:s19] =	ssyncadd.s32 $0xFFFFF000;
	v1 =	vmov s26  }
0x42: {  	_ =	swait.ge @!p0 [sflag:s28], $0x2000;
	v3 =	vadd.s32 v1, v2  }
0x43: {  	s2 =	sshllo.u32 s25, $0x1;
	[sflag:s28] =	ssyncset.done @!p0 $0x0;
	v4 =	vor.u32 $0x3, v3  }
0x44: {  	s26 =	sshll.u32 s2, $0x7;
	v5 =	vor.u32 $0x6, v3;
	[sflag:s28] =	ssyncadd.s32 @!p0 $0xFFFFE000;
	s28 =	simm.s32 $0x0  }
0x45: {  	v6 =	vor.u32 $0x7, v3;
	[tilespmem:s22], [sflag:$0x2] =	stream.indirect.gather [hbm4b:s1+s20], $0x20, s26, s20, $0xb8;
	[tilespmem:$0x15800] =	vst v63  }
0x46: {  	v7 =	vor.u32 $0x4, v3;
	v8 =	vld [tilespmem:s28+$0x7800]  }
0x47: {  	v9 =	vor.u32 $0x2, v3;
	v10 =	vld.idx.msk [tilespmem:v3+s18+$0x0], $0xffff  }
0x48: {  	v11 =	vor.u32 $0x5, v3;
	v4 =	vld.idx.msk [tilespmem:v4+s18+$0x0], $0xffff  }
0x49: {  	v12 =	vor.u32 $0x1, v3;
	v5 =	vld.idx.msk [tilespmem:v5+s18+$0x0], $0xffff  }
0x4a: {  	v3 =	vld.idx.msk [tilespmem:v6+s18+$0x0], $0xffff  }
0x4b: {  	v6 =	vld.idx.msk [tilespmem:v7+s18+$0x0], $0xffff;
	v56 =	vshll.u32 v8, $0x10  }
0x4c: {  	v7 =	vld.idx.msk [tilespmem:v9+s18+$0x0], $0xffff;
	v8 =	vand.u32 $0xFFFF0000, v8;
	v9 =	vmul.f32 v56, v10  }
0x4d: {  	s29 =	simm.s32 $0x9900;
	v11 =	vld.idx.msk [tilespmem:v11+s18+$0x0], $0xffff;
	v8 =	vmul.f32 v8, v10  }
0x4e: {  	v12 =	vld.idx.msk [tilespmem:v12+s18+$0x0], $0xffff;
	[tilespmem:s29+$0xFFFFFF00] =	vst v9  }
0x4f: {  	[tilespmem:s29+$0xFFFFFF10] =	vst v8  }
0x50: {  	v8 =	vld [tilespmem:s28+$0x7810];
	_ =	sdelay $0x4  }
0x51: {  	v57 =	vshll.u32 v8, $0x10  }
0x52: {  	v8 =	vand.u32 $0xFFFF0000, v8;
	v9 =	vmul.f32 v57, v10  }
0x53: {  	v8 =	vmul.f32 v8, v10  }
0x54: {  	[tilespmem:s29+$0xFFFFFF20] =	vst v9  }
0x55: {  	[tilespmem:s29+$0xFFFFFF30] =	vst v8  }
0x56: {  	v8 =	vld [tilespmem:s28+$0x7820];
	_ =	sdelay $0x4  }
0x57: {  	v58 =	vshll.u32 v8, $0x10  }
0x58: {  	v8 =	vand.u32 $0xFFFF0000, v8;
	v9 =	vmul.f32 v58, v12  }
0x59: {  	v8 =	vmul.f32 v8, v12  }
0x5a: {  	[tilespmem:s29+$0xFFFFFF40] =	vst v9  }
0x5b: {  	[tilespmem:s29+$0xFFFFFF50] =	vst v8  }
0x5c: {  	v8 =	vld [tilespmem:s28+$0x7830];
	_ =	sdelay $0x4  }
0x5d: {  	v59 =	vshll.u32 v8, $0x10  }
0x5e: {  	v8 =	vand.u32 $0xFFFF0000, v8;
	v9 =	vmul.f32 v59, v12  }
0x5f: {  	v8 =	vmul.f32 v8, v12  }
0x60: {  	[tilespmem:s29+$0xFFFFFF60] =	vst v9  }
0x61: {  	[tilespmem:s29+$0xFFFFFF70] =	vst v8  }
0x62: {  	v8 =	vld [tilespmem:s28+$0x7840];
	_ =	sdelay $0x4  }
0x63: {  	v60 =	vshll.u32 v8, $0x10  }
0x64: {  	v8 =	vand.u32 $0xFFFF0000, v8;
	v9 =	vmul.f32 v60, v7  }
0x65: {  	v8 =	vmul.f32 v8, v7  }
0x66: {  	[tilespmem:s29+$0xFFFFFF80] =	vst v9  }
0x67: {  	[tilespmem:s29+$0xFFFFFF90] =	vst v8  }
0x68: {  	v8 =	vld [tilespmem:s28+$0x7850];
	_ =	sdelay $0x4  }
0x69: {  	v61 =	vshll.u32 v8, $0x10  }
0x6a: {  	v8 =	vand.u32 $0xFFFF0000, v8;
	v9 =	vmul.f32 v61, v7  }
0x6b: {  	v7 =	vmul.f32 v8, v7  }
0x6c: {  	[tilespmem:s29+$0xFFFFFFA0] =	vst v9  }
0x6d: {  	[tilespmem:s29+$0xFFFFFFB0] =	vst v7  }
0x6e: {  	v7 =	vld [tilespmem:s28+$0x7860];
	_ =	sdelay $0x4  }
0x6f: {  	v62 =	vshll.u32 v7, $0x10  }
0x70: {  	v7 =	vand.u32 $0xFFFF0000, v7;
	v8 =	vmul.f32 v62, v4  }
0x71: {  	v7 =	vmul.f32 v7, v4  }
0x72: {  	[tilespmem:s29+$0xFFFFFFC0] =	vst v8  }
0x73: {  	[tilespmem:s29+$0xFFFFFFD0] =	vst v7  }
0x74: {  	v7 =	vld [tilespmem:s28+$0x7870];
	_ =	sdelay $0x4  }
0x75: {  	v63 =	vshll.u32 v7, $0x10  }
0x76: {  	v7 =	vand.u32 $0xFFFF0000, v7;
	v8 =	vmul.f32 v63, v4  }
0x77: {  	v4 =	vmul.f32 v7, v4  }
0x78: {  	[tilespmem:s29+$0xFFFFFFE0] =	vst v8  }
0x79: {  	[tilespmem:s29+$0xFFFFFFF0] =	vst v4  }
0x7a: {  	v4 =	vld [tilespmem:s28+$0x7880];
	_ =	sdelay $0x4  }
0x7b: {  	v7 =	vshll.u32 v4, $0x10  }
0x7c: {  	v4 =	vand.u32 $0xFFFF0000, v4;
	v7 =	vmul.f32 v7, v6  }
0x7d: {  	v4 =	vmul.f32 v4, v6  }
0x7e: {  	[tilespmem:s29+$0x0] =	vst v7  }
0x7f: {  	[tilespmem:s29+$0x10] =	vst v4  }
0x80: {  	v4 =	vld [tilespmem:s28+$0x7890];
	_ =	sdelay $0x4  }
0x81: {  	v7 =	vshll.u32 v4, $0x10  }
0x82: {  	v4 =	vand.u32 $0xFFFF0000, v4;
	v7 =	vmul.f32 v7, v6  }
0x83: {  	v4 =	vmul.f32 v4, v6  }
0x84: {  	[tilespmem:s29+$0x20] =	vst v7  }
0x85: {  	[tilespmem:s29+$0x30] =	vst v4  }
0x86: {  	v4 =	vld [tilespmem:s28+$0x78A0];
	_ =	sdelay $0x4  }
0x87: {  	v6 =	vshll.u32 v4, $0x10  }
0x88: {  	v4 =	vand.u32 $0xFFFF0000, v4;
	v6 =	vmul.f32 v6, v11  }
0x89: {  	v4 =	vmul.f32 v4, v11  }
0x8a: {  	[tilespmem:s29+$0x40] =	vst v6  }
0x8b: {  	[tilespmem:s29+$0x50] =	vst v4  }
0x8c: {  	v4 =	vld [tilespmem:s28+$0x78B0];
	_ =	sdelay $0x4  }
0x8d: {  	v6 =	vshll.u32 v4, $0x10  }
0x8e: {  	v4 =	vand.u32 $0xFFFF0000, v4;
	v6 =	vmul.f32 v6, v11  }
0x8f: {  	v4 =	vmul.f32 v4, v11  }
0x90: {  	[tilespmem:s29+$0x60] =	vst v6  }
0x91: {  	[tilespmem:s29+$0x70] =	vst v4  }
0x92: {  	v4 =	vld [tilespmem:s28+$0x78C0];
	_ =	sdelay $0x4  }
0x93: {  	v6 =	vshll.u32 v4, $0x10  }
0x94: {  	v4 =	vand.u32 $0xFFFF0000, v4;
	v6 =	vmul.f32 v6, v5  }
0x95: {  	v4 =	vmul.f32 v4, v5  }
0x96: {  	[tilespmem:s29+$0x80] =	vst v6  }
0x97: {  	[tilespmem:s29+$0x90] =	vst v4  }
0x98: {  	v4 =	vld [tilespmem:s28+$0x78D0];
	_ =	sdelay $0x4  }
0x99: {  	v6 =	vshll.u32 v4, $0x10  }
0x9a: {  	v4 =	vand.u32 $0xFFFF0000, v4;
	v6 =	vmul.f32 v6, v5  }
0x9b: {  	v4 =	vmul.f32 v4, v5  }
0x9c: {  	[tilespmem:s29+$0xA0] =	vst v6  }
0x9d: {  	[tilespmem:s29+$0xB0] =	vst v4  }
0x9e: {  	s31 =	simm.s32 $0x400;
	s30 =	simm.s32 $0x9900;
	v4 =	vld [tilespmem:s28+$0x78E0]  }
.LBB2_5:
0x9f: {  	_ = 	snop  }
0xa0: {  	p0 =	sne.s32 s31, $0x3C00  }
0xa1: {  	v2 =	vadd.s32 $0x8, v2;
	s29 =	sadd.s32 $0x200, s29;
	s2 =	smov.u32 s31;
	s31 =	sadd.s32 $0x400, s31  }
0xa2: {  	_ = 	snop  }
0xa3: {  	v5 =	vshll.u32 v4, $0x10;
	v4 =	vand.u32 $0xFFFF0000, v4  }
0xa4: {  	v5 =	vmul.f32 v5, v3;
	v4 =	vmul.f32 v4, v3;
	_ =	sdelay $0x1  }
0xa5: {  	[tilespmem:s30+$0xC0] =	vst v5  }
0xa6: {  	[tilespmem:s30+$0xD0] =	vst v4  }
0xa7: {  	v4 =	vld [tilespmem:s28+$0x78F0];
	_ =	sdelay $0x4  }
0xa8: {  	v5 =	vshll.u32 v4, $0x10;
	v4 =	vand.u32 $0xFFFF0000, v4  }
0xa9: {  	v6 =	vadd.s32 v1, v2;
	v5 =	vmul.f32 v5, v3;
	v3 =	vmul.f32 v4, v3  }
0xaa: {  	v8 =	vor.u32 $0x1, v6;
	v9 =	vor.u32 $0x2, v6;
	v4 =	vor.u32 $0x3, v6  }
0xab: {  	v10 =	vor.u32 $0x4, v6;
	v11 =	vor.u32 $0x5, v6;
	v12 =	vor.u32 $0x6, v6;
	[tilespmem:s30+$0xE0] =	vst v5  }
0xac: {  	s28 =	sshra.s32 s2, $0x2;
	v5 =	vor.u32 $0x7, v6;
	[tilespmem:s30+$0xF0] =	vst v3;
	s30 =	smov.u32 s29  }
0xad: {  	v13 =	vld [tilespmem:s28+$0x7800]  }
0xae: {  	v14 =	vld.idx.msk [tilespmem:v6+s18+$0x0], $0xffff  }
0xaf: {  	v7 =	vld.idx.msk [tilespmem:v4+s18+$0x0], $0xffff  }
0xb0: {  	v4 =	vld.idx.msk [tilespmem:v12+s18+$0x0], $0xffff  }
0xb1: {  	v3 =	vld.idx.msk [tilespmem:v5+s18+$0x0], $0xffff  }
0xb2: {  	v6 =	vld.idx.msk [tilespmem:v10+s18+$0x0], $0xffff  }
0xb3: {  	v10 =	vshll.u32 v13, $0x10;
	v12 =	vand.u32 $0xFFFF0000, v13;
	v9 =	vld.idx.msk [tilespmem:v9+s18+$0x0], $0xffff  }
0xb4: {  	v10 =	vmul.f32 v10, v14;
	v5 =	vld.idx.msk [tilespmem:v11+s18+$0x0], $0xffff;
	v11 =	vmul.f32 v12, v14  }
0xb5: {  	v8 =	vld.idx.msk [tilespmem:v8+s18+$0x0], $0xffff  }
0xb6: {  	[tilespmem:s29+$0xFFFFFF00] =	vst v10  }
0xb7: {  	[tilespmem:s29+$0xFFFFFF10] =	vst v11  }
0xb8: {  	v10 =	vld [tilespmem:s28+$0x7810];
	_ =	sdelay $0x4  }
0xb9: {  	v11 =	vshll.u32 v10, $0x10;
	v10 =	vand.u32 $0xFFFF0000, v10  }
0xba: {  	v11 =	vmul.f32 v11, v14;
	v10 =	vmul.f32 v10, v14;
	_ =	sdelay $0x1  }
0xbb: {  	[tilespmem:s29+$0xFFFFFF20] =	vst v11  }
0xbc: {  	[tilespmem:s29+$0xFFFFFF30] =	vst v10  }
0xbd: {  	v10 =	vld [tilespmem:s28+$0x7820];
	_ =	sdelay $0x4  }
0xbe: {  	v11 =	vshll.u32 v10, $0x10;
	v10 =	vand.u32 $0xFFFF0000, v10  }
0xbf: {  	v11 =	vmul.f32 v11, v8;
	v10 =	vmul.f32 v10, v8;
	_ =	sdelay $0x1  }
0xc0: {  	[tilespmem:s29+$0xFFFFFF40] =	vst v11  }
0xc1: {  	[tilespmem:s29+$0xFFFFFF50] =	vst v10  }
0xc2: {  	v10 =	vld [tilespmem:s28+$0x7830];
	_ =	sdelay $0x4  }
0xc3: {  	v11 =	vshll.u32 v10, $0x10;
	v10 =	vand.u32 $0xFFFF0000, v10  }
0xc4: {  	v11 =	vmul.f32 v11, v8;
	v8 =	vmul.f32 v10, v8;
	_ =	sdelay $0x1  }
0xc5: {  	[tilespmem:s29+$0xFFFFFF60] =	vst v11  }
0xc6: {  	[tilespmem:s29+$0xFFFFFF70] =	vst v8  }
0xc7: {  	v8 =	vld [tilespmem:s28+$0x7840];
	_ =	sdelay $0x4  }
0xc8: {  	v10 =	vshll.u32 v8, $0x10;
	v8 =	vand.u32 $0xFFFF0000, v8  }
0xc9: {  	v10 =	vmul.f32 v10, v9;
	v8 =	vmul.f32 v8, v9;
	_ =	sdelay $0x1  }
0xca: {  	[tilespmem:s29+$0xFFFFFF80] =	vst v10  }
0xcb: {  	[tilespmem:s29+$0xFFFFFF90] =	vst v8  }
0xcc: {  	v8 =	vld [tilespmem:s28+$0x7850];
	_ =	sdelay $0x4  }
0xcd: {  	v10 =	vshll.u32 v8, $0x10;
	v8 =	vand.u32 $0xFFFF0000, v8  }
0xce: {  	v10 =	vmul.f32 v10, v9;
	v8 =	vmul.f32 v8, v9;
	_ =	sdelay $0x1  }
0xcf: {  	[tilespmem:s29+$0xFFFFFFA0] =	vst v10  }
0xd0: {  	[tilespmem:s29+$0xFFFFFFB0] =	vst v8  }
0xd1: {  	v8 =	vld [tilespmem:s28+$0x7860];
	_ =	sdelay $0x4  }
0xd2: {  	v9 =	vshll.u32 v8, $0x10;
	v8 =	vand.u32 $0xFFFF0000, v8  }
0xd3: {  	v9 =	vmul.f32 v9, v7;
	v8 =	vmul.f32 v8, v7;
	_ =	sdelay $0x1  }
0xd4: {  	[tilespmem:s29+$0xFFFFFFC0] =	vst v9  }
0xd5: {  	[tilespmem:s29+$0xFFFFFFD0] =	vst v8  }
0xd6: {  	v8 =	vld [tilespmem:s28+$0x7870];
	_ =	sdelay $0x4  }
0xd7: {  	v9 =	vshll.u32 v8, $0x10;
	v8 =	vand.u32 $0xFFFF0000, v8  }
0xd8: {  	v9 =	vmul.f32 v9, v7;
	v7 =	vmul.f32 v8, v7;
	_ =	sdelay $0x1  }
0xd9: {  	[tilespmem:s29+$0xFFFFFFE0] =	vst v9  }
0xda: {  	[tilespmem:s29+$0xFFFFFFF0] =	vst v7  }
0xdb: {  	v7 =	vld [tilespmem:s28+$0x7880];
	_ =	sdelay $0x4  }
0xdc: {  	v8 =	vshll.u32 v7, $0x10;
	v7 =	vand.u32 $0xFFFF0000, v7  }
0xdd: {  	v8 =	vmul.f32 v8, v6;
	v7 =	vmul.f32 v7, v6;
	_ =	sdelay $0x1  }
0xde: {  	[tilespmem:s29+$0x0] =	vst v8  }
0xdf: {  	[tilespmem:s29+$0x10] =	vst v7  }
0xe0: {  	v7 =	vld [tilespmem:s28+$0x7890];
	_ =	sdelay $0x4  }
0xe1: {  	v8 =	vshll.u32 v7, $0x10;
	v7 =	vand.u32 $0xFFFF0000, v7  }
0xe2: {  	v8 =	vmul.f32 v8, v6;
	v6 =	vmul.f32 v7, v6;
	_ =	sdelay $0x1  }
0xe3: {  	[tilespmem:s29+$0x20] =	vst v8  }
0xe4: {  	[tilespmem:s29+$0x30] =	vst v6  }
0xe5: {  	v6 =	vld [tilespmem:s28+$0x78A0];
	_ =	sdelay $0x4  }
0xe6: {  	v7 =	vshll.u32 v6, $0x10;
	v6 =	vand.u32 $0xFFFF0000, v6  }
0xe7: {  	v7 =	vmul.f32 v7, v5;
	v6 =	vmul.f32 v6, v5;
	_ =	sdelay $0x1  }
0xe8: {  	[tilespmem:s29+$0x40] =	vst v7  }
0xe9: {  	[tilespmem:s29+$0x50] =	vst v6  }
0xea: {  	v6 =	vld [tilespmem:s28+$0x78B0];
	_ =	sdelay $0x4  }
0xeb: {  	v7 =	vshll.u32 v6, $0x10;
	v6 =	vand.u32 $0xFFFF0000, v6  }
0xec: {  	v7 =	vmul.f32 v7, v5;
	v5 =	vmul.f32 v6, v5;
	_ =	sdelay $0x1  }
0xed: {  	[tilespmem:s29+$0x60] =	vst v7  }
0xee: {  	[tilespmem:s29+$0x70] =	vst v5  }
0xef: {  	v5 =	vld [tilespmem:s28+$0x78C0];
	_ =	sdelay $0x4  }
0xf0: {  	v6 =	vshll.u32 v5, $0x10;
	v5 =	vand.u32 $0xFFFF0000, v5  }
0xf1: {  	v6 =	vmul.f32 v6, v4;
	v5 =	vmul.f32 v5, v4;
	_ =	sdelay $0x1  }
0xf2: {  	[tilespmem:s29+$0x80] =	vst v6  }
0xf3: {  	[tilespmem:s29+$0x90] =	vst v5  }
0xf4: {  	v5 =	vld [tilespmem:s28+$0x78D0];
	_ =	sdelay $0x4  }
0xf5: {  	v6 =	vshll.u32 v5, $0x10;
	v5 =	vand.u32 $0xFFFF0000, v5  }
.Ltmp1:
0xf6: {  	v6 =	vmul.f32 v6, v4;
	v4 =	vmul.f32 v5, v4;
	(pc) =	sbr.rel @p0 .LBB2_5-.Ltmp1, $4  }
0xf7: {  	_ = 	snop  }
0xf8: {  	[tilespmem:s29+$0xA0] =	vst v6  }
0xf9: {  	[tilespmem:s29+$0xB0] =	vst v4  }
0xfa: {  	v4 =	vld [tilespmem:s28+$0x78E0]  }
0xfb: {  	_ =	sdelay $0x3  }
0xfc: {  	v1 =	vshll.u32 v4, $0x10  }
0xfd: {  	v2 =	vand.u32 $0xFFFF0000, v4;
	v1 =	vmul.f32 v1, v3  }
0xfe: {  	v2 =	vmul.f32 v2, v3  }
0xff: {  	[tilespmem:s30+$0xC0] =	vst v1  }
0x100: {  	[tilespmem:s30+$0xD0] =	vst v2  }
0x101: {  	v1 =	vld [tilespmem:s28+$0x78F0];
	_ =	sdelay $0x4  }
0x102: {  	v2 =	vshll.u32 v1, $0x10  }
0x103: {  	v1 =	vand.u32 $0xFFFF0000, v1;
	v2 =	vmul.f32 v2, v3  }
0x104: {  	s2 =	sshll.u32 s25, $0xA;
	v1 =	vmul.f32 v1, v3  }
0x105: {  	s28 =	sshrl.u32 s2, $0x2;
	[tilespmem:s30+$0xE0] =	vst v2  }
0x106: {  	s28 =	sadd.s32 $0x2800, s28;
	[tilespmem:s30+$0xF0] =	vst v1  }
0x107: {  	[spmem:s3] =	stream.indirect.scatter.add.f32 [tilespmem:s15], [sflag:$0x3], $0x40, s28, s20, $0xb8;
	[tilespmem:$0x15800] =	vst v63  }
0x108: {  	_ =	swait.ge [sflag:s23], $0x1000  }
0x109: {  	[sflag:s23] =	ssyncset.done $0x0  }
0x10a: {  	[sflag:s23] =	ssyncadd.s32 $0xFFFFF000  }
0x10b: {  	p0 =	seq.s32 s25, $0x27;
	v1 =	vmov s26;
	v2 =	vimm.s32 $0x0;
	_ =	swait.ge [sflag:s24], $0x2000  }
0x10c: {  	s29 =	simm.s32 @!p0 $0x7800;
	s2 =	sshrl.u32 @!p0 s2, $0x2;
	v3 =	vadd.s32 v1, v2;
	[sflag:s24] =	ssyncset.done $0x0  }
0x10d: {  	s2 =	sadd.s32 @!p0 $0x100, s2;
	s28 =	simm.s32 @!p0 $0x80;
	v4 =	vor.u32 $0x3, v3;
	[sflag:s24] =	ssyncadd.s32 $0xFFFFE000  }
0x10e: {  	v5 =	vor.u32 $0x6, v3;
	[tilespmem:s29], [sflag:$0x1] =	stream.indirect.gather @!p0 [hbm4b:s1+s28], $0x20, s2, s28, $0xb8;
	[tilespmem:$0x15800] =	vst v63  }
0x10f: {  	v6 =	vor.u32 $0x7, v3;
	s28 =	simm.s32 $0x0  }
0x110: {  	v7 =	vor.u32 $0x4, v3;
	v8 =	vld [tilespmem:s28+$0x8800]  }
0x111: {  	v9 =	vor.u32 $0x2, v3;
	v10 =	vld.idx.msk [tilespmem:v3+s18+$0x0], $0xffff  }
0x112: {  	v11 =	vor.u32 $0x5, v3;
	v4 =	vld.idx.msk [tilespmem:v4+s18+$0x0], $0xffff  }
0x113: {  	v12 =	vor.u32 $0x1, v3;
	v5 =	vld.idx.msk [tilespmem:v5+s18+$0x0], $0xffff  }
0x114: {  	v3 =	vld.idx.msk [tilespmem:v6+s18+$0x0], $0xffff  }
0x115: {  	v6 =	vld.idx.msk [tilespmem:v7+s18+$0x0], $0xffff;
	v56 =	vshll.u32 v8, $0x10  }
0x116: {  	v7 =	vld.idx.msk [tilespmem:v9+s18+$0x0], $0xffff;
	v8 =	vand.u32 $0xFFFF0000, v8;
	v9 =	vmul.f32 v56, v10  }
0x117: {  	s29 =	simm.s32 $0x9900;
	v11 =	vld.idx.msk [tilespmem:v11+s18+$0x0], $0xffff;
	v8 =	vmul.f32 v8, v10  }
0x118: {  	v12 =	vld.idx.msk [tilespmem:v12+s18+$0x0], $0xffff;
	[tilespmem:s29+$0xFFFFFF00] =	vst v9  }
0x119: {  	[tilespmem:s29+$0xFFFFFF10] =	vst v8  }
0x11a: {  	v8 =	vld [tilespmem:s28+$0x8810];
	_ =	sdelay $0x4  }
0x11b: {  	v57 =	vshll.u32 v8, $0x10  }
0x11c: {  	v8 =	vand.u32 $0xFFFF0000, v8;
	v9 =	vmul.f32 v57, v10  }
0x11d: {  	v8 =	vmul.f32 v8, v10  }
0x11e: {  	[tilespmem:s29+$0xFFFFFF20] =	vst v9  }
0x11f: {  	[tilespmem:s29+$0xFFFFFF30] =	vst v8  }
0x120: {  	v8 =	vld [tilespmem:s28+$0x8820];
	_ =	sdelay $0x4  }
0x121: {  	v58 =	vshll.u32 v8, $0x10  }
0x122: {  	v8 =	vand.u32 $0xFFFF0000, v8;
	v9 =	vmul.f32 v58, v12  }
0x123: {  	v8 =	vmul.f32 v8, v12  }
0x124: {  	[tilespmem:s29+$0xFFFFFF40] =	vst v9  }
0x125: {  	[tilespmem:s29+$0xFFFFFF50] =	vst v8  }
0x126: {  	v8 =	vld [tilespmem:s28+$0x8830];
	_ =	sdelay $0x4  }
0x127: {  	v59 =	vshll.u32 v8, $0x10  }
0x128: {  	v8 =	vand.u32 $0xFFFF0000, v8;
	v9 =	vmul.f32 v59, v12  }
0x129: {  	v8 =	vmul.f32 v8, v12  }
0x12a: {  	[tilespmem:s29+$0xFFFFFF60] =	vst v9  }
0x12b: {  	[tilespmem:s29+$0xFFFFFF70] =	vst v8  }
0x12c: {  	v8 =	vld [tilespmem:s28+$0x8840];
	_ =	sdelay $0x4  }
0x12d: {  	v60 =	vshll.u32 v8, $0x10  }
0x12e: {  	v8 =	vand.u32 $0xFFFF0000, v8;
	v9 =	vmul.f32 v60, v7  }
0x12f: {  	v8 =	vmul.f32 v8, v7  }
0x130: {  	[tilespmem:s29+$0xFFFFFF80] =	vst v9  }
0x131: {  	[tilespmem:s29+$0xFFFFFF90] =	vst v8  }
0x132: {  	v8 =	vld [tilespmem:s28+$0x8850];
	_ =	sdelay $0x4  }
0x133: {  	v61 =	vshll.u32 v8, $0x10  }
0x134: {  	v8 =	vand.u32 $0xFFFF0000, v8;
	v9 =	vmul.f32 v61, v7  }
0x135: {  	v7 =	vmul.f32 v8, v7  }
0x136: {  	[tilespmem:s29+$0xFFFFFFA0] =	vst v9  }
0x137: {  	[tilespmem:s29+$0xFFFFFFB0] =	vst v7  }
0x138: {  	v7 =	vld [tilespmem:s28+$0x8860];
	_ =	sdelay $0x4  }
0x139: {  	v62 =	vshll.u32 v7, $0x10  }
0x13a: {  	v7 =	vand.u32 $0xFFFF0000, v7;
	v8 =	vmul.f32 v62, v4  }
0x13b: {  	v7 =	vmul.f32 v7, v4  }
0x13c: {  	[tilespmem:s29+$0xFFFFFFC0] =	vst v8  }
0x13d: {  	[tilespmem:s29+$0xFFFFFFD0] =	vst v7  }
0x13e: {  	v7 =	vld [tilespmem:s28+$0x8870];
	_ =	sdelay $0x4  }
0x13f: {  	v63 =	vshll.u32 v7, $0x10  }
0x140: {  	v7 =	vand.u32 $0xFFFF0000, v7;
	v8 =	vmul.f32 v63, v4  }
0x141: {  	v4 =	vmul.f32 v7, v4  }
0x142: {  	[tilespmem:s29+$0xFFFFFFE0] =	vst v8  }
0x143: {  	[tilespmem:s29+$0xFFFFFFF0] =	vst v4  }
0x144: {  	v4 =	vld [tilespmem:s28+$0x8880];
	_ =	sdelay $0x4  }
0x145: {  	v7 =	vshll.u32 v4, $0x10  }
0x146: {  	v4 =	vand.u32 $0xFFFF0000, v4;
	v7 =	vmul.f32 v7, v6  }
0x147: {  	v4 =	vmul.f32 v4, v6  }
0x148: {  	[tilespmem:s29+$0x0] =	vst v7  }
0x149: {  	[tilespmem:s29+$0x10] =	vst v4  }
0x14a: {  	v4 =	vld [tilespmem:s28+$0x8890];
	_ =	sdelay $0x4  }
0x14b: {  	v7 =	vshll.u32 v4, $0x10  }
0x14c: {  	v4 =	vand.u32 $0xFFFF0000, v4;
	v7 =	vmul.f32 v7, v6  }
0x14d: {  	v4 =	vmul.f32 v4, v6  }
0x14e: {  	[tilespmem:s29+$0x20] =	vst v7  }
0x14f: {  	[tilespmem:s29+$0x30] =	vst v4  }
0x150: {  	v4 =	vld [tilespmem:s28+$0x88A0];
	_ =	sdelay $0x4  }
0x151: {  	v6 =	vshll.u32 v4, $0x10  }
0x152: {  	v4 =	vand.u32 $0xFFFF0000, v4;
	v6 =	vmul.f32 v6, v11  }
0x153: {  	v4 =	vmul.f32 v4, v11  }
0x154: {  	[tilespmem:s29+$0x40] =	vst v6  }
0x155: {  	[tilespmem:s29+$0x50] =	vst v4  }
0x156: {  	v4 =	vld [tilespmem:s28+$0x88B0];
	_ =	sdelay $0x4  }
0x157: {  	v6 =	vshll.u32 v4, $0x10  }
0x158: {  	v4 =	vand.u32 $0xFFFF0000, v4;
	v6 =	vmul.f32 v6, v11  }
0x159: {  	v4 =	vmul.f32 v4, v11  }
0x15a: {  	[tilespmem:s29+$0x60] =	vst v6  }
0x15b: {  	[tilespmem:s29+$0x70] =	vst v4  }
0x15c: {  	v4 =	vld [tilespmem:s28+$0x88C0];
	_ =	sdelay $0x4  }
0x15d: {  	v6 =	vshll.u32 v4, $0x10  }
0x15e: {  	v4 =	vand.u32 $0xFFFF0000, v4;
	v6 =	vmul.f32 v6, v5  }
0x15f: {  	v4 =	vmul.f32 v4, v5  }
0x160: {  	[tilespmem:s29+$0x80] =	vst v6  }
0x161: {  	[tilespmem:s29+$0x90] =	vst v4  }
0x162: {  	v4 =	vld [tilespmem:s28+$0x88D0];
	_ =	sdelay $0x4  }
0x163: {  	v6 =	vshll.u32 v4, $0x10  }
0x164: {  	v4 =	vand.u32 $0xFFFF0000, v4;
	v6 =	vmul.f32 v6, v5  }
0x165: {  	v4 =	vmul.f32 v4, v5  }
0x166: {  	[tilespmem:s29+$0xA0] =	vst v6  }
0x167: {  	[tilespmem:s29+$0xB0] =	vst v4  }
0x168: {  	s31 =	simm.s32 $0x400;
	s30 =	simm.s32 $0x9900;
	v4 =	vld [tilespmem:s28+$0x88E0]  }
.LBB2_7:
0x169: {  	_ = 	snop  }
0x16a: {  	p0 =	sne.s32 s31, $0x3C00  }
0x16b: {  	v2 =	vadd.s32 $0x8, v2;
	s29 =	sadd.s32 $0x200, s29;
	s2 =	smov.u32 s31;
	s31 =	sadd.s32 $0x400, s31  }
0x16c: {  	_ = 	snop  }
0x16d: {  	v5 =	vshll.u32 v4, $0x10;
	v4 =	vand.u32 $0xFFFF0000, v4  }
0x16e: {  	v5 =	vmul.f32 v5, v3;
	v4 =	vmul.f32 v4, v3;
	_ =	sdelay $0x1  }
0x16f: {  	[tilespmem:s30+$0xC0] =	vst v5  }
0x170: {  	[tilespmem:s30+$0xD0] =	vst v4  }
0x171: {  	v4 =	vld [tilespmem:s28+$0x88F0];
	_ =	sdelay $0x4  }
0x172: {  	v5 =	vshll.u32 v4, $0x10;
	v4 =	vand.u32 $0xFFFF0000, v4  }
0x173: {  	v6 =	vadd.s32 v1, v2;
	v5 =	vmul.f32 v5, v3;
	v3 =	vmul.f32 v4, v3  }
0x174: {  	v8 =	vor.u32 $0x1, v6;
	v9 =	vor.u32 $0x2, v6;
	v4 =	vor.u32 $0x3, v6  }
0x175: {  	v10 =	vor.u32 $0x4, v6;
	v11 =	vor.u32 $0x5, v6;
	v12 =	vor.u32 $0x6, v6;
	[tilespmem:s30+$0xE0] =	vst v5  }
0x176: {  	s28 =	sshra.s32 s2, $0x2;
	v5 =	vor.u32 $0x7, v6;
	[tilespmem:s30+$0xF0] =	vst v3;
	s30 =	smov.u32 s29  }
0x177: {  	v13 =	vld [tilespmem:s28+$0x8800]  }
0x178: {  	v14 =	vld.idx.msk [tilespmem:v6+s18+$0x0], $0xffff  }
0x179: {  	v7 =	vld.idx.msk [tilespmem:v4+s18+$0x0], $0xffff  }
0x17a: {  	v4 =	vld.idx.msk [tilespmem:v12+s18+$0x0], $0xffff  }
0x17b: {  	v3 =	vld.idx.msk [tilespmem:v5+s18+$0x0], $0xffff  }
0x17c: {  	v6 =	vld.idx.msk [tilespmem:v10+s18+$0x0], $0xffff  }
0x17d: {  	v10 =	vshll.u32 v13, $0x10;
	v12 =	vand.u32 $0xFFFF0000, v13;
	v9 =	vld.idx.msk [tilespmem:v9+s18+$0x0], $0xffff  }
0x17e: {  	v10 =	vmul.f32 v10, v14;
	v5 =	vld.idx.msk [tilespmem:v11+s18+$0x0], $0xffff;
	v11 =	vmul.f32 v12, v14  }
0x17f: {  	v8 =	vld.idx.msk [tilespmem:v8+s18+$0x0], $0xffff  }
0x180: {  	[tilespmem:s29+$0xFFFFFF00] =	vst v10  }
0x181: {  	[tilespmem:s29+$0xFFFFFF10] =	vst v11  }
0x182: {  	v10 =	vld [tilespmem:s28+$0x8810];
	_ =	sdelay $0x4  }
0x183: {  	v11 =	vshll.u32 v10, $0x10;
	v10 =	vand.u32 $0xFFFF0000, v10  }
0x184: {  	v11 =	vmul.f32 v11, v14;
	v10 =	vmul.f32 v10, v14;
	_ =	sdelay $0x1  }
0x185: {  	[tilespmem:s29+$0xFFFFFF20] =	vst v11  }
0x186: {  	[tilespmem:s29+$0xFFFFFF30] =	vst v10  }
0x187: {  	v10 =	vld [tilespmem:s28+$0x8820];
	_ =	sdelay $0x4  }
0x188: {  	v11 =	vshll.u32 v10, $0x10;
	v10 =	vand.u32 $0xFFFF0000, v10  }
0x189: {  	v11 =	vmul.f32 v11, v8;
	v10 =	vmul.f32 v10, v8;
	_ =	sdelay $0x1  }
0x18a: {  	[tilespmem:s29+$0xFFFFFF40] =	vst v11  }
0x18b: {  	[tilespmem:s29+$0xFFFFFF50] =	vst v10  }
0x18c: {  	v10 =	vld [tilespmem:s28+$0x8830];
	_ =	sdelay $0x4  }
0x18d: {  	v11 =	vshll.u32 v10, $0x10;
	v10 =	vand.u32 $0xFFFF0000, v10  }
0x18e: {  	v11 =	vmul.f32 v11, v8;
	v8 =	vmul.f32 v10, v8;
	_ =	sdelay $0x1  }
0x18f: {  	[tilespmem:s29+$0xFFFFFF60] =	vst v11  }
0x190: {  	[tilespmem:s29+$0xFFFFFF70] =	vst v8  }
0x191: {  	v8 =	vld [tilespmem:s28+$0x8840];
	_ =	sdelay $0x4  }
0x192: {  	v10 =	vshll.u32 v8, $0x10;
	v8 =	vand.u32 $0xFFFF0000, v8  }
0x193: {  	v10 =	vmul.f32 v10, v9;
	v8 =	vmul.f32 v8, v9;
	_ =	sdelay $0x1  }
0x194: {  	[tilespmem:s29+$0xFFFFFF80] =	vst v10  }
0x195: {  	[tilespmem:s29+$0xFFFFFF90] =	vst v8  }
0x196: {  	v8 =	vld [tilespmem:s28+$0x8850];
	_ =	sdelay $0x4  }
0x197: {  	v10 =	vshll.u32 v8, $0x10;
	v8 =	vand.u32 $0xFFFF0000, v8  }
0x198: {  	v10 =	vmul.f32 v10, v9;
	v8 =	vmul.f32 v8, v9;
	_ =	sdelay $0x1  }
0x199: {  	[tilespmem:s29+$0xFFFFFFA0] =	vst v10  }
0x19a: {  	[tilespmem:s29+$0xFFFFFFB0] =	vst v8  }
0x19b: {  	v8 =	vld [tilespmem:s28+$0x8860];
	_ =	sdelay $0x4  }
0x19c: {  	v9 =	vshll.u32 v8, $0x10;
	v8 =	vand.u32 $0xFFFF0000, v8  }
0x19d: {  	v9 =	vmul.f32 v9, v7;
	v8 =	vmul.f32 v8, v7;
	_ =	sdelay $0x1  }
0x19e: {  	[tilespmem:s29+$0xFFFFFFC0] =	vst v9  }
0x19f: {  	[tilespmem:s29+$0xFFFFFFD0] =	vst v8  }
0x1a0: {  	v8 =	vld [tilespmem:s28+$0x8870];
	_ =	sdelay $0x4  }
0x1a1: {  	v9 =	vshll.u32 v8, $0x10;
	v8 =	vand.u32 $0xFFFF0000, v8  }
0x1a2: {  	v9 =	vmul.f32 v9, v7;
	v7 =	vmul.f32 v8, v7;
	_ =	sdelay $0x1  }
0x1a3: {  	[tilespmem:s29+$0xFFFFFFE0] =	vst v9  }
0x1a4: {  	[tilespmem:s29+$0xFFFFFFF0] =	vst v7  }
0x1a5: {  	v7 =	vld [tilespmem:s28+$0x8880];
	_ =	sdelay $0x4  }
0x1a6: {  	v8 =	vshll.u32 v7, $0x10;
	v7 =	vand.u32 $0xFFFF0000, v7  }
0x1a7: {  	v8 =	vmul.f32 v8, v6;
	v7 =	vmul.f32 v7, v6;
	_ =	sdelay $0x1  }
0x1a8: {  	[tilespmem:s29+$0x0] =	vst v8  }
0x1a9: {  	[tilespmem:s29+$0x10] =	vst v7  }
0x1aa: {  	v7 =	vld [tilespmem:s28+$0x8890];
	_ =	sdelay $0x4  }
0x1ab: {  	v8 =	vshll.u32 v7, $0x10;
	v7 =	vand.u32 $0xFFFF0000, v7  }
0x1ac: {  	v8 =	vmul.f32 v8, v6;
	v6 =	vmul.f32 v7, v6;
	_ =	sdelay $0x1  }
0x1ad: {  	[tilespmem:s29+$0x20] =	vst v8  }
0x1ae: {  	[tilespmem:s29+$0x30] =	vst v6  }
0x1af: {  	v6 =	vld [tilespmem:s28+$0x88A0];
	_ =	sdelay $0x4  }
0x1b0: {  	v7 =	vshll.u32 v6, $0x10;
	v6 =	vand.u32 $0xFFFF0000, v6  }
0x1b1: {  	v7 =	vmul.f32 v7, v5;
	v6 =	vmul.f32 v6, v5;
	_ =	sdelay $0x1  }
0x1b2: {  	[tilespmem:s29+$0x40] =	vst v7  }
0x1b3: {  	[tilespmem:s29+$0x50] =	vst v6  }
0x1b4: {  	v6 =	vld [tilespmem:s28+$0x88B0];
	_ =	sdelay $0x4  }
0x1b5: {  	v7 =	vshll.u32 v6, $0x10;
	v6 =	vand.u32 $0xFFFF0000, v6  }
0x1b6: {  	v7 =	vmul.f32 v7, v5;
	v5 =	vmul.f32 v6, v5;
	_ =	sdelay $0x1  }
0x1b7: {  	[tilespmem:s29+$0x60] =	vst v7  }
0x1b8: {  	[tilespmem:s29+$0x70] =	vst v5  }
0x1b9: {  	v5 =	vld [tilespmem:s28+$0x88C0];
	_ =	sdelay $0x4  }
0x1ba: {  	v6 =	vshll.u32 v5, $0x10;
	v5 =	vand.u32 $0xFFFF0000, v5  }
0x1bb: {  	v6 =	vmul.f32 v6, v4;
	v5 =	vmul.f32 v5, v4;
	_ =	sdelay $0x1  }
0x1bc: {  	[tilespmem:s29+$0x80] =	vst v6  }
0x1bd: {  	[tilespmem:s29+$0x90] =	vst v5  }
0x1be: {  	v5 =	vld [tilespmem:s28+$0x88D0];
	_ =	sdelay $0x4  }
0x1bf: {  	v6 =	vshll.u32 v5, $0x10;
	v5 =	vand.u32 $0xFFFF0000, v5  }
.Ltmp2:
0x1c0: {  	v6 =	vmul.f32 v6, v4;
	v4 =	vmul.f32 v5, v4;
	(pc) =	sbr.rel @p0 .LBB2_7-.Ltmp2, $4  }
0x1c1: {  	_ = 	snop  }
0x1c2: {  	[tilespmem:s29+$0xA0] =	vst v6  }
0x1c3: {  	[tilespmem:s29+$0xB0] =	vst v4  }
0x1c4: {  	v4 =	vld [tilespmem:s28+$0x88E0]  }
0x1c5: {  	_ =	sdelay $0x3  }
0x1c6: {  	v1 =	vshll.u32 v4, $0x10  }
0x1c7: {  	v2 =	vand.u32 $0xFFFF0000, v4;
	v1 =	vmul.f32 v1, v3  }
0x1c8: {  	v2 =	vmul.f32 v2, v3  }
0x1c9: {  	[tilespmem:s30+$0xC0] =	vst v1  }
0x1ca: {  	[tilespmem:s30+$0xD0] =	vst v2  }
0x1cb: {  	v1 =	vld [tilespmem:s28+$0x88F0];
	_ =	sdelay $0x3  }
0x1cc: {  	s25 =	sadd.s32 $0x1, s25  }
0x1cd: {  	p0 =	sne.s32 s25, $0x28;
	v2 =	vshll.u32 v1, $0x10  }
.Ltmp3:
0x1ce: {  	v1 =	vand.u32 $0xFFFF0000, v1;
	v2 =	vmul.f32 v2, v3;
	(pc) =	sbr.rel @p0 .LBB2_4-.Ltmp3, $4  }
0x1cf: {  	v1 =	vmul.f32 v1, v3  }
0x1d0: {  	[tilespmem:s30+$0xE0] =	vst v2  }
0x1d1: {  	s2 =	sadd.s32 $0x2800, s26;
	[tilespmem:s30+$0xF0] =	vst v1  }
0x1d2: {  	[spmem:s3] =	stream.indirect.scatter.add.f32 [tilespmem:s15], [sflag:$0x3], $0x40, s2, s20, $0xb8;
	[tilespmem:$0x15800] =	vst v63  }
0x1d3: {  	_ =	swait.ge [sflag:s24], $0x2000  }
0x1d4: {  	s2 =	sshll.u32 s0, $0x6;
	s4 =	sadd.s32 $0x1, s4;
	[sflag:s24] =	ssyncset.done $0x0  }
0x1d5: {  	s25 =	sshrl.u32 s5, $0x3;
	p0 =	sne.s32 s4, s14;
	[sflag:s24] =	ssyncadd.s32 $0xFFFFE000  }
.Ltmp4:
0x1d6: {  	s2 =	sor.u32 $0x1C04, s2;
	[bflag:$0x0] =	sbarrier.arrive $0xFFFF;
	(pc) =	sbr.rel @p0 .LBB2_1-.Ltmp4, $4  }
0x1d7: {  	[hbm:s13], [sflag:s2] =	dma.local [spmem:s25], $0x1400  }
0x1d8: {  	_ =	swait.ge [sflag:s16], $0x1400  }
0x1d9: {  	[sflag:s16] =	ssyncset.done $0x0  }
0x1da: {  	[sflag:s16] =	ssyncadd.s32 $0xFFFFEC00  }
0x1db: {  	_ =	sfence.sel $0x180000  }
0x1dc: {  	[bflag:$0x0] =	sbarrier.arrive $0xFFFF  }
0x1dd: {  	_ =	strace $0x9000004D  }
0x1de: {  	[bflag:$0x2] =	sbarrier.arrive $0xFFFF  }
0x1df: {  	p0 =	sne.s32 s0, $0x0;
	s0 =	rddreg [dreg:$0x4]  }
0x1e0: {  	s0 =	sadd.s32 @!p0 $0x100000, s0  }
0x1e1: {  	[sflag:s0] =	ssyncadd.tile.s32 @!p0 $0x1;
	_ =	shalt  }
.Lfunc_end2:
_tile_overlayer_lowered:
.L_overlay_start_2:
0x1e2: {  	(tag) =	ssettag $0x2  }
0x1e3: {  	s0 =	rddreg [dreg:$0x0];
	s2 =	stileid.u32  }
0x1e4: {  	s1 =	rddreg [dreg:$0x1];
	p0 =	sne.s32 s2, $0x0  }
0x1e5: {  	s3 =	rddreg [dreg:$0x2];
	[bflag:$0x3] =	sbarrier.arrive $0xFFFF;
	s2 =	simm.s32 @!p0 $0x1C04  }
0x1e6: {  	[timem:s3], [sflag:s2] =	dma.local @!p0 [hbm:s0], s1  }
0x1e7: {  	s0 =	simm.s32 @!p0 $0x4  }
0x1e8: {  	_ =	swait.ge @!p0 [sflag:s0], s1  }
0x1e9: {  	s1 =	ssub.s32 @!p0 $0x0, s1;
	[sflag:s0] =	ssyncset.done @!p0 $0x0  }
0x1ea: {  	[sflag:s0] =	ssyncadd.s32 @!p0 s1  }
0x1eb: {  	[bflag:$0x3] =	sbarrier.arrive $0xFFFF  }
0x1ec: {  	_ =	shalt  }

// kernel: kernel.9.cloned.1.call-start
scs
__scs_entry_jumppad:
0x0: {  	(pc) =	sbr.rel $0x88, $3  }
0x1: {  	(tag) =	ssettag $0x0;
	lr =	simm.s32 $0x1  }
0x2: {  	[smem:$0x3F9A] =	sst lr;
	_ =	strace $0xD0000000  }
0x3: {  	_ = 	snop  }
0x4: {  	_ = 	snop  }
0x5: {  	_ = 	snop  }
0x6: {  	_ = 	snop  }
0x7: {  	_ = 	snop  }
__scs_overlays_trampoline_lowered:
0x8: {  	[smem:$0x3FA9] =	sst s0  }
0x9: {  	[smem:$0x3FAA] =	sst s1  }
0xa: {  	[smem:$0x3FAB] =	sst s2  }
0xb: {  	[smem:$0x3FAC] =	sst s3  }
0xc: {  	[smem:$0x3FAD] =	sst s4  }
0xd: {  	[smem:$0x3FAE] =	sst s5  }
0xe: {  	[smem:$0x3FAF] =	sst s6  }
0xf: {  	[smem:$0x3FB0] =	sst s7  }
0x10: {  	[smem:$0x3FB1] =	sst s8  }
0x11: {  	[smem:$0x3FB2] =	sst s9;
	s0 =	simm.s32 @!p0 $0x0  }
0x12: {  	s1 =	sld [smem:$0x3F98];
	s0 =	simm.s32 @p0 $0x1  }
0x13: {  	[smem:$0x3FB3] =	sst s0;
	s0 =	simm.s32 @!p1 $0x0  }
0x14: {  	s2 =	sld [smem:$0x3F97];
	s0 =	simm.s32 @p1 $0x1  }
0x15: {  	[smem:$0x3FB4] =	sst s0;
	s0 =	simm.s32 @!p2 $0x0  }
0x16: {  	s3 =	sld [smem:$0x3FDB];
	s0 =	simm.s32 @p2 $0x1  }
0x17: {  	s4 =	simm.s32 $0x1BF5;
	[smem:$0x3FB6] =	sst s0  }
0x18: {  	s0 =	sld [smem:$0x3F99];
	_ =	swait.ge [sflag:s4], $0x0  }
0x19: {  	s7 =	sld [smem:$0x3F9A]  }
0x1a: {  	s8 =	sadd.s32 $0xFFFFE003, lr  }
0x1b: {  	s9 =	sadd.s32 $0xFFFFFEF7, lr;
	s5 =	simm.s32 $0xFFFFFFFF;
	p2 =	slt.u32 s8, $0xFFFFF086  }
0x1c: {  	p1 =	slt.u32 s9, $0xF7A;
	s5 =	simm.s32 @!p2 $0x0  }
0x1d: {  	s5 =	simm.s32 @p1 $0x1;
	p0 =	seq.s32 s7, s2  }
0x1e: {  	s7 =	smul.u32 @!p0 $0xF7A, s2;
	p2 =	seq.s32 @!p0 s5, $0x0  }
0x1f: {  	s9 =	smul.u32 $0xF7A, s1;
	s8 =	simm.s32 @!p0 $0x1BF5;
	p2 =	por !p2, p0  }
0x20: {  	[sflag:s8] =	ssyncset.s32 @!p0 $0xFFFFF086;
	s6 =	sadd.s32 @!p0 s3, s7;
	s7 =	simm.s32 @!p0 $0x108  }
0x21: {  	s3 =	sadd.s32 s3, s9;
	s6 =	sadd.s32 @!p0 $0x88, s6;
	s7 =	simm.s32 @p2 $0x1082  }
0x22: {  	[simem:s7], [sflag:s8] =	dma.local @!p0 [hbm:s6], $0xF7A  }
0x23: {  	s9 =	sor.u32 $0xD0000000, s2;
	s6 =	simm.s32 $0x108;
	_ =	swait.ge @!p0 [sflag:s8], $0x0  }
0x24: {  	s3 =	sadd.s32 $0x88, s3;
	s6 =	simm.s32 @!p1 $0x1082;
	[sflag:s4] =	ssyncset.s32 $0xFFFFF086  }
0x25: {  	[simem:s6], [sflag:s4] =	dma.local [hbm:s3], $0xF7A  }
0x26: {  	[smem:$0x3F9A] =	sst s1;
	(tag) =	ssettag s2;
	_ =	strace s9  }
0x27: {  	s1 =	sld [smem:$0x3FAA]  }
0x28: {  	s2 =	sld [smem:$0x3FAB]  }
0x29: {  	s4 =	sld [smem:$0x3FAD]  }
0x2a: {  	p0 =	seq.s32 s5, $0x0;
	s5 =	sld [smem:$0x3FAE]  }
0x2b: {  	s6 =	sld [smem:$0x3FAF]  }
0x2c: {  	s7 =	sld [smem:$0x3FB0]  }
0x2d: {  	s3 =	simm.s32 $0x108;
	s8 =	sld [smem:$0x3FB1]  }
0x2e: {  	s3 =	simm.s32 @!p0 $0x1082;
	s9 =	sld [smem:$0x3FB2]  }
0x2f: {  	lr =	sadd.s32 s0, s3;
	s0 =	sld [smem:$0x3FA9]  }
0x30: {  	s3 =	sld [smem:$0x3FAC]  }
0x31: {  	[smem:$0x3FB5] =	sst s10  }
0x32: {  	s10 =	sld [smem:$0x3FB3];
	_ =	sdelay $0x3  }
0x33: {  	p0 =	seq.s32 s10, $0x1;
	s10 =	sld [smem:$0x3FB5];
	_ =	sdelay $0x3  }
0x34: {  	[smem:$0x3FB5] =	sst s10  }
0x35: {  	s10 =	sld [smem:$0x3FB4];
	_ =	sdelay $0x3  }
0x36: {  	p1 =	seq.s32 s10, $0x1;
	s10 =	sld [smem:$0x3FB5];
	_ =	sdelay $0x3  }
0x37: {  	[smem:$0x3FB5] =	sst s10  }
0x38: {  	s10 =	sld [smem:$0x3FB6]  }
0x39: {  	_ = 	snop;
	(pc) =	sbr.ind lr, $3  }
0x3a: {  	_ = 	snop  }
0x3b: {  	_ = 	snop  }
0x3c: {  	p2 =	seq.s32 s10, $0x1;
	s10 =	sld [smem:$0x3FB5]  }
0x3d: {  	_ =	shalt  }
0x3e: {  	_ =	shalt  }
0x3f: {  	_ =	shalt  }
0x40: {  	_ =	shalt  }
0x41: {  	_ =	shalt  }
0x42: {  	_ =	shalt  }
0x43: {  	_ =	shalt  }
0x44: {  	_ =	shalt  }
0x45: {  	_ =	shalt  }
0x46: {  	_ =	shalt  }
0x47: {  	_ =	shalt  }
0x48: {  	_ =	shalt  }
0x49: {  	_ =	shalt  }
0x4a: {  	_ =	shalt  }
0x4b: {  	_ =	shalt  }
0x4c: {  	_ =	shalt  }
0x4d: {  	_ =	shalt  }
0x4e: {  	_ =	shalt  }
0x4f: {  	_ =	shalt  }
0x50: {  	_ =	shalt  }
0x51: {  	_ =	shalt  }
0x52: {  	_ =	shalt  }
0x53: {  	_ =	shalt  }
0x54: {  	_ =	shalt  }
0x55: {  	_ =	shalt  }
0x56: {  	_ =	shalt  }
0x57: {  	_ =	shalt  }
0x58: {  	_ =	shalt  }
0x59: {  	_ =	shalt  }
0x5a: {  	_ =	shalt  }
0x5b: {  	_ =	shalt  }
0x5c: {  	_ =	shalt  }
0x5d: {  	_ =	shalt  }
0x5e: {  	_ =	shalt  }
0x5f: {  	_ =	shalt  }
0x60: {  	_ =	shalt  }
0x61: {  	_ =	shalt  }
0x62: {  	_ =	shalt  }
0x63: {  	_ =	shalt  }
0x64: {  	_ =	shalt  }
0x65: {  	_ =	shalt  }
0x66: {  	_ =	shalt  }
0x67: {  	_ =	shalt  }
0x68: {  	_ =	shalt  }
0x69: {  	_ =	shalt  }
0x6a: {  	_ =	shalt  }
0x6b: {  	_ =	shalt  }
0x6c: {  	_ =	shalt  }
0x6d: {  	_ =	shalt  }
0x6e: {  	_ =	shalt  }
0x6f: {  	_ =	shalt  }
0x70: {  	_ =	shalt  }
0x71: {  	_ =	shalt  }
0x72: {  	_ =	shalt  }
0x73: {  	_ =	shalt  }
0x74: {  	_ =	shalt  }
0x75: {  	_ =	shalt  }
0x76: {  	_ =	shalt  }
0x77: {  	_ =	shalt  }
0x78: {  	_ =	shalt  }
0x79: {  	_ =	shalt  }
0x7a: {  	_ =	shalt  }
0x7b: {  	_ =	shalt  }
0x7c: {  	_ =	shalt  }
0x7d: {  	_ =	shalt  }
0x7e: {  	_ =	shalt  }
0x7f: {  	_ =	shalt  }
0x80: {  	_ =	shalt  }
0x81: {  	_ =	shalt  }
0x82: {  	_ =	shalt  }
0x83: {  	_ =	shalt  }
0x84: {  	_ =	shalt  }
0x85: {  	_ =	shalt  }
0x86: {  	_ =	shalt  }
0x87: {  	_ =	shalt  }
.Lfunc_end0:
.L_simem_size_0:
called_computation_lowered:
.L_overlay_start_0:
0x88: {  	s2 =	sld [smem:$0x3FD9]  }
0x89: {  	s3 =	sld [smem:$0x3FFE];
	_ =	sdelay $0x1  }
0x8a: {  	s1 =	srdreg.scid  }
0x8b: {  	s0 =	sand.u32 $0x1, s1  }
0x8c: {  	s14 =	sshll.u32 s0, $0xA;
	s2 =	sadd.s32 s3, s2  }
0x8d: {  	s2 =	sadd.s32 s2, s14  }
0x8e: {  	[smem:$0x3FC1] =	sst s2  }
0x8f: {  	_ = 	snop  }
0x90: {  	s2 =	sld [smem:$0x3FD0];
	_ =	sdelay $0x2  }
0x91: {  	s15 =	simm.s32 $0xA;
	s4 =	simm.s32 $0x10  }
0x92: {  	[smem:s4], [sflag:s15] =	dma.local [hbm:s2], $0x1  }
0x93: {  	_ =	swait.eq [sflag:s15], $0x1  }
0x94: {  	[sflag:s15] =	ssyncset.done $0x0  }
0x95: {  	[sflag:s15] =	ssyncadd.s32 $0xFFFFFFFF  }
0x96: {  	s16 =	sld [smem:$0x10];
	(tm) =	ssettm $0x1  }
0x97: {  	s17 =	sld [smem:$0x3FFB];
	_ =	sdelay $0x3  }
0x98: {  	_ =	strace s17  }
0x99: {  	s3 =	sld [smem:$0x3FFC];
	_ =	sdelay $0x3  }
0x9a: {  	_ =	strace s3  }
0x9b: {  	s3 =	sld [smem:$0x3FFD];
	_ =	sdelay $0x3  }
0x9c: {  	_ =	strace s3  }
0x9d: {  	_ =	strace $0x8FFFFFFF  }
0x9e: {  	s18 =	sld [smem:$0x3FDB];
	_ =	sdelay $0x1  }
0x9f: {  	s19 =	simm.s32 $_scs_section_size  }
0xa0: {  	s5 =	simm.s32 $_size__tile_overlayer_lowered;
	s6 =	simm.s32 $_tile_overlayer_lowered  }
0xa1: {  	s22 =	simm.s32 $0x1BFF;
	s21 =	sshll.u32 s6, $0x1;
	s3 =	sadd.s32 s19, s18  }
0xa2: {  	s7 =	simm.s32 $0x0;
	s20 =	sshll.u32 s5, $0x1;
	s5 =	sadd.s32 s21, s3  }
0xa3: {  	[timem:s7], [sflag:s22] =	dma.local [hbm:s5], s20  }
0xa4: {  	_ =	swait.ge [sflag:s22], s20  }
0xa5: {  	s4 =	ssub.s32 $0x0, s20;
	[sflag:s22] =	ssyncset.done $0x0  }
0xa6: {  	[sflag:s22] =	ssyncadd.s32 s4;
	_ =	sdelay $0x1  }
0xa7: {  	s23 =	simm.s32 $0x1B8B  }
0xa8: {  	_ =	swait.ge [sflag:s23], $0x1  }
0xa9: {  	[sflag:s23] =	ssyncset.done $0x0  }
0xaa: {  	s25 =	simm.s32 $0x1B8E;
	s24 =	sld [smem:$0x3FFE];
	[sflag:s23] =	ssyncadd.s32 $0xFFFFFFFF  }
0xab: {  	s26 =	simm.s32 $execute0_lowered;
	[smem:$0x3FD2] =	sst s25  }
0xac: {  	s5 =	sshll.u32 s26, $0x1;
	_ =	strace $0x80000046;
	[dreg:$0x1] =	wrdreg $0xFFFFFFFF  }
0xad: {  	s28 =	simm.s32 $_size_execute0_lowered;
	s3 =	sadd.s32 s3, s5;
	[dreg:$0x0] =	wrdreg $0x0  }
0xae: {  	s5 =	sshll.u32 s28, $0x1;
	[dreg:$0x2] =	wrdreg s3  }
0xaf: {  	[dreg:$0x3] =	wrdreg s5  }
0xb0: {  	[dreg:$0x4] =	wrdreg $0xC0  }
0xb1: {  	_ =	task [dreg:s7], $0x5FFFF  }
0xb2: {  	[dreg:$0x1] =	wrdreg $0xFFFFFFFF  }
0xb3: {  	[dreg:$0x0] =	wrdreg $0x60  }
0xb4: {  	[dreg:$0x2] =	wrdreg s16  }
0xb5: {  	[dreg:$0x3] =	wrdreg s24  }
0xb6: {  	[dreg:$0x4] =	wrdreg $0x50000  }
0xb7: {  	[dreg:$0x5] =	wrdreg $0x9  }
0xb8: {  	_ =	task.clear_ibuf [dreg:s7], $0x6FFFF;
	_ =	strace $0x90000046  }
0xb9: {  	s29 =	simm.s32 $0x9;
	_ =	strace $0x80000048  }
0xba: {  	_ =	swait.ge [sflag:s29], $0x1  }
0xbb: {  	[sflag:s29] =	ssyncadd.s32 $0xFFFFFFFF  }
0xbc: {  	_ =	strace $0x90000048  }
0xbd: {  	_ =	sfence  }
0xbe: {  	s30 =	sld [smem:$0x0];
	_ =	sdelay $0x2  }
0xbf: {  	s31 =	sshll.u32 s1, $0xD;
	s1 =	sshrl.u32 s1, $0x2  }
0xc0: {  	s3 =	sand.u32 $0x4000, s31;
	s1 =	sadd.s32 s1, s30  }
0xc1: {  	s0 =	sor.u32 s3, s0;
	s1 =	sshll.u32 s1, $0x11  }
0xc2: {  	s0 =	sor.u32 s1, s0  }
0xc3: {  	s0 =	sadd.s32 $0x8F2B, s0  }
0xc4: {  	[sflag:s0] =	ssyncadd.remote.s32 $0x1  }
0xc5: {  	_ =	sfence.sel $0xFFFF  }
0xc6: {  	[dreg:$0x0] =	wrdreg $0xFFFFFFFF;
	(pc) =	sbr.abs _section_cstart, $3  }
0xc7: {  	[dreg:$0x1] =	wrdreg $0xFFFFFFFF  }
0xc8: {  	_ =	task.clear_ibuf [dreg:s7], $0x2FFFF;
	_ =	strace $0x9FFFFFFF  }
0xc9: {  	(tm) =	ssettm $0x7FFFFFFF  }
tec
execute0_lowered:
.L_overlay_start_1:
0x0: {  	(tag) =	ssettag $0x1  }
0x1: {  	s6 =	rddreg [dreg:$0x0]  }
0x2: {  	s5 =	rddreg [dreg:$0x1]  }
0x3: {  	s0 =	srdreg.scid;
	s2 =	rddreg [dreg:$0x2];
	s3 =	simm.s32 $0x0  }
0x4: {  	s14 =	simm.s32 $0x1;
	s4 =	sand.u32 $0x1, s0;
	s0 =	stileid.u32  }
0x5: {  	s15 =	simm.s32 $0x0;
	[smem:$0x7FF] =	sst s3;
	s8 =	smul.u32 $0x280, s0  }
0x6: {  	s1 =	sshll.u32 s4, $0x4;
	s9 =	smul.u32 $0x2800, s4;
	s4 =	ssub.s32 $0x2, s4  }
0x7: {  	s31 =	sshll.u32 s0, $0x6;
	s1 =	sor.u32 s0, s1;
	s30 =	sshrl.u32 s4, $0x1  }
0x8: {  	s7 =	smul.u32 $0x500, s1;
	s1 =	rddreg [dreg:$0x3];
	_ =	strace $0x80000047  }
0x9: {  	s9 =	sadd.s32 s8, s9;
	s11 =	sshrl.u32 s8, $0x3;
	s12 =	ssub.s32 s4, s30  }
0xa: {  	s13 =	sadd.s32 s8, s2;
	s9 =	sshrl.u32 s9, $0x3;
	s11 =	sadd.s32 s11, s5  }
0xb: {  	s10 =	sadd.s32 s7, s5;
	s9 =	sadd.s32 s9, s5;
	s4 =	sadd.s32 $0xBE00, s11  }
0xc: {  	s5 =	sor.u32 $0x1C02, s31;
	s6 =	sadd.s32 s6, s7;
	s11 =	simm.s32 $0x2  }
0xd: {  	s7 =	sadd.s32 $0x1E00, s10;
	s8 =	sadd.s32 $0xC400, s9;
	s9 =	smax.u32 s12, $0x1  }
0xe: {  	s10 =	sshrl.u32 s13, $0x3;
	s12 =	simm.s32 $0x2800;
	s13 =	simm.s32 $0x80  }
.LBB2_1:
0xf: {  	[spmem:s10], [sflag:s5] =	dma.local [hbm:s4], $0x50  }
0x10: {  	_ =	swait.ge [sflag:s11], $0x50  }
0x11: {  	[sflag:s11] =	ssyncset.done $0x0  }
0x12: {  	[sflag:s11] =	ssyncadd.s32 $0xFFFFFFB0  }
0x13: {  	[tilespmem:s3], [sflag:$0x2] =	stream.linear.gather [hbm4b:s6+s3], $0x2800, $0x38;
	[tilespmem:$0x5280] =	vst v63  }
0x14: {  	_ =	swait.ge [sflag:s11], $0x2800  }
0x15: {  	[sflag:s11] =	ssyncset.done $0x0  }
0x16: {  	[sflag:s11] =	ssyncadd.s32 $0xFFFFD800  }
0x17: {  	[tilespmem:s12], [sflag:$0x2] =	stream.linear.gather [hbm4b:s7+s3], $0x2800, $0x38;
	[tilespmem:$0x5280] =	vst v63  }
0x18: {  	_ =	swait.ge [sflag:s11], $0x2800  }
0x19: {  	[sflag:s11] =	ssyncset.done $0x0  }
0x1a: {  	[sflag:s11] =	ssyncadd.s32 $0xFFFFD800  }
0x1b: {  	s16 =	simm.s32 $0x0;
	s17 =	simm.s32 $0x2800;
	[bflag:$0x0] =	sbarrier.arrive $0xFFFF  }
0x1c: {  	[spmem:s2] =	stream.indirect.scatter.add.f32 [tilespmem:s17], [sflag:$0x1], $0x1, s16, s13, $0xb8;
	[tilespmem:$0x5280] =	vst v63  }
0x1d: {  	s30 =	simm.s32 $0x2880;
	s31 =	simm.s32 $0x80  }
0x1e: {  	[spmem:s2] =	stream.indirect.scatter.add.f32 [tilespmem:s30], [sflag:$0x1], $0x1, s31, s13, $0xb8;
	[tilespmem:$0x5280] =	vst v63  }
0x1f: {  	s18 =	simm.s32 $0x100;
	s17 =	simm.s32 $0x2900  }
0x20: {  	[spmem:s2] =	stream.indirect.scatter.add.f32 [tilespmem:s17], [sflag:$0x1], $0x1, s18, s13, $0xb8;
	[tilespmem:$0x5280] =	vst v63  }
0x21: {  	s19 =	simm.s32 $0x2980;
	s20 =	simm.s32 $0x180  }
0x22: {  	[spmem:s2] =	stream.indirect.scatter.add.f32 [tilespmem:s19], [sflag:$0x1], $0x1, s20, s13, $0xb8;
	[tilespmem:$0x5280] =	vst v63  }
0x23: {  	s21 =	simm.s32 $0x2A00;
	s22 =	simm.s32 $0x200  }
0x24: {  	[spmem:s2] =	stream.indirect.scatter.add.f32 [tilespmem:s21], [sflag:$0x1], $0x1, s22, s13, $0xb8;
	[tilespmem:$0x5280] =	vst v63  }
0x25: {  	s23 =	simm.s32 $0x2A80;
	s24 =	simm.s32 $0x280  }
0x26: {  	[spmem:s2] =	stream.indirect.scatter.add.f32 [tilespmem:s23], [sflag:$0x1], $0x1, s24, s13, $0xb8;
	[tilespmem:$0x5280] =	vst v63  }
0x27: {  	s25 =	simm.s32 $0x2B00;
	s26 =	simm.s32 $0x300  }
0x28: {  	[spmem:s2] =	stream.indirect.scatter.add.f32 [tilespmem:s25], [sflag:$0x1], $0x1, s26, s13, $0xb8;
	[tilespmem:$0x5280] =	vst v63  }
0x29: {  	s28 =	simm.s32 $0x2B80;
	s29 =	simm.s32 $0x380  }
0x2a: {  	[spmem:s2] =	stream.indirect.scatter.add.f32 [tilespmem:s28], [sflag:$0x1], $0x1, s29, s13, $0xb8;
	[tilespmem:$0x5280] =	vst v63  }
0x2b: {  	s30 =	simm.s32 $0x2C00;
	s31 =	simm.s32 $0x400  }
0x2c: {  	[spmem:s2] =	stream.indirect.scatter.add.f32 [tilespmem:s30], [sflag:$0x1], $0x1, s31, s13, $0xb8;
	[tilespmem:$0x5280] =	vst v63  }
0x2d: {  	s17 =	simm.s32 $0x2C80;
	s18 =	simm.s32 $0x480  }
0x2e: {  	[spmem:s2] =	stream.indirect.scatter.add.f32 [tilespmem:s17], [sflag:$0x1], $0x1, s18, s13, $0xb8;
	[tilespmem:$0x5280] =	vst v63  }
0x2f: {  	s19 =	simm.s32 $0x2D00;
	s20 =	simm.s32 $0x500  }
0x30: {  	[spmem:s2] =	stream.indirect.scatter.add.f32 [tilespmem:s19], [sflag:$0x1], $0x1, s20, s13, $0xb8;
	[tilespmem:$0x5280] =	vst v63  }
0x31: {  	s21 =	simm.s32 $0x2D80;
	s22 =	simm.s32 $0x580  }
0x32: {  	[spmem:s2] =	stream.indirect.scatter.add.f32 [tilespmem:s21], [sflag:$0x1], $0x1, s22, s13, $0xb8;
	[tilespmem:$0x5280] =	vst v63  }
0x33: {  	s23 =	simm.s32 $0x2E00;
	s24 =	simm.s32 $0x600  }
0x34: {  	[spmem:s2] =	stream.indirect.scatter.add.f32 [tilespmem:s23], [sflag:$0x1], $0x1, s24, s13, $0xb8;
	[tilespmem:$0x5280] =	vst v63  }
0x35: {  	s25 =	simm.s32 $0x2E80;
	s26 =	simm.s32 $0x680  }
0x36: {  	[spmem:s2] =	stream.indirect.scatter.add.f32 [tilespmem:s25], [sflag:$0x1], $0x1, s26, s13, $0xb8;
	[tilespmem:$0x5280] =	vst v63  }
0x37: {  	s28 =	simm.s32 $0x2F00;
	s29 =	simm.s32 $0x700  }
0x38: {  	[spmem:s2] =	stream.indirect.scatter.add.f32 [tilespmem:s28], [sflag:$0x1], $0x1, s29, s13, $0xb8;
	[tilespmem:$0x5280] =	vst v63  }
0x39: {  	s30 =	simm.s32 $0x2F80;
	s31 =	simm.s32 $0x780  }
0x3a: {  	[spmem:s2] =	stream.indirect.scatter.add.f32 [tilespmem:s30], [sflag:$0x1], $0x1, s31, s13, $0xb8;
	[tilespmem:$0x5280] =	vst v63  }
0x3b: {  	_ =	swait.ge [sflag:s14], $0x80  }
0x3c: {  	[sflag:s14] =	ssyncset.done $0x0  }
0x3d: {  	[sflag:s14] =	ssyncadd.s32 $0xFFFFFF80  }
0x3e: {  	_ =	swait.ge [sflag:s14], $0x80  }
0x3f: {  	[sflag:s14] =	ssyncset.done $0x0  }
0x40: {  	[sflag:s14] =	ssyncadd.s32 $0xFFFFFF80  }
0x41: {  	_ =	swait.ge [sflag:s14], $0x80  }
0x42: {  	[sflag:s14] =	ssyncset.done $0x0  }
0x43: {  	[sflag:s14] =	ssyncadd.s32 $0xFFFFFF80  }
0x44: {  	_ =	swait.ge [sflag:s14], $0x80  }
0x45: {  	[sflag:s14] =	ssyncset.done $0x0  }
0x46: {  	[sflag:s14] =	ssyncadd.s32 $0xFFFFFF80  }
0x47: {  	_ =	swait.ge [sflag:s14], $0x80  }
0x48: {  	[sflag:s14] =	ssyncset.done $0x0  }
0x49: {  	[sflag:s14] =	ssyncadd.s32 $0xFFFFFF80  }
0x4a: {  	_ =	swait.ge [sflag:s14], $0x80  }
0x4b: {  	[sflag:s14] =	ssyncset.done $0x0  }
0x4c: {  	[sflag:s14] =	ssyncadd.s32 $0xFFFFFF80  }
0x4d: {  	_ =	swait.ge [sflag:s14], $0x80  }
0x4e: {  	[sflag:s14] =	ssyncset.done $0x0  }
0x4f: {  	[sflag:s14] =	ssyncadd.s32 $0xFFFFFF80  }
0x50: {  	_ =	swait.ge [sflag:s14], $0x80  }
0x51: {  	[sflag:s14] =	ssyncset.done $0x0  }
0x52: {  	[sflag:s14] =	ssyncadd.s32 $0xFFFFFF80  }
0x53: {  	_ =	swait.ge [sflag:s14], $0x80  }
0x54: {  	[sflag:s14] =	ssyncset.done $0x0  }
0x55: {  	[sflag:s14] =	ssyncadd.s32 $0xFFFFFF80  }
0x56: {  	_ =	swait.ge [sflag:s14], $0x80  }
0x57: {  	[sflag:s14] =	ssyncset.done $0x0  }
0x58: {  	[sflag:s14] =	ssyncadd.s32 $0xFFFFFF80  }
0x59: {  	_ =	swait.ge [sflag:s14], $0x80  }
0x5a: {  	[sflag:s14] =	ssyncset.done $0x0  }
0x5b: {  	[sflag:s14] =	ssyncadd.s32 $0xFFFFFF80  }
0x5c: {  	_ =	swait.ge [sflag:s14], $0x80  }
0x5d: {  	[sflag:s14] =	ssyncset.done $0x0  }
0x5e: {  	[sflag:s14] =	ssyncadd.s32 $0xFFFFFF80  }
0x5f: {  	_ =	swait.ge [sflag:s14], $0x80  }
0x60: {  	[sflag:s14] =	ssyncset.done $0x0  }
0x61: {  	[sflag:s14] =	ssyncadd.s32 $0xFFFFFF80  }
0x62: {  	_ =	swait.ge [sflag:s14], $0x80  }
0x63: {  	[sflag:s14] =	ssyncset.done $0x0  }
0x64: {  	[sflag:s14] =	ssyncadd.s32 $0xFFFFFF80  }
0x65: {  	_ =	swait.ge [sflag:s14], $0x80  }
0x66: {  	[sflag:s14] =	ssyncset.done $0x0  }
0x67: {  	[sflag:s14] =	ssyncadd.s32 $0xFFFFFF80  }
0x68: {  	_ =	swait.ge [sflag:s14], $0x80  }
0x69: {  	s18 =	simm.s32 $0x800;
	s19 =	simm.s32 $0x4000;
	[sflag:s14] =	ssyncset.done $0x0  }
.LBB2_2:
0x6a: {  	s20 =	sadd.s32 $0x2800, s18  }
0x6b: {  	[sflag:s14] =	ssyncadd.s32 $0xFFFFFF80;
	s17 =	smov.u32 s19;
	s16 =	sadd.s32 $0x2000, s19  }
0x6c: {  	[spmem:s2] =	stream.indirect.scatter.add.f32 [tilespmem:s20], [sflag:$0x1], $0x1, s18, s13, $0xb8;
	[tilespmem:$0x5280] =	vst v63  }
0x6d: {  	p0 =	sne.s32 s19, $0x8000;
	s19 =	sadd.s32 $0x2880, s18;
	s20 =	sadd.s32 $0x80, s18  }
0x6e: {  	[spmem:s2] =	stream.indirect.scatter.add.f32 [tilespmem:s19], [sflag:$0x1], $0x1, s20, s13, $0xb8;
	[tilespmem:$0x5280] =	vst v63  }
0x6f: {  	s19 =	sadd.s32 $0x2900, s18;
	s20 =	sadd.s32 $0x100, s18  }
0x70: {  	[spmem:s2] =	stream.indirect.scatter.add.f32 [tilespmem:s19], [sflag:$0x1], $0x1, s20, s13, $0xb8;
	[tilespmem:$0x5280] =	vst v63  }
0x71: {  	s19 =	sadd.s32 $0x2980, s18;
	s20 =	sadd.s32 $0x180, s18  }
0x72: {  	[spmem:s2] =	stream.indirect.scatter.add.f32 [tilespmem:s19], [sflag:$0x1], $0x1, s20, s13, $0xb8;
	[tilespmem:$0x5280] =	vst v63  }
0x73: {  	s19 =	sadd.s32 $0x2A00, s18;
	s20 =	sadd.s32 $0x200, s18  }
0x74: {  	[spmem:s2] =	stream.indirect.scatter.add.f32 [tilespmem:s19], [sflag:$0x1], $0x1, s20, s13, $0xb8;
	[tilespmem:$0x5280] =	vst v63  }
0x75: {  	s19 =	sadd.s32 $0x2A80, s18;
	s20 =	sadd.s32 $0x280, s18  }
0x76: {  	[spmem:s2] =	stream.indirect.scatter.add.f32 [tilespmem:s19], [sflag:$0x1], $0x1, s20, s13, $0xb8;
	[tilespmem:$0x5280] =	vst v63  }
0x77: {  	s19 =	sadd.s32 $0x2B00, s18;
	s20 =	sadd.s32 $0x300, s18  }
0x78: {  	[spmem:s2] =	stream.indirect.scatter.add.f32 [tilespmem:s19], [sflag:$0x1], $0x1, s20, s13, $0xb8;
	[tilespmem:$0x5280] =	vst v63  }
0x79: {  	s19 =	sadd.s32 $0x2B80, s18;
	s20 =	sadd.s32 $0x380, s18  }
0x7a: {  	[spmem:s2] =	stream.indirect.scatter.add.f32 [tilespmem:s19], [sflag:$0x1], $0x1, s20, s13, $0xb8;
	[tilespmem:$0x5280] =	vst v63  }
0x7b: {  	s19 =	sadd.s32 $0x2C00, s18;
	s20 =	sadd.s32 $0x400, s18  }
0x7c: {  	[spmem:s2] =	stream.indirect.scatter.add.f32 [tilespmem:s19], [sflag:$0x1], $0x1, s20, s13, $0xb8;
	[tilespmem:$0x5280] =	vst v63  }
0x7d: {  	s19 =	sadd.s32 $0x2C80, s18;
	s20 =	sadd.s32 $0x480, s18  }
0x7e: {  	[spmem:s2] =	stream.indirect.scatter.add.f32 [tilespmem:s19], [sflag:$0x1], $0x1, s20, s13, $0xb8;
	[tilespmem:$0x5280] =	vst v63  }
0x7f: {  	s19 =	sadd.s32 $0x2D00, s18;
	s20 =	sadd.s32 $0x500, s18  }
0x80: {  	[spmem:s2] =	stream.indirect.scatter.add.f32 [tilespmem:s19], [sflag:$0x1], $0x1, s20, s13, $0xb8;
	[tilespmem:$0x5280] =	vst v63  }
0x81: {  	s19 =	sadd.s32 $0x2D80, s18;
	s20 =	sadd.s32 $0x580, s18  }
0x82: {  	[spmem:s2] =	stream.indirect.scatter.add.f32 [tilespmem:s19], [sflag:$0x1], $0x1, s20, s13, $0xb8;
	[tilespmem:$0x5280] =	vst v63  }
0x83: {  	s19 =	sadd.s32 $0x2E00, s18;
	s20 =	sadd.s32 $0x600, s18  }
0x84: {  	[spmem:s2] =	stream.indirect.scatter.add.f32 [tilespmem:s19], [sflag:$0x1], $0x1, s20, s13, $0xb8;
	[tilespmem:$0x5280] =	vst v63  }
0x85: {  	s19 =	sadd.s32 $0x2E80, s18;
	s20 =	sadd.s32 $0x680, s18  }
0x86: {  	[spmem:s2] =	stream.indirect.scatter.add.f32 [tilespmem:s19], [sflag:$0x1], $0x1, s20, s13, $0xb8;
	[tilespmem:$0x5280] =	vst v63  }
0x87: {  	s19 =	sadd.s32 $0x2F00, s18;
	s20 =	sadd.s32 $0x700, s18  }
0x88: {  	[spmem:s2] =	stream.indirect.scatter.add.f32 [tilespmem:s19], [sflag:$0x1], $0x1, s20, s13, $0xb8;
	[tilespmem:$0x5280] =	vst v63  }
0x89: {  	s19 =	sadd.s32 $0x2F80, s18;
	s18 =	sadd.s32 $0x780, s18  }
0x8a: {  	[spmem:s2] =	stream.indirect.scatter.add.f32 [tilespmem:s19], [sflag:$0x1], $0x1, s18, s13, $0xb8;
	[tilespmem:$0x5280] =	vst v63  }
0x8b: {  	_ =	swait.ge [sflag:s14], $0x80  }
0x8c: {  	[sflag:s14] =	ssyncset.done $0x0  }
0x8d: {  	[sflag:s14] =	ssyncadd.s32 $0xFFFFFF80  }
0x8e: {  	_ =	swait.ge [sflag:s14], $0x80  }
0x8f: {  	[sflag:s14] =	ssyncset.done $0x0  }
0x90: {  	[sflag:s14] =	ssyncadd.s32 $0xFFFFFF80  }
0x91: {  	_ =	swait.ge [sflag:s14], $0x80  }
0x92: {  	[sflag:s14] =	ssyncset.done $0x0  }
0x93: {  	[sflag:s14] =	ssyncadd.s32 $0xFFFFFF80  }
0x94: {  	_ =	swait.ge [sflag:s14], $0x80  }
0x95: {  	[sflag:s14] =	ssyncset.done $0x0  }
0x96: {  	[sflag:s14] =	ssyncadd.s32 $0xFFFFFF80  }
0x97: {  	_ =	swait.ge [sflag:s14], $0x80  }
0x98: {  	[sflag:s14] =	ssyncset.done $0x0  }
0x99: {  	[sflag:s14] =	ssyncadd.s32 $0xFFFFFF80  }
0x9a: {  	_ =	swait.ge [sflag:s14], $0x80  }
0x9b: {  	[sflag:s14] =	ssyncset.done $0x0  }
0x9c: {  	[sflag:s14] =	ssyncadd.s32 $0xFFFFFF80  }
0x9d: {  	_ =	swait.ge [sflag:s14], $0x80  }
0x9e: {  	[sflag:s14] =	ssyncset.done $0x0  }
0x9f: {  	[sflag:s14] =	ssyncadd.s32 $0xFFFFFF80  }
0xa0: {  	_ =	swait.ge [sflag:s14], $0x80  }
0xa1: {  	[sflag:s14] =	ssyncset.done $0x0  }
0xa2: {  	[sflag:s14] =	ssyncadd.s32 $0xFFFFFF80  }
0xa3: {  	_ =	swait.ge [sflag:s14], $0x80  }
0xa4: {  	[sflag:s14] =	ssyncset.done $0x0  }
0xa5: {  	[sflag:s14] =	ssyncadd.s32 $0xFFFFFF80  }
0xa6: {  	_ =	swait.ge [sflag:s14], $0x80  }
0xa7: {  	[sflag:s14] =	ssyncset.done $0x0  }
0xa8: {  	[sflag:s14] =	ssyncadd.s32 $0xFFFFFF80  }
0xa9: {  	_ =	swait.ge [sflag:s14], $0x80  }
0xaa: {  	[sflag:s14] =	ssyncset.done $0x0  }
0xab: {  	[sflag:s14] =	ssyncadd.s32 $0xFFFFFF80  }
0xac: {  	_ =	swait.ge [sflag:s14], $0x80  }
0xad: {  	[sflag:s14] =	ssyncset.done $0x0  }
0xae: {  	[sflag:s14] =	ssyncadd.s32 $0xFFFFFF80  }
0xaf: {  	_ =	swait.ge [sflag:s14], $0x80  }
0xb0: {  	[sflag:s14] =	ssyncset.done $0x0  }
0xb1: {  	[sflag:s14] =	ssyncadd.s32 $0xFFFFFF80  }
0xb2: {  	_ =	swait.ge [sflag:s14], $0x80  }
0xb3: {  	[sflag:s14] =	ssyncset.done $0x0  }
0xb4: {  	[sflag:s14] =	ssyncadd.s32 $0xFFFFFF80  }
.Ltmp0:
0xb5: {  	_ =	swait.ge [sflag:s14], $0x80;
	(pc) =	sbr.rel @p0 .LBB2_2-.Ltmp0, $4  }
0xb6: {  	[sflag:s14] =	ssyncset.done $0x0  }
0xb7: {  	[sflag:s14] =	ssyncadd.s32 $0xFFFFFF80  }
0xb8: {  	_ =	swait.ge [sflag:s14], $0x80  }
0xb9: {  	s18 =	sshra.s32 s17, $0x2;
	s19 =	smov.u32 s16;
	[sflag:s14] =	ssyncset.done $0x0  }
0xba: {  	s16 =	sadd.s32 $0x2800, s18;
	[sflag:s14] =	ssyncadd.s32 $0xFFFFFF80  }
0xbb: {  	[spmem:s2] =	stream.indirect.scatter.add.f32 [tilespmem:s16], [sflag:$0x1], $0x1, s18, s13, $0xb8;
	[tilespmem:$0x5280] =	vst v63  }
0xbc: {  	s26 =	sadd.s32 $0x2880, s18;
	s17 =	sadd.s32 $0x80, s18  }
0xbd: {  	[spmem:s2] =	stream.indirect.scatter.add.f32 [tilespmem:s26], [sflag:$0x1], $0x1, s17, s13, $0xb8;
	[tilespmem:$0x5280] =	vst v63  }
0xbe: {  	s28 =	sadd.s32 $0x2900, s18;
	s29 =	sadd.s32 $0x100, s18  }
0xbf: {  	[spmem:s2] =	stream.indirect.scatter.add.f32 [tilespmem:s28], [sflag:$0x1], $0x1, s29, s13, $0xb8;
	[tilespmem:$0x5280] =	vst v63  }
0xc0: {  	s30 =	sadd.s32 $0x2980, s18;
	s31 =	sadd.s32 $0x180, s18  }
0xc1: {  	[spmem:s2] =	stream.indirect.scatter.add.f32 [tilespmem:s30], [sflag:$0x1], $0x1, s31, s13, $0xb8;
	[tilespmem:$0x5280] =	vst v63  }
0xc2: {  	s19 =	sadd.s32 $0x2A00, s18;
	s20 =	sadd.s32 $0x200, s18  }
0xc3: {  	[spmem:s2] =	stream.indirect.scatter.add.f32 [tilespmem:s19], [sflag:$0x1], $0x1, s20, s13, $0xb8;
	[tilespmem:$0x5280] =	vst v63  }
0xc4: {  	s21 =	sadd.s32 $0x2A80, s18;
	s22 =	sadd.s32 $0x280, s18  }
0xc5: {  	[spmem:s2] =	stream.indirect.scatter.add.f32 [tilespmem:s21], [sflag:$0x1], $0x1, s22, s13, $0xb8;
	[tilespmem:$0x5280] =	vst v63  }
0xc6: {  	s23 =	sadd.s32 $0x2B00, s18;
	s24 =	sadd.s32 $0x300, s18  }
0xc7: {  	[spmem:s2] =	stream.indirect.scatter.add.f32 [tilespmem:s23], [sflag:$0x1], $0x1, s24, s13, $0xb8;
	[tilespmem:$0x5280] =	vst v63  }
0xc8: {  	s25 =	sadd.s32 $0x2B80, s18;
	s26 =	sadd.s32 $0x380, s18  }
0xc9: {  	[spmem:s2] =	stream.indirect.scatter.add.f32 [tilespmem:s25], [sflag:$0x1], $0x1, s26, s13, $0xb8;
	[tilespmem:$0x5280] =	vst v63  }
0xca: {  	s28 =	sadd.s32 $0x2C00, s18;
	s29 =	sadd.s32 $0x400, s18  }
0xcb: {  	[spmem:s2] =	stream.indirect.scatter.add.f32 [tilespmem:s28], [sflag:$0x1], $0x1, s29, s13, $0xb8;
	[tilespmem:$0x5280] =	vst v63  }
0xcc: {  	s30 =	sadd.s32 $0x2C80, s18;
	s31 =	sadd.s32 $0x480, s18  }
0xcd: {  	[spmem:s2] =	stream.indirect.scatter.add.f32 [tilespmem:s30], [sflag:$0x1], $0x1, s31, s13, $0xb8;
	[tilespmem:$0x5280] =	vst v63  }
0xce: {  	s19 =	sadd.s32 $0x2D00, s18;
	s20 =	sadd.s32 $0x500, s18  }
0xcf: {  	[spmem:s2] =	stream.indirect.scatter.add.f32 [tilespmem:s19], [sflag:$0x1], $0x1, s20, s13, $0xb8;
	[tilespmem:$0x5280] =	vst v63  }
0xd0: {  	s21 =	sadd.s32 $0x2D80, s18;
	s22 =	sadd.s32 $0x580, s18  }
0xd1: {  	[spmem:s2] =	stream.indirect.scatter.add.f32 [tilespmem:s21], [sflag:$0x1], $0x1, s22, s13, $0xb8;
	[tilespmem:$0x5280] =	vst v63  }
0xd2: {  	s23 =	sadd.s32 $0x2E00, s18;
	s24 =	sadd.s32 $0x600, s18  }
0xd3: {  	[spmem:s2] =	stream.indirect.scatter.add.f32 [tilespmem:s23], [sflag:$0x1], $0x1, s24, s13, $0xb8;
	[tilespmem:$0x5280] =	vst v63  }
0xd4: {  	s25 =	sadd.s32 $0x2E80, s18;
	s26 =	sadd.s32 $0x680, s18  }
0xd5: {  	[spmem:s2] =	stream.indirect.scatter.add.f32 [tilespmem:s25], [sflag:$0x1], $0x1, s26, s13, $0xb8;
	[tilespmem:$0x5280] =	vst v63  }
0xd6: {  	s28 =	sadd.s32 $0x2F00, s18;
	s29 =	sadd.s32 $0x700, s18  }
0xd7: {  	[spmem:s2] =	stream.indirect.scatter.add.f32 [tilespmem:s28], [sflag:$0x1], $0x1, s29, s13, $0xb8;
	[tilespmem:$0x5280] =	vst v63  }
0xd8: {  	s30 =	sadd.s32 $0x2F80, s18;
	s31 =	sadd.s32 $0x780, s18  }
0xd9: {  	[spmem:s2] =	stream.indirect.scatter.add.f32 [tilespmem:s30], [sflag:$0x1], $0x1, s31, s13, $0xb8;
	[tilespmem:$0x5280] =	vst v63  }
0xda: {  	_ =	swait.ge [sflag:s14], $0x80  }
0xdb: {  	[sflag:s14] =	ssyncset.done $0x0  }
0xdc: {  	[sflag:s14] =	ssyncadd.s32 $0xFFFFFF80  }
0xdd: {  	_ =	swait.ge [sflag:s14], $0x80  }
0xde: {  	[sflag:s14] =	ssyncset.done $0x0  }
0xdf: {  	[sflag:s14] =	ssyncadd.s32 $0xFFFFFF80  }
0xe0: {  	_ =	swait.ge [sflag:s14], $0x80  }
0xe1: {  	[sflag:s14] =	ssyncset.done $0x0  }
0xe2: {  	[sflag:s14] =	ssyncadd.s32 $0xFFFFFF80  }
0xe3: {  	_ =	swait.ge [sflag:s14], $0x80  }
0xe4: {  	[sflag:s14] =	ssyncset.done $0x0  }
0xe5: {  	[sflag:s14] =	ssyncadd.s32 $0xFFFFFF80  }
0xe6: {  	_ =	swait.ge [sflag:s14], $0x80  }
0xe7: {  	[sflag:s14] =	ssyncset.done $0x0  }
0xe8: {  	[sflag:s14] =	ssyncadd.s32 $0xFFFFFF80  }
0xe9: {  	_ =	swait.ge [sflag:s14], $0x80  }
0xea: {  	[sflag:s14] =	ssyncset.done $0x0  }
0xeb: {  	[sflag:s14] =	ssyncadd.s32 $0xFFFFFF80  }
0xec: {  	_ =	swait.ge [sflag:s14], $0x80  }
0xed: {  	[sflag:s14] =	ssyncset.done $0x0  }
0xee: {  	[sflag:s14] =	ssyncadd.s32 $0xFFFFFF80  }
0xef: {  	_ =	swait.ge [sflag:s14], $0x80  }
0xf0: {  	[sflag:s14] =	ssyncset.done $0x0  }
0xf1: {  	[sflag:s14] =	ssyncadd.s32 $0xFFFFFF80  }
0xf2: {  	_ =	swait.ge [sflag:s14], $0x80  }
0xf3: {  	[sflag:s14] =	ssyncset.done $0x0  }
0xf4: {  	[sflag:s14] =	ssyncadd.s32 $0xFFFFFF80  }
0xf5: {  	_ =	swait.ge [sflag:s14], $0x80  }
0xf6: {  	[sflag:s14] =	ssyncset.done $0x0  }
0xf7: {  	[sflag:s14] =	ssyncadd.s32 $0xFFFFFF80  }
0xf8: {  	_ =	swait.ge [sflag:s14], $0x80  }
0xf9: {  	[sflag:s14] =	ssyncset.done $0x0  }
0xfa: {  	[sflag:s14] =	ssyncadd.s32 $0xFFFFFF80  }
0xfb: {  	_ =	swait.ge [sflag:s14], $0x80  }
0xfc: {  	[sflag:s14] =	ssyncset.done $0x0  }
0xfd: {  	[sflag:s14] =	ssyncadd.s32 $0xFFFFFF80  }
0xfe: {  	_ =	swait.ge [sflag:s14], $0x80  }
0xff: {  	[sflag:s14] =	ssyncset.done $0x0  }
0x100: {  	[sflag:s14] =	ssyncadd.s32 $0xFFFFFF80  }
0x101: {  	_ =	swait.ge [sflag:s14], $0x80  }
0x102: {  	[sflag:s14] =	ssyncset.done $0x0  }
0x103: {  	[sflag:s14] =	ssyncadd.s32 $0xFFFFFF80  }
0x104: {  	_ =	swait.ge [sflag:s14], $0x80  }
0x105: {  	[sflag:s14] =	ssyncset.done $0x0  }
0x106: {  	[sflag:s14] =	ssyncadd.s32 $0xFFFFFF80  }
0x107: {  	_ =	swait.ge [sflag:s14], $0x80  }
0x108: {  	s15 =	sadd.s32 $0x1, s15;
	[sflag:s14] =	ssyncset.done $0x0  }
0x109: {  	p0 =	sne.s32 s15, s9;
	[sflag:s14] =	ssyncadd.s32 $0xFFFFFF80  }
.Ltmp1:
0x10a: {  	[bflag:$0x0] =	sbarrier.arrive $0xFFFF;
	(pc) =	sbr.rel @p0 .LBB2_1-.Ltmp1, $4  }
0x10b: {  	[hbm:s8], [sflag:s5] =	dma.local [spmem:s10], $0x50  }
0x10c: {  	_ =	swait.ge [sflag:s11], $0x50  }
0x10d: {  	[sflag:s11] =	ssyncset.done $0x0  }
0x10e: {  	[sflag:s11] =	ssyncadd.s32 $0xFFFFFFB0  }
0x10f: {  	_ =	sfence.sel $0x180000  }
0x110: {  	[bflag:$0x0] =	sbarrier.arrive $0xFFFF  }
0x111: {  	p0 =	sne.s32 s0, $0x0;
	_ =	strace $0x90000047  }
0x112: {  	s0 =	sadd.s32 @!p0 $0x100000, s1;
	[bflag:$0x2] =	sbarrier.arrive $0xFFFF  }
0x113: {  	[sflag:s0] =	ssyncadd.tile.s32 @!p0 $0x1;
	_ =	shalt  }
.Lfunc_end2:
_tile_overlayer_lowered:
.L_overlay_start_2:
0x114: {  	(tag) =	ssettag $0x2  }
0x115: {  	s0 =	rddreg [dreg:$0x0];
	s2 =	stileid.u32  }
0x116: {  	s1 =	rddreg [dreg:$0x1];
	p0 =	sne.s32 s2, $0x0  }
0x117: {  	s3 =	rddreg [dreg:$0x2];
	[bflag:$0x3] =	sbarrier.arrive $0xFFFF;
	s2 =	simm.s32 @!p0 $0x1C02  }
0x118: {  	[timem:s3], [sflag:s2] =	dma.local @!p0 [hbm:s0], s1  }
0x119: {  	s0 =	simm.s32 @!p0 $0x2  }
0x11a: {  	_ =	swait.ge @!p0 [sflag:s0], s1  }
0x11b: {  	s1 =	ssub.s32 @!p0 $0x0, s1;
	[sflag:s0] =	ssyncset.done @!p0 $0x0  }
0x11c: {  	[sflag:s0] =	ssyncadd.s32 @!p0 s1  }
0x11d: {  	[bflag:$0x3] =	sbarrier.arrive $0xFFFF  }
0x11e: {  	_ =	shalt  }

</sc_bundles>
